<compile_context>
chip_gen: v7x
topology: tpu7x:2x2x1
jax: 0.10.2.dev20260603
libtpu: 0.0.44.dev20260713+nightly
codegen_flags: <defaults>
</compile_context>

<pallas_src>
import dataclasses
import functools

import jax
import jax.numpy as jnp
from jax import lax
from jax.experimental import pallas as pl
from jax.experimental.pallas import tpu as pltpu
from jax.experimental.pallas import tpu_sc as plsc

N = 1024
B = 16
IN = 128
C = 32
H = 4
E = 16384
BH = B * H
NEG_GAT = 0.2
NEG_PRE = 0.01

NW = 32
ECHUNK = 8192
EGROUP = 16

F32 = jnp.float32



_NBLK_A = 16


def _pergene_body(pe_ref, win_ref, bin_ref, x_ref):
    for j in range(_NBLK_A):
        a = pe_ref[j]
        w = win_ref[j]
        t = jnp.dot(a, w, preferred_element_type=F32) + bin_ref[j][None, :]
        x_ref[:, j, :] = jnp.maximum(t, NEG_PRE * t)


def _pergene(pe, w_in, b_in):
    grid = (N // _NBLK_A,)
    return pl.pallas_call(
        _pergene_body,
        grid=grid,
        in_specs=[
            pl.BlockSpec((_NBLK_A, B, IN), lambda i: (i, 0, 0)),
            pl.BlockSpec((_NBLK_A, IN, C), lambda i: (i, 0, 0)),
            pl.BlockSpec((_NBLK_A, C), lambda i: (i, 0)),
        ],
        out_specs=pl.BlockSpec((B, _NBLK_A, C), lambda i: (0, i, 0)),
        out_shape=jax.ShapeDtypeStruct((B, N, C), F32),
    )(pe, w_in, b_in)


def _proj_body(x_ref, wl_ref, wr_ref, xl_ref, xr_ref):
    xm = x_ref[0]
    rl = jnp.dot(xm, wl_ref[...], preferred_element_type=F32)
    rr = jnp.dot(xm, wr_ref[...], preferred_element_type=F32)
    for h in range(H):
        xl_ref[h] = rl[:, h * C:(h + 1) * C]
        xr_ref[h] = rr[:, h * C:(h + 1) * C]


def _project(x, w_l, w_r):
    grid = (B,)
    out_shape = [
        jax.ShapeDtypeStruct((BH, N, C), F32),
        jax.ShapeDtypeStruct((BH, N, C), F32),
    ]
    return pl.pallas_call(
        _proj_body,
        grid=grid,
        in_specs=[
            pl.BlockSpec((1, N, C), lambda b: (b, 0, 0)),
            pl.BlockSpec((C, H * C), lambda b: (0, 0)),
            pl.BlockSpec((C, H * C), lambda b: (0, 0)),
        ],
        out_specs=[
            pl.BlockSpec((H, N, C), lambda b: (b, 0, 0)),
            pl.BlockSpec((H, N, C), lambda b: (b, 0, 0)),
        ],
        out_shape=out_shape,
    )(x, w_l, w_r)




def _sc_edge_body(xlp, xrp, src, dst, attx, un_hbm, dn_hbm,
                  xl_v, xr_v, att_v, src_v, dst_v, un_v, dn_v):
    wid = lax.axis_index("s") * 2 + lax.axis_index("c")
    zero16 = jnp.zeros((EGROUP,), F32)

    for r in range(2):
        bh = wid * 2 + r
        h = bh % H

        pltpu.sync_copy(xlp.at[bh], xl_v)
        pltpu.sync_copy(xrp.at[bh], xr_v)
        pltpu.sync_copy(attx.at[h], att_v)

        @pl.loop(0, N * C // 16)
        def _zero_un(i):
            un_v[pl.ds(i * 16, 16)] = zero16

        @pl.loop(0, N // 16)
        def _zero_dn(i):
            dn_v[pl.ds(i * 16, 16)] = zero16

        for chunk in range(E // ECHUNK):
            pltpu.sync_copy(src.at[pl.ds(chunk * ECHUNK, ECHUNK)], src_v)
            pltpu.sync_copy(dst.at[pl.ds(chunk * ECHUNK, ECHUNK)], dst_v)

            @pl.loop(0, ECHUNK // EGROUP)
            def _edges(g):
                sv = src_v[pl.ds(g * EGROUP, EGROUP)]
                dv = dst_v[pl.ds(g * EGROUP, EGROUP)]
                sb = sv * C
                db = dv * C
                logit = zero16
                xs = []
                for c in range(C):
                    a = plsc.load_gather(xl_v, [sb + c])
                    bb = plsc.load_gather(xr_v, [db + c])
                    u = a + bb
                    lr = jnp.maximum(u, NEG_GAT * u)
                    logit = logit + att_v[pl.ds(c * 16, 16)] * lr
                    xs.append(a)
                ex = jnp.exp(logit)
                plsc.addupdate_scatter(dn_v, [dv], ex)
                for c in range(C):
                    plsc.addupdate_scatter(un_v, [db + c], ex * xs[c])

        pltpu.sync_copy(un_v, un_hbm.at[bh])
        pltpu.sync_copy(dn_v, dn_hbm.at[bh])


def _sc_edge(xlp, xrp, src, dst, attx):
    mesh = plsc.VectorSubcoreMesh(core_axis_name="c", subcore_axis_name="s",
                                  num_cores=2, num_subcores=16)
    cp = pltpu.CompilerParams()
    if "needs_layout_passes" in pltpu.CompilerParams.__dataclass_fields__:
        cp = dataclasses.replace(cp, needs_layout_passes=False)
    kern = pl.kernel(
        _sc_edge_body,
        out_type=[
            jax.ShapeDtypeStruct((BH, N * C), F32),
            jax.ShapeDtypeStruct((BH, N), F32),
        ],
        mesh=mesh,
        scratch_types=[
            pltpu.VMEM((N * C,), F32),
            pltpu.VMEM((N * C,), F32),
            pltpu.VMEM((C * 16,), F32),
            pltpu.VMEM((ECHUNK,), jnp.int32),
            pltpu.VMEM((ECHUNK,), jnp.int32),
            pltpu.VMEM((N * C,), F32),
            pltpu.VMEM((N,), F32),
        ],
        compiler_params=cp,
    )
    return kern(xlp, xrp, src, dst, attx)



_NBLK_C = 128


def _norm_body(un_ref, dn_ref, bias_ref, out_ref):
    a = un_ref[...].reshape(B, H, _NBLK_C, C)
    d = dn_ref[...].reshape(B, H, _NBLK_C)
    nrm = a / (d[..., None] + 1e-16)
    out_ref[...] = jnp.mean(nrm, axis=1) + bias_ref[0][None, None, :]


def _normalize(unnorm, denom, bias_gat):
    grid = (N // _NBLK_C,)
    return pl.pallas_call(
        _norm_body,
        grid=grid,
        in_specs=[
            pl.BlockSpec((BH, _NBLK_C, C), lambda i: (0, i, 0)),
            pl.BlockSpec((BH, _NBLK_C), lambda i: (0, i)),
            pl.BlockSpec((1, C), lambda i: (0, 0)),
        ],
        out_specs=pl.BlockSpec((B, _NBLK_C, C), lambda i: (0, i, 0)),
        out_shape=jax.ShapeDtypeStruct((B, N, C), F32),
    )(unnorm, denom, bias_gat)



_KBLK = 4096


def _mlp_body(flat_ref, w1_ref, b1_ref, w2_ref, b2_ref, w3_ref, b3_ref,
              out_ref, acc_ref):
    k = pl.program_id(0)

    @pl.when(k == 0)
    def _():
        acc_ref[...] = jnp.zeros_like(acc_ref)

    acc_ref[...] += jnp.dot(flat_ref[...], w1_ref[...],
                            preferred_element_type=F32)

    @pl.when(k == (N * C // _KBLK) - 1)
    def _():
        h1 = jnp.maximum(acc_ref[...] + b1_ref[...], 0.0)
        h2 = jnp.maximum(
            jnp.dot(h1, w2_ref[...], preferred_element_type=F32)
            + b2_ref[...], 0.0)
        out_ref[...] = (jnp.dot(h2, w3_ref[...], preferred_element_type=F32)
                        + b3_ref[...])


def _mlp(flat, w1, b1, w2, b2, w3, b3):
    grid = (N * C // _KBLK,)
    return pl.pallas_call(
        _mlp_body,
        grid=grid,
        in_specs=[
            pl.BlockSpec((B, _KBLK), lambda k: (0, k)),
            pl.BlockSpec((_KBLK, 256), lambda k: (k, 0)),
            pl.BlockSpec((1, 256), lambda k: (0, 0)),
            pl.BlockSpec((256, 64), lambda k: (0, 0)),
            pl.BlockSpec((1, 64), lambda k: (0, 0)),
            pl.BlockSpec((64, 1), lambda k: (0, 0)),
            pl.BlockSpec((1, 1), lambda k: (0, 0)),
        ],
        out_specs=pl.BlockSpec((B, 1), lambda k: (0, 0)),
        out_shape=jax.ShapeDtypeStruct((B, 1), F32),
        scratch_shapes=[pltpu.VMEM((B, 256), F32)],
    )(flat, w1, b1, w2, b2, w3, b3)




@jax.jit
def _run(pe, edge_index, w_in, b_in, w_l, w_r, att, bias_gat,
         w1, b1, w2, b2, w3, b3):
    src = edge_index[0]
    dst = edge_index[1]
    attx = jnp.broadcast_to(att[:, :, None], (H, C, 16)).astype(F32)
    attx = attx.reshape(H, C * 16)

    x = _pergene(pe, w_in, b_in)
    xlp, xrp = _project(x, w_l, w_r)
    unnorm, denom = _sc_edge(xlp.reshape(BH, N * C), xrp.reshape(BH, N * C),
                             src, dst, attx)
    agg = _normalize(unnorm.reshape(BH, N, C), denom, bias_gat.reshape(1, C))
    flat = agg.reshape(B, N * C)
    return _mlp(flat, w1, b1.reshape(1, 256), w2, b2.reshape(1, 64),
                w3, b3.reshape(1, 1))


def kernel(protein_embeddings, edge_index, W_in, b_in, W_l, W_r, att,
           bias_gat, W1, b1, W2, b2, W3, b3):
    return _run(protein_embeddings, edge_index, W_in, b_in, W_l, W_r, att,
                bias_gat, W1, b1, W2, b2, W3, b3)

# --- scband reference (transcript-rebuilt; emitter-appended) ---
"""Pipeline reference for scband-gatv2-9509057593577 (READ-ONLY COPY).

The authoritative reference and input builder live on the scoring server;
editing this copy changes nothing except your own understanding.
"""

import jax, jax.numpy as jnp
import numpy as np

N = 1024   # n_genes (graph nodes)
B = 16     # batch of samples per gene
IN = 128   # in_dim
C = 32     # embed_dim (per-head channels)
H = 4      # n_heads
E = 16384  # edges (avg degree 16)
NEG_SLOPE_GAT = 0.2
NEG_SLOPE_PRE = 0.01


def setup_inputs(seed: int = 0) -> dict:
    key = jax.random.key(seed)
    ks = jax.random.split(key, 12)
    inp = {}
    # dict of n_genes tensors [B, IN] stacked as [N, B, IN]
    inp["protein_embeddings"] = jax.random.normal(ks[0], (N, B, IN), dtype=jnp.float32)
    inp["edge_index"] = jax.random.randint(ks[1], (2, E), 0, N, dtype=jnp.int32)
    # per-gene input Linear layers (one Linear per gene, stacked)
    inp["W_in"] = jax.random.normal(ks[2], (N, IN, C), dtype=jnp.float32) * 0.05
    inp["b_in"] = jnp.zeros((N, C), dtype=jnp.float32)
    # GATv2Conv params (share_weights=False, concat=False)
    inp["W_l"] = jax.random.normal(ks[3], (C, H * C), dtype=jnp.float32) * 0.1
    inp["W_r"] = jax.random.normal(ks[4], (C, H * C), dtype=jnp.float32) * 0.1
    inp["att"] = jax.random.normal(ks[5], (H, C), dtype=jnp.float32) * 0.1
    inp["bias_gat"] = jnp.zeros((C,), dtype=jnp.float32)
    # output MLP: in = N*C -> 256 -> 64 -> 1
    inp["W1"] = jax.random.normal(ks[6], (N * C, 256), dtype=jnp.float32) * 0.01
    inp["b1"] = jnp.zeros((256,), dtype=jnp.float32)
    inp["W2"] = jax.random.normal(ks[7], (256, 64), dtype=jnp.float32) * 0.05
    inp["b2"] = jnp.zeros((64,), dtype=jnp.float32)
    inp["W3"] = jax.random.normal(ks[8], (64, 1), dtype=jnp.float32) * 0.05
    inp["b3"] = jnp.zeros((1,), dtype=jnp.float32)
    return inp


def reference(protein_embeddings, edge_index, W_in, b_in, W_l, W_r, att, bias_gat, W1, b1, W2, b2, W3, b3):
    # per-gene linear: [N,B,IN] x [N,IN,C] -> [N,B,C]
    x = jnp.einsum('nbi,nio->nbo', protein_embeddings, W_in) + b_in[:, None, :]
    x = jax.nn.leaky_relu(x, NEG_SLOPE_PRE)
    x = jnp.transpose(x, (1, 0, 2))  # [B, N, C]
    src = edge_index[0]
    dst = edge_index[1]
    # GATv2: lin_l on sources, lin_r on targets
    xl = (x @ W_l).reshape(B, N, H, C)
    xr = (x @ W_r).reshape(B, N, H, C)
    e = xl[:, src] + xr[:, dst]                     # [B,E,H,C]
    e = jax.nn.leaky_relu(e, NEG_SLOPE_GAT)
    logits = jnp.einsum('behc,hc->beh', e, att)      # [B,E,H]
    logits = jnp.transpose(logits, (1, 0, 2))        # [E,B,H]
    m = jax.ops.segment_max(logits, dst, num_segments=N)   # [N,B,H]
    exp = jnp.exp(logits - m[dst])
    denom = jax.ops.segment_sum(exp, dst, num_segments=N)  # [N,B,H]
    alpha = exp / (denom[dst] + 1e-16)               # [E,B,H]
    msg = jnp.transpose(xl[:, src], (1, 0, 2, 3)) * alpha[..., None]  # [E,B,H,C]
    agg = jax.ops.segment_sum(msg, dst, num_segments=N)    # [N,B,H,C]
    out = jnp.transpose(agg, (1, 0, 2, 3)).mean(axis=2) + bias_gat  # [B,N,C] (concat=False -> head mean)
    flat = out.reshape(B, N * C)
    h = jax.nn.relu(flat @ W1 + b1)
    h = jax.nn.relu(h @ W2 + b2)
    preds = h @ W3 + b3
    return preds

if __name__ == "__main__":
    import jax
    _d = setup_inputs()
    print(jax.jit(kernel)(*tuple(_d.values())))

</pallas_src>

<mosaic_0001>
#map = affine_map<(d0, d1) -> (0, 0)>
#map1 = affine_map<(d0, d1) -> (0)>
module attributes {stable_mosaic.version = 14 : i64} {
  func.func @_sc_edge_body(%arg0: i32, %arg1: i32, %arg2: memref<64x32768xf32, #tpu.memory_space<hbm>>, %arg3: memref<64x32768xf32, #tpu.memory_space<hbm>>, %arg4: memref<16384xi32, #tpu.memory_space<hbm>>, %arg5: memref<16384xi32, #tpu.memory_space<hbm>>, %arg6: memref<4x512xf32, #tpu.memory_space<hbm>>, %arg7: memref<64x32768xf32, #tpu.memory_space<hbm>>, %arg8: memref<64x1024xf32, #tpu.memory_space<hbm>>, %arg9: memref<32768xf32, #tpu.memory_space<vmem>>, %arg10: memref<32768xf32, #tpu.memory_space<vmem>>, %arg11: memref<512xf32, #tpu.memory_space<vmem>>, %arg12: memref<8192xi32, #tpu.memory_space<vmem>>, %arg13: memref<8192xi32, #tpu.memory_space<vmem>>, %arg14: memref<32768xf32, #tpu.memory_space<vmem>>, %arg15: memref<1024xf32, #tpu.memory_space<vmem>>) attributes {dimension_semantics = [#tpu.dimension_semantics<core_parallel>, #tpu.dimension_semantics<subcore_parallel>], iteration_bounds = array<i64: 2, 16>, scalar_prefetch = 0 : i64, scratch_operands = 7 : i64, tpu.core_type = #tpu.core_type<sc_vector_subcore>, window_params = [{transform_indices = #map}, {transform_indices = #map}, {transform_indices = #map1}, {transform_indices = #map1}, {transform_indices = #map}, {transform_indices = #map}, {transform_indices = #map}]} {
    %mul3A = arith.constant 2 : i32
    %mul3A_0 = arith.muli %arg1, %mul3A : i32
    %add3A = arith.addi %mul3A_0, %arg0 : i32
    %broadcast_in_dim3A = arith.constant 0.000000e+00 : f32
    %broadcast_in_dim3A_1 = vector.broadcast %broadcast_in_dim3A : f32 to vector<16xf32>
    %mul3A_2 = arith.constant 2 : i32
    %mul3A_3 = arith.muli %add3A, %mul3A_2 : i32
    %add3A_4 = arith.constant 0 : i32
    %add3A_5 = arith.addi %mul3A_3, %add3A_4 : i32
    %jit3A = arith.constant 4 : i32
    %eq3A = arith.constant 0 : i32
    %eq3A_6 = arith.cmpi eq, %jit3A, %eq3A : i32
    %jit3A_7 = arith.constant 1 : i32
    %select_n3A = arith.select %eq3A_6, %jit3A_7, %jit3A : i32
    %rem3A = arith.remsi %add3A_5, %select_n3A : i32
    %ne3A = arith.constant 0 : i32
    %ne3A_8 = arith.cmpi ne, %rem3A, %ne3A : i32
    %lt3A = arith.constant 0 : i32
    %lt3A_9 = arith.cmpi slt, %rem3A, %lt3A : i32
    %lt3A_10 = arith.constant 0 : i32
    %lt3A_11 = arith.cmpi slt, %select_n3A, %lt3A_10 : i32
    %ne3A_12 = arith.xori %lt3A_9, %lt3A_11 : i1
    %and3A = arith.andi %ne3A_12, %ne3A_8 : i1
    %add3A_13 = arith.addi %rem3A, %select_n3A : i32
    %select_n3A_14 = arith.select %and3A, %add3A_13, %rem3A : i32
    "tpu.region"() ({
      %run_scoped3A = tpu.sem_alloc : memref<!tpu.dma_semaphore, #tpu.memory_space<semaphore_mem>>
      %dma_start3A = arith.constant 0 : i32
      %dma_start3A_74 = tpu.memref_slice %arg2[%add3A_5, %dma_start3A] : memref<64x32768xf32, #tpu.memory_space<hbm>> -> memref<1x32768xf32, #tpu.memory_space<hbm>>
      %dma_start3A_75 = tpu.memref_squeeze %dma_start3A_74 : memref<1x32768xf32, #tpu.memory_space<hbm>> -> memref<32768xf32, #tpu.memory_space<hbm>>
      %dma_start3A_76 = arith.constant 0 : i32
      %dma_start3A_77 = tpu.memref_slice %arg2[%add3A_5, %dma_start3A_76] : memref<64x32768xf32, #tpu.memory_space<hbm>> -> memref<1x32768xf32, #tpu.memory_space<hbm>>
      %dma_start3A_78 = tpu.memref_squeeze %dma_start3A_77 : memref<1x32768xf32, #tpu.memory_space<hbm>> -> memref<32768xf32, #tpu.memory_space<hbm>>
      tpu.enqueue_dma source(%dma_start3A_78 : memref<32768xf32, #tpu.memory_space<hbm>>) target(%arg9 : memref<32768xf32, #tpu.memory_space<vmem>>) target_semaphore(%run_scoped3A : memref<!tpu.dma_semaphore, #tpu.memory_space<semaphore_mem>>)
      %dma_wait3A = arith.constant 0 : i32
      %dma_wait3A_79 = tpu.memref_slice %arg2[%add3A_5, %dma_wait3A] : memref<64x32768xf32, #tpu.memory_space<hbm>> -> memref<1x32768xf32, #tpu.memory_space<hbm>>
      %dma_wait3A_80 = tpu.memref_squeeze %dma_wait3A_79 : memref<1x32768xf32, #tpu.memory_space<hbm>> -> memref<32768xf32, #tpu.memory_space<hbm>>
      %dma_wait3A_81 = arith.constant 0 : i32
      %dma_wait3A_82 = tpu.memref_slice %arg2[%add3A_5, %dma_wait3A_81] : memref<64x32768xf32, #tpu.memory_space<hbm>> -> memref<1x32768xf32, #tpu.memory_space<hbm>>
      %dma_wait3A_83 = tpu.memref_squeeze %dma_wait3A_82 : memref<1x32768xf32, #tpu.memory_space<hbm>> -> memref<32768xf32, #tpu.memory_space<hbm>>
      tpu.wait_dma2 semaphore(%run_scoped3A : memref<!tpu.dma_semaphore, #tpu.memory_space<semaphore_mem>>) src(%dma_wait3A_83 : memref<32768xf32, #tpu.memory_space<hbm>>) dst(%arg9 : memref<32768xf32, #tpu.memory_space<vmem>>)
      tpu.yield
    }) : () -> ()
    "tpu.region"() ({
      %run_scoped3A = tpu.sem_alloc : memref<!tpu.dma_semaphore, #tpu.memory_space<semaphore_mem>>
      %dma_start3A = arith.constant 0 : i32
      %dma_start3A_74 = tpu.memref_slice %arg3[%add3A_5, %dma_start3A] : memref<64x32768xf32, #tpu.memory_space<hbm>> -> memref<1x32768xf32, #tpu.memory_space<hbm>>
      %dma_start3A_75 = tpu.memref_squeeze %dma_start3A_74 : memref<1x32768xf32, #tpu.memory_space<hbm>> -> memref<32768xf32, #tpu.memory_space<hbm>>
      %dma_start3A_76 = arith.constant 0 : i32
      %dma_start3A_77 = tpu.memref_slice %arg3[%add3A_5, %dma_start3A_76] : memref<64x32768xf32, #tpu.memory_space<hbm>> -> memref<1x32768xf32, #tpu.memory_space<hbm>>
      %dma_start3A_78 = tpu.memref_squeeze %dma_start3A_77 : memref<1x32768xf32, #tpu.memory_space<hbm>> -> memref<32768xf32, #tpu.memory_space<hbm>>
      tpu.enqueue_dma source(%dma_start3A_78 : memref<32768xf32, #tpu.memory_space<hbm>>) target(%arg10 : memref<32768xf32, #tpu.memory_space<vmem>>) target_semaphore(%run_scoped3A : memref<!tpu.dma_semaphore, #tpu.memory_space<semaphore_mem>>)
      %dma_wait3A = arith.constant 0 : i32
      %dma_wait3A_79 = tpu.memref_slice %arg3[%add3A_5, %dma_wait3A] : memref<64x32768xf32, #tpu.memory_space<hbm>> -> memref<1x32768xf32, #tpu.memory_space<hbm>>
      %dma_wait3A_80 = tpu.memref_squeeze %dma_wait3A_79 : memref<1x32768xf32, #tpu.memory_space<hbm>> -> memref<32768xf32, #tpu.memory_space<hbm>>
      %dma_wait3A_81 = arith.constant 0 : i32
      %dma_wait3A_82 = tpu.memref_slice %arg3[%add3A_5, %dma_wait3A_81] : memref<64x32768xf32, #tpu.memory_space<hbm>> -> memref<1x32768xf32, #tpu.memory_space<hbm>>
      %dma_wait3A_83 = tpu.memref_squeeze %dma_wait3A_82 : memref<1x32768xf32, #tpu.memory_space<hbm>> -> memref<32768xf32, #tpu.memory_space<hbm>>
      tpu.wait_dma2 semaphore(%run_scoped3A : memref<!tpu.dma_semaphore, #tpu.memory_space<semaphore_mem>>) src(%dma_wait3A_83 : memref<32768xf32, #tpu.memory_space<hbm>>) dst(%arg10 : memref<32768xf32, #tpu.memory_space<vmem>>)
      tpu.yield
    }) : () -> ()
    "tpu.region"() ({
      %run_scoped3A = tpu.sem_alloc : memref<!tpu.dma_semaphore, #tpu.memory_space<semaphore_mem>>
      %dma_start3A = arith.constant 0 : i32
      %dma_start3A_74 = tpu.memref_slice %arg6[%select_n3A_14, %dma_start3A] : memref<4x512xf32, #tpu.memory_space<hbm>> -> memref<1x512xf32, #tpu.memory_space<hbm>>
      %dma_start3A_75 = tpu.memref_squeeze %dma_start3A_74 : memref<1x512xf32, #tpu.memory_space<hbm>> -> memref<512xf32, #tpu.memory_space<hbm>>
      %dma_start3A_76 = arith.constant 0 : i32
      %dma_start3A_77 = tpu.memref_slice %arg6[%select_n3A_14, %dma_start3A_76] : memref<4x512xf32, #tpu.memory_space<hbm>> -> memref<1x512xf32, #tpu.memory_space<hbm>>
      %dma_start3A_78 = tpu.memref_squeeze %dma_start3A_77 : memref<1x512xf32, #tpu.memory_space<hbm>> -> memref<512xf32, #tpu.memory_space<hbm>>
      tpu.enqueue_dma source(%dma_start3A_78 : memref<512xf32, #tpu.memory_space<hbm>>) target(%arg11 : memref<512xf32, #tpu.memory_space<vmem>>) target_semaphore(%run_scoped3A : memref<!tpu.dma_semaphore, #tpu.memory_space<semaphore_mem>>)
      %dma_wait3A = arith.constant 0 : i32
      %dma_wait3A_79 = tpu.memref_slice %arg6[%select_n3A_14, %dma_wait3A] : memref<4x512xf32, #tpu.memory_space<hbm>> -> memref<1x512xf32, #tpu.memory_space<hbm>>
      %dma_wait3A_80 = tpu.memref_squeeze %dma_wait3A_79 : memref<1x512xf32, #tpu.memory_space<hbm>> -> memref<512xf32, #tpu.memory_space<hbm>>
      %dma_wait3A_81 = arith.constant 0 : i32
      %dma_wait3A_82 = tpu.memref_slice %arg6[%select_n3A_14, %dma_wait3A_81] : memref<4x512xf32, #tpu.memory_space<hbm>> -> memref<1x512xf32, #tpu.memory_space<hbm>>
      %dma_wait3A_83 = tpu.memref_squeeze %dma_wait3A_82 : memref<1x512xf32, #tpu.memory_space<hbm>> -> memref<512xf32, #tpu.memory_space<hbm>>
      tpu.wait_dma2 semaphore(%run_scoped3A : memref<!tpu.dma_semaphore, #tpu.memory_space<semaphore_mem>>) src(%dma_wait3A_83 : memref<512xf32, #tpu.memory_space<hbm>>) dst(%arg11 : memref<512xf32, #tpu.memory_space<vmem>>)
      tpu.yield
    }) : () -> ()
    %scan3A = arith.constant 0 : i32
    %scan3A_15 = arith.constant 2048 : i32
    %scan3A_16 = arith.addi %scan3A, %scan3A_15 : i32
    %scan3A_17 = arith.constant 1 : i32
    scf.for %scan3A_74 = %scan3A to %scan3A_16 step %scan3A_17  : i32 {
      %mul3A_75 = arith.constant 1 : i32
      %mul3A_76 = arith.muli %scan3A_74, %mul3A_75 : i32
      %add3A_77 = arith.constant 0 : i32
      %add3A_78 = arith.addi %add3A_77, %mul3A_76 : i32
      %mul3A_79 = arith.constant 16 : i32
      %mul3A_80 = arith.muli %add3A_78, %mul3A_79 : i32
      %swap3A = arith.index_cast %mul3A_80 : i32 to index
      %swap3A_81 = tpu.vector_load %arg14[%swap3A] {strides = array<i32>} : memref<32768xf32, #tpu.memory_space<vmem>>, vector<16xf32>,
      tpu.vector_store %arg14[%swap3A], %broadcast_in_dim3A_1 {strides = array<i32>} : memref<32768xf32, #tpu.memory_space<vmem>>, vector<16xf32>,
    }
    %scan3A_18 = arith.constant 2048 : i32
    %scan3A_19 = arith.constant 0 : i32
    %scan3A_20 = arith.constant 64 : i32
    %scan3A_21 = arith.addi %scan3A_19, %scan3A_20 : i32
    %scan3A_22 = arith.constant 1 : i32
    scf.for %scan3A_74 = %scan3A_19 to %scan3A_21 step %scan3A_22  : i32 {
      %mul3A_75 = arith.constant 1 : i32
      %mul3A_76 = arith.muli %scan3A_74, %mul3A_75 : i32
      %add3A_77 = arith.constant 0 : i32
      %add3A_78 = arith.addi %add3A_77, %mul3A_76 : i32
      %mul3A_79 = arith.constant 16 : i32
      %mul3A_80 = arith.muli %add3A_78, %mul3A_79 : i32
      %swap3A = arith.index_cast %mul3A_80 : i32 to index
      %swap3A_81 = tpu.vector_load %arg15[%swap3A] {strides = array<i32>} : memref<1024xf32, #tpu.memory_space<vmem>>, vector<16xf32>,
      tpu.vector_store %arg15[%swap3A], %broadcast_in_dim3A_1 {strides = array<i32>} : memref<1024xf32, #tpu.memory_space<vmem>>, vector<16xf32>,
    }
    %scan3A_23 = arith.constant 64 : i32
    "tpu.region"() ({
      %run_scoped3A = tpu.sem_alloc : memref<!tpu.dma_semaphore, #tpu.memory_space<semaphore_mem>>
      %dma_start3A = arith.constant 0 : i32
      %dma_start3A_74 = tpu.memref_slice %arg4[%dma_start3A] : memref<16384xi32, #tpu.memory_space<hbm>> -> memref<8192xi32, #tpu.memory_space<hbm>>
      %dma_start3A_75 = arith.constant 0 : i32
      %dma_start3A_76 = tpu.memref_slice %arg4[%dma_start3A_75] : memref<16384xi32, #tpu.memory_space<hbm>> -> memref<8192xi32, #tpu.memory_space<hbm>>
      tpu.enqueue_dma source(%dma_start3A_76 : memref<8192xi32, #tpu.memory_space<hbm>>) target(%arg12 : memref<8192xi32, #tpu.memory_space<vmem>>) target_semaphore(%run_scoped3A : memref<!tpu.dma_semaphore, #tpu.memory_space<semaphore_mem>>)
      %dma_wait3A = arith.constant 0 : i32
      %dma_wait3A_77 = tpu.memref_slice %arg4[%dma_wait3A] : memref<16384xi32, #tpu.memory_space<hbm>> -> memref<8192xi32, #tpu.memory_space<hbm>>
      %dma_wait3A_78 = arith.constant 0 : i32
      %dma_wait3A_79 = tpu.memref_slice %arg4[%dma_wait3A_78] : memref<16384xi32, #tpu.memory_space<hbm>> -> memref<8192xi32, #tpu.memory_space<hbm>>
      tpu.wait_dma2 semaphore(%run_scoped3A : memref<!tpu.dma_semaphore, #tpu.memory_space<semaphore_mem>>) src(%dma_wait3A_79 : memref<8192xi32, #tpu.memory_space<hbm>>) dst(%arg12 : memref<8192xi32, #tpu.memory_space<vmem>>)
      tpu.yield
    }) : () -> ()
    "tpu.region"() ({
      %run_scoped3A = tpu.sem_alloc : memref<!tpu.dma_semaphore, #tpu.memory_space<semaphore_mem>>
      %dma_start3A = arith.constant 0 : i32
      %dma_start3A_74 = tpu.memref_slice %arg5[%dma_start3A] : memref<16384xi32, #tpu.memory_space<hbm>> -> memref<8192xi32, #tpu.memory_space<hbm>>
      %dma_start3A_75 = arith.constant 0 : i32
      %dma_start3A_76 = tpu.memref_slice %arg5[%dma_start3A_75] : memref<16384xi32, #tpu.memory_space<hbm>> -> memref<8192xi32, #tpu.memory_space<hbm>>
      tpu.enqueue_dma source(%dma_start3A_76 : memref<8192xi32, #tpu.memory_space<hbm>>) target(%arg13 : memref<8192xi32, #tpu.memory_space<vmem>>) target_semaphore(%run_scoped3A : memref<!tpu.dma_semaphore, #tpu.memory_space<semaphore_mem>>)
      %dma_wait3A = arith.constant 0 : i32
      %dma_wait3A_77 = tpu.memref_slice %arg5[%dma_wait3A] : memref<16384xi32, #tpu.memory_space<hbm>> -> memref<8192xi32, #tpu.memory_space<hbm>>
      %dma_wait3A_78 = arith.constant 0 : i32
      %dma_wait3A_79 = tpu.memref_slice %arg5[%dma_wait3A_78] : memref<16384xi32, #tpu.memory_space<hbm>> -> memref<8192xi32, #tpu.memory_space<hbm>>
      tpu.wait_dma2 semaphore(%run_scoped3A : memref<!tpu.dma_semaphore, #tpu.memory_space<semaphore_mem>>) src(%dma_wait3A_79 : memref<8192xi32, #tpu.memory_space<hbm>>) dst(%arg13 : memref<8192xi32, #tpu.memory_space<vmem>>)
      tpu.yield
    }) : () -> ()
    %scan3A_24 = arith.constant 0 : i32
    %scan3A_25 = arith.constant 512 : i32
    %scan3A_26 = arith.addi %scan3A_24, %scan3A_25 : i32
    %scan3A_27 = arith.constant 1 : i32
    scf.for %scan3A_74 = %scan3A_24 to %scan3A_26 step %scan3A_27  : i32 {
      %mul3A_75 = arith.constant 1 : i32
      %mul3A_76 = arith.muli %scan3A_74, %mul3A_75 : i32
      %add3A_77 = arith.constant 0 : i32
      %add3A_78 = arith.addi %add3A_77, %mul3A_76 : i32
      %mul3A_79 = arith.constant 16 : i32
      %mul3A_80 = arith.muli %add3A_78, %mul3A_79 : i32
      %get3A = arith.index_cast %mul3A_80 : i32 to index
      %get3A_81 = tpu.vector_load %arg12[%get3A] {strides = array<i32>} : memref<8192xi32, #tpu.memory_space<vmem>>, vector<16xi32>,
      %mul3A_82 = arith.constant 16 : i32
      %mul3A_83 = arith.muli %add3A_78, %mul3A_82 : i32
      %get3A_84 = arith.index_cast %mul3A_83 : i32 to index
      %get3A_85 = tpu.vector_load %arg13[%get3A_84] {strides = array<i32>} : memref<8192xi32, #tpu.memory_space<vmem>>, vector<16xi32>,
      %mul3A_86 = arith.constant 32 : i32
      %mul3A_87 = vector.broadcast %mul3A_86 : i32 to vector<16xi32>
      %mul3A_88 = arith.muli %get3A_81, %mul3A_87 : vector<16xi32>
      %mul3A_89 = arith.constant 32 : i32
      %mul3A_90 = vector.broadcast %mul3A_89 : i32 to vector<16xi32>
      %mul3A_91 = arith.muli %get3A_85, %mul3A_90 : vector<16xi32>
      %add3A_92 = arith.constant 0 : i32
      %add3A_93 = vector.broadcast %add3A_92 : i32 to vector<16xi32>
      %add3A_94 = arith.addi %mul3A_88, %add3A_93 : vector<16xi32>
      %gather3A = tpu.vector_load_idx %arg9[%add3A_94] : memref<32768xf32, #tpu.memory_space<vmem>>[vector<16xi32>], vector<16xf32>,
      %add3A_95 = arith.constant 0 : i32
      %add3A_96 = vector.broadcast %add3A_95 : i32 to vector<16xi32>
      %add3A_97 = arith.addi %mul3A_91, %add3A_96 : vector<16xi32>
      %gather3A_98 = tpu.vector_load_idx %arg10[%add3A_97] : memref<32768xf32, #tpu.memory_space<vmem>>[vector<16xi32>], vector<16xf32>,
      %add3A_99 = arith.addf %gather3A, %gather3A_98 : vector<16xf32>
      %mul3A_100 = arith.constant 2.000000e-01 : f32
      %mul3A_101 = vector.broadcast %mul3A_100 : f32 to vector<16xf32>
      %mul3A_102 = arith.mulf %mul3A_101, %add3A_99 : vector<16xf32>
      %max3A = arith.maximumf %add3A_99, %mul3A_102 : vector<16xf32>
      %get3A_103 = arith.constant 0 : index
      %get3A_104 = tpu.vector_load %arg11[%get3A_103] {strides = array<i32>} : memref<512xf32, #tpu.memory_space<vmem>>, vector<16xf32>,
      %mul3A_105 = arith.mulf %get3A_104, %max3A : vector<16xf32>
      %add3A_106 = arith.addf %broadcast_in_dim3A_1, %mul3A_105 : vector<16xf32>
      %add3A_107 = arith.constant 1 : i32
      %add3A_108 = vector.broadcast %add3A_107 : i32 to vector<16xi32>
      %add3A_109 = arith.addi %mul3A_88, %add3A_108 : vector<16xi32>
      %gather3A_110 = tpu.vector_load_idx %arg9[%add3A_109] : memref<32768xf32, #tpu.memory_space<vmem>>[vector<16xi32>], vector<16xf32>,
      %add3A_111 = arith.constant 1 : i32
      %add3A_112 = vector.broadcast %add3A_111 : i32 to vector<16xi32>
      %add3A_113 = arith.addi %mul3A_91, %add3A_112 : vector<16xi32>
      %gather3A_114 = tpu.vector_load_idx %arg10[%add3A_113] : memref<32768xf32, #tpu.memory_space<vmem>>[vector<16xi32>], vector<16xf32>,
      %add3A_115 = arith.addf %gather3A_110, %gather3A_114 : vector<16xf32>
      %mul3A_116 = arith.constant 2.000000e-01 : f32
      %mul3A_117 = vector.broadcast %mul3A_116 : f32 to vector<16xf32>
      %mul3A_118 = arith.mulf %mul3A_117, %add3A_115 : vector<16xf32>
      %max3A_119 = arith.maximumf %add3A_115, %mul3A_118 : vector<16xf32>
      %get3A_120 = arith.constant 16 : index
      %get3A_121 = tpu.vector_load %arg11[%get3A_120] {strides = array<i32>} : memref<512xf32, #tpu.memory_space<vmem>>, vector<16xf32>,
      %mul3A_122 = arith.mulf %get3A_121, %max3A_119 : vector<16xf32>
      %add3A_123 = arith.addf %add3A_106, %mul3A_122 : vector<16xf32>
      %add3A_124 = arith.constant 2 : i32
      %add3A_125 = vector.broadcast %add3A_124 : i32 to vector<16xi32>
      %add3A_126 = arith.addi %mul3A_88, %add3A_125 : vector<16xi32>
      %gather3A_127 = tpu.vector_load_idx %arg9[%add3A_126] : memref<32768xf32, #tpu.memory_space<vmem>>[vector<16xi32>], vector<16xf32>,
      %add3A_128 = arith.constant 2 : i32
      %add3A_129 = vector.broadcast %add3A_128 : i32 to vector<16xi32>
      %add3A_130 = arith.addi %mul3A_91, %add3A_129 : vector<16xi32>
      %gather3A_131 = tpu.vector_load_idx %arg10[%add3A_130] : memref<32768xf32, #tpu.memory_space<vmem>>[vector<16xi32>], vector<16xf32>,
      %add3A_132 = arith.addf %gather3A_127, %gather3A_131 : vector<16xf32>
      %mul3A_133 = arith.constant 2.000000e-01 : f32
      %mul3A_134 = vector.broadcast %mul3A_133 : f32 to vector<16xf32>
      %mul3A_135 = arith.mulf %mul3A_134, %add3A_132 : vector<16xf32>
      %max3A_136 = arith.maximumf %add3A_132, %mul3A_135 : vector<16xf32>
      %get3A_137 = arith.constant 32 : index
      %get3A_138 = tpu.vector_load %arg11[%get3A_137] {strides = array<i32>} : memref<512xf32, #tpu.memory_space<vmem>>, vector<16xf32>,
      %mul3A_139 = arith.mulf %get3A_138, %max3A_136 : vector<16xf32>
      %add3A_140 = arith.addf %add3A_123, %mul3A_139 : vector<16xf32>
      %add3A_141 = arith.constant 3 : i32
      %add3A_142 = vector.broadcast %add3A_141 : i32 to vector<16xi32>
      %add3A_143 = arith.addi %mul3A_88, %add3A_142 : vector<16xi32>
      %gather3A_144 = tpu.vector_load_idx %arg9[%add3A_143] : memref<32768xf32, #tpu.memory_space<vmem>>[vector<16xi32>], vector<16xf32>,
      %add3A_145 = arith.constant 3 : i32
      %add3A_146 = vector.broadcast %add3A_145 : i32 to vector<16xi32>
      %add3A_147 = arith.addi %mul3A_91, %add3A_146 : vector<16xi32>
      %gather3A_148 = tpu.vector_load_idx %arg10[%add3A_147] : memref<32768xf32, #tpu.memory_space<vmem>>[vector<16xi32>], vector<16xf32>,
      %add3A_149 = arith.addf %gather3A_144, %gather3A_148 : vector<16xf32>
      %mul3A_150 = arith.constant 2.000000e-01 : f32
      %mul3A_151 = vector.broadcast %mul3A_150 : f32 to vector<16xf32>
      %mul3A_152 = arith.mulf %mul3A_151, %add3A_149 : vector<16xf32>
      %max3A_153 = arith.maximumf %add3A_149, %mul3A_152 : vector<16xf32>
      %get3A_154 = arith.constant 48 : index
      %get3A_155 = tpu.vector_load %arg11[%get3A_154] {strides = array<i32>} : memref<512xf32, #tpu.memory_space<vmem>>, vector<16xf32>,
      %mul3A_156 = arith.mulf %get3A_155, %max3A_153 : vector<16xf32>
      %add3A_157 = arith.addf %add3A_140, %mul3A_156 : vector<16xf32>
      %add3A_158 = arith.constant 4 : i32
      %add3A_159 = vector.broadcast %add3A_158 : i32 to vector<16xi32>
      %add3A_160 = arith.addi %mul3A_88, %add3A_159 : vector<16xi32>
      %gather3A_161 = tpu.vector_load_idx %arg9[%add3A_160] : memref<32768xf32, #tpu.memory_space<vmem>>[vector<16xi32>], vector<16xf32>,
      %add3A_162 = arith.constant 4 : i32
      %add3A_163 = vector.broadcast %add3A_162 : i32 to vector<16xi32>
      %add3A_164 = arith.addi %mul3A_91, %add3A_163 : vector<16xi32>
      %gather3A_165 = tpu.vector_load_idx %arg10[%add3A_164] : memref<32768xf32, #tpu.memory_space<vmem>>[vector<16xi32>], vector<16xf32>,
      %add3A_166 = arith.addf %gather3A_161, %gather3A_165 : vector<16xf32>
      %mul3A_167 = arith.constant 2.000000e-01 : f32
      %mul3A_168 = vector.broadcast %mul3A_167 : f32 to vector<16xf32>
      %mul3A_169 = arith.mulf %mul3A_168, %add3A_166 : vector<16xf32>
      %max3A_170 = arith.maximumf %add3A_166, %mul3A_169 : vector<16xf32>
      %get3A_171 = arith.constant 64 : index
      %get3A_172 = tpu.vector_load %arg11[%get3A_171] {strides = array<i32>} : memref<512xf32, #tpu.memory_space<vmem>>, vector<16xf32>,
      %mul3A_173 = arith.mulf %get3A_172, %max3A_170 : vector<16xf32>
      %add3A_174 = arith.addf %add3A_157, %mul3A_173 : vector<16xf32>
      %add3A_175 = arith.constant 5 : i32
      %add3A_176 = vector.broadcast %add3A_175 : i32 to vector<16xi32>
      %add3A_177 = arith.addi %mul3A_88, %add3A_176 : vector<16xi32>
      %gather3A_178 = tpu.vector_load_idx %arg9[%add3A_177] : memref<32768xf32, #tpu.memory_space<vmem>>[vector<16xi32>], vector<16xf32>,
      %add3A_179 = arith.constant 5 : i32
      %add3A_180 = vector.broadcast %add3A_179 : i32 to vector<16xi32>
      %add3A_181 = arith.addi %mul3A_91, %add3A_180 : vector<16xi32>
      %gather3A_182 = tpu.vector_load_idx %arg10[%add3A_181] : memref<32768xf32, #tpu.memory_space<vmem>>[vector<16xi32>], vector<16xf32>,
      %add3A_183 = arith.addf %gather3A_178, %gather3A_182 : vector<16xf32>
      %mul3A_184 = arith.constant 2.000000e-01 : f32
      %mul3A_185 = vector.broadcast %mul3A_184 : f32 to vector<16xf32>
      %mul3A_186 = arith.mulf %mul3A_185, %add3A_183 : vector<16xf32>
      %max3A_187 = arith.maximumf %add3A_183, %mul3A_186 : vector<16xf32>
      %get3A_188 = arith.constant 80 : index
      %get3A_189 = tpu.vector_load %arg11[%get3A_188] {strides = array<i32>} : memref<512xf32, #tpu.memory_space<vmem>>, vector<16xf32>,
      %mul3A_190 = arith.mulf %get3A_189, %max3A_187 : vector<16xf32>
      %add3A_191 = arith.addf %add3A_174, %mul3A_190 : vector<16xf32>
      %add3A_192 = arith.constant 6 : i32
      %add3A_193 = vector.broadcast %add3A_192 : i32 to vector<16xi32>
      %add3A_194 = arith.addi %mul3A_88, %add3A_193 : vector<16xi32>
      %gather3A_195 = tpu.vector_load_idx %arg9[%add3A_194] : memref<32768xf32, #tpu.memory_space<vmem>>[vector<16xi32>], vector<16xf32>,
      %add3A_196 = arith.constant 6 : i32
      %add3A_197 = vector.broadcast %add3A_196 : i32 to vector<16xi32>
      %add3A_198 = arith.addi %mul3A_91, %add3A_197 : vector<16xi32>
      %gather3A_199 = tpu.vector_load_idx %arg10[%add3A_198] : memref<32768xf32, #tpu.memory_space<vmem>>[vector<16xi32>], vector<16xf32>,
      %add3A_200 = arith.addf %gather3A_195, %gather3A_199 : vector<16xf32>
      %mul3A_201 = arith.constant 2.000000e-01 : f32
      %mul3A_202 = vector.broadcast %mul3A_201 : f32 to vector<16xf32>
      %mul3A_203 = arith.mulf %mul3A_202, %add3A_200 : vector<16xf32>
      %max3A_204 = arith.maximumf %add3A_200, %mul3A_203 : vector<16xf32>
      %get3A_205 = arith.constant 96 : index
      %get3A_206 = tpu.vector_load %arg11[%get3A_205] {strides = array<i32>} : memref<512xf32, #tpu.memory_space<vmem>>, vector<16xf32>,
      %mul3A_207 = arith.mulf %get3A_206, %max3A_204 : vector<16xf32>
      %add3A_208 = arith.addf %add3A_191, %mul3A_207 : vector<16xf32>
      %add3A_209 = arith.constant 7 : i32
      %add3A_210 = vector.broadcast %add3A_209 : i32 to vector<16xi32>
      %add3A_211 = arith.addi %mul3A_88, %add3A_210 : vector<16xi32>
      %gather3A_212 = tpu.vector_load_idx %arg9[%add3A_211] : memref<32768xf32, #tpu.memory_space<vmem>>[vector<16xi32>], vector<16xf32>,
      %add3A_213 = arith.constant 7 : i32
      %add3A_214 = vector.broadcast %add3A_213 : i32 to vector<16xi32>
      %add3A_215 = arith.addi %mul3A_91, %add3A_214 : vector<16xi32>
      %gather3A_216 = tpu.vector_load_idx %arg10[%add3A_215] : memref<32768xf32, #tpu.memory_space<vmem>>[vector<16xi32>], vector<16xf32>,
      %add3A_217 = arith.addf %gather3A_212, %gather3A_216 : vector<16xf32>
      %mul3A_218 = arith.constant 2.000000e-01 : f32
      %mul3A_219 = vector.broadcast %mul3A_218 : f32 to vector<16xf32>
      %mul3A_220 = arith.mulf %mul3A_219, %add3A_217 : vector<16xf32>
      %max3A_221 = arith.maximumf %add3A_217, %mul3A_220 : vector<16xf32>
      %get3A_222 = arith.constant 112 : index
      %get3A_223 = tpu.vector_load %arg11[%get3A_222] {strides = array<i32>} : memref<512xf32, #tpu.memory_space<vmem>>, vector<16xf32>,
      %mul3A_224 = arith.mulf %get3A_223, %max3A_221 : vector<16xf32>
      %add3A_225 = arith.addf %add3A_208, %mul3A_224 : vector<16xf32>
      %add3A_226 = arith.constant 8 : i32
      %add3A_227 = vector.broadcast %add3A_226 : i32 to vector<16xi32>
      %add3A_228 = arith.addi %mul3A_88, %add3A_227 : vector<16xi32>
      %gather3A_229 = tpu.vector_load_idx %arg9[%add3A_228] : memref<32768xf32, #tpu.memory_space<vmem>>[vector<16xi32>], vector<16xf32>,
      %add3A_230 = arith.constant 8 : i32
      %add3A_231 = vector.broadcast %add3A_230 : i32 to vector<16xi32>
      %add3A_232 = arith.addi %mul3A_91, %add3A_231 : vector<16xi32>
      %gather3A_233 = tpu.vector_load_idx %arg10[%add3A_232] : memref<32768xf32, #tpu.memory_space<vmem>>[vector<16xi32>], vector<16xf32>,
      %add3A_234 = arith.addf %gather3A_229, %gather3A_233 : vector<16xf32>
      %mul3A_235 = arith.constant 2.000000e-01 : f32
      %mul3A_236 = vector.broadcast %mul3A_235 : f32 to vector<16xf32>
      %mul3A_237 = arith.mulf %mul3A_236, %add3A_234 : vector<16xf32>
      %max3A_238 = arith.maximumf %add3A_234, %mul3A_237 : vector<16xf32>
      %get3A_239 = arith.constant 128 : index
      %get3A_240 = tpu.vector_load %arg11[%get3A_239] {strides = array<i32>} : memref<512xf32, #tpu.memory_space<vmem>>, vector<16xf32>,
      %mul3A_241 = arith.mulf %get3A_240, %max3A_238 : vector<16xf32>
      %add3A_242 = arith.addf %add3A_225, %mul3A_241 : vector<16xf32>
      %add3A_243 = arith.constant 9 : i32
      %add3A_244 = vector.broadcast %add3A_243 : i32 to vector<16xi32>
      %add3A_245 = arith.addi %mul3A_88, %add3A_244 : vector<16xi32>
      %gather3A_246 = tpu.vector_load_idx %arg9[%add3A_245] : memref<32768xf32, #tpu.memory_space<vmem>>[vector<16xi32>], vector<16xf32>,
      %add3A_247 = arith.constant 9 : i32
      %add3A_248 = vector.broadcast %add3A_247 : i32 to vector<16xi32>
      %add3A_249 = arith.addi %mul3A_91, %add3A_248 : vector<16xi32>
      %gather3A_250 = tpu.vector_load_idx %arg10[%add3A_249] : memref<32768xf32, #tpu.memory_space<vmem>>[vector<16xi32>], vector<16xf32>,
      %add3A_251 = arith.addf %gather3A_246, %gather3A_250 : vector<16xf32>
      %mul3A_252 = arith.constant 2.000000e-01 : f32
      %mul3A_253 = vector.broadcast %mul3A_252 : f32 to vector<16xf32>
      %mul3A_254 = arith.mulf %mul3A_253, %add3A_251 : vector<16xf32>
      %max3A_255 = arith.maximumf %add3A_251, %mul3A_254 : vector<16xf32>
      %get3A_256 = arith.constant 144 : index
      %get3A_257 = tpu.vector_load %arg11[%get3A_256] {strides = array<i32>} : memref<512xf32, #tpu.memory_space<vmem>>, vector<16xf32>,
      %mul3A_258 = arith.mulf %get3A_257, %max3A_255 : vector<16xf32>
      %add3A_259 = arith.addf %add3A_242, %mul3A_258 : vector<16xf32>
      %add3A_260 = arith.constant 10 : i32
      %add3A_261 = vector.broadcast %add3A_260 : i32 to vector<16xi32>
      %add3A_262 = arith.addi %mul3A_88, %add3A_261 : vector<16xi32>
      %gather3A_263 = tpu.vector_load_idx %arg9[%add3A_262] : memref<32768xf32, #tpu.memory_space<vmem>>[vector<16xi32>], vector<16xf32>,
      %add3A_264 = arith.constant 10 : i32
      %add3A_265 = vector.broadcast %add3A_264 : i32 to vector<16xi32>
      %add3A_266 = arith.addi %mul3A_91, %add3A_265 : vector<16xi32>
      %gather3A_267 = tpu.vector_load_idx %arg10[%add3A_266] : memref<32768xf32, #tpu.memory_space<vmem>>[vector<16xi32>], vector<16xf32>,
      %add3A_268 = arith.addf %gather3A_263, %gather3A_267 : vector<16xf32>
      %mul3A_269 = arith.constant 2.000000e-01 : f32
      %mul3A_270 = vector.broadcast %mul3A_269 : f32 to vector<16xf32>
      %mul3A_271 = arith.mulf %mul3A_270, %add3A_268 : vector<16xf32>
      %max3A_272 = arith.maximumf %add3A_268, %mul3A_271 : vector<16xf32>
      %get3A_273 = arith.constant 160 : index
      %get3A_274 = tpu.vector_load %arg11[%get3A_273] {strides = array<i32>} : memref<512xf32, #tpu.memory_space<vmem>>, vector<16xf32>,
      %mul3A_275 = arith.mulf %get3A_274, %max3A_272 : vector<16xf32>
      %add3A_276 = arith.addf %add3A_259, %mul3A_275 : vector<16xf32>
      %add3A_277 = arith.constant 11 : i32
      %add3A_278 = vector.broadcast %add3A_277 : i32 to vector<16xi32>
      %add3A_279 = arith.addi %mul3A_88, %add3A_278 : vector<16xi32>
      %gather3A_280 = tpu.vector_load_idx %arg9[%add3A_279] : memref<32768xf32, #tpu.memory_space<vmem>>[vector<16xi32>], vector<16xf32>,
      %add3A_281 = arith.constant 11 : i32
      %add3A_282 = vector.broadcast %add3A_281 : i32 to vector<16xi32>
      %add3A_283 = arith.addi %mul3A_91, %add3A_282 : vector<16xi32>
      %gather3A_284 = tpu.vector_load_idx %arg10[%add3A_283] : memref<32768xf32, #tpu.memory_space<vmem>>[vector<16xi32>], vector<16xf32>,
      %add3A_285 = arith.addf %gather3A_280, %gather3A_284 : vector<16xf32>
      %mul3A_286 = arith.constant 2.000000e-01 : f32
      %mul3A_287 = vector.broadcast %mul3A_286 : f32 to vector<16xf32>
      %mul3A_288 = arith.mulf %mul3A_287, %add3A_285 : vector<16xf32>
      %max3A_289 = arith.maximumf %add3A_285, %mul3A_288 : vector<16xf32>
      %get3A_290 = arith.constant 176 : index
      %get3A_291 = tpu.vector_load %arg11[%get3A_290] {strides = array<i32>} : memref<512xf32, #tpu.memory_space<vmem>>, vector<16xf32>,
      %mul3A_292 = arith.mulf %get3A_291, %max3A_289 : vector<16xf32>
      %add3A_293 = arith.addf %add3A_276, %mul3A_292 : vector<16xf32>
      %add3A_294 = arith.constant 12 : i32
      %add3A_295 = vector.broadcast %add3A_294 : i32 to vector<16xi32>
      %add3A_296 = arith.addi %mul3A_88, %add3A_295 : vector<16xi32>
      %gather3A_297 = tpu.vector_load_idx %arg9[%add3A_296] : memref<32768xf32, #tpu.memory_space<vmem>>[vector<16xi32>], vector<16xf32>,
      %add3A_298 = arith.constant 12 : i32
      %add3A_299 = vector.broadcast %add3A_298 : i32 to vector<16xi32>
      %add3A_300 = arith.addi %mul3A_91, %add3A_299 : vector<16xi32>
      %gather3A_301 = tpu.vector_load_idx %arg10[%add3A_300] : memref<32768xf32, #tpu.memory_space<vmem>>[vector<16xi32>], vector<16xf32>,
      %add3A_302 = arith.addf %gather3A_297, %gather3A_301 : vector<16xf32>
      %mul3A_303 = arith.constant 2.000000e-01 : f32
      %mul3A_304 = vector.broadcast %mul3A_303 : f32 to vector<16xf32>
      %mul3A_305 = arith.mulf %mul3A_304, %add3A_302 : vector<16xf32>
      %max3A_306 = arith.maximumf %add3A_302, %mul3A_305 : vector<16xf32>
      %get3A_307 = arith.constant 192 : index
      %get3A_308 = tpu.vector_load %arg11[%get3A_307] {strides = array<i32>} : memref<512xf32, #tpu.memory_space<vmem>>, vector<16xf32>,
      %mul3A_309 = arith.mulf %get3A_308, %max3A_306 : vector<16xf32>
      %add3A_310 = arith.addf %add3A_293, %mul3A_309 : vector<16xf32>
      %add3A_311 = arith.constant 13 : i32
      %add3A_312 = vector.broadcast %add3A_311 : i32 to vector<16xi32>
      %add3A_313 = arith.addi %mul3A_88, %add3A_312 : vector<16xi32>
      %gather3A_314 = tpu.vector_load_idx %arg9[%add3A_313] : memref<32768xf32, #tpu.memory_space<vmem>>[vector<16xi32>], vector<16xf32>,
      %add3A_315 = arith.constant 13 : i32
      %add3A_316 = vector.broadcast %add3A_315 : i32 to vector<16xi32>
      %add3A_317 = arith.addi %mul3A_91, %add3A_316 : vector<16xi32>
      %gather3A_318 = tpu.vector_load_idx %arg10[%add3A_317] : memref<32768xf32, #tpu.memory_space<vmem>>[vector<16xi32>], vector<16xf32>,
      %add3A_319 = arith.addf %gather3A_314, %gather3A_318 : vector<16xf32>
      %mul3A_320 = arith.constant 2.000000e-01 : f32
      %mul3A_321 = vector.broadcast %mul3A_320 : f32 to vector<16xf32>
      %mul3A_322 = arith.mulf %mul3A_321, %add3A_319 : vector<16xf32>
      %max3A_323 = arith.maximumf %add3A_319, %mul3A_322 : vector<16xf32>
      %get3A_324 = arith.constant 208 : index
      %get3A_325 = tpu.vector_load %arg11[%get3A_324] {strides = array<i32>} : memref<512xf32, #tpu.memory_space<vmem>>, vector<16xf32>,
      %mul3A_326 = arith.mulf %get3A_325, %max3A_323 : vector<16xf32>
      %add3A_327 = arith.addf %add3A_310, %mul3A_326 : vector<16xf32>
      %add3A_328 = arith.constant 14 : i32
      %add3A_329 = vector.broadcast %add3A_328 : i32 to vector<16xi32>
      %add3A_330 = arith.addi %mul3A_88, %add3A_329 : vector<16xi32>
      %gather3A_331 = tpu.vector_load_idx %arg9[%add3A_330] : memref<32768xf32, #tpu.memory_space<vmem>>[vector<16xi32>], vector<16xf32>,
      %add3A_332 = arith.constant 14 : i32
      %add3A_333 = vector.broadcast %add3A_332 : i32 to vector<16xi32>
      %add3A_334 = arith.addi %mul3A_91, %add3A_333 : vector<16xi32>
      %gather3A_335 = tpu.vector_load_idx %arg10[%add3A_334] : memref<32768xf32, #tpu.memory_space<vmem>>[vector<16xi32>], vector<16xf32>,
      %add3A_336 = arith.addf %gather3A_331, %gather3A_335 : vector<16xf32>
      %mul3A_337 = arith.constant 2.000000e-01 : f32
      %mul3A_338 = vector.broadcast %mul3A_337 : f32 to vector<16xf32>
      %mul3A_339 = arith.mulf %mul3A_338, %add3A_336 : vector<16xf32>
      %max3A_340 = arith.maximumf %add3A_336, %mul3A_339 : vector<16xf32>
      %get3A_341 = arith.constant 224 : index
      %get3A_342 = tpu.vector_load %arg11[%get3A_341] {strides = array<i32>} : memref<512xf32, #tpu.memory_space<vmem>>, vector<16xf32>,
      %mul3A_343 = arith.mulf %get3A_342, %max3A_340 : vector<16xf32>
      %add3A_344 = arith.addf %add3A_327, %mul3A_343 : vector<16xf32>
      %add3A_345 = arith.constant 15 : i32
      %add3A_346 = vector.broadcast %add3A_345 : i32 to vector<16xi32>
      %add3A_347 = arith.addi %mul3A_88, %add3A_346 : vector<16xi32>
      %gather3A_348 = tpu.vector_load_idx %arg9[%add3A_347] : memref<32768xf32, #tpu.memory_space<vmem>>[vector<16xi32>], vector<16xf32>,
      %add3A_349 = arith.constant 15 : i32
      %add3A_350 = vector.broadcast %add3A_349 : i32 to vector<16xi32>
      %add3A_351 = arith.addi %mul3A_91, %add3A_350 : vector<16xi32>
      %gather3A_352 = tpu.vector_load_idx %arg10[%add3A_351] : memref<32768xf32, #tpu.memory_space<vmem>>[vector<16xi32>], vector<16xf32>,
      %add3A_353 = arith.addf %gather3A_348, %gather3A_352 : vector<16xf32>
      %mul3A_354 = arith.constant 2.000000e-01 : f32
      %mul3A_355 = vector.broadcast %mul3A_354 : f32 to vector<16xf32>
      %mul3A_356 = arith.mulf %mul3A_355, %add3A_353 : vector<16xf32>
      %max3A_357 = arith.maximumf %add3A_353, %mul3A_356 : vector<16xf32>
      %get3A_358 = arith.constant 240 : index
      %get3A_359 = tpu.vector_load %arg11[%get3A_358] {strides = array<i32>} : memref<512xf32, #tpu.memory_space<vmem>>, vector<16xf32>,
      %mul3A_360 = arith.mulf %get3A_359, %max3A_357 : vector<16xf32>
      %add3A_361 = arith.addf %add3A_344, %mul3A_360 : vector<16xf32>
      %add3A_362 = arith.constant 16 : i32
      %add3A_363 = vector.broadcast %add3A_362 : i32 to vector<16xi32>
      %add3A_364 = arith.addi %mul3A_88, %add3A_363 : vector<16xi32>
      %gather3A_365 = tpu.vector_load_idx %arg9[%add3A_364] : memref<32768xf32, #tpu.memory_space<vmem>>[vector<16xi32>], vector<16xf32>,
      %add3A_366 = arith.constant 16 : i32
      %add3A_367 = vector.broadcast %add3A_366 : i32 to vector<16xi32>
      %add3A_368 = arith.addi %mul3A_91, %add3A_367 : vector<16xi32>
      %gather3A_369 = tpu.vector_load_idx %arg10[%add3A_368] : memref<32768xf32, #tpu.memory_space<vmem>>[vector<16xi32>], vector<16xf32>,
      %add3A_370 = arith.addf %gather3A_365, %gather3A_369 : vector<16xf32>
      %mul3A_371 = arith.constant 2.000000e-01 : f32
      %mul3A_372 = vector.broadcast %mul3A_371 : f32 to vector<16xf32>
      %mul3A_373 = arith.mulf %mul3A_372, %add3A_370 : vector<16xf32>
      %max3A_374 = arith.maximumf %add3A_370, %mul3A_373 : vector<16xf32>
      %get3A_375 = arith.constant 256 : index
      %get3A_376 = tpu.vector_load %arg11[%get3A_375] {strides = array<i32>} : memref<512xf32, #tpu.memory_space<vmem>>, vector<16xf32>,
      %mul3A_377 = arith.mulf %get3A_376, %max3A_374 : vector<16xf32>
      %add3A_378 = arith.addf %add3A_361, %mul3A_377 : vector<16xf32>
      %add3A_379 = arith.constant 17 : i32
      %add3A_380 = vector.broadcast %add3A_379 : i32 to vector<16xi32>
      %add3A_381 = arith.addi %mul3A_88, %add3A_380 : vector<16xi32>
      %gather3A_382 = tpu.vector_load_idx %arg9[%add3A_381] : memref<32768xf32, #tpu.memory_space<vmem>>[vector<16xi32>], vector<16xf32>,
      %add3A_383 = arith.constant 17 : i32
      %add3A_384 = vector.broadcast %add3A_383 : i32 to vector<16xi32>
      %add3A_385 = arith.addi %mul3A_91, %add3A_384 : vector<16xi32>
      %gather3A_386 = tpu.vector_load_idx %arg10[%add3A_385] : memref<32768xf32, #tpu.memory_space<vmem>>[vector<16xi32>], vector<16xf32>,
      %add3A_387 = arith.addf %gather3A_382, %gather3A_386 : vector<16xf32>
      %mul3A_388 = arith.constant 2.000000e-01 : f32
      %mul3A_389 = vector.broadcast %mul3A_388 : f32 to vector<16xf32>
      %mul3A_390 = arith.mulf %mul3A_389, %add3A_387 : vector<16xf32>
      %max3A_391 = arith.maximumf %add3A_387, %mul3A_390 : vector<16xf32>
      %get3A_392 = arith.constant 272 : index
      %get3A_393 = tpu.vector_load %arg11[%get3A_392] {strides = array<i32>} : memref<512xf32, #tpu.memory_space<vmem>>, vector<16xf32>,
      %mul3A_394 = arith.mulf %get3A_393, %max3A_391 : vector<16xf32>
      %add3A_395 = arith.addf %add3A_378, %mul3A_394 : vector<16xf32>
      %add3A_396 = arith.constant 18 : i32
      %add3A_397 = vector.broadcast %add3A_396 : i32 to vector<16xi32>
      %add3A_398 = arith.addi %mul3A_88, %add3A_397 : vector<16xi32>
      %gather3A_399 = tpu.vector_load_idx %arg9[%add3A_398] : memref<32768xf32, #tpu.memory_space<vmem>>[vector<16xi32>], vector<16xf32>,
      %add3A_400 = arith.constant 18 : i32
      %add3A_401 = vector.broadcast %add3A_400 : i32 to vector<16xi32>
      %add3A_402 = arith.addi %mul3A_91, %add3A_401 : vector<16xi32>
      %gather3A_403 = tpu.vector_load_idx %arg10[%add3A_402] : memref<32768xf32, #tpu.memory_space<vmem>>[vector<16xi32>], vector<16xf32>,
      %add3A_404 = arith.addf %gather3A_399, %gather3A_403 : vector<16xf32>
      %mul3A_405 = arith.constant 2.000000e-01 : f32
      %mul3A_406 = vector.broadcast %mul3A_405 : f32 to vector<16xf32>
      %mul3A_407 = arith.mulf %mul3A_406, %add3A_404 : vector<16xf32>
      %max3A_408 = arith.maximumf %add3A_404, %mul3A_407 : vector<16xf32>
      %get3A_409 = arith.constant 288 : index
      %get3A_410 = tpu.vector_load %arg11[%get3A_409] {strides = array<i32>} : memref<512xf32, #tpu.memory_space<vmem>>, vector<16xf32>,
      %mul3A_411 = arith.mulf %get3A_410, %max3A_408 : vector<16xf32>
      %add3A_412 = arith.addf %add3A_395, %mul3A_411 : vector<16xf32>
      %add3A_413 = arith.constant 19 : i32
      %add3A_414 = vector.broadcast %add3A_413 : i32 to vector<16xi32>
      %add3A_415 = arith.addi %mul3A_88, %add3A_414 : vector<16xi32>
      %gather3A_416 = tpu.vector_load_idx %arg9[%add3A_415] : memref<32768xf32, #tpu.memory_space<vmem>>[vector<16xi32>], vector<16xf32>,
      %add3A_417 = arith.constant 19 : i32
      %add3A_418 = vector.broadcast %add3A_417 : i32 to vector<16xi32>
      %add3A_419 = arith.addi %mul3A_91, %add3A_418 : vector<16xi32>
      %gather3A_420 = tpu.vector_load_idx %arg10[%add3A_419] : memref<32768xf32, #tpu.memory_space<vmem>>[vector<16xi32>], vector<16xf32>,
      %add3A_421 = arith.addf %gather3A_416, %gather3A_420 : vector<16xf32>
      %mul3A_422 = arith.constant 2.000000e-01 : f32
      %mul3A_423 = vector.broadcast %mul3A_422 : f32 to vector<16xf32>
      %mul3A_424 = arith.mulf %mul3A_423, %add3A_421 : vector<16xf32>
      %max3A_425 = arith.maximumf %add3A_421, %mul3A_424 : vector<16xf32>
      %get3A_426 = arith.constant 304 : index
      %get3A_427 = tpu.vector_load %arg11[%get3A_426] {strides = array<i32>} : memref<512xf32, #tpu.memory_space<vmem>>, vector<16xf32>,
      %mul3A_428 = arith.mulf %get3A_427, %max3A_425 : vector<16xf32>
      %add3A_429 = arith.addf %add3A_412, %mul3A_428 : vector<16xf32>
      %add3A_430 = arith.constant 20 : i32
      %add3A_431 = vector.broadcast %add3A_430 : i32 to vector<16xi32>
      %add3A_432 = arith.addi %mul3A_88, %add3A_431 : vector<16xi32>
      %gather3A_433 = tpu.vector_load_idx %arg9[%add3A_432] : memref<32768xf32, #tpu.memory_space<vmem>>[vector<16xi32>], vector<16xf32>,
      %add3A_434 = arith.constant 20 : i32
      %add3A_435 = vector.broadcast %add3A_434 : i32 to vector<16xi32>
      %add3A_436 = arith.addi %mul3A_91, %add3A_435 : vector<16xi32>
      %gather3A_437 = tpu.vector_load_idx %arg10[%add3A_436] : memref<32768xf32, #tpu.memory_space<vmem>>[vector<16xi32>], vector<16xf32>,
      %add3A_438 = arith.addf %gather3A_433, %gather3A_437 : vector<16xf32>
      %mul3A_439 = arith.constant 2.000000e-01 : f32
      %mul3A_440 = vector.broadcast %mul3A_439 : f32 to vector<16xf32>
      %mul3A_441 = arith.mulf %mul3A_440, %add3A_438 : vector<16xf32>
      %max3A_442 = arith.maximumf %add3A_438, %mul3A_441 : vector<16xf32>
      %get3A_443 = arith.constant 320 : index
      %get3A_444 = tpu.vector_load %arg11[%get3A_443] {strides = array<i32>} : memref<512xf32, #tpu.memory_space<vmem>>, vector<16xf32>,
      %mul3A_445 = arith.mulf %get3A_444, %max3A_442 : vector<16xf32>
      %add3A_446 = arith.addf %add3A_429, %mul3A_445 : vector<16xf32>
      %add3A_447 = arith.constant 21 : i32
      %add3A_448 = vector.broadcast %add3A_447 : i32 to vector<16xi32>
      %add3A_449 = arith.addi %mul3A_88, %add3A_448 : vector<16xi32>
      %gather3A_450 = tpu.vector_load_idx %arg9[%add3A_449] : memref<32768xf32, #tpu.memory_space<vmem>>[vector<16xi32>], vector<16xf32>,
      %add3A_451 = arith.constant 21 : i32
      %add3A_452 = vector.broadcast %add3A_451 : i32 to vector<16xi32>
      %add3A_453 = arith.addi %mul3A_91, %add3A_452 : vector<16xi32>
      %gather3A_454 = tpu.vector_load_idx %arg10[%add3A_453] : memref<32768xf32, #tpu.memory_space<vmem>>[vector<16xi32>], vector<16xf32>,
      %add3A_455 = arith.addf %gather3A_450, %gather3A_454 : vector<16xf32>
      %mul3A_456 = arith.constant 2.000000e-01 : f32
      %mul3A_457 = vector.broadcast %mul3A_456 : f32 to vector<16xf32>
      %mul3A_458 = arith.mulf %mul3A_457, %add3A_455 : vector<16xf32>
      %max3A_459 = arith.maximumf %add3A_455, %mul3A_458 : vector<16xf32>
      %get3A_460 = arith.constant 336 : index
      %get3A_461 = tpu.vector_load %arg11[%get3A_460] {strides = array<i32>} : memref<512xf32, #tpu.memory_space<vmem>>, vector<16xf32>,
      %mul3A_462 = arith.mulf %get3A_461, %max3A_459 : vector<16xf32>
      %add3A_463 = arith.addf %add3A_446, %mul3A_462 : vector<16xf32>
      %add3A_464 = arith.constant 22 : i32
      %add3A_465 = vector.broadcast %add3A_464 : i32 to vector<16xi32>
      %add3A_466 = arith.addi %mul3A_88, %add3A_465 : vector<16xi32>
      %gather3A_467 = tpu.vector_load_idx %arg9[%add3A_466] : memref<32768xf32, #tpu.memory_space<vmem>>[vector<16xi32>], vector<16xf32>,
      %add3A_468 = arith.constant 22 : i32
      %add3A_469 = vector.broadcast %add3A_468 : i32 to vector<16xi32>
      %add3A_470 = arith.addi %mul3A_91, %add3A_469 : vector<16xi32>
      %gather3A_471 = tpu.vector_load_idx %arg10[%add3A_470] : memref<32768xf32, #tpu.memory_space<vmem>>[vector<16xi32>], vector<16xf32>,
      %add3A_472 = arith.addf %gather3A_467, %gather3A_471 : vector<16xf32>
      %mul3A_473 = arith.constant 2.000000e-01 : f32
      %mul3A_474 = vector.broadcast %mul3A_473 : f32 to vector<16xf32>
      %mul3A_475 = arith.mulf %mul3A_474, %add3A_472 : vector<16xf32>
      %max3A_476 = arith.maximumf %add3A_472, %mul3A_475 : vector<16xf32>
      %get3A_477 = arith.constant 352 : index
      %get3A_478 = tpu.vector_load %arg11[%get3A_477] {strides = array<i32>} : memref<512xf32, #tpu.memory_space<vmem>>, vector<16xf32>,
      %mul3A_479 = arith.mulf %get3A_478, %max3A_476 : vector<16xf32>
      %add3A_480 = arith.addf %add3A_463, %mul3A_479 : vector<16xf32>
      %add3A_481 = arith.constant 23 : i32
      %add3A_482 = vector.broadcast %add3A_481 : i32 to vector<16xi32>
      %add3A_483 = arith.addi %mul3A_88, %add3A_482 : vector<16xi32>
      %gather3A_484 = tpu.vector_load_idx %arg9[%add3A_483] : memref<32768xf32, #tpu.memory_space<vmem>>[vector<16xi32>], vector<16xf32>,
      %add3A_485 = arith.constant 23 : i32
      %add3A_486 = vector.broadcast %add3A_485 : i32 to vector<16xi32>
      %add3A_487 = arith.addi %mul3A_91, %add3A_486 : vector<16xi32>
      %gather3A_488 = tpu.vector_load_idx %arg10[%add3A_487] : memref<32768xf32, #tpu.memory_space<vmem>>[vector<16xi32>], vector<16xf32>,
      %add3A_489 = arith.addf %gather3A_484, %gather3A_488 : vector<16xf32>
      %mul3A_490 = arith.constant 2.000000e-01 : f32
      %mul3A_491 = vector.broadcast %mul3A_490 : f32 to vector<16xf32>
      %mul3A_492 = arith.mulf %mul3A_491, %add3A_489 : vector<16xf32>
      %max3A_493 = arith.maximumf %add3A_489, %mul3A_492 : vector<16xf32>
      %get3A_494 = arith.constant 368 : index
      %get3A_495 = tpu.vector_load %arg11[%get3A_494] {strides = array<i32>} : memref<512xf32, #tpu.memory_space<vmem>>, vector<16xf32>,
      %mul3A_496 = arith.mulf %get3A_495, %max3A_493 : vector<16xf32>
      %add3A_497 = arith.addf %add3A_480, %mul3A_496 : vector<16xf32>
      %add3A_498 = arith.constant 24 : i32
      %add3A_499 = vector.broadcast %add3A_498 : i32 to vector<16xi32>
      %add3A_500 = arith.addi %mul3A_88, %add3A_499 : vector<16xi32>
      %gather3A_501 = tpu.vector_load_idx %arg9[%add3A_500] : memref<32768xf32, #tpu.memory_space<vmem>>[vector<16xi32>], vector<16xf32>,
      %add3A_502 = arith.constant 24 : i32
      %add3A_503 = vector.broadcast %add3A_502 : i32 to vector<16xi32>
      %add3A_504 = arith.addi %mul3A_91, %add3A_503 : vector<16xi32>
      %gather3A_505 = tpu.vector_load_idx %arg10[%add3A_504] : memref<32768xf32, #tpu.memory_space<vmem>>[vector<16xi32>], vector<16xf32>,
      %add3A_506 = arith.addf %gather3A_501, %gather3A_505 : vector<16xf32>
      %mul3A_507 = arith.constant 2.000000e-01 : f32
      %mul3A_508 = vector.broadcast %mul3A_507 : f32 to vector<16xf32>
      %mul3A_509 = arith.mulf %mul3A_508, %add3A_506 : vector<16xf32>
      %max3A_510 = arith.maximumf %add3A_506, %mul3A_509 : vector<16xf32>
      %get3A_511 = arith.constant 384 : index
      %get3A_512 = tpu.vector_load %arg11[%get3A_511] {strides = array<i32>} : memref<512xf32, #tpu.memory_space<vmem>>, vector<16xf32>,
      %mul3A_513 = arith.mulf %get3A_512, %max3A_510 : vector<16xf32>
      %add3A_514 = arith.addf %add3A_497, %mul3A_513 : vector<16xf32>
      %add3A_515 = arith.constant 25 : i32
      %add3A_516 = vector.broadcast %add3A_515 : i32 to vector<16xi32>
      %add3A_517 = arith.addi %mul3A_88, %add3A_516 : vector<16xi32>
      %gather3A_518 = tpu.vector_load_idx %arg9[%add3A_517] : memref<32768xf32, #tpu.memory_space<vmem>>[vector<16xi32>], vector<16xf32>,
      %add3A_519 = arith.constant 25 : i32
      %add3A_520 = vector.broadcast %add3A_519 : i32 to vector<16xi32>
      %add3A_521 = arith.addi %mul3A_91, %add3A_520 : vector<16xi32>
      %gather3A_522 = tpu.vector_load_idx %arg10[%add3A_521] : memref<32768xf32, #tpu.memory_space<vmem>>[vector<16xi32>], vector<16xf32>,
      %add3A_523 = arith.addf %gather3A_518, %gather3A_522 : vector<16xf32>
      %mul3A_524 = arith.constant 2.000000e-01 : f32
      %mul3A_525 = vector.broadcast %mul3A_524 : f32 to vector<16xf32>
      %mul3A_526 = arith.mulf %mul3A_525, %add3A_523 : vector<16xf32>
      %max3A_527 = arith.maximumf %add3A_523, %mul3A_526 : vector<16xf32>
      %get3A_528 = arith.constant 400 : index
      %get3A_529 = tpu.vector_load %arg11[%get3A_528] {strides = array<i32>} : memref<512xf32, #tpu.memory_space<vmem>>, vector<16xf32>,
      %mul3A_530 = arith.mulf %get3A_529, %max3A_527 : vector<16xf32>
      %add3A_531 = arith.addf %add3A_514, %mul3A_530 : vector<16xf32>
      %add3A_532 = arith.constant 26 : i32
      %add3A_533 = vector.broadcast %add3A_532 : i32 to vector<16xi32>
      %add3A_534 = arith.addi %mul3A_88, %add3A_533 : vector<16xi32>
      %gather3A_535 = tpu.vector_load_idx %arg9[%add3A_534] : memref<32768xf32, #tpu.memory_space<vmem>>[vector<16xi32>], vector<16xf32>,
      %add3A_536 = arith.constant 26 : i32
      %add3A_537 = vector.broadcast %add3A_536 : i32 to vector<16xi32>
      %add3A_538 = arith.addi %mul3A_91, %add3A_537 : vector<16xi32>
      %gather3A_539 = tpu.vector_load_idx %arg10[%add3A_538] : memref<32768xf32, #tpu.memory_space<vmem>>[vector<16xi32>], vector<16xf32>,
      %add3A_540 = arith.addf %gather3A_535, %gather3A_539 : vector<16xf32>
      %mul3A_541 = arith.constant 2.000000e-01 : f32
      %mul3A_542 = vector.broadcast %mul3A_541 : f32 to vector<16xf32>
      %mul3A_543 = arith.mulf %mul3A_542, %add3A_540 : vector<16xf32>
      %max3A_544 = arith.maximumf %add3A_540, %mul3A_543 : vector<16xf32>
      %get3A_545 = arith.constant 416 : index
      %get3A_546 = tpu.vector_load %arg11[%get3A_545] {strides = array<i32>} : memref<512xf32, #tpu.memory_space<vmem>>, vector<16xf32>,
      %mul3A_547 = arith.mulf %get3A_546, %max3A_544 : vector<16xf32>
      %add3A_548 = arith.addf %add3A_531, %mul3A_547 : vector<16xf32>
      %add3A_549 = arith.constant 27 : i32
      %add3A_550 = vector.broadcast %add3A_549 : i32 to vector<16xi32>
      %add3A_551 = arith.addi %mul3A_88, %add3A_550 : vector<16xi32>
      %gather3A_552 = tpu.vector_load_idx %arg9[%add3A_551] : memref<32768xf32, #tpu.memory_space<vmem>>[vector<16xi32>], vector<16xf32>,
      %add3A_553 = arith.constant 27 : i32
      %add3A_554 = vector.broadcast %add3A_553 : i32 to vector<16xi32>
      %add3A_555 = arith.addi %mul3A_91, %add3A_554 : vector<16xi32>
      %gather3A_556 = tpu.vector_load_idx %arg10[%add3A_555] : memref<32768xf32, #tpu.memory_space<vmem>>[vector<16xi32>], vector<16xf32>,
      %add3A_557 = arith.addf %gather3A_552, %gather3A_556 : vector<16xf32>
      %mul3A_558 = arith.constant 2.000000e-01 : f32
      %mul3A_559 = vector.broadcast %mul3A_558 : f32 to vector<16xf32>
      %mul3A_560 = arith.mulf %mul3A_559, %add3A_557 : vector<16xf32>
      %max3A_561 = arith.maximumf %add3A_557, %mul3A_560 : vector<16xf32>
      %get3A_562 = arith.constant 432 : index
      %get3A_563 = tpu.vector_load %arg11[%get3A_562] {strides = array<i32>} : memref<512xf32, #tpu.memory_space<vmem>>, vector<16xf32>,
      %mul3A_564 = arith.mulf %get3A_563, %max3A_561 : vector<16xf32>
      %add3A_565 = arith.addf %add3A_548, %mul3A_564 : vector<16xf32>
      %add3A_566 = arith.constant 28 : i32
      %add3A_567 = vector.broadcast %add3A_566 : i32 to vector<16xi32>
      %add3A_568 = arith.addi %mul3A_88, %add3A_567 : vector<16xi32>
      %gather3A_569 = tpu.vector_load_idx %arg9[%add3A_568] : memref<32768xf32, #tpu.memory_space<vmem>>[vector<16xi32>], vector<16xf32>,
      %add3A_570 = arith.constant 28 : i32
      %add3A_571 = vector.broadcast %add3A_570 : i32 to vector<16xi32>
      %add3A_572 = arith.addi %mul3A_91, %add3A_571 : vector<16xi32>
      %gather3A_573 = tpu.vector_load_idx %arg10[%add3A_572] : memref<32768xf32, #tpu.memory_space<vmem>>[vector<16xi32>], vector<16xf32>,
      %add3A_574 = arith.addf %gather3A_569, %gather3A_573 : vector<16xf32>
      %mul3A_575 = arith.constant 2.000000e-01 : f32
      %mul3A_576 = vector.broadcast %mul3A_575 : f32 to vector<16xf32>
      %mul3A_577 = arith.mulf %mul3A_576, %add3A_574 : vector<16xf32>
      %max3A_578 = arith.maximumf %add3A_574, %mul3A_577 : vector<16xf32>
      %get3A_579 = arith.constant 448 : index
      %get3A_580 = tpu.vector_load %arg11[%get3A_579] {strides = array<i32>} : memref<512xf32, #tpu.memory_space<vmem>>, vector<16xf32>,
      %mul3A_581 = arith.mulf %get3A_580, %max3A_578 : vector<16xf32>
      %add3A_582 = arith.addf %add3A_565, %mul3A_581 : vector<16xf32>
      %add3A_583 = arith.constant 29 : i32
      %add3A_584 = vector.broadcast %add3A_583 : i32 to vector<16xi32>
      %add3A_585 = arith.addi %mul3A_88, %add3A_584 : vector<16xi32>
      %gather3A_586 = tpu.vector_load_idx %arg9[%add3A_585] : memref<32768xf32, #tpu.memory_space<vmem>>[vector<16xi32>], vector<16xf32>,
      %add3A_587 = arith.constant 29 : i32
      %add3A_588 = vector.broadcast %add3A_587 : i32 to vector<16xi32>
      %add3A_589 = arith.addi %mul3A_91, %add3A_588 : vector<16xi32>
      %gather3A_590 = tpu.vector_load_idx %arg10[%add3A_589] : memref<32768xf32, #tpu.memory_space<vmem>>[vector<16xi32>], vector<16xf32>,
      %add3A_591 = arith.addf %gather3A_586, %gather3A_590 : vector<16xf32>
      %mul3A_592 = arith.constant 2.000000e-01 : f32
      %mul3A_593 = vector.broadcast %mul3A_592 : f32 to vector<16xf32>
      %mul3A_594 = arith.mulf %mul3A_593, %add3A_591 : vector<16xf32>
      %max3A_595 = arith.maximumf %add3A_591, %mul3A_594 : vector<16xf32>
      %get3A_596 = arith.constant 464 : index
      %get3A_597 = tpu.vector_load %arg11[%get3A_596] {strides = array<i32>} : memref<512xf32, #tpu.memory_space<vmem>>, vector<16xf32>,
      %mul3A_598 = arith.mulf %get3A_597, %max3A_595 : vector<16xf32>
      %add3A_599 = arith.addf %add3A_582, %mul3A_598 : vector<16xf32>
      %add3A_600 = arith.constant 30 : i32
      %add3A_601 = vector.broadcast %add3A_600 : i32 to vector<16xi32>
      %add3A_602 = arith.addi %mul3A_88, %add3A_601 : vector<16xi32>
      %gather3A_603 = tpu.vector_load_idx %arg9[%add3A_602] : memref<32768xf32, #tpu.memory_space<vmem>>[vector<16xi32>], vector<16xf32>,
      %add3A_604 = arith.constant 30 : i32
      %add3A_605 = vector.broadcast %add3A_604 : i32 to vector<16xi32>
      %add3A_606 = arith.addi %mul3A_91, %add3A_605 : vector<16xi32>
      %gather3A_607 = tpu.vector_load_idx %arg10[%add3A_606] : memref<32768xf32, #tpu.memory_space<vmem>>[vector<16xi32>], vector<16xf32>,
      %add3A_608 = arith.addf %gather3A_603, %gather3A_607 : vector<16xf32>
      %mul3A_609 = arith.constant 2.000000e-01 : f32
      %mul3A_610 = vector.broadcast %mul3A_609 : f32 to vector<16xf32>
      %mul3A_611 = arith.mulf %mul3A_610, %add3A_608 : vector<16xf32>
      %max3A_612 = arith.maximumf %add3A_608, %mul3A_611 : vector<16xf32>
      %get3A_613 = arith.constant 480 : index
      %get3A_614 = tpu.vector_load %arg11[%get3A_613] {strides = array<i32>} : memref<512xf32, #tpu.memory_space<vmem>>, vector<16xf32>,
      %mul3A_615 = arith.mulf %get3A_614, %max3A_612 : vector<16xf32>
      %add3A_616 = arith.addf %add3A_599, %mul3A_615 : vector<16xf32>
      %add3A_617 = arith.constant 31 : i32
      %add3A_618 = vector.broadcast %add3A_617 : i32 to vector<16xi32>
      %add3A_619 = arith.addi %mul3A_88, %add3A_618 : vector<16xi32>
      %gather3A_620 = tpu.vector_load_idx %arg9[%add3A_619] : memref<32768xf32, #tpu.memory_space<vmem>>[vector<16xi32>], vector<16xf32>,
      %add3A_621 = arith.constant 31 : i32
      %add3A_622 = vector.broadcast %add3A_621 : i32 to vector<16xi32>
      %add3A_623 = arith.addi %mul3A_91, %add3A_622 : vector<16xi32>
      %gather3A_624 = tpu.vector_load_idx %arg10[%add3A_623] : memref<32768xf32, #tpu.memory_space<vmem>>[vector<16xi32>], vector<16xf32>,
      %add3A_625 = arith.addf %gather3A_620, %gather3A_624 : vector<16xf32>
      %mul3A_626 = arith.constant 2.000000e-01 : f32
      %mul3A_627 = vector.broadcast %mul3A_626 : f32 to vector<16xf32>
      %mul3A_628 = arith.mulf %mul3A_627, %add3A_625 : vector<16xf32>
      %max3A_629 = arith.maximumf %add3A_625, %mul3A_628 : vector<16xf32>
      %get3A_630 = arith.constant 496 : index
      %get3A_631 = tpu.vector_load %arg11[%get3A_630] {strides = array<i32>} : memref<512xf32, #tpu.memory_space<vmem>>, vector<16xf32>,
      %mul3A_632 = arith.mulf %get3A_631, %max3A_629 : vector<16xf32>
      %add3A_633 = arith.addf %add3A_616, %mul3A_632 : vector<16xf32>
      %exp3A = math.exp %add3A_633 : vector<16xf32>
      tpu.vector_store_idx %arg15[%get3A_85], %exp3A {add = true} : memref<1024xf32, #tpu.memory_space<vmem>>[vector<16xi32>], vector<16xf32>,
      %add3A_634 = arith.constant 0 : i32
      %add3A_635 = vector.broadcast %add3A_634 : i32 to vector<16xi32>
      %add3A_636 = arith.addi %mul3A_91, %add3A_635 : vector<16xi32>
      %mul3A_637 = arith.mulf %exp3A, %gather3A : vector<16xf32>
      tpu.vector_store_idx %arg14[%add3A_636], %mul3A_637 {add = true} : memref<32768xf32, #tpu.memory_space<vmem>>[vector<16xi32>], vector<16xf32>,
      %add3A_638 = arith.constant 1 : i32
      %add3A_639 = vector.broadcast %add3A_638 : i32 to vector<16xi32>
      %add3A_640 = arith.addi %mul3A_91, %add3A_639 : vector<16xi32>
      %mul3A_641 = arith.mulf %exp3A, %gather3A_110 : vector<16xf32>
      tpu.vector_store_idx %arg14[%add3A_640], %mul3A_641 {add = true} : memref<32768xf32, #tpu.memory_space<vmem>>[vector<16xi32>], vector<16xf32>,
      %add3A_642 = arith.constant 2 : i32
      %add3A_643 = vector.broadcast %add3A_642 : i32 to vector<16xi32>
      %add3A_644 = arith.addi %mul3A_91, %add3A_643 : vector<16xi32>
      %mul3A_645 = arith.mulf %exp3A, %gather3A_127 : vector<16xf32>
      tpu.vector_store_idx %arg14[%add3A_644], %mul3A_645 {add = true} : memref<32768xf32, #tpu.memory_space<vmem>>[vector<16xi32>], vector<16xf32>,
      %add3A_646 = arith.constant 3 : i32
      %add3A_647 = vector.broadcast %add3A_646 : i32 to vector<16xi32>
      %add3A_648 = arith.addi %mul3A_91, %add3A_647 : vector<16xi32>
      %mul3A_649 = arith.mulf %exp3A, %gather3A_144 : vector<16xf32>
      tpu.vector_store_idx %arg14[%add3A_648], %mul3A_649 {add = true} : memref<32768xf32, #tpu.memory_space<vmem>>[vector<16xi32>], vector<16xf32>,
      %add3A_650 = arith.constant 4 : i32
      %add3A_651 = vector.broadcast %add3A_650 : i32 to vector<16xi32>
      %add3A_652 = arith.addi %mul3A_91, %add3A_651 : vector<16xi32>
      %mul3A_653 = arith.mulf %exp3A, %gather3A_161 : vector<16xf32>
      tpu.vector_store_idx %arg14[%add3A_652], %mul3A_653 {add = true} : memref<32768xf32, #tpu.memory_space<vmem>>[vector<16xi32>], vector<16xf32>,
      %add3A_654 = arith.constant 5 : i32
      %add3A_655 = vector.broadcast %add3A_654 : i32 to vector<16xi32>
      %add3A_656 = arith.addi %mul3A_91, %add3A_655 : vector<16xi32>
      %mul3A_657 = arith.mulf %exp3A, %gather3A_178 : vector<16xf32>
      tpu.vector_store_idx %arg14[%add3A_656], %mul3A_657 {add = true} : memref<32768xf32, #tpu.memory_space<vmem>>[vector<16xi32>], vector<16xf32>,
      %add3A_658 = arith.constant 6 : i32
      %add3A_659 = vector.broadcast %add3A_658 : i32 to vector<16xi32>
      %add3A_660 = arith.addi %mul3A_91, %add3A_659 : vector<16xi32>
      %mul3A_661 = arith.mulf %exp3A, %gather3A_195 : vector<16xf32>
      tpu.vector_store_idx %arg14[%add3A_660], %mul3A_661 {add = true} : memref<32768xf32, #tpu.memory_space<vmem>>[vector<16xi32>], vector<16xf32>,
      %add3A_662 = arith.constant 7 : i32
      %add3A_663 = vector.broadcast %add3A_662 : i32 to vector<16xi32>
      %add3A_664 = arith.addi %mul3A_91, %add3A_663 : vector<16xi32>
      %mul3A_665 = arith.mulf %exp3A, %gather3A_212 : vector<16xf32>
      tpu.vector_store_idx %arg14[%add3A_664], %mul3A_665 {add = true} : memref<32768xf32, #tpu.memory_space<vmem>>[vector<16xi32>], vector<16xf32>,
      %add3A_666 = arith.constant 8 : i32
      %add3A_667 = vector.broadcast %add3A_666 : i32 to vector<16xi32>
      %add3A_668 = arith.addi %mul3A_91, %add3A_667 : vector<16xi32>
      %mul3A_669 = arith.mulf %exp3A, %gather3A_229 : vector<16xf32>
      tpu.vector_store_idx %arg14[%add3A_668], %mul3A_669 {add = true} : memref<32768xf32, #tpu.memory_space<vmem>>[vector<16xi32>], vector<16xf32>,
      %add3A_670 = arith.constant 9 : i32
      %add3A_671 = vector.broadcast %add3A_670 : i32 to vector<16xi32>
      %add3A_672 = arith.addi %mul3A_91, %add3A_671 : vector<16xi32>
      %mul3A_673 = arith.mulf %exp3A, %gather3A_246 : vector<16xf32>
      tpu.vector_store_idx %arg14[%add3A_672], %mul3A_673 {add = true} : memref<32768xf32, #tpu.memory_space<vmem>>[vector<16xi32>], vector<16xf32>,
      %add3A_674 = arith.constant 10 : i32
      %add3A_675 = vector.broadcast %add3A_674 : i32 to vector<16xi32>
      %add3A_676 = arith.addi %mul3A_91, %add3A_675 : vector<16xi32>
      %mul3A_677 = arith.mulf %exp3A, %gather3A_263 : vector<16xf32>
      tpu.vector_store_idx %arg14[%add3A_676], %mul3A_677 {add = true} : memref<32768xf32, #tpu.memory_space<vmem>>[vector<16xi32>], vector<16xf32>,
      %add3A_678 = arith.constant 11 : i32
      %add3A_679 = vector.broadcast %add3A_678 : i32 to vector<16xi32>
      %add3A_680 = arith.addi %mul3A_91, %add3A_679 : vector<16xi32>
      %mul3A_681 = arith.mulf %exp3A, %gather3A_280 : vector<16xf32>
      tpu.vector_store_idx %arg14[%add3A_680], %mul3A_681 {add = true} : memref<32768xf32, #tpu.memory_space<vmem>>[vector<16xi32>], vector<16xf32>,
      %add3A_682 = arith.constant 12 : i32
      %add3A_683 = vector.broadcast %add3A_682 : i32 to vector<16xi32>
      %add3A_684 = arith.addi %mul3A_91, %add3A_683 : vector<16xi32>
      %mul3A_685 = arith.mulf %exp3A, %gather3A_297 : vector<16xf32>
      tpu.vector_store_idx %arg14[%add3A_684], %mul3A_685 {add = true} : memref<32768xf32, #tpu.memory_space<vmem>>[vector<16xi32>], vector<16xf32>,
      %add3A_686 = arith.constant 13 : i32
      %add3A_687 = vector.broadcast %add3A_686 : i32 to vector<16xi32>
      %add3A_688 = arith.addi %mul3A_91, %add3A_687 : vector<16xi32>
      %mul3A_689 = arith.mulf %exp3A, %gather3A_314 : vector<16xf32>
      tpu.vector_store_idx %arg14[%add3A_688], %mul3A_689 {add = true} : memref<32768xf32, #tpu.memory_space<vmem>>[vector<16xi32>], vector<16xf32>,
      %add3A_690 = arith.constant 14 : i32
      %add3A_691 = vector.broadcast %add3A_690 : i32 to vector<16xi32>
      %add3A_692 = arith.addi %mul3A_91, %add3A_691 : vector<16xi32>
      %mul3A_693 = arith.mulf %exp3A, %gather3A_331 : vector<16xf32>
      tpu.vector_store_idx %arg14[%add3A_692], %mul3A_693 {add = true} : memref<32768xf32, #tpu.memory_space<vmem>>[vector<16xi32>], vector<16xf32>,
      %add3A_694 = arith.constant 15 : i32
      %add3A_695 = vector.broadcast %add3A_694 : i32 to vector<16xi32>
      %add3A_696 = arith.addi %mul3A_91, %add3A_695 : vector<16xi32>
      %mul3A_697 = arith.mulf %exp3A, %gather3A_348 : vector<16xf32>
      tpu.vector_store_idx %arg14[%add3A_696], %mul3A_697 {add = true} : memref<32768xf32, #tpu.memory_space<vmem>>[vector<16xi32>], vector<16xf32>,
      %add3A_698 = arith.constant 16 : i32
      %add3A_699 = vector.broadcast %add3A_698 : i32 to vector<16xi32>
      %add3A_700 = arith.addi %mul3A_91, %add3A_699 : vector<16xi32>
      %mul3A_701 = arith.mulf %exp3A, %gather3A_365 : vector<16xf32>
      tpu.vector_store_idx %arg14[%add3A_700], %mul3A_701 {add = true} : memref<32768xf32, #tpu.memory_space<vmem>>[vector<16xi32>], vector<16xf32>,
      %add3A_702 = arith.constant 17 : i32
      %add3A_703 = vector.broadcast %add3A_702 : i32 to vector<16xi32>
      %add3A_704 = arith.addi %mul3A_91, %add3A_703 : vector<16xi32>
      %mul3A_705 = arith.mulf %exp3A, %gather3A_382 : vector<16xf32>
      tpu.vector_store_idx %arg14[%add3A_704], %mul3A_705 {add = true} : memref<32768xf32, #tpu.memory_space<vmem>>[vector<16xi32>], vector<16xf32>,
      %add3A_706 = arith.constant 18 : i32
      %add3A_707 = vector.broadcast %add3A_706 : i32 to vector<16xi32>
      %add3A_708 = arith.addi %mul3A_91, %add3A_707 : vector<16xi32>
      %mul3A_709 = arith.mulf %exp3A, %gather3A_399 : vector<16xf32>
      tpu.vector_store_idx %arg14[%add3A_708], %mul3A_709 {add = true} : memref<32768xf32, #tpu.memory_space<vmem>>[vector<16xi32>], vector<16xf32>,
      %add3A_710 = arith.constant 19 : i32
      %add3A_711 = vector.broadcast %add3A_710 : i32 to vector<16xi32>
      %add3A_712 = arith.addi %mul3A_91, %add3A_711 : vector<16xi32>
      %mul3A_713 = arith.mulf %exp3A, %gather3A_416 : vector<16xf32>
      tpu.vector_store_idx %arg14[%add3A_712], %mul3A_713 {add = true} : memref<32768xf32, #tpu.memory_space<vmem>>[vector<16xi32>], vector<16xf32>,
      %add3A_714 = arith.constant 20 : i32
      %add3A_715 = vector.broadcast %add3A_714 : i32 to vector<16xi32>
      %add3A_716 = arith.addi %mul3A_91, %add3A_715 : vector<16xi32>
      %mul3A_717 = arith.mulf %exp3A, %gather3A_433 : vector<16xf32>
      tpu.vector_store_idx %arg14[%add3A_716], %mul3A_717 {add = true} : memref<32768xf32, #tpu.memory_space<vmem>>[vector<16xi32>], vector<16xf32>,
      %add3A_718 = arith.constant 21 : i32
      %add3A_719 = vector.broadcast %add3A_718 : i32 to vector<16xi32>
      %add3A_720 = arith.addi %mul3A_91, %add3A_719 : vector<16xi32>
      %mul3A_721 = arith.mulf %exp3A, %gather3A_450 : vector<16xf32>
      tpu.vector_store_idx %arg14[%add3A_720], %mul3A_721 {add = true} : memref<32768xf32, #tpu.memory_space<vmem>>[vector<16xi32>], vector<16xf32>,
      %add3A_722 = arith.constant 22 : i32
      %add3A_723 = vector.broadcast %add3A_722 : i32 to vector<16xi32>
      %add3A_724 = arith.addi %mul3A_91, %add3A_723 : vector<16xi32>
      %mul3A_725 = arith.mulf %exp3A, %gather3A_467 : vector<16xf32>
      tpu.vector_store_idx %arg14[%add3A_724], %mul3A_725 {add = true} : memref<32768xf32, #tpu.memory_space<vmem>>[vector<16xi32>], vector<16xf32>,
      %add3A_726 = arith.constant 23 : i32
      %add3A_727 = vector.broadcast %add3A_726 : i32 to vector<16xi32>
      %add3A_728 = arith.addi %mul3A_91, %add3A_727 : vector<16xi32>
      %mul3A_729 = arith.mulf %exp3A, %gather3A_484 : vector<16xf32>
      tpu.vector_store_idx %arg14[%add3A_728], %mul3A_729 {add = true} : memref<32768xf32, #tpu.memory_space<vmem>>[vector<16xi32>], vector<16xf32>,
      %add3A_730 = arith.constant 24 : i32
      %add3A_731 = vector.broadcast %add3A_730 : i32 to vector<16xi32>
      %add3A_732 = arith.addi %mul3A_91, %add3A_731 : vector<16xi32>
      %mul3A_733 = arith.mulf %exp3A, %gather3A_501 : vector<16xf32>
      tpu.vector_store_idx %arg14[%add3A_732], %mul3A_733 {add = true} : memref<32768xf32, #tpu.memory_space<vmem>>[vector<16xi32>], vector<16xf32>,
      %add3A_734 = arith.constant 25 : i32
      %add3A_735 = vector.broadcast %add3A_734 : i32 to vector<16xi32>
      %add3A_736 = arith.addi %mul3A_91, %add3A_735 : vector<16xi32>
      %mul3A_737 = arith.mulf %exp3A, %gather3A_518 : vector<16xf32>
      tpu.vector_store_idx %arg14[%add3A_736], %mul3A_737 {add = true} : memref<32768xf32, #tpu.memory_space<vmem>>[vector<16xi32>], vector<16xf32>,
      %add3A_738 = arith.constant 26 : i32
      %add3A_739 = vector.broadcast %add3A_738 : i32 to vector<16xi32>
      %add3A_740 = arith.addi %mul3A_91, %add3A_739 : vector<16xi32>
      %mul3A_741 = arith.mulf %exp3A, %gather3A_535 : vector<16xf32>
      tpu.vector_store_idx %arg14[%add3A_740], %mul3A_741 {add = true} : memref<32768xf32, #tpu.memory_space<vmem>>[vector<16xi32>], vector<16xf32>,
      %add3A_742 = arith.constant 27 : i32
      %add3A_743 = vector.broadcast %add3A_742 : i32 to vector<16xi32>
      %add3A_744 = arith.addi %mul3A_91, %add3A_743 : vector<16xi32>
      %mul3A_745 = arith.mulf %exp3A, %gather3A_552 : vector<16xf32>
      tpu.vector_store_idx %arg14[%add3A_744], %mul3A_745 {add = true} : memref<32768xf32, #tpu.memory_space<vmem>>[vector<16xi32>], vector<16xf32>,
      %add3A_746 = arith.constant 28 : i32
      %add3A_747 = vector.broadcast %add3A_746 : i32 to vector<16xi32>
      %add3A_748 = arith.addi %mul3A_91, %add3A_747 : vector<16xi32>
      %mul3A_749 = arith.mulf %exp3A, %gather3A_569 : vector<16xf32>
      tpu.vector_store_idx %arg14[%add3A_748], %mul3A_749 {add = true} : memref<32768xf32, #tpu.memory_space<vmem>>[vector<16xi32>], vector<16xf32>,
      %add3A_750 = arith.constant 29 : i32
      %add3A_751 = vector.broadcast %add3A_750 : i32 to vector<16xi32>
      %add3A_752 = arith.addi %mul3A_91, %add3A_751 : vector<16xi32>
      %mul3A_753 = arith.mulf %exp3A, %gather3A_586 : vector<16xf32>
      tpu.vector_store_idx %arg14[%add3A_752], %mul3A_753 {add = true} : memref<32768xf32, #tpu.memory_space<vmem>>[vector<16xi32>], vector<16xf32>,
      %add3A_754 = arith.constant 30 : i32
      %add3A_755 = vector.broadcast %add3A_754 : i32 to vector<16xi32>
      %add3A_756 = arith.addi %mul3A_91, %add3A_755 : vector<16xi32>
      %mul3A_757 = arith.mulf %exp3A, %gather3A_603 : vector<16xf32>
      tpu.vector_store_idx %arg14[%add3A_756], %mul3A_757 {add = true} : memref<32768xf32, #tpu.memory_space<vmem>>[vector<16xi32>], vector<16xf32>,
      %add3A_758 = arith.constant 31 : i32
      %add3A_759 = vector.broadcast %add3A_758 : i32 to vector<16xi32>
      %add3A_760 = arith.addi %mul3A_91, %add3A_759 : vector<16xi32>
      %mul3A_761 = arith.mulf %exp3A, %gather3A_620 : vector<16xf32>
      tpu.vector_store_idx %arg14[%add3A_760], %mul3A_761 {add = true} : memref<32768xf32, #tpu.memory_space<vmem>>[vector<16xi32>], vector<16xf32>,
    }
    %scan3A_28 = arith.constant 512 : i32
    "tpu.region"() ({
      %run_scoped3A = tpu.sem_alloc : memref<!tpu.dma_semaphore, #tpu.memory_space<semaphore_mem>>
      %dma_start3A = arith.constant 8192 : i32
      %dma_start3A_74 = tpu.memref_slice %arg4[%dma_start3A] : memref<16384xi32, #tpu.memory_space<hbm>> -> memref<8192xi32, #tpu.memory_space<hbm>>
      %dma_start3A_75 = arith.constant 8192 : i32
      %dma_start3A_76 = tpu.memref_slice %arg4[%dma_start3A_75] : memref<16384xi32, #tpu.memory_space<hbm>> -> memref<8192xi32, #tpu.memory_space<hbm>>
      tpu.enqueue_dma source(%dma_start3A_76 : memref<8192xi32, #tpu.memory_space<hbm>>) target(%arg12 : memref<8192xi32, #tpu.memory_space<vmem>>) target_semaphore(%run_scoped3A : memref<!tpu.dma_semaphore, #tpu.memory_space<semaphore_mem>>)
      %dma_wait3A = arith.constant 8192 : i32
      %dma_wait3A_77 = tpu.memref_slice %arg4[%dma_wait3A] : memref<16384xi32, #tpu.memory_space<hbm>> -> memref<8192xi32, #tpu.memory_space<hbm>>
      %dma_wait3A_78 = arith.constant 8192 : i32
      %dma_wait3A_79 = tpu.memref_slice %arg4[%dma_wait3A_78] : memref<16384xi32, #tpu.memory_space<hbm>> -> memref<8192xi32, #tpu.memory_space<hbm>>
      tpu.wait_dma2 semaphore(%run_scoped3A : memref<!tpu.dma_semaphore, #tpu.memory_space<semaphore_mem>>) src(%dma_wait3A_79 : memref<8192xi32, #tpu.memory_space<hbm>>) dst(%arg12 : memref<8192xi32, #tpu.memory_space<vmem>>)
      tpu.yield
    }) : () -> ()
    "tpu.region"() ({
      %run_scoped3A = tpu.sem_alloc : memref<!tpu.dma_semaphore, #tpu.memory_space<semaphore_mem>>
      %dma_start3A = arith.constant 8192 : i32
      %dma_start3A_74 = tpu.memref_slice %arg5[%dma_start3A] : memref<16384xi32, #tpu.memory_space<hbm>> -> memref<8192xi32, #tpu.memory_space<hbm>>
      %dma_start3A_75 = arith.constant 8192 : i32
      %dma_start3A_76 = tpu.memref_slice %arg5[%dma_start3A_75] : memref<16384xi32, #tpu.memory_space<hbm>> -> memref<8192xi32, #tpu.memory_space<hbm>>
      tpu.enqueue_dma source(%dma_start3A_76 : memref<8192xi32, #tpu.memory_space<hbm>>) target(%arg13 : memref<8192xi32, #tpu.memory_space<vmem>>) target_semaphore(%run_scoped3A : memref<!tpu.dma_semaphore, #tpu.memory_space<semaphore_mem>>)
      %dma_wait3A = arith.constant 8192 : i32
      %dma_wait3A_77 = tpu.memref_slice %arg5[%dma_wait3A] : memref<16384xi32, #tpu.memory_space<hbm>> -> memref<8192xi32, #tpu.memory_space<hbm>>
      %dma_wait3A_78 = arith.constant 8192 : i32
      %dma_wait3A_79 = tpu.memref_slice %arg5[%dma_wait3A_78] : memref<16384xi32, #tpu.memory_space<hbm>> -> memref<8192xi32, #tpu.memory_space<hbm>>
      tpu.wait_dma2 semaphore(%run_scoped3A : memref<!tpu.dma_semaphore, #tpu.memory_space<semaphore_mem>>) src(%dma_wait3A_79 : memref<8192xi32, #tpu.memory_space<hbm>>) dst(%arg13 : memref<8192xi32, #tpu.memory_space<vmem>>)
      tpu.yield
    }) : () -> ()
    %scan3A_29 = arith.constant 0 : i32
    %scan3A_30 = arith.constant 512 : i32
    %scan3A_31 = arith.addi %scan3A_29, %scan3A_30 : i32
    %scan3A_32 = arith.constant 1 : i32
    scf.for %scan3A_74 = %scan3A_29 to %scan3A_31 step %scan3A_32  : i32 {
      %mul3A_75 = arith.constant 1 : i32
      %mul3A_76 = arith.muli %scan3A_74, %mul3A_75 : i32
      %add3A_77 = arith.constant 0 : i32
      %add3A_78 = arith.addi %add3A_77, %mul3A_76 : i32
      %mul3A_79 = arith.constant 16 : i32
      %mul3A_80 = arith.muli %add3A_78, %mul3A_79 : i32
      %get3A = arith.index_cast %mul3A_80 : i32 to index
      %get3A_81 = tpu.vector_load %arg12[%get3A] {strides = array<i32>} : memref<8192xi32, #tpu.memory_space<vmem>>, vector<16xi32>,
      %mul3A_82 = arith.constant 16 : i32
      %mul3A_83 = arith.muli %add3A_78, %mul3A_82 : i32
      %get3A_84 = arith.index_cast %mul3A_83 : i32 to index
      %get3A_85 = tpu.vector_load %arg13[%get3A_84] {strides = array<i32>} : memref<8192xi32, #tpu.memory_space<vmem>>, vector<16xi32>,
      %mul3A_86 = arith.constant 32 : i32
      %mul3A_87 = vector.broadcast %mul3A_86 : i32 to vector<16xi32>
      %mul3A_88 = arith.muli %get3A_81, %mul3A_87 : vector<16xi32>
      %mul3A_89 = arith.constant 32 : i32
      %mul3A_90 = vector.broadcast %mul3A_89 : i32 to vector<16xi32>
      %mul3A_91 = arith.muli %get3A_85, %mul3A_90 : vector<16xi32>
      %add3A_92 = arith.constant 0 : i32
      %add3A_93 = vector.broadcast %add3A_92 : i32 to vector<16xi32>
      %add3A_94 = arith.addi %mul3A_88, %add3A_93 : vector<16xi32>
      %gather3A = tpu.vector_load_idx %arg9[%add3A_94] : memref<32768xf32, #tpu.memory_space<vmem>>[vector<16xi32>], vector<16xf32>,
      %add3A_95 = arith.constant 0 : i32
      %add3A_96 = vector.broadcast %add3A_95 : i32 to vector<16xi32>
      %add3A_97 = arith.addi %mul3A_91, %add3A_96 : vector<16xi32>
      %gather3A_98 = tpu.vector_load_idx %arg10[%add3A_97] : memref<32768xf32, #tpu.memory_space<vmem>>[vector<16xi32>], vector<16xf32>,
      %add3A_99 = arith.addf %gather3A, %gather3A_98 : vector<16xf32>
      %mul3A_100 = arith.constant 2.000000e-01 : f32
      %mul3A_101 = vector.broadcast %mul3A_100 : f32 to vector<16xf32>
      %mul3A_102 = arith.mulf %mul3A_101, %add3A_99 : vector<16xf32>
      %max3A = arith.maximumf %add3A_99, %mul3A_102 : vector<16xf32>
      %get3A_103 = arith.constant 0 : index
      %get3A_104 = tpu.vector_load %arg11[%get3A_103] {strides = array<i32>} : memref<512xf32, #tpu.memory_space<vmem>>, vector<16xf32>,
      %mul3A_105 = arith.mulf %get3A_104, %max3A : vector<16xf32>
      %add3A_106 = arith.addf %broadcast_in_dim3A_1, %mul3A_105 : vector<16xf32>
      %add3A_107 = arith.constant 1 : i32
      %add3A_108 = vector.broadcast %add3A_107 : i32 to vector<16xi32>
      %add3A_109 = arith.addi %mul3A_88, %add3A_108 : vector<16xi32>
      %gather3A_110 = tpu.vector_load_idx %arg9[%add3A_109] : memref<32768xf32, #tpu.memory_space<vmem>>[vector<16xi32>], vector<16xf32>,
      %add3A_111 = arith.constant 1 : i32
      %add3A_112 = vector.broadcast %add3A_111 : i32 to vector<16xi32>
      %add3A_113 = arith.addi %mul3A_91, %add3A_112 : vector<16xi32>
      %gather3A_114 = tpu.vector_load_idx %arg10[%add3A_113] : memref<32768xf32, #tpu.memory_space<vmem>>[vector<16xi32>], vector<16xf32>,
      %add3A_115 = arith.addf %gather3A_110, %gather3A_114 : vector<16xf32>
      %mul3A_116 = arith.constant 2.000000e-01 : f32
      %mul3A_117 = vector.broadcast %mul3A_116 : f32 to vector<16xf32>
      %mul3A_118 = arith.mulf %mul3A_117, %add3A_115 : vector<16xf32>
      %max3A_119 = arith.maximumf %add3A_115, %mul3A_118 : vector<16xf32>
      %get3A_120 = arith.constant 16 : index
      %get3A_121 = tpu.vector_load %arg11[%get3A_120] {strides = array<i32>} : memref<512xf32, #tpu.memory_space<vmem>>, vector<16xf32>,
      %mul3A_122 = arith.mulf %get3A_121, %max3A_119 : vector<16xf32>
      %add3A_123 = arith.addf %add3A_106, %mul3A_122 : vector<16xf32>
      %add3A_124 = arith.constant 2 : i32
      %add3A_125 = vector.broadcast %add3A_124 : i32 to vector<16xi32>
      %add3A_126 = arith.addi %mul3A_88, %add3A_125 : vector<16xi32>
      %gather3A_127 = tpu.vector_load_idx %arg9[%add3A_126] : memref<32768xf32, #tpu.memory_space<vmem>>[vector<16xi32>], vector<16xf32>,
      %add3A_128 = arith.constant 2 : i32
      %add3A_129 = vector.broadcast %add3A_128 : i32 to vector<16xi32>
      %add3A_130 = arith.addi %mul3A_91, %add3A_129 : vector<16xi32>
      %gather3A_131 = tpu.vector_load_idx %arg10[%add3A_130] : memref<32768xf32, #tpu.memory_space<vmem>>[vector<16xi32>], vector<16xf32>,
      %add3A_132 = arith.addf %gather3A_127, %gather3A_131 : vector<16xf32>
      %mul3A_133 = arith.constant 2.000000e-01 : f32
      %mul3A_134 = vector.broadcast %mul3A_133 : f32 to vector<16xf32>
      %mul3A_135 = arith.mulf %mul3A_134, %add3A_132 : vector<16xf32>
      %max3A_136 = arith.maximumf %add3A_132, %mul3A_135 : vector<16xf32>
      %get3A_137 = arith.constant 32 : index
      %get3A_138 = tpu.vector_load %arg11[%get3A_137] {strides = array<i32>} : memref<512xf32, #tpu.memory_space<vmem>>, vector<16xf32>,
      %mul3A_139 = arith.mulf %get3A_138, %max3A_136 : vector<16xf32>
      %add3A_140 = arith.addf %add3A_123, %mul3A_139 : vector<16xf32>
      %add3A_141 = arith.constant 3 : i32
      %add3A_142 = vector.broadcast %add3A_141 : i32 to vector<16xi32>
      %add3A_143 = arith.addi %mul3A_88, %add3A_142 : vector<16xi32>
      %gather3A_144 = tpu.vector_load_idx %arg9[%add3A_143] : memref<32768xf32, #tpu.memory_space<vmem>>[vector<16xi32>], vector<16xf32>,
      %add3A_145 = arith.constant 3 : i32
      %add3A_146 = vector.broadcast %add3A_145 : i32 to vector<16xi32>
      %add3A_147 = arith.addi %mul3A_91, %add3A_146 : vector<16xi32>
      %gather3A_148 = tpu.vector_load_idx %arg10[%add3A_147] : memref<32768xf32, #tpu.memory_space<vmem>>[vector<16xi32>], vector<16xf32>,
      %add3A_149 = arith.addf %gather3A_144, %gather3A_148 : vector<16xf32>
      %mul3A_150 = arith.constant 2.000000e-01 : f32
      %mul3A_151 = vector.broadcast %mul3A_150 : f32 to vector<16xf32>
      %mul3A_152 = arith.mulf %mul3A_151, %add3A_149 : vector<16xf32>
      %max3A_153 = arith.maximumf %add3A_149, %mul3A_152 : vector<16xf32>
      %get3A_154 = arith.constant 48 : index
      %get3A_155 = tpu.vector_load %arg11[%get3A_154] {strides = array<i32>} : memref<512xf32, #tpu.memory_space<vmem>>, vector<16xf32>,
      %mul3A_156 = arith.mulf %get3A_155, %max3A_153 : vector<16xf32>
      %add3A_157 = arith.addf %add3A_140, %mul3A_156 : vector<16xf32>
      %add3A_158 = arith.constant 4 : i32
      %add3A_159 = vector.broadcast %add3A_158 : i32 to vector<16xi32>
      %add3A_160 = arith.addi %mul3A_88, %add3A_159 : vector<16xi32>
      %gather3A_161 = tpu.vector_load_idx %arg9[%add3A_160] : memref<32768xf32, #tpu.memory_space<vmem>>[vector<16xi32>], vector<16xf32>,
      %add3A_162 = arith.constant 4 : i32
      %add3A_163 = vector.broadcast %add3A_162 : i32 to vector<16xi32>
      %add3A_164 = arith.addi %mul3A_91, %add3A_163 : vector<16xi32>
      %gather3A_165 = tpu.vector_load_idx %arg10[%add3A_164] : memref<32768xf32, #tpu.memory_space<vmem>>[vector<16xi32>], vector<16xf32>,
      %add3A_166 = arith.addf %gather3A_161, %gather3A_165 : vector<16xf32>
      %mul3A_167 = arith.constant 2.000000e-01 : f32
      %mul3A_168 = vector.broadcast %mul3A_167 : f32 to vector<16xf32>
      %mul3A_169 = arith.mulf %mul3A_168, %add3A_166 : vector<16xf32>
      %max3A_170 = arith.maximumf %add3A_166, %mul3A_169 : vector<16xf32>
      %get3A_171 = arith.constant 64 : index
      %get3A_172 = tpu.vector_load %arg11[%get3A_171] {strides = array<i32>} : memref<512xf32, #tpu.memory_space<vmem>>, vector<16xf32>,
      %mul3A_173 = arith.mulf %get3A_172, %max3A_170 : vector<16xf32>
      %add3A_174 = arith.addf %add3A_157, %mul3A_173 : vector<16xf32>
      %add3A_175 = arith.constant 5 : i32
      %add3A_176 = vector.broadcast %add3A_175 : i32 to vector<16xi32>
      %add3A_177 = arith.addi %mul3A_88, %add3A_176 : vector<16xi32>
      %gather3A_178 = tpu.vector_load_idx %arg9[%add3A_177] : memref<32768xf32, #tpu.memory_space<vmem>>[vector<16xi32>], vector<16xf32>,
      %add3A_179 = arith.constant 5 : i32
      %add3A_180 = vector.broadcast %add3A_179 : i32 to vector<16xi32>
      %add3A_181 = arith.addi %mul3A_91, %add3A_180 : vector<16xi32>
      %gather3A_182 = tpu.vector_load_idx %arg10[%add3A_181] : memref<32768xf32, #tpu.memory_space<vmem>>[vector<16xi32>], vector<16xf32>,
      %add3A_183 = arith.addf %gather3A_178, %gather3A_182 : vector<16xf32>
      %mul3A_184 = arith.constant 2.000000e-01 : f32
      %mul3A_185 = vector.broadcast %mul3A_184 : f32 to vector<16xf32>
      %mul3A_186 = arith.mulf %mul3A_185, %add3A_183 : vector<16xf32>
      %max3A_187 = arith.maximumf %add3A_183, %mul3A_186 : vector<16xf32>
      %get3A_188 = arith.constant 80 : index
      %get3A_189 = tpu.vector_load %arg11[%get3A_188] {strides = array<i32>} : memref<512xf32, #tpu.memory_space<vmem>>, vector<16xf32>,
      %mul3A_190 = arith.mulf %get3A_189, %max3A_187 : vector<16xf32>
      %add3A_191 = arith.addf %add3A_174, %mul3A_190 : vector<16xf32>
      %add3A_192 = arith.constant 6 : i32
      %add3A_193 = vector.broadcast %add3A_192 : i32 to vector<16xi32>
      %add3A_194 = arith.addi %mul3A_88, %add3A_193 : vector<16xi32>
      %gather3A_195 = tpu.vector_load_idx %arg9[%add3A_194] : memref<32768xf32, #tpu.memory_space<vmem>>[vector<16xi32>], vector<16xf32>,
      %add3A_196 = arith.constant 6 : i32
      %add3A_197 = vector.broadcast %add3A_196 : i32 to vector<16xi32>
      %add3A_198 = arith.addi %mul3A_91, %add3A_197 : vector<16xi32>
      %gather3A_199 = tpu.vector_load_idx %arg10[%add3A_198] : memref<32768xf32, #tpu.memory_space<vmem>>[vector<16xi32>], vector<16xf32>,
      %add3A_200 = arith.addf %gather3A_195, %gather3A_199 : vector<16xf32>
      %mul3A_201 = arith.constant 2.000000e-01 : f32
      %mul3A_202 = vector.broadcast %mul3A_201 : f32 to vector<16xf32>
      %mul3A_203 = arith.mulf %mul3A_202, %add3A_200 : vector<16xf32>
      %max3A_204 = arith.maximumf %add3A_200, %mul3A_203 : vector<16xf32>
      %get3A_205 = arith.constant 96 : index
      %get3A_206 = tpu.vector_load %arg11[%get3A_205] {strides = array<i32>} : memref<512xf32, #tpu.memory_space<vmem>>, vector<16xf32>,
      %mul3A_207 = arith.mulf %get3A_206, %max3A_204 : vector<16xf32>
      %add3A_208 = arith.addf %add3A_191, %mul3A_207 : vector<16xf32>
      %add3A_209 = arith.constant 7 : i32
      %add3A_210 = vector.broadcast %add3A_209 : i32 to vector<16xi32>
      %add3A_211 = arith.addi %mul3A_88, %add3A_210 : vector<16xi32>
      %gather3A_212 = tpu.vector_load_idx %arg9[%add3A_211] : memref<32768xf32, #tpu.memory_space<vmem>>[vector<16xi32>], vector<16xf32>,
      %add3A_213 = arith.constant 7 : i32
      %add3A_214 = vector.broadcast %add3A_213 : i32 to vector<16xi32>
      %add3A_215 = arith.addi %mul3A_91, %add3A_214 : vector<16xi32>
      %gather3A_216 = tpu.vector_load_idx %arg10[%add3A_215] : memref<32768xf32, #tpu.memory_space<vmem>>[vector<16xi32>], vector<16xf32>,
      %add3A_217 = arith.addf %gather3A_212, %gather3A_216 : vector<16xf32>
      %mul3A_218 = arith.constant 2.000000e-01 : f32
      %mul3A_219 = vector.broadcast %mul3A_218 : f32 to vector<16xf32>
      %mul3A_220 = arith.mulf %mul3A_219, %add3A_217 : vector<16xf32>
      %max3A_221 = arith.maximumf %add3A_217, %mul3A_220 : vector<16xf32>
      %get3A_222 = arith.constant 112 : index
      %get3A_223 = tpu.vector_load %arg11[%get3A_222] {strides = array<i32>} : memref<512xf32, #tpu.memory_space<vmem>>, vector<16xf32>,
      %mul3A_224 = arith.mulf %get3A_223, %max3A_221 : vector<16xf32>
      %add3A_225 = arith.addf %add3A_208, %mul3A_224 : vector<16xf32>
      %add3A_226 = arith.constant 8 : i32
      %add3A_227 = vector.broadcast %add3A_226 : i32 to vector<16xi32>
      %add3A_228 = arith.addi %mul3A_88, %add3A_227 : vector<16xi32>
      %gather3A_229 = tpu.vector_load_idx %arg9[%add3A_228] : memref<32768xf32, #tpu.memory_space<vmem>>[vector<16xi32>], vector<16xf32>,
      %add3A_230 = arith.constant 8 : i32
      %add3A_231 = vector.broadcast %add3A_230 : i32 to vector<16xi32>
      %add3A_232 = arith.addi %mul3A_91, %add3A_231 : vector<16xi32>
      %gather3A_233 = tpu.vector_load_idx %arg10[%add3A_232] : memref<32768xf32, #tpu.memory_space<vmem>>[vector<16xi32>], vector<16xf32>,
      %add3A_234 = arith.addf %gather3A_229, %gather3A_233 : vector<16xf32>
      %mul3A_235 = arith.constant 2.000000e-01 : f32
      %mul3A_236 = vector.broadcast %mul3A_235 : f32 to vector<16xf32>
      %mul3A_237 = arith.mulf %mul3A_236, %add3A_234 : vector<16xf32>
      %max3A_238 = arith.maximumf %add3A_234, %mul3A_237 : vector<16xf32>
      %get3A_239 = arith.constant 128 : index
      %get3A_240 = tpu.vector_load %arg11[%get3A_239] {strides = array<i32>} : memref<512xf32, #tpu.memory_space<vmem>>, vector<16xf32>,
      %mul3A_241 = arith.mulf %get3A_240, %max3A_238 : vector<16xf32>
      %add3A_242 = arith.addf %add3A_225, %mul3A_241 : vector<16xf32>
      %add3A_243 = arith.constant 9 : i32
      %add3A_244 = vector.broadcast %add3A_243 : i32 to vector<16xi32>
      %add3A_245 = arith.addi %mul3A_88, %add3A_244 : vector<16xi32>
      %gather3A_246 = tpu.vector_load_idx %arg9[%add3A_245] : memref<32768xf32, #tpu.memory_space<vmem>>[vector<16xi32>], vector<16xf32>,
      %add3A_247 = arith.constant 9 : i32
      %add3A_248 = vector.broadcast %add3A_247 : i32 to vector<16xi32>
      %add3A_249 = arith.addi %mul3A_91, %add3A_248 : vector<16xi32>
      %gather3A_250 = tpu.vector_load_idx %arg10[%add3A_249] : memref<32768xf32, #tpu.memory_space<vmem>>[vector<16xi32>], vector<16xf32>,
      %add3A_251 = arith.addf %gather3A_246, %gather3A_250 : vector<16xf32>
      %mul3A_252 = arith.constant 2.000000e-01 : f32
      %mul3A_253 = vector.broadcast %mul3A_252 : f32 to vector<16xf32>
      %mul3A_254 = arith.mulf %mul3A_253, %add3A_251 : vector<16xf32>
      %max3A_255 = arith.maximumf %add3A_251, %mul3A_254 : vector<16xf32>
      %get3A_256 = arith.constant 144 : index
      %get3A_257 = tpu.vector_load %arg11[%get3A_256] {strides = array<i32>} : memref<512xf32, #tpu.memory_space<vmem>>, vector<16xf32>,
      %mul3A_258 = arith.mulf %get3A_257, %max3A_255 : vector<16xf32>
      %add3A_259 = arith.addf %add3A_242, %mul3A_258 : vector<16xf32>
      %add3A_260 = arith.constant 10 : i32
      %add3A_261 = vector.broadcast %add3A_260 : i32 to vector<16xi32>
      %add3A_262 = arith.addi %mul3A_88, %add3A_261 : vector<16xi32>
      %gather3A_263 = tpu.vector_load_idx %arg9[%add3A_262] : memref<32768xf32, #tpu.memory_space<vmem>>[vector<16xi32>], vector<16xf32>,
      %add3A_264 = arith.constant 10 : i32
      %add3A_265 = vector.broadcast %add3A_264 : i32 to vector<16xi32>
      %add3A_266 = arith.addi %mul3A_91, %add3A_265 : vector<16xi32>
      %gather3A_267 = tpu.vector_load_idx %arg10[%add3A_266] : memref<32768xf32, #tpu.memory_space<vmem>>[vector<16xi32>], vector<16xf32>,
      %add3A_268 = arith.addf %gather3A_263, %gather3A_267 : vector<16xf32>
      %mul3A_269 = arith.constant 2.000000e-01 : f32
      %mul3A_270 = vector.broadcast %mul3A_269 : f32 to vector<16xf32>
      %mul3A_271 = arith.mulf %mul3A_270, %add3A_268 : vector<16xf32>
      %max3A_272 = arith.maximumf %add3A_268, %mul3A_271 : vector<16xf32>
      %get3A_273 = arith.constant 160 : index
      %get3A_274 = tpu.vector_load %arg11[%get3A_273] {strides = array<i32>} : memref<512xf32, #tpu.memory_space<vmem>>, vector<16xf32>,
      %mul3A_275 = arith.mulf %get3A_274, %max3A_272 : vector<16xf32>
      %add3A_276 = arith.addf %add3A_259, %mul3A_275 : vector<16xf32>
      %add3A_277 = arith.constant 11 : i32
      %add3A_278 = vector.broadcast %add3A_277 : i32 to vector<16xi32>
      %add3A_279 = arith.addi %mul3A_88, %add3A_278 : vector<16xi32>
      %gather3A_280 = tpu.vector_load_idx %arg9[%add3A_279] : memref<32768xf32, #tpu.memory_space<vmem>>[vector<16xi32>], vector<16xf32>,
      %add3A_281 = arith.constant 11 : i32
      %add3A_282 = vector.broadcast %add3A_281 : i32 to vector<16xi32>
      %add3A_283 = arith.addi %mul3A_91, %add3A_282 : vector<16xi32>
      %gather3A_284 = tpu.vector_load_idx %arg10[%add3A_283] : memref<32768xf32, #tpu.memory_space<vmem>>[vector<16xi32>], vector<16xf32>,
      %add3A_285 = arith.addf %gather3A_280, %gather3A_284 : vector<16xf32>
      %mul3A_286 = arith.constant 2.000000e-01 : f32
      %mul3A_287 = vector.broadcast %mul3A_286 : f32 to vector<16xf32>
      %mul3A_288 = arith.mulf %mul3A_287, %add3A_285 : vector<16xf32>
      %max3A_289 = arith.maximumf %add3A_285, %mul3A_288 : vector<16xf32>
      %get3A_290 = arith.constant 176 : index
      %get3A_291 = tpu.vector_load %arg11[%get3A_290] {strides = array<i32>} : memref<512xf32, #tpu.memory_space<vmem>>, vector<16xf32>,
      %mul3A_292 = arith.mulf %get3A_291, %max3A_289 : vector<16xf32>
      %add3A_293 = arith.addf %add3A_276, %mul3A_292 : vector<16xf32>
      %add3A_294 = arith.constant 12 : i32
      %add3A_295 = vector.broadcast %add3A_294 : i32 to vector<16xi32>
      %add3A_296 = arith.addi %mul3A_88, %add3A_295 : vector<16xi32>
      %gather3A_297 = tpu.vector_load_idx %arg9[%add3A_296] : memref<32768xf32, #tpu.memory_space<vmem>>[vector<16xi32>], vector<16xf32>,
      %add3A_298 = arith.constant 12 : i32
      %add3A_299 = vector.broadcast %add3A_298 : i32 to vector<16xi32>
      %add3A_300 = arith.addi %mul3A_91, %add3A_299 : vector<16xi32>
      %gather3A_301 = tpu.vector_load_idx %arg10[%add3A_300] : memref<32768xf32, #tpu.memory_space<vmem>>[vector<16xi32>], vector<16xf32>,
      %add3A_302 = arith.addf %gather3A_297, %gather3A_301 : vector<16xf32>
      %mul3A_303 = arith.constant 2.000000e-01 : f32
      %mul3A_304 = vector.broadcast %mul3A_303 : f32 to vector<16xf32>
      %mul3A_305 = arith.mulf %mul3A_304, %add3A_302 : vector<16xf32>
      %max3A_306 = arith.maximumf %add3A_302, %mul3A_305 : vector<16xf32>
      %get3A_307 = arith.constant 192 : index
      %get3A_308 = tpu.vector_load %arg11[%get3A_307] {strides = array<i32>} : memref<512xf32, #tpu.memory_space<vmem>>, vector<16xf32>,
      %mul3A_309 = arith.mulf %get3A_308, %max3A_306 : vector<16xf32>
      %add3A_310 = arith.addf %add3A_293, %mul3A_309 : vector<16xf32>
      %add3A_311 = arith.constant 13 : i32
      %add3A_312 = vector.broadcast %add3A_311 : i32 to vector<16xi32>
      %add3A_313 = arith.addi %mul3A_88, %add3A_312 : vector<16xi32>
      %gather3A_314 = tpu.vector_load_idx %arg9[%add3A_313] : memref<32768xf32, #tpu.memory_space<vmem>>[vector<16xi32>], vector<16xf32>,
      %add3A_315 = arith.constant 13 : i32
      %add3A_316 = vector.broadcast %add3A_315 : i32 to vector<16xi32>
      %add3A_317 = arith.addi %mul3A_91, %add3A_316 : vector<16xi32>
      %gather3A_318 = tpu.vector_load_idx %arg10[%add3A_317] : memref<32768xf32, #tpu.memory_space<vmem>>[vector<16xi32>], vector<16xf32>,
      %add3A_319 = arith.addf %gather3A_314, %gather3A_318 : vector<16xf32>
      %mul3A_320 = arith.constant 2.000000e-01 : f32
      %mul3A_321 = vector.broadcast %mul3A_320 : f32 to vector<16xf32>
      %mul3A_322 = arith.mulf %mul3A_321, %add3A_319 : vector<16xf32>
      %max3A_323 = arith.maximumf %add3A_319, %mul3A_322 : vector<16xf32>
      %get3A_324 = arith.constant 208 : index
      %get3A_325 = tpu.vector_load %arg11[%get3A_324] {strides = array<i32>} : memref<512xf32, #tpu.memory_space<vmem>>, vector<16xf32>,
      %mul3A_326 = arith.mulf %get3A_325, %max3A_323 : vector<16xf32>
      %add3A_327 = arith.addf %add3A_310, %mul3A_326 : vector<16xf32>
      %add3A_328 = arith.constant 14 : i32
      %add3A_329 = vector.broadcast %add3A_328 : i32 to vector<16xi32>
      %add3A_330 = arith.addi %mul3A_88, %add3A_329 : vector<16xi32>
      %gather3A_331 = tpu.vector_load_idx %arg9[%add3A_330] : memref<32768xf32, #tpu.memory_space<vmem>>[vector<16xi32>], vector<16xf32>,
      %add3A_332 = arith.constant 14 : i32
      %add3A_333 = vector.broadcast %add3A_332 : i32 to vector<16xi32>
      %add3A_334 = arith.addi %mul3A_91, %add3A_333 : vector<16xi32>
      %gather3A_335 = tpu.vector_load_idx %arg10[%add3A_334] : memref<32768xf32, #tpu.memory_space<vmem>>[vector<16xi32>], vector<16xf32>,
      %add3A_336 = arith.addf %gather3A_331, %gather3A_335 : vector<16xf32>
      %mul3A_337 = arith.constant 2.000000e-01 : f32
      %mul3A_338 = vector.broadcast %mul3A_337 : f32 to vector<16xf32>
      %mul3A_339 = arith.mulf %mul3A_338, %add3A_336 : vector<16xf32>
      %max3A_340 = arith.maximumf %add3A_336, %mul3A_339 : vector<16xf32>
      %get3A_341 = arith.constant 224 : index
      %get3A_342 = tpu.vector_load %arg11[%get3A_341] {strides = array<i32>} : memref<512xf32, #tpu.memory_space<vmem>>, vector<16xf32>,
      %mul3A_343 = arith.mulf %get3A_342, %max3A_340 : vector<16xf32>
      %add3A_344 = arith.addf %add3A_327, %mul3A_343 : vector<16xf32>
      %add3A_345 = arith.constant 15 : i32
      %add3A_346 = vector.broadcast %add3A_345 : i32 to vector<16xi32>
      %add3A_347 = arith.addi %mul3A_88, %add3A_346 : vector<16xi32>
      %gather3A_348 = tpu.vector_load_idx %arg9[%add3A_347] : memref<32768xf32, #tpu.memory_space<vmem>>[vector<16xi32>], vector<16xf32>,
      %add3A_349 = arith.constant 15 : i32
      %add3A_350 = vector.broadcast %add3A_349 : i32 to vector<16xi32>
      %add3A_351 = arith.addi %mul3A_91, %add3A_350 : vector<16xi32>
      %gather3A_352 = tpu.vector_load_idx %arg10[%add3A_351] : memref<32768xf32, #tpu.memory_space<vmem>>[vector<16xi32>], vector<16xf32>,
      %add3A_353 = arith.addf %gather3A_348, %gather3A_352 : vector<16xf32>
      %mul3A_354 = arith.constant 2.000000e-01 : f32
      %mul3A_355 = vector.broadcast %mul3A_354 : f32 to vector<16xf32>
      %mul3A_356 = arith.mulf %mul3A_355, %add3A_353 : vector<16xf32>
      %max3A_357 = arith.maximumf %add3A_353, %mul3A_356 : vector<16xf32>
      %get3A_358 = arith.constant 240 : index
      %get3A_359 = tpu.vector_load %arg11[%get3A_358] {strides = array<i32>} : memref<512xf32, #tpu.memory_space<vmem>>, vector<16xf32>,
      %mul3A_360 = arith.mulf %get3A_359, %max3A_357 : vector<16xf32>
      %add3A_361 = arith.addf %add3A_344, %mul3A_360 : vector<16xf32>
      %add3A_362 = arith.constant 16 : i32
      %add3A_363 = vector.broadcast %add3A_362 : i32 to vector<16xi32>
      %add3A_364 = arith.addi %mul3A_88, %add3A_363 : vector<16xi32>
      %gather3A_365 = tpu.vector_load_idx %arg9[%add3A_364] : memref<32768xf32, #tpu.memory_space<vmem>>[vector<16xi32>], vector<16xf32>,
      %add3A_366 = arith.constant 16 : i32
      %add3A_367 = vector.broadcast %add3A_366 : i32 to vector<16xi32>
      %add3A_368 = arith.addi %mul3A_91, %add3A_367 : vector<16xi32>
      %gather3A_369 = tpu.vector_load_idx %arg10[%add3A_368] : memref<32768xf32, #tpu.memory_space<vmem>>[vector<16xi32>], vector<16xf32>,
      %add3A_370 = arith.addf %gather3A_365, %gather3A_369 : vector<16xf32>
      %mul3A_371 = arith.constant 2.000000e-01 : f32
      %mul3A_372 = vector.broadcast %mul3A_371 : f32 to vector<16xf32>
      %mul3A_373 = arith.mulf %mul3A_372, %add3A_370 : vector<16xf32>
      %max3A_374 = arith.maximumf %add3A_370, %mul3A_373 : vector<16xf32>
      %get3A_375 = arith.constant 256 : index
      %get3A_376 = tpu.vector_load %arg11[%get3A_375] {strides = array<i32>} : memref<512xf32, #tpu.memory_space<vmem>>, vector<16xf32>,
      %mul3A_377 = arith.mulf %get3A_376, %max3A_374 : vector<16xf32>
      %add3A_378 = arith.addf %add3A_361, %mul3A_377 : vector<16xf32>
      %add3A_379 = arith.constant 17 : i32
      %add3A_380 = vector.broadcast %add3A_379 : i32 to vector<16xi32>
      %add3A_381 = arith.addi %mul3A_88, %add3A_380 : vector<16xi32>
      %gather3A_382 = tpu.vector_load_idx %arg9[%add3A_381] : memref<32768xf32, #tpu.memory_space<vmem>>[vector<16xi32>], vector<16xf32>,
      %add3A_383 = arith.constant 17 : i32
      %add3A_384 = vector.broadcast %add3A_383 : i32 to vector<16xi32>
      %add3A_385 = arith.addi %mul3A_91, %add3A_384 : vector<16xi32>
      %gather3A_386 = tpu.vector_load_idx %arg10[%add3A_385] : memref<32768xf32, #tpu.memory_space<vmem>>[vector<16xi32>], vector<16xf32>,
      %add3A_387 = arith.addf %gather3A_382, %gather3A_386 : vector<16xf32>
      %mul3A_388 = arith.constant 2.000000e-01 : f32
      %mul3A_389 = vector.broadcast %mul3A_388 : f32 to vector<16xf32>
      %mul3A_390 = arith.mulf %mul3A_389, %add3A_387 : vector<16xf32>
      %max3A_391 = arith.maximumf %add3A_387, %mul3A_390 : vector<16xf32>
      %get3A_392 = arith.constant 272 : index
      %get3A_393 = tpu.vector_load %arg11[%get3A_392] {strides = array<i32>} : memref<512xf32, #tpu.memory_space<vmem>>, vector<16xf32>,
      %mul3A_394 = arith.mulf %get3A_393, %max3A_391 : vector<16xf32>
      %add3A_395 = arith.addf %add3A_378, %mul3A_394 : vector<16xf32>
      %add3A_396 = arith.constant 18 : i32
      %add3A_397 = vector.broadcast %add3A_396 : i32 to vector<16xi32>
      %add3A_398 = arith.addi %mul3A_88, %add3A_397 : vector<16xi32>
      %gather3A_399 = tpu.vector_load_idx %arg9[%add3A_398] : memref<32768xf32, #tpu.memory_space<vmem>>[vector<16xi32>], vector<16xf32>,
      %add3A_400 = arith.constant 18 : i32
      %add3A_401 = vector.broadcast %add3A_400 : i32 to vector<16xi32>
      %add3A_402 = arith.addi %mul3A_91, %add3A_401 : vector<16xi32>
      %gather3A_403 = tpu.vector_load_idx %arg10[%add3A_402] : memref<32768xf32, #tpu.memory_space<vmem>>[vector<16xi32>], vector<16xf32>,
      %add3A_404 = arith.addf %gather3A_399, %gather3A_403 : vector<16xf32>
      %mul3A_405 = arith.constant 2.000000e-01 : f32
      %mul3A_406 = vector.broadcast %mul3A_405 : f32 to vector<16xf32>
      %mul3A_407 = arith.mulf %mul3A_406, %add3A_404 : vector<16xf32>
      %max3A_408 = arith.maximumf %add3A_404, %mul3A_407 : vector<16xf32>
      %get3A_409 = arith.constant 288 : index
      %get3A_410 = tpu.vector_load %arg11[%get3A_409] {strides = array<i32>} : memref<512xf32, #tpu.memory_space<vmem>>, vector<16xf32>,
      %mul3A_411 = arith.mulf %get3A_410, %max3A_408 : vector<16xf32>
      %add3A_412 = arith.addf %add3A_395, %mul3A_411 : vector<16xf32>
      %add3A_413 = arith.constant 19 : i32
      %add3A_414 = vector.broadcast %add3A_413 : i32 to vector<16xi32>
      %add3A_415 = arith.addi %mul3A_88, %add3A_414 : vector<16xi32>
      %gather3A_416 = tpu.vector_load_idx %arg9[%add3A_415] : memref<32768xf32, #tpu.memory_space<vmem>>[vector<16xi32>], vector<16xf32>,
      %add3A_417 = arith.constant 19 : i32
      %add3A_418 = vector.broadcast %add3A_417 : i32 to vector<16xi32>
      %add3A_419 = arith.addi %mul3A_91, %add3A_418 : vector<16xi32>
      %gather3A_420 = tpu.vector_load_idx %arg10[%add3A_419] : memref<32768xf32, #tpu.memory_space<vmem>>[vector<16xi32>], vector<16xf32>,
      %add3A_421 = arith.addf %gather3A_416, %gather3A_420 : vector<16xf32>
      %mul3A_422 = arith.constant 2.000000e-01 : f32
      %mul3A_423 = vector.broadcast %mul3A_422 : f32 to vector<16xf32>
      %mul3A_424 = arith.mulf %mul3A_423, %add3A_421 : vector<16xf32>
      %max3A_425 = arith.maximumf %add3A_421, %mul3A_424 : vector<16xf32>
      %get3A_426 = arith.constant 304 : index
      %get3A_427 = tpu.vector_load %arg11[%get3A_426] {strides = array<i32>} : memref<512xf32, #tpu.memory_space<vmem>>, vector<16xf32>,
      %mul3A_428 = arith.mulf %get3A_427, %max3A_425 : vector<16xf32>
      %add3A_429 = arith.addf %add3A_412, %mul3A_428 : vector<16xf32>
      %add3A_430 = arith.constant 20 : i32
      %add3A_431 = vector.broadcast %add3A_430 : i32 to vector<16xi32>
      %add3A_432 = arith.addi %mul3A_88, %add3A_431 : vector<16xi32>
      %gather3A_433 = tpu.vector_load_idx %arg9[%add3A_432] : memref<32768xf32, #tpu.memory_space<vmem>>[vector<16xi32>], vector<16xf32>,
      %add3A_434 = arith.constant 20 : i32
      %add3A_435 = vector.broadcast %add3A_434 : i32 to vector<16xi32>
      %add3A_436 = arith.addi %mul3A_91, %add3A_435 : vector<16xi32>
      %gather3A_437 = tpu.vector_load_idx %arg10[%add3A_436] : memref<32768xf32, #tpu.memory_space<vmem>>[vector<16xi32>], vector<16xf32>,
      %add3A_438 = arith.addf %gather3A_433, %gather3A_437 : vector<16xf32>
      %mul3A_439 = arith.constant 2.000000e-01 : f32
      %mul3A_440 = vector.broadcast %mul3A_439 : f32 to vector<16xf32>
      %mul3A_441 = arith.mulf %mul3A_440, %add3A_438 : vector<16xf32>
      %max3A_442 = arith.maximumf %add3A_438, %mul3A_441 : vector<16xf32>
      %get3A_443 = arith.constant 320 : index
      %get3A_444 = tpu.vector_load %arg11[%get3A_443] {strides = array<i32>} : memref<512xf32, #tpu.memory_space<vmem>>, vector<16xf32>,
      %mul3A_445 = arith.mulf %get3A_444, %max3A_442 : vector<16xf32>
      %add3A_446 = arith.addf %add3A_429, %mul3A_445 : vector<16xf32>
      %add3A_447 = arith.constant 21 : i32
      %add3A_448 = vector.broadcast %add3A_447 : i32 to vector<16xi32>
      %add3A_449 = arith.addi %mul3A_88, %add3A_448 : vector<16xi32>
      %gather3A_450 = tpu.vector_load_idx %arg9[%add3A_449] : memref<32768xf32, #tpu.memory_space<vmem>>[vector<16xi32>], vector<16xf32>,
      %add3A_451 = arith.constant 21 : i32
      %add3A_452 = vector.broadcast %add3A_451 : i32 to vector<16xi32>
      %add3A_453 = arith.addi %mul3A_91, %add3A_452 : vector<16xi32>
      %gather3A_454 = tpu.vector_load_idx %arg10[%add3A_453] : memref<32768xf32, #tpu.memory_space<vmem>>[vector<16xi32>], vector<16xf32>,
      %add3A_455 = arith.addf %gather3A_450, %gather3A_454 : vector<16xf32>
      %mul3A_456 = arith.constant 2.000000e-01 : f32
      %mul3A_457 = vector.broadcast %mul3A_456 : f32 to vector<16xf32>
      %mul3A_458 = arith.mulf %mul3A_457, %add3A_455 : vector<16xf32>
      %max3A_459 = arith.maximumf %add3A_455, %mul3A_458 : vector<16xf32>
      %get3A_460 = arith.constant 336 : index
      %get3A_461 = tpu.vector_load %arg11[%get3A_460] {strides = array<i32>} : memref<512xf32, #tpu.memory_space<vmem>>, vector<16xf32>,
      %mul3A_462 = arith.mulf %get3A_461, %max3A_459 : vector<16xf32>
      %add3A_463 = arith.addf %add3A_446, %mul3A_462 : vector<16xf32>
      %add3A_464 = arith.constant 22 : i32
      %add3A_465 = vector.broadcast %add3A_464 : i32 to vector<16xi32>
      %add3A_466 = arith.addi %mul3A_88, %add3A_465 : vector<16xi32>
      %gather3A_467 = tpu.vector_load_idx %arg9[%add3A_466] : memref<32768xf32, #tpu.memory_space<vmem>>[vector<16xi32>], vector<16xf32>,
      %add3A_468 = arith.constant 22 : i32
      %add3A_469 = vector.broadcast %add3A_468 : i32 to vector<16xi32>
      %add3A_470 = arith.addi %mul3A_91, %add3A_469 : vector<16xi32>
      %gather3A_471 = tpu.vector_load_idx %arg10[%add3A_470] : memref<32768xf32, #tpu.memory_space<vmem>>[vector<16xi32>], vector<16xf32>,
      %add3A_472 = arith.addf %gather3A_467, %gather3A_471 : vector<16xf32>
      %mul3A_473 = arith.constant 2.000000e-01 : f32
      %mul3A_474 = vector.broadcast %mul3A_473 : f32 to vector<16xf32>
      %mul3A_475 = arith.mulf %mul3A_474, %add3A_472 : vector<16xf32>
      %max3A_476 = arith.maximumf %add3A_472, %mul3A_475 : vector<16xf32>
      %get3A_477 = arith.constant 352 : index
      %get3A_478 = tpu.vector_load %arg11[%get3A_477] {strides = array<i32>} : memref<512xf32, #tpu.memory_space<vmem>>, vector<16xf32>,
      %mul3A_479 = arith.mulf %get3A_478, %max3A_476 : vector<16xf32>
      %add3A_480 = arith.addf %add3A_463, %mul3A_479 : vector<16xf32>
      %add3A_481 = arith.constant 23 : i32
      %add3A_482 = vector.broadcast %add3A_481 : i32 to vector<16xi32>
      %add3A_483 = arith.addi %mul3A_88, %add3A_482 : vector<16xi32>
      %gather3A_484 = tpu.vector_load_idx %arg9[%add3A_483] : memref<32768xf32, #tpu.memory_space<vmem>>[vector<16xi32>], vector<16xf32>,
      %add3A_485 = arith.constant 23 : i32
      %add3A_486 = vector.broadcast %add3A_485 : i32 to vector<16xi32>
      %add3A_487 = arith.addi %mul3A_91, %add3A_486 : vector<16xi32>
      %gather3A_488 = tpu.vector_load_idx %arg10[%add3A_487] : memref<32768xf32, #tpu.memory_space<vmem>>[vector<16xi32>], vector<16xf32>,
      %add3A_489 = arith.addf %gather3A_484, %gather3A_488 : vector<16xf32>
      %mul3A_490 = arith.constant 2.000000e-01 : f32
      %mul3A_491 = vector.broadcast %mul3A_490 : f32 to vector<16xf32>
      %mul3A_492 = arith.mulf %mul3A_491, %add3A_489 : vector<16xf32>
      %max3A_493 = arith.maximumf %add3A_489, %mul3A_492 : vector<16xf32>
      %get3A_494 = arith.constant 368 : index
      %get3A_495 = tpu.vector_load %arg11[%get3A_494] {strides = array<i32>} : memref<512xf32, #tpu.memory_space<vmem>>, vector<16xf32>,
      %mul3A_496 = arith.mulf %get3A_495, %max3A_493 : vector<16xf32>
      %add3A_497 = arith.addf %add3A_480, %mul3A_496 : vector<16xf32>
      %add3A_498 = arith.constant 24 : i32
      %add3A_499 = vector.broadcast %add3A_498 : i32 to vector<16xi32>
      %add3A_500 = arith.addi %mul3A_88, %add3A_499 : vector<16xi32>
      %gather3A_501 = tpu.vector_load_idx %arg9[%add3A_500] : memref<32768xf32, #tpu.memory_space<vmem>>[vector<16xi32>], vector<16xf32>,
      %add3A_502 = arith.constant 24 : i32
      %add3A_503 = vector.broadcast %add3A_502 : i32 to vector<16xi32>
      %add3A_504 = arith.addi %mul3A_91, %add3A_503 : vector<16xi32>
      %gather3A_505 = tpu.vector_load_idx %arg10[%add3A_504] : memref<32768xf32, #tpu.memory_space<vmem>>[vector<16xi32>], vector<16xf32>,
      %add3A_506 = arith.addf %gather3A_501, %gather3A_505 : vector<16xf32>
      %mul3A_507 = arith.constant 2.000000e-01 : f32
      %mul3A_508 = vector.broadcast %mul3A_507 : f32 to vector<16xf32>
      %mul3A_509 = arith.mulf %mul3A_508, %add3A_506 : vector<16xf32>
      %max3A_510 = arith.maximumf %add3A_506, %mul3A_509 : vector<16xf32>
      %get3A_511 = arith.constant 384 : index
      %get3A_512 = tpu.vector_load %arg11[%get3A_511] {strides = array<i32>} : memref<512xf32, #tpu.memory_space<vmem>>, vector<16xf32>,
      %mul3A_513 = arith.mulf %get3A_512, %max3A_510 : vector<16xf32>
      %add3A_514 = arith.addf %add3A_497, %mul3A_513 : vector<16xf32>
      %add3A_515 = arith.constant 25 : i32
      %add3A_516 = vector.broadcast %add3A_515 : i32 to vector<16xi32>
      %add3A_517 = arith.addi %mul3A_88, %add3A_516 : vector<16xi32>
      %gather3A_518 = tpu.vector_load_idx %arg9[%add3A_517] : memref<32768xf32, #tpu.memory_space<vmem>>[vector<16xi32>], vector<16xf32>,
      %add3A_519 = arith.constant 25 : i32
      %add3A_520 = vector.broadcast %add3A_519 : i32 to vector<16xi32>
      %add3A_521 = arith.addi %mul3A_91, %add3A_520 : vector<16xi32>
      %gather3A_522 = tpu.vector_load_idx %arg10[%add3A_521] : memref<32768xf32, #tpu.memory_space<vmem>>[vector<16xi32>], vector<16xf32>,
      %add3A_523 = arith.addf %gather3A_518, %gather3A_522 : vector<16xf32>
      %mul3A_524 = arith.constant 2.000000e-01 : f32
      %mul3A_525 = vector.broadcast %mul3A_524 : f32 to vector<16xf32>
      %mul3A_526 = arith.mulf %mul3A_525, %add3A_523 : vector<16xf32>
      %max3A_527 = arith.maximumf %add3A_523, %mul3A_526 : vector<16xf32>
      %get3A_528 = arith.constant 400 : index
      %get3A_529 = tpu.vector_load %arg11[%get3A_528] {strides = array<i32>} : memref<512xf32, #tpu.memory_space<vmem>>, vector<16xf32>,
      %mul3A_530 = arith.mulf %get3A_529, %max3A_527 : vector<16xf32>
      %add3A_531 = arith.addf %add3A_514, %mul3A_530 : vector<16xf32>
      %add3A_532 = arith.constant 26 : i32
      %add3A_533 = vector.broadcast %add3A_532 : i32 to vector<16xi32>
      %add3A_534 = arith.addi %mul3A_88, %add3A_533 : vector<16xi32>
      %gather3A_535 = tpu.vector_load_idx %arg9[%add3A_534] : memref<32768xf32, #tpu.memory_space<vmem>>[vector<16xi32>], vector<16xf32>,
      %add3A_536 = arith.constant 26 : i32
      %add3A_537 = vector.broadcast %add3A_536 : i32 to vector<16xi32>
      %add3A_538 = arith.addi %mul3A_91, %add3A_537 : vector<16xi32>
      %gather3A_539 = tpu.vector_load_idx %arg10[%add3A_538] : memref<32768xf32, #tpu.memory_space<vmem>>[vector<16xi32>], vector<16xf32>,
      %add3A_540 = arith.addf %gather3A_535, %gather3A_539 : vector<16xf32>
      %mul3A_541 = arith.constant 2.000000e-01 : f32
      %mul3A_542 = vector.broadcast %mul3A_541 : f32 to vector<16xf32>
      %mul3A_543 = arith.mulf %mul3A_542, %add3A_540 : vector<16xf32>
      %max3A_544 = arith.maximumf %add3A_540, %mul3A_543 : vector<16xf32>
      %get3A_545 = arith.constant 416 : index
      %get3A_546 = tpu.vector_load %arg11[%get3A_545] {strides = array<i32>} : memref<512xf32, #tpu.memory_space<vmem>>, vector<16xf32>,
      %mul3A_547 = arith.mulf %get3A_546, %max3A_544 : vector<16xf32>
      %add3A_548 = arith.addf %add3A_531, %mul3A_547 : vector<16xf32>
      %add3A_549 = arith.constant 27 : i32
      %add3A_550 = vector.broadcast %add3A_549 : i32 to vector<16xi32>
      %add3A_551 = arith.addi %mul3A_88, %add3A_550 : vector<16xi32>
      %gather3A_552 = tpu.vector_load_idx %arg9[%add3A_551] : memref<32768xf32, #tpu.memory_space<vmem>>[vector<16xi32>], vector<16xf32>,
      %add3A_553 = arith.constant 27 : i32
      %add3A_554 = vector.broadcast %add3A_553 : i32 to vector<16xi32>
      %add3A_555 = arith.addi %mul3A_91, %add3A_554 : vector<16xi32>
      %gather3A_556 = tpu.vector_load_idx %arg10[%add3A_555] : memref<32768xf32, #tpu.memory_space<vmem>>[vector<16xi32>], vector<16xf32>,
      %add3A_557 = arith.addf %gather3A_552, %gather3A_556 : vector<16xf32>
      %mul3A_558 = arith.constant 2.000000e-01 : f32
      %mul3A_559 = vector.broadcast %mul3A_558 : f32 to vector<16xf32>
      %mul3A_560 = arith.mulf %mul3A_559, %add3A_557 : vector<16xf32>
      %max3A_561 = arith.maximumf %add3A_557, %mul3A_560 : vector<16xf32>
      %get3A_562 = arith.constant 432 : index
      %get3A_563 = tpu.vector_load %arg11[%get3A_562] {strides = array<i32>} : memref<512xf32, #tpu.memory_space<vmem>>, vector<16xf32>,
      %mul3A_564 = arith.mulf %get3A_563, %max3A_561 : vector<16xf32>
      %add3A_565 = arith.addf %add3A_548, %mul3A_564 : vector<16xf32>
      %add3A_566 = arith.constant 28 : i32
      %add3A_567 = vector.broadcast %add3A_566 : i32 to vector<16xi32>
      %add3A_568 = arith.addi %mul3A_88, %add3A_567 : vector<16xi32>
      %gather3A_569 = tpu.vector_load_idx %arg9[%add3A_568] : memref<32768xf32, #tpu.memory_space<vmem>>[vector<16xi32>], vector<16xf32>,
      %add3A_570 = arith.constant 28 : i32
      %add3A_571 = vector.broadcast %add3A_570 : i32 to vector<16xi32>
      %add3A_572 = arith.addi %mul3A_91, %add3A_571 : vector<16xi32>
      %gather3A_573 = tpu.vector_load_idx %arg10[%add3A_572] : memref<32768xf32, #tpu.memory_space<vmem>>[vector<16xi32>], vector<16xf32>,
      %add3A_574 = arith.addf %gather3A_569, %gather3A_573 : vector<16xf32>
      %mul3A_575 = arith.constant 2.000000e-01 : f32
      %mul3A_576 = vector.broadcast %mul3A_575 : f32 to vector<16xf32>
      %mul3A_577 = arith.mulf %mul3A_576, %add3A_574 : vector<16xf32>
      %max3A_578 = arith.maximumf %add3A_574, %mul3A_577 : vector<16xf32>
      %get3A_579 = arith.constant 448 : index
      %get3A_580 = tpu.vector_load %arg11[%get3A_579] {strides = array<i32>} : memref<512xf32, #tpu.memory_space<vmem>>, vector<16xf32>,
      %mul3A_581 = arith.mulf %get3A_580, %max3A_578 : vector<16xf32>
      %add3A_582 = arith.addf %add3A_565, %mul3A_581 : vector<16xf32>
      %add3A_583 = arith.constant 29 : i32
      %add3A_584 = vector.broadcast %add3A_583 : i32 to vector<16xi32>
      %add3A_585 = arith.addi %mul3A_88, %add3A_584 : vector<16xi32>
      %gather3A_586 = tpu.vector_load_idx %arg9[%add3A_585] : memref<32768xf32, #tpu.memory_space<vmem>>[vector<16xi32>], vector<16xf32>,
      %add3A_587 = arith.constant 29 : i32
      %add3A_588 = vector.broadcast %add3A_587 : i32 to vector<16xi32>
      %add3A_589 = arith.addi %mul3A_91, %add3A_588 : vector<16xi32>
      %gather3A_590 = tpu.vector_load_idx %arg10[%add3A_589] : memref<32768xf32, #tpu.memory_space<vmem>>[vector<16xi32>], vector<16xf32>,
      %add3A_591 = arith.addf %gather3A_586, %gather3A_590 : vector<16xf32>
      %mul3A_592 = arith.constant 2.000000e-01 : f32
      %mul3A_593 = vector.broadcast %mul3A_592 : f32 to vector<16xf32>
      %mul3A_594 = arith.mulf %mul3A_593, %add3A_591 : vector<16xf32>
      %max3A_595 = arith.maximumf %add3A_591, %mul3A_594 : vector<16xf32>
      %get3A_596 = arith.constant 464 : index
      %get3A_597 = tpu.vector_load %arg11[%get3A_596] {strides = array<i32>} : memref<512xf32, #tpu.memory_space<vmem>>, vector<16xf32>,
      %mul3A_598 = arith.mulf %get3A_597, %max3A_595 : vector<16xf32>
      %add3A_599 = arith.addf %add3A_582, %mul3A_598 : vector<16xf32>
      %add3A_600 = arith.constant 30 : i32
      %add3A_601 = vector.broadcast %add3A_600 : i32 to vector<16xi32>
      %add3A_602 = arith.addi %mul3A_88, %add3A_601 : vector<16xi32>
      %gather3A_603 = tpu.vector_load_idx %arg9[%add3A_602] : memref<32768xf32, #tpu.memory_space<vmem>>[vector<16xi32>], vector<16xf32>,
      %add3A_604 = arith.constant 30 : i32
      %add3A_605 = vector.broadcast %add3A_604 : i32 to vector<16xi32>
      %add3A_606 = arith.addi %mul3A_91, %add3A_605 : vector<16xi32>
      %gather3A_607 = tpu.vector_load_idx %arg10[%add3A_606] : memref<32768xf32, #tpu.memory_space<vmem>>[vector<16xi32>], vector<16xf32>,
      %add3A_608 = arith.addf %gather3A_603, %gather3A_607 : vector<16xf32>
      %mul3A_609 = arith.constant 2.000000e-01 : f32
      %mul3A_610 = vector.broadcast %mul3A_609 : f32 to vector<16xf32>
      %mul3A_611 = arith.mulf %mul3A_610, %add3A_608 : vector<16xf32>
      %max3A_612 = arith.maximumf %add3A_608, %mul3A_611 : vector<16xf32>
      %get3A_613 = arith.constant 480 : index
      %get3A_614 = tpu.vector_load %arg11[%get3A_613] {strides = array<i32>} : memref<512xf32, #tpu.memory_space<vmem>>, vector<16xf32>,
      %mul3A_615 = arith.mulf %get3A_614, %max3A_612 : vector<16xf32>
      %add3A_616 = arith.addf %add3A_599, %mul3A_615 : vector<16xf32>
      %add3A_617 = arith.constant 31 : i32
      %add3A_618 = vector.broadcast %add3A_617 : i32 to vector<16xi32>
      %add3A_619 = arith.addi %mul3A_88, %add3A_618 : vector<16xi32>
      %gather3A_620 = tpu.vector_load_idx %arg9[%add3A_619] : memref<32768xf32, #tpu.memory_space<vmem>>[vector<16xi32>], vector<16xf32>,
      %add3A_621 = arith.constant 31 : i32
      %add3A_622 = vector.broadcast %add3A_621 : i32 to vector<16xi32>
      %add3A_623 = arith.addi %mul3A_91, %add3A_622 : vector<16xi32>
      %gather3A_624 = tpu.vector_load_idx %arg10[%add3A_623] : memref<32768xf32, #tpu.memory_space<vmem>>[vector<16xi32>], vector<16xf32>,
      %add3A_625 = arith.addf %gather3A_620, %gather3A_624 : vector<16xf32>
      %mul3A_626 = arith.constant 2.000000e-01 : f32
      %mul3A_627 = vector.broadcast %mul3A_626 : f32 to vector<16xf32>
      %mul3A_628 = arith.mulf %mul3A_627, %add3A_625 : vector<16xf32>
      %max3A_629 = arith.maximumf %add3A_625, %mul3A_628 : vector<16xf32>
      %get3A_630 = arith.constant 496 : index
      %get3A_631 = tpu.vector_load %arg11[%get3A_630] {strides = array<i32>} : memref<512xf32, #tpu.memory_space<vmem>>, vector<16xf32>,
      %mul3A_632 = arith.mulf %get3A_631, %max3A_629 : vector<16xf32>
      %add3A_633 = arith.addf %add3A_616, %mul3A_632 : vector<16xf32>
      %exp3A = math.exp %add3A_633 : vector<16xf32>
      tpu.vector_store_idx %arg15[%get3A_85], %exp3A {add = true} : memref<1024xf32, #tpu.memory_space<vmem>>[vector<16xi32>], vector<16xf32>,
      %add3A_634 = arith.constant 0 : i32
      %add3A_635 = vector.broadcast %add3A_634 : i32 to vector<16xi32>
      %add3A_636 = arith.addi %mul3A_91, %add3A_635 : vector<16xi32>
      %mul3A_637 = arith.mulf %exp3A, %gather3A : vector<16xf32>
      tpu.vector_store_idx %arg14[%add3A_636], %mul3A_637 {add = true} : memref<32768xf32, #tpu.memory_space<vmem>>[vector<16xi32>], vector<16xf32>,
      %add3A_638 = arith.constant 1 : i32
      %add3A_639 = vector.broadcast %add3A_638 : i32 to vector<16xi32>
      %add3A_640 = arith.addi %mul3A_91, %add3A_639 : vector<16xi32>
      %mul3A_641 = arith.mulf %exp3A, %gather3A_110 : vector<16xf32>
      tpu.vector_store_idx %arg14[%add3A_640], %mul3A_641 {add = true} : memref<32768xf32, #tpu.memory_space<vmem>>[vector<16xi32>], vector<16xf32>,
      %add3A_642 = arith.constant 2 : i32
      %add3A_643 = vector.broadcast %add3A_642 : i32 to vector<16xi32>
      %add3A_644 = arith.addi %mul3A_91, %add3A_643 : vector<16xi32>
      %mul3A_645 = arith.mulf %exp3A, %gather3A_127 : vector<16xf32>
      tpu.vector_store_idx %arg14[%add3A_644], %mul3A_645 {add = true} : memref<32768xf32, #tpu.memory_space<vmem>>[vector<16xi32>], vector<16xf32>,
      %add3A_646 = arith.constant 3 : i32
      %add3A_647 = vector.broadcast %add3A_646 : i32 to vector<16xi32>
      %add3A_648 = arith.addi %mul3A_91, %add3A_647 : vector<16xi32>
      %mul3A_649 = arith.mulf %exp3A, %gather3A_144 : vector<16xf32>
      tpu.vector_store_idx %arg14[%add3A_648], %mul3A_649 {add = true} : memref<32768xf32, #tpu.memory_space<vmem>>[vector<16xi32>], vector<16xf32>,
      %add3A_650 = arith.constant 4 : i32
      %add3A_651 = vector.broadcast %add3A_650 : i32 to vector<16xi32>
      %add3A_652 = arith.addi %mul3A_91, %add3A_651 : vector<16xi32>
      %mul3A_653 = arith.mulf %exp3A, %gather3A_161 : vector<16xf32>
      tpu.vector_store_idx %arg14[%add3A_652], %mul3A_653 {add = true} : memref<32768xf32, #tpu.memory_space<vmem>>[vector<16xi32>], vector<16xf32>,
      %add3A_654 = arith.constant 5 : i32
      %add3A_655 = vector.broadcast %add3A_654 : i32 to vector<16xi32>
      %add3A_656 = arith.addi %mul3A_91, %add3A_655 : vector<16xi32>
      %mul3A_657 = arith.mulf %exp3A, %gather3A_178 : vector<16xf32>
      tpu.vector_store_idx %arg14[%add3A_656], %mul3A_657 {add = true} : memref<32768xf32, #tpu.memory_space<vmem>>[vector<16xi32>], vector<16xf32>,
      %add3A_658 = arith.constant 6 : i32
      %add3A_659 = vector.broadcast %add3A_658 : i32 to vector<16xi32>
      %add3A_660 = arith.addi %mul3A_91, %add3A_659 : vector<16xi32>
      %mul3A_661 = arith.mulf %exp3A, %gather3A_195 : vector<16xf32>
      tpu.vector_store_idx %arg14[%add3A_660], %mul3A_661 {add = true} : memref<32768xf32, #tpu.memory_space<vmem>>[vector<16xi32>], vector<16xf32>,
      %add3A_662 = arith.constant 7 : i32
      %add3A_663 = vector.broadcast %add3A_662 : i32 to vector<16xi32>
      %add3A_664 = arith.addi %mul3A_91, %add3A_663 : vector<16xi32>
      %mul3A_665 = arith.mulf %exp3A, %gather3A_212 : vector<16xf32>
      tpu.vector_store_idx %arg14[%add3A_664], %mul3A_665 {add = true} : memref<32768xf32, #tpu.memory_space<vmem>>[vector<16xi32>], vector<16xf32>,
      %add3A_666 = arith.constant 8 : i32
      %add3A_667 = vector.broadcast %add3A_666 : i32 to vector<16xi32>
      %add3A_668 = arith.addi %mul3A_91, %add3A_667 : vector<16xi32>
      %mul3A_669 = arith.mulf %exp3A, %gather3A_229 : vector<16xf32>
      tpu.vector_store_idx %arg14[%add3A_668], %mul3A_669 {add = true} : memref<32768xf32, #tpu.memory_space<vmem>>[vector<16xi32>], vector<16xf32>,
      %add3A_670 = arith.constant 9 : i32
      %add3A_671 = vector.broadcast %add3A_670 : i32 to vector<16xi32>
      %add3A_672 = arith.addi %mul3A_91, %add3A_671 : vector<16xi32>
      %mul3A_673 = arith.mulf %exp3A, %gather3A_246 : vector<16xf32>
      tpu.vector_store_idx %arg14[%add3A_672], %mul3A_673 {add = true} : memref<32768xf32, #tpu.memory_space<vmem>>[vector<16xi32>], vector<16xf32>,
      %add3A_674 = arith.constant 10 : i32
      %add3A_675 = vector.broadcast %add3A_674 : i32 to vector<16xi32>
      %add3A_676 = arith.addi %mul3A_91, %add3A_675 : vector<16xi32>
      %mul3A_677 = arith.mulf %exp3A, %gather3A_263 : vector<16xf32>
      tpu.vector_store_idx %arg14[%add3A_676], %mul3A_677 {add = true} : memref<32768xf32, #tpu.memory_space<vmem>>[vector<16xi32>], vector<16xf32>,
      %add3A_678 = arith.constant 11 : i32
      %add3A_679 = vector.broadcast %add3A_678 : i32 to vector<16xi32>
      %add3A_680 = arith.addi %mul3A_91, %add3A_679 : vector<16xi32>
      %mul3A_681 = arith.mulf %exp3A, %gather3A_280 : vector<16xf32>
      tpu.vector_store_idx %arg14[%add3A_680], %mul3A_681 {add = true} : memref<32768xf32, #tpu.memory_space<vmem>>[vector<16xi32>], vector<16xf32>,
      %add3A_682 = arith.constant 12 : i32
      %add3A_683 = vector.broadcast %add3A_682 : i32 to vector<16xi32>
      %add3A_684 = arith.addi %mul3A_91, %add3A_683 : vector<16xi32>
      %mul3A_685 = arith.mulf %exp3A, %gather3A_297 : vector<16xf32>
      tpu.vector_store_idx %arg14[%add3A_684], %mul3A_685 {add = true} : memref<32768xf32, #tpu.memory_space<vmem>>[vector<16xi32>], vector<16xf32>,
      %add3A_686 = arith.constant 13 : i32
      %add3A_687 = vector.broadcast %add3A_686 : i32 to vector<16xi32>
      %add3A_688 = arith.addi %mul3A_91, %add3A_687 : vector<16xi32>
      %mul3A_689 = arith.mulf %exp3A, %gather3A_314 : vector<16xf32>
      tpu.vector_store_idx %arg14[%add3A_688], %mul3A_689 {add = true} : memref<32768xf32, #tpu.memory_space<vmem>>[vector<16xi32>], vector<16xf32>,
      %add3A_690 = arith.constant 14 : i32
      %add3A_691 = vector.broadcast %add3A_690 : i32 to vector<16xi32>
      %add3A_692 = arith.addi %mul3A_91, %add3A_691 : vector<16xi32>
      %mul3A_693 = arith.mulf %exp3A, %gather3A_331 : vector<16xf32>
      tpu.vector_store_idx %arg14[%add3A_692], %mul3A_693 {add = true} : memref<32768xf32, #tpu.memory_space<vmem>>[vector<16xi32>], vector<16xf32>,
      %add3A_694 = arith.constant 15 : i32
      %add3A_695 = vector.broadcast %add3A_694 : i32 to vector<16xi32>
      %add3A_696 = arith.addi %mul3A_91, %add3A_695 : vector<16xi32>
      %mul3A_697 = arith.mulf %exp3A, %gather3A_348 : vector<16xf32>
      tpu.vector_store_idx %arg14[%add3A_696], %mul3A_697 {add = true} : memref<32768xf32, #tpu.memory_space<vmem>>[vector<16xi32>], vector<16xf32>,
      %add3A_698 = arith.constant 16 : i32
      %add3A_699 = vector.broadcast %add3A_698 : i32 to vector<16xi32>
      %add3A_700 = arith.addi %mul3A_91, %add3A_699 : vector<16xi32>
      %mul3A_701 = arith.mulf %exp3A, %gather3A_365 : vector<16xf32>
      tpu.vector_store_idx %arg14[%add3A_700], %mul3A_701 {add = true} : memref<32768xf32, #tpu.memory_space<vmem>>[vector<16xi32>], vector<16xf32>,
      %add3A_702 = arith.constant 17 : i32
      %add3A_703 = vector.broadcast %add3A_702 : i32 to vector<16xi32>
      %add3A_704 = arith.addi %mul3A_91, %add3A_703 : vector<16xi32>
      %mul3A_705 = arith.mulf %exp3A, %gather3A_382 : vector<16xf32>
      tpu.vector_store_idx %arg14[%add3A_704], %mul3A_705 {add = true} : memref<32768xf32, #tpu.memory_space<vmem>>[vector<16xi32>], vector<16xf32>,
      %add3A_706 = arith.constant 18 : i32
      %add3A_707 = vector.broadcast %add3A_706 : i32 to vector<16xi32>
      %add3A_708 = arith.addi %mul3A_91, %add3A_707 : vector<16xi32>
      %mul3A_709 = arith.mulf %exp3A, %gather3A_399 : vector<16xf32>
      tpu.vector_store_idx %arg14[%add3A_708], %mul3A_709 {add = true} : memref<32768xf32, #tpu.memory_space<vmem>>[vector<16xi32>], vector<16xf32>,
      %add3A_710 = arith.constant 19 : i32
      %add3A_711 = vector.broadcast %add3A_710 : i32 to vector<16xi32>
      %add3A_712 = arith.addi %mul3A_91, %add3A_711 : vector<16xi32>
      %mul3A_713 = arith.mulf %exp3A, %gather3A_416 : vector<16xf32>
      tpu.vector_store_idx %arg14[%add3A_712], %mul3A_713 {add = true} : memref<32768xf32, #tpu.memory_space<vmem>>[vector<16xi32>], vector<16xf32>,
      %add3A_714 = arith.constant 20 : i32
      %add3A_715 = vector.broadcast %add3A_714 : i32 to vector<16xi32>
      %add3A_716 = arith.addi %mul3A_91, %add3A_715 : vector<16xi32>
      %mul3A_717 = arith.mulf %exp3A, %gather3A_433 : vector<16xf32>
      tpu.vector_store_idx %arg14[%add3A_716], %mul3A_717 {add = true} : memref<32768xf32, #tpu.memory_space<vmem>>[vector<16xi32>], vector<16xf32>,
      %add3A_718 = arith.constant 21 : i32
      %add3A_719 = vector.broadcast %add3A_718 : i32 to vector<16xi32>
      %add3A_720 = arith.addi %mul3A_91, %add3A_719 : vector<16xi32>
      %mul3A_721 = arith.mulf %exp3A, %gather3A_450 : vector<16xf32>
      tpu.vector_store_idx %arg14[%add3A_720], %mul3A_721 {add = true} : memref<32768xf32, #tpu.memory_space<vmem>>[vector<16xi32>], vector<16xf32>,
      %add3A_722 = arith.constant 22 : i32
      %add3A_723 = vector.broadcast %add3A_722 : i32 to vector<16xi32>
      %add3A_724 = arith.addi %mul3A_91, %add3A_723 : vector<16xi32>
      %mul3A_725 = arith.mulf %exp3A, %gather3A_467 : vector<16xf32>
      tpu.vector_store_idx %arg14[%add3A_724], %mul3A_725 {add = true} : memref<32768xf32, #tpu.memory_space<vmem>>[vector<16xi32>], vector<16xf32>,
      %add3A_726 = arith.constant 23 : i32
      %add3A_727 = vector.broadcast %add3A_726 : i32 to vector<16xi32>
      %add3A_728 = arith.addi %mul3A_91, %add3A_727 : vector<16xi32>
      %mul3A_729 = arith.mulf %exp3A, %gather3A_484 : vector<16xf32>
      tpu.vector_store_idx %arg14[%add3A_728], %mul3A_729 {add = true} : memref<32768xf32, #tpu.memory_space<vmem>>[vector<16xi32>], vector<16xf32>,
      %add3A_730 = arith.constant 24 : i32
      %add3A_731 = vector.broadcast %add3A_730 : i32 to vector<16xi32>
      %add3A_732 = arith.addi %mul3A_91, %add3A_731 : vector<16xi32>
      %mul3A_733 = arith.mulf %exp3A, %gather3A_501 : vector<16xf32>
      tpu.vector_store_idx %arg14[%add3A_732], %mul3A_733 {add = true} : memref<32768xf32, #tpu.memory_space<vmem>>[vector<16xi32>], vector<16xf32>,
      %add3A_734 = arith.constant 25 : i32
      %add3A_735 = vector.broadcast %add3A_734 : i32 to vector<16xi32>
      %add3A_736 = arith.addi %mul3A_91, %add3A_735 : vector<16xi32>
      %mul3A_737 = arith.mulf %exp3A, %gather3A_518 : vector<16xf32>
      tpu.vector_store_idx %arg14[%add3A_736], %mul3A_737 {add = true} : memref<32768xf32, #tpu.memory_space<vmem>>[vector<16xi32>], vector<16xf32>,
      %add3A_738 = arith.constant 26 : i32
      %add3A_739 = vector.broadcast %add3A_738 : i32 to vector<16xi32>
      %add3A_740 = arith.addi %mul3A_91, %add3A_739 : vector<16xi32>
      %mul3A_741 = arith.mulf %exp3A, %gather3A_535 : vector<16xf32>
      tpu.vector_store_idx %arg14[%add3A_740], %mul3A_741 {add = true} : memref<32768xf32, #tpu.memory_space<vmem>>[vector<16xi32>], vector<16xf32>,
      %add3A_742 = arith.constant 27 : i32
      %add3A_743 = vector.broadcast %add3A_742 : i32 to vector<16xi32>
      %add3A_744 = arith.addi %mul3A_91, %add3A_743 : vector<16xi32>
      %mul3A_745 = arith.mulf %exp3A, %gather3A_552 : vector<16xf32>
      tpu.vector_store_idx %arg14[%add3A_744], %mul3A_745 {add = true} : memref<32768xf32, #tpu.memory_space<vmem>>[vector<16xi32>], vector<16xf32>,
      %add3A_746 = arith.constant 28 : i32
      %add3A_747 = vector.broadcast %add3A_746 : i32 to vector<16xi32>
      %add3A_748 = arith.addi %mul3A_91, %add3A_747 : vector<16xi32>
      %mul3A_749 = arith.mulf %exp3A, %gather3A_569 : vector<16xf32>
      tpu.vector_store_idx %arg14[%add3A_748], %mul3A_749 {add = true} : memref<32768xf32, #tpu.memory_space<vmem>>[vector<16xi32>], vector<16xf32>,
      %add3A_750 = arith.constant 29 : i32
      %add3A_751 = vector.broadcast %add3A_750 : i32 to vector<16xi32>
      %add3A_752 = arith.addi %mul3A_91, %add3A_751 : vector<16xi32>
      %mul3A_753 = arith.mulf %exp3A, %gather3A_586 : vector<16xf32>
      tpu.vector_store_idx %arg14[%add3A_752], %mul3A_753 {add = true} : memref<32768xf32, #tpu.memory_space<vmem>>[vector<16xi32>], vector<16xf32>,
      %add3A_754 = arith.constant 30 : i32
      %add3A_755 = vector.broadcast %add3A_754 : i32 to vector<16xi32>
      %add3A_756 = arith.addi %mul3A_91, %add3A_755 : vector<16xi32>
      %mul3A_757 = arith.mulf %exp3A, %gather3A_603 : vector<16xf32>
      tpu.vector_store_idx %arg14[%add3A_756], %mul3A_757 {add = true} : memref<32768xf32, #tpu.memory_space<vmem>>[vector<16xi32>], vector<16xf32>,
      %add3A_758 = arith.constant 31 : i32
      %add3A_759 = vector.broadcast %add3A_758 : i32 to vector<16xi32>
      %add3A_760 = arith.addi %mul3A_91, %add3A_759 : vector<16xi32>
      %mul3A_761 = arith.mulf %exp3A, %gather3A_620 : vector<16xf32>
      tpu.vector_store_idx %arg14[%add3A_760], %mul3A_761 {add = true} : memref<32768xf32, #tpu.memory_space<vmem>>[vector<16xi32>], vector<16xf32>,
    }
    %scan3A_33 = arith.constant 512 : i32
    "tpu.region"() ({
      %run_scoped3A = tpu.sem_alloc : memref<!tpu.dma_semaphore, #tpu.memory_space<semaphore_mem>>
      %dma_start3A = arith.constant 0 : i32
      %dma_start3A_74 = tpu.memref_slice %arg7[%add3A_5, %dma_start3A] : memref<64x32768xf32, #tpu.memory_space<hbm>> -> memref<1x32768xf32, #tpu.memory_space<hbm>>
      %dma_start3A_75 = tpu.memref_squeeze %dma_start3A_74 : memref<1x32768xf32, #tpu.memory_space<hbm>> -> memref<32768xf32, #tpu.memory_space<hbm>>
      %dma_start3A_76 = arith.constant 0 : i32
      %dma_start3A_77 = tpu.memref_slice %arg7[%add3A_5, %dma_start3A_76] : memref<64x32768xf32, #tpu.memory_space<hbm>> -> memref<1x32768xf32, #tpu.memory_space<hbm>>
      %dma_start3A_78 = tpu.memref_squeeze %dma_start3A_77 : memref<1x32768xf32, #tpu.memory_space<hbm>> -> memref<32768xf32, #tpu.memory_space<hbm>>
      tpu.enqueue_dma source(%arg14 : memref<32768xf32, #tpu.memory_space<vmem>>) target(%dma_start3A_78 : memref<32768xf32, #tpu.memory_space<hbm>>) target_semaphore(%run_scoped3A : memref<!tpu.dma_semaphore, #tpu.memory_space<semaphore_mem>>)
      %dma_wait3A = arith.constant 0 : i32
      %dma_wait3A_79 = tpu.memref_slice %arg7[%add3A_5, %dma_wait3A] : memref<64x32768xf32, #tpu.memory_space<hbm>> -> memref<1x32768xf32, #tpu.memory_space<hbm>>
      %dma_wait3A_80 = tpu.memref_squeeze %dma_wait3A_79 : memref<1x32768xf32, #tpu.memory_space<hbm>> -> memref<32768xf32, #tpu.memory_space<hbm>>
      %dma_wait3A_81 = arith.constant 0 : i32
      %dma_wait3A_82 = tpu.memref_slice %arg7[%add3A_5, %dma_wait3A_81] : memref<64x32768xf32, #tpu.memory_space<hbm>> -> memref<1x32768xf32, #tpu.memory_space<hbm>>
      %dma_wait3A_83 = tpu.memref_squeeze %dma_wait3A_82 : memref<1x32768xf32, #tpu.memory_space<hbm>> -> memref<32768xf32, #tpu.memory_space<hbm>>
      tpu.wait_dma2 semaphore(%run_scoped3A : memref<!tpu.dma_semaphore, #tpu.memory_space<semaphore_mem>>) src(%arg14 : memref<32768xf32, #tpu.memory_space<vmem>>) dst(%dma_wait3A_83 : memref<32768xf32, #tpu.memory_space<hbm>>)
      tpu.yield
    }) : () -> ()
    "tpu.region"() ({
      %run_scoped3A = tpu.sem_alloc : memref<!tpu.dma_semaphore, #tpu.memory_space<semaphore_mem>>
      %dma_start3A = arith.constant 0 : i32
      %dma_start3A_74 = tpu.memref_slice %arg8[%add3A_5, %dma_start3A] : memref<64x1024xf32, #tpu.memory_space<hbm>> -> memref<1x1024xf32, #tpu.memory_space<hbm>>
      %dma_start3A_75 = tpu.memref_squeeze %dma_start3A_74 : memref<1x1024xf32, #tpu.memory_space<hbm>> -> memref<1024xf32, #tpu.memory_space<hbm>>
      %dma_start3A_76 = arith.constant 0 : i32
      %dma_start3A_77 = tpu.memref_slice %arg8[%add3A_5, %dma_start3A_76] : memref<64x1024xf32, #tpu.memory_space<hbm>> -> memref<1x1024xf32, #tpu.memory_space<hbm>>
      %dma_start3A_78 = tpu.memref_squeeze %dma_start3A_77 : memref<1x1024xf32, #tpu.memory_space<hbm>> -> memref<1024xf32, #tpu.memory_space<hbm>>
      tpu.enqueue_dma source(%arg15 : memref<1024xf32, #tpu.memory_space<vmem>>) target(%dma_start3A_78 : memref<1024xf32, #tpu.memory_space<hbm>>) target_semaphore(%run_scoped3A : memref<!tpu.dma_semaphore, #tpu.memory_space<semaphore_mem>>)
      %dma_wait3A = arith.constant 0 : i32
      %dma_wait3A_79 = tpu.memref_slice %arg8[%add3A_5, %dma_wait3A] : memref<64x1024xf32, #tpu.memory_space<hbm>> -> memref<1x1024xf32, #tpu.memory_space<hbm>>
      %dma_wait3A_80 = tpu.memref_squeeze %dma_wait3A_79 : memref<1x1024xf32, #tpu.memory_space<hbm>> -> memref<1024xf32, #tpu.memory_space<hbm>>
      %dma_wait3A_81 = arith.constant 0 : i32
      %dma_wait3A_82 = tpu.memref_slice %arg8[%add3A_5, %dma_wait3A_81] : memref<64x1024xf32, #tpu.memory_space<hbm>> -> memref<1x1024xf32, #tpu.memory_space<hbm>>
      %dma_wait3A_83 = tpu.memref_squeeze %dma_wait3A_82 : memref<1x1024xf32, #tpu.memory_space<hbm>> -> memref<1024xf32, #tpu.memory_space<hbm>>
      tpu.wait_dma2 semaphore(%run_scoped3A : memref<!tpu.dma_semaphore, #tpu.memory_space<semaphore_mem>>) src(%arg15 : memref<1024xf32, #tpu.memory_space<vmem>>) dst(%dma_wait3A_83 : memref<1024xf32, #tpu.memory_space<hbm>>)
      tpu.yield
    }) : () -> ()
    %mul3A_34 = arith.constant 2 : i32
    %mul3A_35 = arith.muli %add3A, %mul3A_34 : i32
    %add3A_36 = arith.constant 1 : i32
    %add3A_37 = arith.addi %mul3A_35, %add3A_36 : i32
    %jit3A_38 = arith.constant 4 : i32
    %eq3A_39 = arith.constant 0 : i32
    %eq3A_40 = arith.cmpi eq, %jit3A_38, %eq3A_39 : i32
    %jit3A_41 = arith.constant 1 : i32
    %select_n3A_42 = arith.select %eq3A_40, %jit3A_41, %jit3A_38 : i32
    %rem3A_43 = arith.remsi %add3A_37, %select_n3A_42 : i32
    %ne3A_44 = arith.constant 0 : i32
    %ne3A_45 = arith.cmpi ne, %rem3A_43, %ne3A_44 : i32
    %lt3A_46 = arith.constant 0 : i32
    %lt3A_47 = arith.cmpi slt, %rem3A_43, %lt3A_46 : i32
    %lt3A_48 = arith.constant 0 : i32
    %lt3A_49 = arith.cmpi slt, %select_n3A_42, %lt3A_48 : i32
    %ne3A_50 = arith.xori %lt3A_47, %lt3A_49 : i1
    %and3A_51 = arith.andi %ne3A_50, %ne3A_45 : i1
    %add3A_52 = arith.addi %rem3A_43, %select_n3A_42 : i32
    %select_n3A_53 = arith.select %and3A_51, %add3A_52, %rem3A_43 : i32
    "tpu.region"() ({
      %run_scoped3A = tpu.sem_alloc : memref<!tpu.dma_semaphore, #tpu.memory_space<semaphore_mem>>
      %dma_start3A = arith.constant 0 : i32
      %dma_start3A_74 = tpu.memref_slice %arg2[%add3A_37, %dma_start3A] : memref<64x32768xf32, #tpu.memory_space<hbm>> -> memref<1x32768xf32, #tpu.memory_space<hbm>>
      %dma_start3A_75 = tpu.memref_squeeze %dma_start3A_74 : memref<1x32768xf32, #tpu.memory_space<hbm>> -> memref<32768xf32, #tpu.memory_space<hbm>>
      %dma_start3A_76 = arith.constant 0 : i32
      %dma_start3A_77 = tpu.memref_slice %arg2[%add3A_37, %dma_start3A_76] : memref<64x32768xf32, #tpu.memory_space<hbm>> -> memref<1x32768xf32, #tpu.memory_space<hbm>>
      %dma_start3A_78 = tpu.memref_squeeze %dma_start3A_77 : memref<1x32768xf32, #tpu.memory_space<hbm>> -> memref<32768xf32, #tpu.memory_space<hbm>>
      tpu.enqueue_dma source(%dma_start3A_78 : memref<32768xf32, #tpu.memory_space<hbm>>) target(%arg9 : memref<32768xf32, #tpu.memory_space<vmem>>) target_semaphore(%run_scoped3A : memref<!tpu.dma_semaphore, #tpu.memory_space<semaphore_mem>>)
      %dma_wait3A = arith.constant 0 : i32
      %dma_wait3A_79 = tpu.memref_slice %arg2[%add3A_37, %dma_wait3A] : memref<64x32768xf32, #tpu.memory_space<hbm>> -> memref<1x32768xf32, #tpu.memory_space<hbm>>
      %dma_wait3A_80 = tpu.memref_squeeze %dma_wait3A_79 : memref<1x32768xf32, #tpu.memory_space<hbm>> -> memref<32768xf32, #tpu.memory_space<hbm>>
      %dma_wait3A_81 = arith.constant 0 : i32
      %dma_wait3A_82 = tpu.memref_slice %arg2[%add3A_37, %dma_wait3A_81] : memref<64x32768xf32, #tpu.memory_space<hbm>> -> memref<1x32768xf32, #tpu.memory_space<hbm>>
      %dma_wait3A_83 = tpu.memref_squeeze %dma_wait3A_82 : memref<1x32768xf32, #tpu.memory_space<hbm>> -> memref<32768xf32, #tpu.memory_space<hbm>>
      tpu.wait_dma2 semaphore(%run_scoped3A : memref<!tpu.dma_semaphore, #tpu.memory_space<semaphore_mem>>) src(%dma_wait3A_83 : memref<32768xf32, #tpu.memory_space<hbm>>) dst(%arg9 : memref<32768xf32, #tpu.memory_space<vmem>>)
      tpu.yield
    }) : () -> ()
    "tpu.region"() ({
      %run_scoped3A = tpu.sem_alloc : memref<!tpu.dma_semaphore, #tpu.memory_space<semaphore_mem>>
      %dma_start3A = arith.constant 0 : i32
      %dma_start3A_74 = tpu.memref_slice %arg3[%add3A_37, %dma_start3A] : memref<64x32768xf32, #tpu.memory_space<hbm>> -> memref<1x32768xf32, #tpu.memory_space<hbm>>
      %dma_start3A_75 = tpu.memref_squeeze %dma_start3A_74 : memref<1x32768xf32, #tpu.memory_space<hbm>> -> memref<32768xf32, #tpu.memory_space<hbm>>
      %dma_start3A_76 = arith.constant 0 : i32
      %dma_start3A_77 = tpu.memref_slice %arg3[%add3A_37, %dma_start3A_76] : memref<64x32768xf32, #tpu.memory_space<hbm>> -> memref<1x32768xf32, #tpu.memory_space<hbm>>
      %dma_start3A_78 = tpu.memref_squeeze %dma_start3A_77 : memref<1x32768xf32, #tpu.memory_space<hbm>> -> memref<32768xf32, #tpu.memory_space<hbm>>
      tpu.enqueue_dma source(%dma_start3A_78 : memref<32768xf32, #tpu.memory_space<hbm>>) target(%arg10 : memref<32768xf32, #tpu.memory_space<vmem>>) target_semaphore(%run_scoped3A : memref<!tpu.dma_semaphore, #tpu.memory_space<semaphore_mem>>)
      %dma_wait3A = arith.constant 0 : i32
      %dma_wait3A_79 = tpu.memref_slice %arg3[%add3A_37, %dma_wait3A] : memref<64x32768xf32, #tpu.memory_space<hbm>> -> memref<1x32768xf32, #tpu.memory_space<hbm>>
      %dma_wait3A_80 = tpu.memref_squeeze %dma_wait3A_79 : memref<1x32768xf32, #tpu.memory_space<hbm>> -> memref<32768xf32, #tpu.memory_space<hbm>>
      %dma_wait3A_81 = arith.constant 0 : i32
      %dma_wait3A_82 = tpu.memref_slice %arg3[%add3A_37, %dma_wait3A_81] : memref<64x32768xf32, #tpu.memory_space<hbm>> -> memref<1x32768xf32, #tpu.memory_space<hbm>>
      %dma_wait3A_83 = tpu.memref_squeeze %dma_wait3A_82 : memref<1x32768xf32, #tpu.memory_space<hbm>> -> memref<32768xf32, #tpu.memory_space<hbm>>
      tpu.wait_dma2 semaphore(%run_scoped3A : memref<!tpu.dma_semaphore, #tpu.memory_space<semaphore_mem>>) src(%dma_wait3A_83 : memref<32768xf32, #tpu.memory_space<hbm>>) dst(%arg10 : memref<32768xf32, #tpu.memory_space<vmem>>)
      tpu.yield
    }) : () -> ()
    "tpu.region"() ({
      %run_scoped3A = tpu.sem_alloc : memref<!tpu.dma_semaphore, #tpu.memory_space<semaphore_mem>>
      %dma_start3A = arith.constant 0 : i32
      %dma_start3A_74 = tpu.memref_slice %arg6[%select_n3A_53, %dma_start3A] : memref<4x512xf32, #tpu.memory_space<hbm>> -> memref<1x512xf32, #tpu.memory_space<hbm>>
      %dma_start3A_75 = tpu.memref_squeeze %dma_start3A_74 : memref<1x512xf32, #tpu.memory_space<hbm>> -> memref<512xf32, #tpu.memory_space<hbm>>
      %dma_start3A_76 = arith.constant 0 : i32
      %dma_start3A_77 = tpu.memref_slice %arg6[%select_n3A_53, %dma_start3A_76] : memref<4x512xf32, #tpu.memory_space<hbm>> -> memref<1x512xf32, #tpu.memory_space<hbm>>
      %dma_start3A_78 = tpu.memref_squeeze %dma_start3A_77 : memref<1x512xf32, #tpu.memory_space<hbm>> -> memref<512xf32, #tpu.memory_space<hbm>>
      tpu.enqueue_dma source(%dma_start3A_78 : memref<512xf32, #tpu.memory_space<hbm>>) target(%arg11 : memref<512xf32, #tpu.memory_space<vmem>>) target_semaphore(%run_scoped3A : memref<!tpu.dma_semaphore, #tpu.memory_space<semaphore_mem>>)
      %dma_wait3A = arith.constant 0 : i32
      %dma_wait3A_79 = tpu.memref_slice %arg6[%select_n3A_53, %dma_wait3A] : memref<4x512xf32, #tpu.memory_space<hbm>> -> memref<1x512xf32, #tpu.memory_space<hbm>>
      %dma_wait3A_80 = tpu.memref_squeeze %dma_wait3A_79 : memref<1x512xf32, #tpu.memory_space<hbm>> -> memref<512xf32, #tpu.memory_space<hbm>>
      %dma_wait3A_81 = arith.constant 0 : i32
      %dma_wait3A_82 = tpu.memref_slice %arg6[%select_n3A_53, %dma_wait3A_81] : memref<4x512xf32, #tpu.memory_space<hbm>> -> memref<1x512xf32, #tpu.memory_space<hbm>>
      %dma_wait3A_83 = tpu.memref_squeeze %dma_wait3A_82 : memref<1x512xf32, #tpu.memory_space<hbm>> -> memref<512xf32, #tpu.memory_space<hbm>>
      tpu.wait_dma2 semaphore(%run_scoped3A : memref<!tpu.dma_semaphore, #tpu.memory_space<semaphore_mem>>) src(%dma_wait3A_83 : memref<512xf32, #tpu.memory_space<hbm>>) dst(%arg11 : memref<512xf32, #tpu.memory_space<vmem>>)
      tpu.yield
    }) : () -> ()
    %scan3A_54 = arith.constant 0 : i32
    %scan3A_55 = arith.constant 2048 : i32
    %scan3A_56 = arith.addi %scan3A_54, %scan3A_55 : i32
    %scan3A_57 = arith.constant 1 : i32
    scf.for %scan3A_74 = %scan3A_54 to %scan3A_56 step %scan3A_57  : i32 {
      %mul3A_75 = arith.constant 1 : i32
      %mul3A_76 = arith.muli %scan3A_74, %mul3A_75 : i32
      %add3A_77 = arith.constant 0 : i32
      %add3A_78 = arith.addi %add3A_77, %mul3A_76 : i32
      %mul3A_79 = arith.constant 16 : i32
      %mul3A_80 = arith.muli %add3A_78, %mul3A_79 : i32
      %swap3A = arith.index_cast %mul3A_80 : i32 to index
      %swap3A_81 = tpu.vector_load %arg14[%swap3A] {strides = array<i32>} : memref<32768xf32, #tpu.memory_space<vmem>>, vector<16xf32>,
      tpu.vector_store %arg14[%swap3A], %broadcast_in_dim3A_1 {strides = array<i32>} : memref<32768xf32, #tpu.memory_space<vmem>>, vector<16xf32>,
    }
    %scan3A_58 = arith.constant 2048 : i32
    %scan3A_59 = arith.constant 0 : i32
    %scan3A_60 = arith.constant 64 : i32
    %scan3A_61 = arith.addi %scan3A_59, %scan3A_60 : i32
    %scan3A_62 = arith.constant 1 : i32
    scf.for %scan3A_74 = %scan3A_59 to %scan3A_61 step %scan3A_62  : i32 {
      %mul3A_75 = arith.constant 1 : i32
      %mul3A_76 = arith.muli %scan3A_74, %mul3A_75 : i32
      %add3A_77 = arith.constant 0 : i32
      %add3A_78 = arith.addi %add3A_77, %mul3A_76 : i32
      %mul3A_79 = arith.constant 16 : i32
      %mul3A_80 = arith.muli %add3A_78, %mul3A_79 : i32
      %swap3A = arith.index_cast %mul3A_80 : i32 to index
      %swap3A_81 = tpu.vector_load %arg15[%swap3A] {strides = array<i32>} : memref<1024xf32, #tpu.memory_space<vmem>>, vector<16xf32>,
      tpu.vector_store %arg15[%swap3A], %broadcast_in_dim3A_1 {strides = array<i32>} : memref<1024xf32, #tpu.memory_space<vmem>>, vector<16xf32>,
    }
    %scan3A_63 = arith.constant 64 : i32
    "tpu.region"() ({
      %run_scoped3A = tpu.sem_alloc : memref<!tpu.dma_semaphore, #tpu.memory_space<semaphore_mem>>
      %dma_start3A = arith.constant 0 : i32
      %dma_start3A_74 = tpu.memref_slice %arg4[%dma_start3A] : memref<16384xi32, #tpu.memory_space<hbm>> -> memref<8192xi32, #tpu.memory_space<hbm>>
      %dma_start3A_75 = arith.constant 0 : i32
      %dma_start3A_76 = tpu.memref_slice %arg4[%dma_start3A_75] : memref<16384xi32, #tpu.memory_space<hbm>> -> memref<8192xi32, #tpu.memory_space<hbm>>
      tpu.enqueue_dma source(%dma_start3A_76 : memref<8192xi32, #tpu.memory_space<hbm>>) target(%arg12 : memref<8192xi32, #tpu.memory_space<vmem>>) target_semaphore(%run_scoped3A : memref<!tpu.dma_semaphore, #tpu.memory_space<semaphore_mem>>)
      %dma_wait3A = arith.constant 0 : i32
      %dma_wait3A_77 = tpu.memref_slice %arg4[%dma_wait3A] : memref<16384xi32, #tpu.memory_space<hbm>> -> memref<8192xi32, #tpu.memory_space<hbm>>
      %dma_wait3A_78 = arith.constant 0 : i32
      %dma_wait3A_79 = tpu.memref_slice %arg4[%dma_wait3A_78] : memref<16384xi32, #tpu.memory_space<hbm>> -> memref<8192xi32, #tpu.memory_space<hbm>>
      tpu.wait_dma2 semaphore(%run_scoped3A : memref<!tpu.dma_semaphore, #tpu.memory_space<semaphore_mem>>) src(%dma_wait3A_79 : memref<8192xi32, #tpu.memory_space<hbm>>) dst(%arg12 : memref<8192xi32, #tpu.memory_space<vmem>>)
      tpu.yield
    }) : () -> ()
    "tpu.region"() ({
      %run_scoped3A = tpu.sem_alloc : memref<!tpu.dma_semaphore, #tpu.memory_space<semaphore_mem>>
      %dma_start3A = arith.constant 0 : i32
      %dma_start3A_74 = tpu.memref_slice %arg5[%dma_start3A] : memref<16384xi32, #tpu.memory_space<hbm>> -> memref<8192xi32, #tpu.memory_space<hbm>>
      %dma_start3A_75 = arith.constant 0 : i32
      %dma_start3A_76 = tpu.memref_slice %arg5[%dma_start3A_75] : memref<16384xi32, #tpu.memory_space<hbm>> -> memref<8192xi32, #tpu.memory_space<hbm>>
      tpu.enqueue_dma source(%dma_start3A_76 : memref<8192xi32, #tpu.memory_space<hbm>>) target(%arg13 : memref<8192xi32, #tpu.memory_space<vmem>>) target_semaphore(%run_scoped3A : memref<!tpu.dma_semaphore, #tpu.memory_space<semaphore_mem>>)
      %dma_wait3A = arith.constant 0 : i32
      %dma_wait3A_77 = tpu.memref_slice %arg5[%dma_wait3A] : memref<16384xi32, #tpu.memory_space<hbm>> -> memref<8192xi32, #tpu.memory_space<hbm>>
      %dma_wait3A_78 = arith.constant 0 : i32
      %dma_wait3A_79 = tpu.memref_slice %arg5[%dma_wait3A_78] : memref<16384xi32, #tpu.memory_space<hbm>> -> memref<8192xi32, #tpu.memory_space<hbm>>
      tpu.wait_dma2 semaphore(%run_scoped3A : memref<!tpu.dma_semaphore, #tpu.memory_space<semaphore_mem>>) src(%dma_wait3A_79 : memref<8192xi32, #tpu.memory_space<hbm>>) dst(%arg13 : memref<8192xi32, #tpu.memory_space<vmem>>)
      tpu.yield
    }) : () -> ()
    %scan3A_64 = arith.constant 0 : i32
    %scan3A_65 = arith.constant 512 : i32
    %scan3A_66 = arith.addi %scan3A_64, %scan3A_65 : i32
    %scan3A_67 = arith.constant 1 : i32
    scf.for %scan3A_74 = %scan3A_64 to %scan3A_66 step %scan3A_67  : i32 {
      %mul3A_75 = arith.constant 1 : i32
      %mul3A_76 = arith.muli %scan3A_74, %mul3A_75 : i32
      %add3A_77 = arith.constant 0 : i32
      %add3A_78 = arith.addi %add3A_77, %mul3A_76 : i32
      %mul3A_79 = arith.constant 16 : i32
      %mul3A_80 = arith.muli %add3A_78, %mul3A_79 : i32
      %get3A = arith.index_cast %mul3A_80 : i32 to index
      %get3A_81 = tpu.vector_load %arg12[%get3A] {strides = array<i32>} : memref<8192xi32, #tpu.memory_space<vmem>>, vector<16xi32>,
      %mul3A_82 = arith.constant 16 : i32
      %mul3A_83 = arith.muli %add3A_78, %mul3A_82 : i32
      %get3A_84 = arith.index_cast %mul3A_83 : i32 to index
      %get3A_85 = tpu.vector_load %arg13[%get3A_84] {strides = array<i32>} : memref<8192xi32, #tpu.memory_space<vmem>>, vector<16xi32>,
      %mul3A_86 = arith.constant 32 : i32
      %mul3A_87 = vector.broadcast %mul3A_86 : i32 to vector<16xi32>
      %mul3A_88 = arith.muli %get3A_81, %mul3A_87 : vector<16xi32>
      %mul3A_89 = arith.constant 32 : i32
      %mul3A_90 = vector.broadcast %mul3A_89 : i32 to vector<16xi32>
      %mul3A_91 = arith.muli %get3A_85, %mul3A_90 : vector<16xi32>
      %add3A_92 = arith.constant 0 : i32
      %add3A_93 = vector.broadcast %add3A_92 : i32 to vector<16xi32>
      %add3A_94 = arith.addi %mul3A_88, %add3A_93 : vector<16xi32>
      %gather3A = tpu.vector_load_idx %arg9[%add3A_94] : memref<32768xf32, #tpu.memory_space<vmem>>[vector<16xi32>], vector<16xf32>,
      %add3A_95 = arith.constant 0 : i32
      %add3A_96 = vector.broadcast %add3A_95 : i32 to vector<16xi32>
      %add3A_97 = arith.addi %mul3A_91, %add3A_96 : vector<16xi32>
      %gather3A_98 = tpu.vector_load_idx %arg10[%add3A_97] : memref<32768xf32, #tpu.memory_space<vmem>>[vector<16xi32>], vector<16xf32>,
      %add3A_99 = arith.addf %gather3A, %gather3A_98 : vector<16xf32>
      %mul3A_100 = arith.constant 2.000000e-01 : f32
      %mul3A_101 = vector.broadcast %mul3A_100 : f32 to vector<16xf32>
      %mul3A_102 = arith.mulf %mul3A_101, %add3A_99 : vector<16xf32>
      %max3A = arith.maximumf %add3A_99, %mul3A_102 : vector<16xf32>
      %get3A_103 = arith.constant 0 : index
      %get3A_104 = tpu.vector_load %arg11[%get3A_103] {strides = array<i32>} : memref<512xf32, #tpu.memory_space<vmem>>, vector<16xf32>,
      %mul3A_105 = arith.mulf %get3A_104, %max3A : vector<16xf32>
      %add3A_106 = arith.addf %broadcast_in_dim3A_1, %mul3A_105 : vector<16xf32>
      %add3A_107 = arith.constant 1 : i32
      %add3A_108 = vector.broadcast %add3A_107 : i32 to vector<16xi32>
      %add3A_109 = arith.addi %mul3A_88, %add3A_108 : vector<16xi32>
      %gather3A_110 = tpu.vector_load_idx %arg9[%add3A_109] : memref<32768xf32, #tpu.memory_space<vmem>>[vector<16xi32>], vector<16xf32>,
      %add3A_111 = arith.constant 1 : i32
      %add3A_112 = vector.broadcast %add3A_111 : i32 to vector<16xi32>
      %add3A_113 = arith.addi %mul3A_91, %add3A_112 : vector<16xi32>
      %gather3A_114 = tpu.vector_load_idx %arg10[%add3A_113] : memref<32768xf32, #tpu.memory_space<vmem>>[vector<16xi32>], vector<16xf32>,
      %add3A_115 = arith.addf %gather3A_110, %gather3A_114 : vector<16xf32>
      %mul3A_116 = arith.constant 2.000000e-01 : f32
      %mul3A_117 = vector.broadcast %mul3A_116 : f32 to vector<16xf32>
      %mul3A_118 = arith.mulf %mul3A_117, %add3A_115 : vector<16xf32>
      %max3A_119 = arith.maximumf %add3A_115, %mul3A_118 : vector<16xf32>
      %get3A_120 = arith.constant 16 : index
      %get3A_121 = tpu.vector_load %arg11[%get3A_120] {strides = array<i32>} : memref<512xf32, #tpu.memory_space<vmem>>, vector<16xf32>,
      %mul3A_122 = arith.mulf %get3A_121, %max3A_119 : vector<16xf32>
      %add3A_123 = arith.addf %add3A_106, %mul3A_122 : vector<16xf32>
      %add3A_124 = arith.constant 2 : i32
      %add3A_125 = vector.broadcast %add3A_124 : i32 to vector<16xi32>
      %add3A_126 = arith.addi %mul3A_88, %add3A_125 : vector<16xi32>
      %gather3A_127 = tpu.vector_load_idx %arg9[%add3A_126] : memref<32768xf32, #tpu.memory_space<vmem>>[vector<16xi32>], vector<16xf32>,
      %add3A_128 = arith.constant 2 : i32
      %add3A_129 = vector.broadcast %add3A_128 : i32 to vector<16xi32>
      %add3A_130 = arith.addi %mul3A_91, %add3A_129 : vector<16xi32>
      %gather3A_131 = tpu.vector_load_idx %arg10[%add3A_130] : memref<32768xf32, #tpu.memory_space<vmem>>[vector<16xi32>], vector<16xf32>,
      %add3A_132 = arith.addf %gather3A_127, %gather3A_131 : vector<16xf32>
      %mul3A_133 = arith.constant 2.000000e-01 : f32
      %mul3A_134 = vector.broadcast %mul3A_133 : f32 to vector<16xf32>
      %mul3A_135 = arith.mulf %mul3A_134, %add3A_132 : vector<16xf32>
      %max3A_136 = arith.maximumf %add3A_132, %mul3A_135 : vector<16xf32>
      %get3A_137 = arith.constant 32 : index
      %get3A_138 = tpu.vector_load %arg11[%get3A_137] {strides = array<i32>} : memref<512xf32, #tpu.memory_space<vmem>>, vector<16xf32>,
      %mul3A_139 = arith.mulf %get3A_138, %max3A_136 : vector<16xf32>
      %add3A_140 = arith.addf %add3A_123, %mul3A_139 : vector<16xf32>
      %add3A_141 = arith.constant 3 : i32
      %add3A_142 = vector.broadcast %add3A_141 : i32 to vector<16xi32>
      %add3A_143 = arith.addi %mul3A_88, %add3A_142 : vector<16xi32>
      %gather3A_144 = tpu.vector_load_idx %arg9[%add3A_143] : memref<32768xf32, #tpu.memory_space<vmem>>[vector<16xi32>], vector<16xf32>,
      %add3A_145 = arith.constant 3 : i32
      %add3A_146 = vector.broadcast %add3A_145 : i32 to vector<16xi32>
      %add3A_147 = arith.addi %mul3A_91, %add3A_146 : vector<16xi32>
      %gather3A_148 = tpu.vector_load_idx %arg10[%add3A_147] : memref<32768xf32, #tpu.memory_space<vmem>>[vector<16xi32>], vector<16xf32>,
      %add3A_149 = arith.addf %gather3A_144, %gather3A_148 : vector<16xf32>
      %mul3A_150 = arith.constant 2.000000e-01 : f32
      %mul3A_151 = vector.broadcast %mul3A_150 : f32 to vector<16xf32>
      %mul3A_152 = arith.mulf %mul3A_151, %add3A_149 : vector<16xf32>
      %max3A_153 = arith.maximumf %add3A_149, %mul3A_152 : vector<16xf32>
      %get3A_154 = arith.constant 48 : index
      %get3A_155 = tpu.vector_load %arg11[%get3A_154] {strides = array<i32>} : memref<512xf32, #tpu.memory_space<vmem>>, vector<16xf32>,
      %mul3A_156 = arith.mulf %get3A_155, %max3A_153 : vector<16xf32>
      %add3A_157 = arith.addf %add3A_140, %mul3A_156 : vector<16xf32>
      %add3A_158 = arith.constant 4 : i32
      %add3A_159 = vector.broadcast %add3A_158 : i32 to vector<16xi32>
      %add3A_160 = arith.addi %mul3A_88, %add3A_159 : vector<16xi32>
      %gather3A_161 = tpu.vector_load_idx %arg9[%add3A_160] : memref<32768xf32, #tpu.memory_space<vmem>>[vector<16xi32>], vector<16xf32>,
      %add3A_162 = arith.constant 4 : i32
      %add3A_163 = vector.broadcast %add3A_162 : i32 to vector<16xi32>
      %add3A_164 = arith.addi %mul3A_91, %add3A_163 : vector<16xi32>
      %gather3A_165 = tpu.vector_load_idx %arg10[%add3A_164] : memref<32768xf32, #tpu.memory_space<vmem>>[vector<16xi32>], vector<16xf32>,
      %add3A_166 = arith.addf %gather3A_161, %gather3A_165 : vector<16xf32>
      %mul3A_167 = arith.constant 2.000000e-01 : f32
      %mul3A_168 = vector.broadcast %mul3A_167 : f32 to vector<16xf32>
      %mul3A_169 = arith.mulf %mul3A_168, %add3A_166 : vector<16xf32>
      %max3A_170 = arith.maximumf %add3A_166, %mul3A_169 : vector<16xf32>
      %get3A_171 = arith.constant 64 : index
      %get3A_172 = tpu.vector_load %arg11[%get3A_171] {strides = array<i32>} : memref<512xf32, #tpu.memory_space<vmem>>, vector<16xf32>,
      %mul3A_173 = arith.mulf %get3A_172, %max3A_170 : vector<16xf32>
      %add3A_174 = arith.addf %add3A_157, %mul3A_173 : vector<16xf32>
      %add3A_175 = arith.constant 5 : i32
      %add3A_176 = vector.broadcast %add3A_175 : i32 to vector<16xi32>
      %add3A_177 = arith.addi %mul3A_88, %add3A_176 : vector<16xi32>
      %gather3A_178 = tpu.vector_load_idx %arg9[%add3A_177] : memref<32768xf32, #tpu.memory_space<vmem>>[vector<16xi32>], vector<16xf32>,
      %add3A_179 = arith.constant 5 : i32
      %add3A_180 = vector.broadcast %add3A_179 : i32 to vector<16xi32>
      %add3A_181 = arith.addi %mul3A_91, %add3A_180 : vector<16xi32>
      %gather3A_182 = tpu.vector_load_idx %arg10[%add3A_181] : memref<32768xf32, #tpu.memory_space<vmem>>[vector<16xi32>], vector<16xf32>,
      %add3A_183 = arith.addf %gather3A_178, %gather3A_182 : vector<16xf32>
      %mul3A_184 = arith.constant 2.000000e-01 : f32
      %mul3A_185 = vector.broadcast %mul3A_184 : f32 to vector<16xf32>
      %mul3A_186 = arith.mulf %mul3A_185, %add3A_183 : vector<16xf32>
      %max3A_187 = arith.maximumf %add3A_183, %mul3A_186 : vector<16xf32>
      %get3A_188 = arith.constant 80 : index
      %get3A_189 = tpu.vector_load %arg11[%get3A_188] {strides = array<i32>} : memref<512xf32, #tpu.memory_space<vmem>>, vector<16xf32>,
      %mul3A_190 = arith.mulf %get3A_189, %max3A_187 : vector<16xf32>
      %add3A_191 = arith.addf %add3A_174, %mul3A_190 : vector<16xf32>
      %add3A_192 = arith.constant 6 : i32
      %add3A_193 = vector.broadcast %add3A_192 : i32 to vector<16xi32>
      %add3A_194 = arith.addi %mul3A_88, %add3A_193 : vector<16xi32>
      %gather3A_195 = tpu.vector_load_idx %arg9[%add3A_194] : memref<32768xf32, #tpu.memory_space<vmem>>[vector<16xi32>], vector<16xf32>,
      %add3A_196 = arith.constant 6 : i32
      %add3A_197 = vector.broadcast %add3A_196 : i32 to vector<16xi32>
      %add3A_198 = arith.addi %mul3A_91, %add3A_197 : vector<16xi32>
      %gather3A_199 = tpu.vector_load_idx %arg10[%add3A_198] : memref<32768xf32, #tpu.memory_space<vmem>>[vector<16xi32>], vector<16xf32>,
      %add3A_200 = arith.addf %gather3A_195, %gather3A_199 : vector<16xf32>
      %mul3A_201 = arith.constant 2.000000e-01 : f32
      %mul3A_202 = vector.broadcast %mul3A_201 : f32 to vector<16xf32>
      %mul3A_203 = arith.mulf %mul3A_202, %add3A_200 : vector<16xf32>
      %max3A_204 = arith.maximumf %add3A_200, %mul3A_203 : vector<16xf32>
      %get3A_205 = arith.constant 96 : index
      %get3A_206 = tpu.vector_load %arg11[%get3A_205] {strides = array<i32>} : memref<512xf32, #tpu.memory_space<vmem>>, vector<16xf32>,
      %mul3A_207 = arith.mulf %get3A_206, %max3A_204 : vector<16xf32>
      %add3A_208 = arith.addf %add3A_191, %mul3A_207 : vector<16xf32>
      %add3A_209 = arith.constant 7 : i32
      %add3A_210 = vector.broadcast %add3A_209 : i32 to vector<16xi32>
      %add3A_211 = arith.addi %mul3A_88, %add3A_210 : vector<16xi32>
      %gather3A_212 = tpu.vector_load_idx %arg9[%add3A_211] : memref<32768xf32, #tpu.memory_space<vmem>>[vector<16xi32>], vector<16xf32>,
      %add3A_213 = arith.constant 7 : i32
      %add3A_214 = vector.broadcast %add3A_213 : i32 to vector<16xi32>
      %add3A_215 = arith.addi %mul3A_91, %add3A_214 : vector<16xi32>
      %gather3A_216 = tpu.vector_load_idx %arg10[%add3A_215] : memref<32768xf32, #tpu.memory_space<vmem>>[vector<16xi32>], vector<16xf32>,
      %add3A_217 = arith.addf %gather3A_212, %gather3A_216 : vector<16xf32>
      %mul3A_218 = arith.constant 2.000000e-01 : f32
      %mul3A_219 = vector.broadcast %mul3A_218 : f32 to vector<16xf32>
      %mul3A_220 = arith.mulf %mul3A_219, %add3A_217 : vector<16xf32>
      %max3A_221 = arith.maximumf %add3A_217, %mul3A_220 : vector<16xf32>
      %get3A_222 = arith.constant 112 : index
      %get3A_223 = tpu.vector_load %arg11[%get3A_222] {strides = array<i32>} : memref<512xf32, #tpu.memory_space<vmem>>, vector<16xf32>,
      %mul3A_224 = arith.mulf %get3A_223, %max3A_221 : vector<16xf32>
      %add3A_225 = arith.addf %add3A_208, %mul3A_224 : vector<16xf32>
      %add3A_226 = arith.constant 8 : i32
      %add3A_227 = vector.broadcast %add3A_226 : i32 to vector<16xi32>
      %add3A_228 = arith.addi %mul3A_88, %add3A_227 : vector<16xi32>
      %gather3A_229 = tpu.vector_load_idx %arg9[%add3A_228] : memref<32768xf32, #tpu.memory_space<vmem>>[vector<16xi32>], vector<16xf32>,
      %add3A_230 = arith.constant 8 : i32
      %add3A_231 = vector.broadcast %add3A_230 : i32 to vector<16xi32>
      %add3A_232 = arith.addi %mul3A_91, %add3A_231 : vector<16xi32>
      %gather3A_233 = tpu.vector_load_idx %arg10[%add3A_232] : memref<32768xf32, #tpu.memory_space<vmem>>[vector<16xi32>], vector<16xf32>,
      %add3A_234 = arith.addf %gather3A_229, %gather3A_233 : vector<16xf32>
      %mul3A_235 = arith.constant 2.000000e-01 : f32
      %mul3A_236 = vector.broadcast %mul3A_235 : f32 to vector<16xf32>
      %mul3A_237 = arith.mulf %mul3A_236, %add3A_234 : vector<16xf32>
      %max3A_238 = arith.maximumf %add3A_234, %mul3A_237 : vector<16xf32>
      %get3A_239 = arith.constant 128 : index
      %get3A_240 = tpu.vector_load %arg11[%get3A_239] {strides = array<i32>} : memref<512xf32, #tpu.memory_space<vmem>>, vector<16xf32>,
      %mul3A_241 = arith.mulf %get3A_240, %max3A_238 : vector<16xf32>
      %add3A_242 = arith.addf %add3A_225, %mul3A_241 : vector<16xf32>
      %add3A_243 = arith.constant 9 : i32
      %add3A_244 = vector.broadcast %add3A_243 : i32 to vector<16xi32>
      %add3A_245 = arith.addi %mul3A_88, %add3A_244 : vector<16xi32>
      %gather3A_246 = tpu.vector_load_idx %arg9[%add3A_245] : memref<32768xf32, #tpu.memory_space<vmem>>[vector<16xi32>], vector<16xf32>,
      %add3A_247 = arith.constant 9 : i32
      %add3A_248 = vector.broadcast %add3A_247 : i32 to vector<16xi32>
      %add3A_249 = arith.addi %mul3A_91, %add3A_248 : vector<16xi32>
      %gather3A_250 = tpu.vector_load_idx %arg10[%add3A_249] : memref<32768xf32, #tpu.memory_space<vmem>>[vector<16xi32>], vector<16xf32>,
      %add3A_251 = arith.addf %gather3A_246, %gather3A_250 : vector<16xf32>
      %mul3A_252 = arith.constant 2.000000e-01 : f32
      %mul3A_253 = vector.broadcast %mul3A_252 : f32 to vector<16xf32>
      %mul3A_254 = arith.mulf %mul3A_253, %add3A_251 : vector<16xf32>
      %max3A_255 = arith.maximumf %add3A_251, %mul3A_254 : vector<16xf32>
      %get3A_256 = arith.constant 144 : index
      %get3A_257 = tpu.vector_load %arg11[%get3A_256] {strides = array<i32>} : memref<512xf32, #tpu.memory_space<vmem>>, vector<16xf32>,
      %mul3A_258 = arith.mulf %get3A_257, %max3A_255 : vector<16xf32>
      %add3A_259 = arith.addf %add3A_242, %mul3A_258 : vector<16xf32>
      %add3A_260 = arith.constant 10 : i32
      %add3A_261 = vector.broadcast %add3A_260 : i32 to vector<16xi32>
      %add3A_262 = arith.addi %mul3A_88, %add3A_261 : vector<16xi32>
      %gather3A_263 = tpu.vector_load_idx %arg9[%add3A_262] : memref<32768xf32, #tpu.memory_space<vmem>>[vector<16xi32>], vector<16xf32>,
      %add3A_264 = arith.constant 10 : i32
      %add3A_265 = vector.broadcast %add3A_264 : i32 to vector<16xi32>
      %add3A_266 = arith.addi %mul3A_91, %add3A_265 : vector<16xi32>
      %gather3A_267 = tpu.vector_load_idx %arg10[%add3A_266] : memref<32768xf32, #tpu.memory_space<vmem>>[vector<16xi32>], vector<16xf32>,
      %add3A_268 = arith.addf %gather3A_263, %gather3A_267 : vector<16xf32>
      %mul3A_269 = arith.constant 2.000000e-01 : f32
      %mul3A_270 = vector.broadcast %mul3A_269 : f32 to vector<16xf32>
      %mul3A_271 = arith.mulf %mul3A_270, %add3A_268 : vector<16xf32>
      %max3A_272 = arith.maximumf %add3A_268, %mul3A_271 : vector<16xf32>
      %get3A_273 = arith.constant 160 : index
      %get3A_274 = tpu.vector_load %arg11[%get3A_273] {strides = array<i32>} : memref<512xf32, #tpu.memory_space<vmem>>, vector<16xf32>,
      %mul3A_275 = arith.mulf %get3A_274, %max3A_272 : vector<16xf32>
      %add3A_276 = arith.addf %add3A_259, %mul3A_275 : vector<16xf32>
      %add3A_277 = arith.constant 11 : i32
      %add3A_278 = vector.broadcast %add3A_277 : i32 to vector<16xi32>
      %add3A_279 = arith.addi %mul3A_88, %add3A_278 : vector<16xi32>
      %gather3A_280 = tpu.vector_load_idx %arg9[%add3A_279] : memref<32768xf32, #tpu.memory_space<vmem>>[vector<16xi32>], vector<16xf32>,
      %add3A_281 = arith.constant 11 : i32
      %add3A_282 = vector.broadcast %add3A_281 : i32 to vector<16xi32>
      %add3A_283 = arith.addi %mul3A_91, %add3A_282 : vector<16xi32>
      %gather3A_284 = tpu.vector_load_idx %arg10[%add3A_283] : memref<32768xf32, #tpu.memory_space<vmem>>[vector<16xi32>], vector<16xf32>,
      %add3A_285 = arith.addf %gather3A_280, %gather3A_284 : vector<16xf32>
      %mul3A_286 = arith.constant 2.000000e-01 : f32
      %mul3A_287 = vector.broadcast %mul3A_286 : f32 to vector<16xf32>
      %mul3A_288 = arith.mulf %mul3A_287, %add3A_285 : vector<16xf32>
      %max3A_289 = arith.maximumf %add3A_285, %mul3A_288 : vector<16xf32>
      %get3A_290 = arith.constant 176 : index
      %get3A_291 = tpu.vector_load %arg11[%get3A_290] {strides = array<i32>} : memref<512xf32, #tpu.memory_space<vmem>>, vector<16xf32>,
      %mul3A_292 = arith.mulf %get3A_291, %max3A_289 : vector<16xf32>
      %add3A_293 = arith.addf %add3A_276, %mul3A_292 : vector<16xf32>
      %add3A_294 = arith.constant 12 : i32
      %add3A_295 = vector.broadcast %add3A_294 : i32 to vector<16xi32>
      %add3A_296 = arith.addi %mul3A_88, %add3A_295 : vector<16xi32>
      %gather3A_297 = tpu.vector_load_idx %arg9[%add3A_296] : memref<32768xf32, #tpu.memory_space<vmem>>[vector<16xi32>], vector<16xf32>,
      %add3A_298 = arith.constant 12 : i32
      %add3A_299 = vector.broadcast %add3A_298 : i32 to vector<16xi32>
      %add3A_300 = arith.addi %mul3A_91, %add3A_299 : vector<16xi32>
      %gather3A_301 = tpu.vector_load_idx %arg10[%add3A_300] : memref<32768xf32, #tpu.memory_space<vmem>>[vector<16xi32>], vector<16xf32>,
      %add3A_302 = arith.addf %gather3A_297, %gather3A_301 : vector<16xf32>
      %mul3A_303 = arith.constant 2.000000e-01 : f32
      %mul3A_304 = vector.broadcast %mul3A_303 : f32 to vector<16xf32>
      %mul3A_305 = arith.mulf %mul3A_304, %add3A_302 : vector<16xf32>
      %max3A_306 = arith.maximumf %add3A_302, %mul3A_305 : vector<16xf32>
      %get3A_307 = arith.constant 192 : index
      %get3A_308 = tpu.vector_load %arg11[%get3A_307] {strides = array<i32>} : memref<512xf32, #tpu.memory_space<vmem>>, vector<16xf32>,
      %mul3A_309 = arith.mulf %get3A_308, %max3A_306 : vector<16xf32>
      %add3A_310 = arith.addf %add3A_293, %mul3A_309 : vector<16xf32>
      %add3A_311 = arith.constant 13 : i32
      %add3A_312 = vector.broadcast %add3A_311 : i32 to vector<16xi32>
      %add3A_313 = arith.addi %mul3A_88, %add3A_312 : vector<16xi32>
      %gather3A_314 = tpu.vector_load_idx %arg9[%add3A_313] : memref<32768xf32, #tpu.memory_space<vmem>>[vector<16xi32>], vector<16xf32>,
      %add3A_315 = arith.constant 13 : i32
      %add3A_316 = vector.broadcast %add3A_315 : i32 to vector<16xi32>
      %add3A_317 = arith.addi %mul3A_91, %add3A_316 : vector<16xi32>
      %gather3A_318 = tpu.vector_load_idx %arg10[%add3A_317] : memref<32768xf32, #tpu.memory_space<vmem>>[vector<16xi32>], vector<16xf32>,
      %add3A_319 = arith.addf %gather3A_314, %gather3A_318 : vector<16xf32>
      %mul3A_320 = arith.constant 2.000000e-01 : f32
      %mul3A_321 = vector.broadcast %mul3A_320 : f32 to vector<16xf32>
      %mul3A_322 = arith.mulf %mul3A_321, %add3A_319 : vector<16xf32>
      %max3A_323 = arith.maximumf %add3A_319, %mul3A_322 : vector<16xf32>
      %get3A_324 = arith.constant 208 : index
      %get3A_325 = tpu.vector_load %arg11[%get3A_324] {strides = array<i32>} : memref<512xf32, #tpu.memory_space<vmem>>, vector<16xf32>,
      %mul3A_326 = arith.mulf %get3A_325, %max3A_323 : vector<16xf32>
      %add3A_327 = arith.addf %add3A_310, %mul3A_326 : vector<16xf32>
      %add3A_328 = arith.constant 14 : i32
      %add3A_329 = vector.broadcast %add3A_328 : i32 to vector<16xi32>
      %add3A_330 = arith.addi %mul3A_88, %add3A_329 : vector<16xi32>
      %gather3A_331 = tpu.vector_load_idx %arg9[%add3A_330] : memref<32768xf32, #tpu.memory_space<vmem>>[vector<16xi32>], vector<16xf32>,
      %add3A_332 = arith.constant 14 : i32
      %add3A_333 = vector.broadcast %add3A_332 : i32 to vector<16xi32>
      %add3A_334 = arith.addi %mul3A_91, %add3A_333 : vector<16xi32>
      %gather3A_335 = tpu.vector_load_idx %arg10[%add3A_334] : memref<32768xf32, #tpu.memory_space<vmem>>[vector<16xi32>], vector<16xf32>,
      %add3A_336 = arith.addf %gather3A_331, %gather3A_335 : vector<16xf32>
      %mul3A_337 = arith.constant 2.000000e-01 : f32
      %mul3A_338 = vector.broadcast %mul3A_337 : f32 to vector<16xf32>
      %mul3A_339 = arith.mulf %mul3A_338, %add3A_336 : vector<16xf32>
      %max3A_340 = arith.maximumf %add3A_336, %mul3A_339 : vector<16xf32>
      %get3A_341 = arith.constant 224 : index
      %get3A_342 = tpu.vector_load %arg11[%get3A_341] {strides = array<i32>} : memref<512xf32, #tpu.memory_space<vmem>>, vector<16xf32>,
      %mul3A_343 = arith.mulf %get3A_342, %max3A_340 : vector<16xf32>
      %add3A_344 = arith.addf %add3A_327, %mul3A_343 : vector<16xf32>
      %add3A_345 = arith.constant 15 : i32
      %add3A_346 = vector.broadcast %add3A_345 : i32 to vector<16xi32>
      %add3A_347 = arith.addi %mul3A_88, %add3A_346 : vector<16xi32>
      %gather3A_348 = tpu.vector_load_idx %arg9[%add3A_347] : memref<32768xf32, #tpu.memory_space<vmem>>[vector<16xi32>], vector<16xf32>,
      %add3A_349 = arith.constant 15 : i32
      %add3A_350 = vector.broadcast %add3A_349 : i32 to vector<16xi32>
      %add3A_351 = arith.addi %mul3A_91, %add3A_350 : vector<16xi32>
      %gather3A_352 = tpu.vector_load_idx %arg10[%add3A_351] : memref<32768xf32, #tpu.memory_space<vmem>>[vector<16xi32>], vector<16xf32>,
      %add3A_353 = arith.addf %gather3A_348, %gather3A_352 : vector<16xf32>
      %mul3A_354 = arith.constant 2.000000e-01 : f32
      %mul3A_355 = vector.broadcast %mul3A_354 : f32 to vector<16xf32>
      %mul3A_356 = arith.mulf %mul3A_355, %add3A_353 : vector<16xf32>
      %max3A_357 = arith.maximumf %add3A_353, %mul3A_356 : vector<16xf32>
      %get3A_358 = arith.constant 240 : index
      %get3A_359 = tpu.vector_load %arg11[%get3A_358] {strides = array<i32>} : memref<512xf32, #tpu.memory_space<vmem>>, vector<16xf32>,
      %mul3A_360 = arith.mulf %get3A_359, %max3A_357 : vector<16xf32>
      %add3A_361 = arith.addf %add3A_344, %mul3A_360 : vector<16xf32>
      %add3A_362 = arith.constant 16 : i32
      %add3A_363 = vector.broadcast %add3A_362 : i32 to vector<16xi32>
      %add3A_364 = arith.addi %mul3A_88, %add3A_363 : vector<16xi32>
      %gather3A_365 = tpu.vector_load_idx %arg9[%add3A_364] : memref<32768xf32, #tpu.memory_space<vmem>>[vector<16xi32>], vector<16xf32>,
      %add3A_366 = arith.constant 16 : i32
      %add3A_367 = vector.broadcast %add3A_366 : i32 to vector<16xi32>
      %add3A_368 = arith.addi %mul3A_91, %add3A_367 : vector<16xi32>
      %gather3A_369 = tpu.vector_load_idx %arg10[%add3A_368] : memref<32768xf32, #tpu.memory_space<vmem>>[vector<16xi32>], vector<16xf32>,
      %add3A_370 = arith.addf %gather3A_365, %gather3A_369 : vector<16xf32>
      %mul3A_371 = arith.constant 2.000000e-01 : f32
      %mul3A_372 = vector.broadcast %mul3A_371 : f32 to vector<16xf32>
      %mul3A_373 = arith.mulf %mul3A_372, %add3A_370 : vector<16xf32>
      %max3A_374 = arith.maximumf %add3A_370, %mul3A_373 : vector<16xf32>
      %get3A_375 = arith.constant 256 : index
      %get3A_376 = tpu.vector_load %arg11[%get3A_375] {strides = array<i32>} : memref<512xf32, #tpu.memory_space<vmem>>, vector<16xf32>,
      %mul3A_377 = arith.mulf %get3A_376, %max3A_374 : vector<16xf32>
      %add3A_378 = arith.addf %add3A_361, %mul3A_377 : vector<16xf32>
      %add3A_379 = arith.constant 17 : i32
      %add3A_380 = vector.broadcast %add3A_379 : i32 to vector<16xi32>
      %add3A_381 = arith.addi %mul3A_88, %add3A_380 : vector<16xi32>
      %gather3A_382 = tpu.vector_load_idx %arg9[%add3A_381] : memref<32768xf32, #tpu.memory_space<vmem>>[vector<16xi32>], vector<16xf32>,
      %add3A_383 = arith.constant 17 : i32
      %add3A_384 = vector.broadcast %add3A_383 : i32 to vector<16xi32>
      %add3A_385 = arith.addi %mul3A_91, %add3A_384 : vector<16xi32>
      %gather3A_386 = tpu.vector_load_idx %arg10[%add3A_385] : memref<32768xf32, #tpu.memory_space<vmem>>[vector<16xi32>], vector<16xf32>,
      %add3A_387 = arith.addf %gather3A_382, %gather3A_386 : vector<16xf32>
      %mul3A_388 = arith.constant 2.000000e-01 : f32
      %mul3A_389 = vector.broadcast %mul3A_388 : f32 to vector<16xf32>
      %mul3A_390 = arith.mulf %mul3A_389, %add3A_387 : vector<16xf32>
      %max3A_391 = arith.maximumf %add3A_387, %mul3A_390 : vector<16xf32>
      %get3A_392 = arith.constant 272 : index
      %get3A_393 = tpu.vector_load %arg11[%get3A_392] {strides = array<i32>} : memref<512xf32, #tpu.memory_space<vmem>>, vector<16xf32>,
      %mul3A_394 = arith.mulf %get3A_393, %max3A_391 : vector<16xf32>
      %add3A_395 = arith.addf %add3A_378, %mul3A_394 : vector<16xf32>
      %add3A_396 = arith.constant 18 : i32
      %add3A_397 = vector.broadcast %add3A_396 : i32 to vector<16xi32>
      %add3A_398 = arith.addi %mul3A_88, %add3A_397 : vector<16xi32>
      %gather3A_399 = tpu.vector_load_idx %arg9[%add3A_398] : memref<32768xf32, #tpu.memory_space<vmem>>[vector<16xi32>], vector<16xf32>,
      %add3A_400 = arith.constant 18 : i32
      %add3A_401 = vector.broadcast %add3A_400 : i32 to vector<16xi32>
      %add3A_402 = arith.addi %mul3A_91, %add3A_401 : vector<16xi32>
      %gather3A_403 = tpu.vector_load_idx %arg10[%add3A_402] : memref<32768xf32, #tpu.memory_space<vmem>>[vector<16xi32>], vector<16xf32>,
      %add3A_404 = arith.addf %gather3A_399, %gather3A_403 : vector<16xf32>
      %mul3A_405 = arith.constant 2.000000e-01 : f32
      %mul3A_406 = vector.broadcast %mul3A_405 : f32 to vector<16xf32>
      %mul3A_407 = arith.mulf %mul3A_406, %add3A_404 : vector<16xf32>
      %max3A_408 = arith.maximumf %add3A_404, %mul3A_407 : vector<16xf32>
      %get3A_409 = arith.constant 288 : index
      %get3A_410 = tpu.vector_load %arg11[%get3A_409] {strides = array<i32>} : memref<512xf32, #tpu.memory_space<vmem>>, vector<16xf32>,
      %mul3A_411 = arith.mulf %get3A_410, %max3A_408 : vector<16xf32>
      %add3A_412 = arith.addf %add3A_395, %mul3A_411 : vector<16xf32>
      %add3A_413 = arith.constant 19 : i32
      %add3A_414 = vector.broadcast %add3A_413 : i32 to vector<16xi32>
      %add3A_415 = arith.addi %mul3A_88, %add3A_414 : vector<16xi32>
      %gather3A_416 = tpu.vector_load_idx %arg9[%add3A_415] : memref<32768xf32, #tpu.memory_space<vmem>>[vector<16xi32>], vector<16xf32>,
      %add3A_417 = arith.constant 19 : i32
      %add3A_418 = vector.broadcast %add3A_417 : i32 to vector<16xi32>
      %add3A_419 = arith.addi %mul3A_91, %add3A_418 : vector<16xi32>
      %gather3A_420 = tpu.vector_load_idx %arg10[%add3A_419] : memref<32768xf32, #tpu.memory_space<vmem>>[vector<16xi32>], vector<16xf32>,
      %add3A_421 = arith.addf %gather3A_416, %gather3A_420 : vector<16xf32>
      %mul3A_422 = arith.constant 2.000000e-01 : f32
      %mul3A_423 = vector.broadcast %mul3A_422 : f32 to vector<16xf32>
      %mul3A_424 = arith.mulf %mul3A_423, %add3A_421 : vector<16xf32>
      %max3A_425 = arith.maximumf %add3A_421, %mul3A_424 : vector<16xf32>
      %get3A_426 = arith.constant 304 : index
      %get3A_427 = tpu.vector_load %arg11[%get3A_426] {strides = array<i32>} : memref<512xf32, #tpu.memory_space<vmem>>, vector<16xf32>,
      %mul3A_428 = arith.mulf %get3A_427, %max3A_425 : vector<16xf32>
      %add3A_429 = arith.addf %add3A_412, %mul3A_428 : vector<16xf32>
      %add3A_430 = arith.constant 20 : i32
      %add3A_431 = vector.broadcast %add3A_430 : i32 to vector<16xi32>
      %add3A_432 = arith.addi %mul3A_88, %add3A_431 : vector<16xi32>
      %gather3A_433 = tpu.vector_load_idx %arg9[%add3A_432] : memref<32768xf32, #tpu.memory_space<vmem>>[vector<16xi32>], vector<16xf32>,
      %add3A_434 = arith.constant 20 : i32
      %add3A_435 = vector.broadcast %add3A_434 : i32 to vector<16xi32>
      %add3A_436 = arith.addi %mul3A_91, %add3A_435 : vector<16xi32>
      %gather3A_437 = tpu.vector_load_idx %arg10[%add3A_436] : memref<32768xf32, #tpu.memory_space<vmem>>[vector<16xi32>], vector<16xf32>,
      %add3A_438 = arith.addf %gather3A_433, %gather3A_437 : vector<16xf32>
      %mul3A_439 = arith.constant 2.000000e-01 : f32
      %mul3A_440 = vector.broadcast %mul3A_439 : f32 to vector<16xf32>
      %mul3A_441 = arith.mulf %mul3A_440, %add3A_438 : vector<16xf32>
      %max3A_442 = arith.maximumf %add3A_438, %mul3A_441 : vector<16xf32>
      %get3A_443 = arith.constant 320 : index
      %get3A_444 = tpu.vector_load %arg11[%get3A_443] {strides = array<i32>} : memref<512xf32, #tpu.memory_space<vmem>>, vector<16xf32>,
      %mul3A_445 = arith.mulf %get3A_444, %max3A_442 : vector<16xf32>
      %add3A_446 = arith.addf %add3A_429, %mul3A_445 : vector<16xf32>
      %add3A_447 = arith.constant 21 : i32
      %add3A_448 = vector.broadcast %add3A_447 : i32 to vector<16xi32>
      %add3A_449 = arith.addi %mul3A_88, %add3A_448 : vector<16xi32>
      %gather3A_450 = tpu.vector_load_idx %arg9[%add3A_449] : memref<32768xf32, #tpu.memory_space<vmem>>[vector<16xi32>], vector<16xf32>,
      %add3A_451 = arith.constant 21 : i32
      %add3A_452 = vector.broadcast %add3A_451 : i32 to vector<16xi32>
      %add3A_453 = arith.addi %mul3A_91, %add3A_452 : vector<16xi32>
      %gather3A_454 = tpu.vector_load_idx %arg10[%add3A_453] : memref<32768xf32, #tpu.memory_space<vmem>>[vector<16xi32>], vector<16xf32>,
      %add3A_455 = arith.addf %gather3A_450, %gather3A_454 : vector<16xf32>
      %mul3A_456 = arith.constant 2.000000e-01 : f32
      %mul3A_457 = vector.broadcast %mul3A_456 : f32 to vector<16xf32>
      %mul3A_458 = arith.mulf %mul3A_457, %add3A_455 : vector<16xf32>
      %max3A_459 = arith.maximumf %add3A_455, %mul3A_458 : vector<16xf32>
      %get3A_460 = arith.constant 336 : index
      %get3A_461 = tpu.vector_load %arg11[%get3A_460] {strides = array<i32>} : memref<512xf32, #tpu.memory_space<vmem>>, vector<16xf32>,
      %mul3A_462 = arith.mulf %get3A_461, %max3A_459 : vector<16xf32>
      %add3A_463 = arith.addf %add3A_446, %mul3A_462 : vector<16xf32>
      %add3A_464 = arith.constant 22 : i32
      %add3A_465 = vector.broadcast %add3A_464 : i32 to vector<16xi32>
      %add3A_466 = arith.addi %mul3A_88, %add3A_465 : vector<16xi32>
      %gather3A_467 = tpu.vector_load_idx %arg9[%add3A_466] : memref<32768xf32, #tpu.memory_space<vmem>>[vector<16xi32>], vector<16xf32>,
      %add3A_468 = arith.constant 22 : i32
      %add3A_469 = vector.broadcast %add3A_468 : i32 to vector<16xi32>
      %add3A_470 = arith.addi %mul3A_91, %add3A_469 : vector<16xi32>
      %gather3A_471 = tpu.vector_load_idx %arg10[%add3A_470] : memref<32768xf32, #tpu.memory_space<vmem>>[vector<16xi32>], vector<16xf32>,
      %add3A_472 = arith.addf %gather3A_467, %gather3A_471 : vector<16xf32>
      %mul3A_473 = arith.constant 2.000000e-01 : f32
      %mul3A_474 = vector.broadcast %mul3A_473 : f32 to vector<16xf32>
      %mul3A_475 = arith.mulf %mul3A_474, %add3A_472 : vector<16xf32>
      %max3A_476 = arith.maximumf %add3A_472, %mul3A_475 : vector<16xf32>
      %get3A_477 = arith.constant 352 : index
      %get3A_478 = tpu.vector_load %arg11[%get3A_477] {strides = array<i32>} : memref<512xf32, #tpu.memory_space<vmem>>, vector<16xf32>,
      %mul3A_479 = arith.mulf %get3A_478, %max3A_476 : vector<16xf32>
      %add3A_480 = arith.addf %add3A_463, %mul3A_479 : vector<16xf32>
      %add3A_481 = arith.constant 23 : i32
      %add3A_482 = vector.broadcast %add3A_481 : i32 to vector<16xi32>
      %add3A_483 = arith.addi %mul3A_88, %add3A_482 : vector<16xi32>
      %gather3A_484 = tpu.vector_load_idx %arg9[%add3A_483] : memref<32768xf32, #tpu.memory_space<vmem>>[vector<16xi32>], vector<16xf32>,
      %add3A_485 = arith.constant 23 : i32
      %add3A_486 = vector.broadcast %add3A_485 : i32 to vector<16xi32>
      %add3A_487 = arith.addi %mul3A_91, %add3A_486 : vector<16xi32>
      %gather3A_488 = tpu.vector_load_idx %arg10[%add3A_487] : memref<32768xf32, #tpu.memory_space<vmem>>[vector<16xi32>], vector<16xf32>,
      %add3A_489 = arith.addf %gather3A_484, %gather3A_488 : vector<16xf32>
      %mul3A_490 = arith.constant 2.000000e-01 : f32
      %mul3A_491 = vector.broadcast %mul3A_490 : f32 to vector<16xf32>
      %mul3A_492 = arith.mulf %mul3A_491, %add3A_489 : vector<16xf32>
      %max3A_493 = arith.maximumf %add3A_489, %mul3A_492 : vector<16xf32>
      %get3A_494 = arith.constant 368 : index
      %get3A_495 = tpu.vector_load %arg11[%get3A_494] {strides = array<i32>} : memref<512xf32, #tpu.memory_space<vmem>>, vector<16xf32>,
      %mul3A_496 = arith.mulf %get3A_495, %max3A_493 : vector<16xf32>
      %add3A_497 = arith.addf %add3A_480, %mul3A_496 : vector<16xf32>
      %add3A_498 = arith.constant 24 : i32
      %add3A_499 = vector.broadcast %add3A_498 : i32 to vector<16xi32>
      %add3A_500 = arith.addi %mul3A_88, %add3A_499 : vector<16xi32>
      %gather3A_501 = tpu.vector_load_idx %arg9[%add3A_500] : memref<32768xf32, #tpu.memory_space<vmem>>[vector<16xi32>], vector<16xf32>,
      %add3A_502 = arith.constant 24 : i32
      %add3A_503 = vector.broadcast %add3A_502 : i32 to vector<16xi32>
      %add3A_504 = arith.addi %mul3A_91, %add3A_503 : vector<16xi32>
      %gather3A_505 = tpu.vector_load_idx %arg10[%add3A_504] : memref<32768xf32, #tpu.memory_space<vmem>>[vector<16xi32>], vector<16xf32>,
      %add3A_506 = arith.addf %gather3A_501, %gather3A_505 : vector<16xf32>
      %mul3A_507 = arith.constant 2.000000e-01 : f32
      %mul3A_508 = vector.broadcast %mul3A_507 : f32 to vector<16xf32>
      %mul3A_509 = arith.mulf %mul3A_508, %add3A_506 : vector<16xf32>
      %max3A_510 = arith.maximumf %add3A_506, %mul3A_509 : vector<16xf32>
      %get3A_511 = arith.constant 384 : index
      %get3A_512 = tpu.vector_load %arg11[%get3A_511] {strides = array<i32>} : memref<512xf32, #tpu.memory_space<vmem>>, vector<16xf32>,
      %mul3A_513 = arith.mulf %get3A_512, %max3A_510 : vector<16xf32>
      %add3A_514 = arith.addf %add3A_497, %mul3A_513 : vector<16xf32>
      %add3A_515 = arith.constant 25 : i32
      %add3A_516 = vector.broadcast %add3A_515 : i32 to vector<16xi32>
      %add3A_517 = arith.addi %mul3A_88, %add3A_516 : vector<16xi32>
      %gather3A_518 = tpu.vector_load_idx %arg9[%add3A_517] : memref<32768xf32, #tpu.memory_space<vmem>>[vector<16xi32>], vector<16xf32>,
      %add3A_519 = arith.constant 25 : i32
      %add3A_520 = vector.broadcast %add3A_519 : i32 to vector<16xi32>
      %add3A_521 = arith.addi %mul3A_91, %add3A_520 : vector<16xi32>
      %gather3A_522 = tpu.vector_load_idx %arg10[%add3A_521] : memref<32768xf32, #tpu.memory_space<vmem>>[vector<16xi32>], vector<16xf32>,
      %add3A_523 = arith.addf %gather3A_518, %gather3A_522 : vector<16xf32>
      %mul3A_524 = arith.constant 2.000000e-01 : f32
      %mul3A_525 = vector.broadcast %mul3A_524 : f32 to vector<16xf32>
      %mul3A_526 = arith.mulf %mul3A_525, %add3A_523 : vector<16xf32>
      %max3A_527 = arith.maximumf %add3A_523, %mul3A_526 : vector<16xf32>
      %get3A_528 = arith.constant 400 : index
      %get3A_529 = tpu.vector_load %arg11[%get3A_528] {strides = array<i32>} : memref<512xf32, #tpu.memory_space<vmem>>, vector<16xf32>,
      %mul3A_530 = arith.mulf %get3A_529, %max3A_527 : vector<16xf32>
      %add3A_531 = arith.addf %add3A_514, %mul3A_530 : vector<16xf32>
      %add3A_532 = arith.constant 26 : i32
      %add3A_533 = vector.broadcast %add3A_532 : i32 to vector<16xi32>
      %add3A_534 = arith.addi %mul3A_88, %add3A_533 : vector<16xi32>
      %gather3A_535 = tpu.vector_load_idx %arg9[%add3A_534] : memref<32768xf32, #tpu.memory_space<vmem>>[vector<16xi32>], vector<16xf32>,
      %add3A_536 = arith.constant 26 : i32
      %add3A_537 = vector.broadcast %add3A_536 : i32 to vector<16xi32>
      %add3A_538 = arith.addi %mul3A_91, %add3A_537 : vector<16xi32>
      %gather3A_539 = tpu.vector_load_idx %arg10[%add3A_538] : memref<32768xf32, #tpu.memory_space<vmem>>[vector<16xi32>], vector<16xf32>,
      %add3A_540 = arith.addf %gather3A_535, %gather3A_539 : vector<16xf32>
      %mul3A_541 = arith.constant 2.000000e-01 : f32
      %mul3A_542 = vector.broadcast %mul3A_541 : f32 to vector<16xf32>
      %mul3A_543 = arith.mulf %mul3A_542, %add3A_540 : vector<16xf32>
      %max3A_544 = arith.maximumf %add3A_540, %mul3A_543 : vector<16xf32>
      %get3A_545 = arith.constant 416 : index
      %get3A_546 = tpu.vector_load %arg11[%get3A_545] {strides = array<i32>} : memref<512xf32, #tpu.memory_space<vmem>>, vector<16xf32>,
      %mul3A_547 = arith.mulf %get3A_546, %max3A_544 : vector<16xf32>
      %add3A_548 = arith.addf %add3A_531, %mul3A_547 : vector<16xf32>
      %add3A_549 = arith.constant 27 : i32
      %add3A_550 = vector.broadcast %add3A_549 : i32 to vector<16xi32>
      %add3A_551 = arith.addi %mul3A_88, %add3A_550 : vector<16xi32>
      %gather3A_552 = tpu.vector_load_idx %arg9[%add3A_551] : memref<32768xf32, #tpu.memory_space<vmem>>[vector<16xi32>], vector<16xf32>,
      %add3A_553 = arith.constant 27 : i32
      %add3A_554 = vector.broadcast %add3A_553 : i32 to vector<16xi32>
      %add3A_555 = arith.addi %mul3A_91, %add3A_554 : vector<16xi32>
      %gather3A_556 = tpu.vector_load_idx %arg10[%add3A_555] : memref<32768xf32, #tpu.memory_space<vmem>>[vector<16xi32>], vector<16xf32>,
      %add3A_557 = arith.addf %gather3A_552, %gather3A_556 : vector<16xf32>
      %mul3A_558 = arith.constant 2.000000e-01 : f32
      %mul3A_559 = vector.broadcast %mul3A_558 : f32 to vector<16xf32>
      %mul3A_560 = arith.mulf %mul3A_559, %add3A_557 : vector<16xf32>
      %max3A_561 = arith.maximumf %add3A_557, %mul3A_560 : vector<16xf32>
      %get3A_562 = arith.constant 432 : index
      %get3A_563 = tpu.vector_load %arg11[%get3A_562] {strides = array<i32>} : memref<512xf32, #tpu.memory_space<vmem>>, vector<16xf32>,
      %mul3A_564 = arith.mulf %get3A_563, %max3A_561 : vector<16xf32>
      %add3A_565 = arith.addf %add3A_548, %mul3A_564 : vector<16xf32>
      %add3A_566 = arith.constant 28 : i32
      %add3A_567 = vector.broadcast %add3A_566 : i32 to vector<16xi32>
      %add3A_568 = arith.addi %mul3A_88, %add3A_567 : vector<16xi32>
      %gather3A_569 = tpu.vector_load_idx %arg9[%add3A_568] : memref<32768xf32, #tpu.memory_space<vmem>>[vector<16xi32>], vector<16xf32>,
      %add3A_570 = arith.constant 28 : i32
      %add3A_571 = vector.broadcast %add3A_570 : i32 to vector<16xi32>
      %add3A_572 = arith.addi %mul3A_91, %add3A_571 : vector<16xi32>
      %gather3A_573 = tpu.vector_load_idx %arg10[%add3A_572] : memref<32768xf32, #tpu.memory_space<vmem>>[vector<16xi32>], vector<16xf32>,
      %add3A_574 = arith.addf %gather3A_569, %gather3A_573 : vector<16xf32>
      %mul3A_575 = arith.constant 2.000000e-01 : f32
      %mul3A_576 = vector.broadcast %mul3A_575 : f32 to vector<16xf32>
      %mul3A_577 = arith.mulf %mul3A_576, %add3A_574 : vector<16xf32>
      %max3A_578 = arith.maximumf %add3A_574, %mul3A_577 : vector<16xf32>
      %get3A_579 = arith.constant 448 : index
      %get3A_580 = tpu.vector_load %arg11[%get3A_579] {strides = array<i32>} : memref<512xf32, #tpu.memory_space<vmem>>, vector<16xf32>,
      %mul3A_581 = arith.mulf %get3A_580, %max3A_578 : vector<16xf32>
      %add3A_582 = arith.addf %add3A_565, %mul3A_581 : vector<16xf32>
      %add3A_583 = arith.constant 29 : i32
      %add3A_584 = vector.broadcast %add3A_583 : i32 to vector<16xi32>
      %add3A_585 = arith.addi %mul3A_88, %add3A_584 : vector<16xi32>
      %gather3A_586 = tpu.vector_load_idx %arg9[%add3A_585] : memref<32768xf32, #tpu.memory_space<vmem>>[vector<16xi32>], vector<16xf32>,
      %add3A_587 = arith.constant 29 : i32
      %add3A_588 = vector.broadcast %add3A_587 : i32 to vector<16xi32>
      %add3A_589 = arith.addi %mul3A_91, %add3A_588 : vector<16xi32>
      %gather3A_590 = tpu.vector_load_idx %arg10[%add3A_589] : memref<32768xf32, #tpu.memory_space<vmem>>[vector<16xi32>], vector<16xf32>,
      %add3A_591 = arith.addf %gather3A_586, %gather3A_590 : vector<16xf32>
      %mul3A_592 = arith.constant 2.000000e-01 : f32
      %mul3A_593 = vector.broadcast %mul3A_592 : f32 to vector<16xf32>
      %mul3A_594 = arith.mulf %mul3A_593, %add3A_591 : vector<16xf32>
      %max3A_595 = arith.maximumf %add3A_591, %mul3A_594 : vector<16xf32>
      %get3A_596 = arith.constant 464 : index
      %get3A_597 = tpu.vector_load %arg11[%get3A_596] {strides = array<i32>} : memref<512xf32, #tpu.memory_space<vmem>>, vector<16xf32>,
      %mul3A_598 = arith.mulf %get3A_597, %max3A_595 : vector<16xf32>
      %add3A_599 = arith.addf %add3A_582, %mul3A_598 : vector<16xf32>
      %add3A_600 = arith.constant 30 : i32
      %add3A_601 = vector.broadcast %add3A_600 : i32 to vector<16xi32>
      %add3A_602 = arith.addi %mul3A_88, %add3A_601 : vector<16xi32>
      %gather3A_603 = tpu.vector_load_idx %arg9[%add3A_602] : memref<32768xf32, #tpu.memory_space<vmem>>[vector<16xi32>], vector<16xf32>,
      %add3A_604 = arith.constant 30 : i32
      %add3A_605 = vector.broadcast %add3A_604 : i32 to vector<16xi32>
      %add3A_606 = arith.addi %mul3A_91, %add3A_605 : vector<16xi32>
      %gather3A_607 = tpu.vector_load_idx %arg10[%add3A_606] : memref<32768xf32, #tpu.memory_space<vmem>>[vector<16xi32>], vector<16xf32>,
      %add3A_608 = arith.addf %gather3A_603, %gather3A_607 : vector<16xf32>
      %mul3A_609 = arith.constant 2.000000e-01 : f32
      %mul3A_610 = vector.broadcast %mul3A_609 : f32 to vector<16xf32>
      %mul3A_611 = arith.mulf %mul3A_610, %add3A_608 : vector<16xf32>
      %max3A_612 = arith.maximumf %add3A_608, %mul3A_611 : vector<16xf32>
      %get3A_613 = arith.constant 480 : index
      %get3A_614 = tpu.vector_load %arg11[%get3A_613] {strides = array<i32>} : memref<512xf32, #tpu.memory_space<vmem>>, vector<16xf32>,
      %mul3A_615 = arith.mulf %get3A_614, %max3A_612 : vector<16xf32>
      %add3A_616 = arith.addf %add3A_599, %mul3A_615 : vector<16xf32>
      %add3A_617 = arith.constant 31 : i32
      %add3A_618 = vector.broadcast %add3A_617 : i32 to vector<16xi32>
      %add3A_619 = arith.addi %mul3A_88, %add3A_618 : vector<16xi32>
      %gather3A_620 = tpu.vector_load_idx %arg9[%add3A_619] : memref<32768xf32, #tpu.memory_space<vmem>>[vector<16xi32>], vector<16xf32>,
      %add3A_621 = arith.constant 31 : i32
      %add3A_622 = vector.broadcast %add3A_621 : i32 to vector<16xi32>
      %add3A_623 = arith.addi %mul3A_91, %add3A_622 : vector<16xi32>
      %gather3A_624 = tpu.vector_load_idx %arg10[%add3A_623] : memref<32768xf32, #tpu.memory_space<vmem>>[vector<16xi32>], vector<16xf32>,
      %add3A_625 = arith.addf %gather3A_620, %gather3A_624 : vector<16xf32>
      %mul3A_626 = arith.constant 2.000000e-01 : f32
      %mul3A_627 = vector.broadcast %mul3A_626 : f32 to vector<16xf32>
      %mul3A_628 = arith.mulf %mul3A_627, %add3A_625 : vector<16xf32>
      %max3A_629 = arith.maximumf %add3A_625, %mul3A_628 : vector<16xf32>
      %get3A_630 = arith.constant 496 : index
      %get3A_631 = tpu.vector_load %arg11[%get3A_630] {strides = array<i32>} : memref<512xf32, #tpu.memory_space<vmem>>, vector<16xf32>,
      %mul3A_632 = arith.mulf %get3A_631, %max3A_629 : vector<16xf32>
      %add3A_633 = arith.addf %add3A_616, %mul3A_632 : vector<16xf32>
      %exp3A = math.exp %add3A_633 : vector<16xf32>
      tpu.vector_store_idx %arg15[%get3A_85], %exp3A {add = true} : memref<1024xf32, #tpu.memory_space<vmem>>[vector<16xi32>], vector<16xf32>,
      %add3A_634 = arith.constant 0 : i32
      %add3A_635 = vector.broadcast %add3A_634 : i32 to vector<16xi32>
      %add3A_636 = arith.addi %mul3A_91, %add3A_635 : vector<16xi32>
      %mul3A_637 = arith.mulf %exp3A, %gather3A : vector<16xf32>
      tpu.vector_store_idx %arg14[%add3A_636], %mul3A_637 {add = true} : memref<32768xf32, #tpu.memory_space<vmem>>[vector<16xi32>], vector<16xf32>,
      %add3A_638 = arith.constant 1 : i32
      %add3A_639 = vector.broadcast %add3A_638 : i32 to vector<16xi32>
      %add3A_640 = arith.addi %mul3A_91, %add3A_639 : vector<16xi32>
      %mul3A_641 = arith.mulf %exp3A, %gather3A_110 : vector<16xf32>
      tpu.vector_store_idx %arg14[%add3A_640], %mul3A_641 {add = true} : memref<32768xf32, #tpu.memory_space<vmem>>[vector<16xi32>], vector<16xf32>,
      %add3A_642 = arith.constant 2 : i32
      %add3A_643 = vector.broadcast %add3A_642 : i32 to vector<16xi32>
      %add3A_644 = arith.addi %mul3A_91, %add3A_643 : vector<16xi32>
      %mul3A_645 = arith.mulf %exp3A, %gather3A_127 : vector<16xf32>
      tpu.vector_store_idx %arg14[%add3A_644], %mul3A_645 {add = true} : memref<32768xf32, #tpu.memory_space<vmem>>[vector<16xi32>], vector<16xf32>,
      %add3A_646 = arith.constant 3 : i32
      %add3A_647 = vector.broadcast %add3A_646 : i32 to vector<16xi32>
      %add3A_648 = arith.addi %mul3A_91, %add3A_647 : vector<16xi32>
      %mul3A_649 = arith.mulf %exp3A, %gather3A_144 : vector<16xf32>
      tpu.vector_store_idx %arg14[%add3A_648], %mul3A_649 {add = true} : memref<32768xf32, #tpu.memory_space<vmem>>[vector<16xi32>], vector<16xf32>,
      %add3A_650 = arith.constant 4 : i32
      %add3A_651 = vector.broadcast %add3A_650 : i32 to vector<16xi32>
      %add3A_652 = arith.addi %mul3A_91, %add3A_651 : vector<16xi32>
      %mul3A_653 = arith.mulf %exp3A, %gather3A_161 : vector<16xf32>
      tpu.vector_store_idx %arg14[%add3A_652], %mul3A_653 {add = true} : memref<32768xf32, #tpu.memory_space<vmem>>[vector<16xi32>], vector<16xf32>,
      %add3A_654 = arith.constant 5 : i32
      %add3A_655 = vector.broadcast %add3A_654 : i32 to vector<16xi32>
      %add3A_656 = arith.addi %mul3A_91, %add3A_655 : vector<16xi32>
      %mul3A_657 = arith.mulf %exp3A, %gather3A_178 : vector<16xf32>
      tpu.vector_store_idx %arg14[%add3A_656], %mul3A_657 {add = true} : memref<32768xf32, #tpu.memory_space<vmem>>[vector<16xi32>], vector<16xf32>,
      %add3A_658 = arith.constant 6 : i32
      %add3A_659 = vector.broadcast %add3A_658 : i32 to vector<16xi32>
      %add3A_660 = arith.addi %mul3A_91, %add3A_659 : vector<16xi32>
      %mul3A_661 = arith.mulf %exp3A, %gather3A_195 : vector<16xf32>
      tpu.vector_store_idx %arg14[%add3A_660], %mul3A_661 {add = true} : memref<32768xf32, #tpu.memory_space<vmem>>[vector<16xi32>], vector<16xf32>,
      %add3A_662 = arith.constant 7 : i32
      %add3A_663 = vector.broadcast %add3A_662 : i32 to vector<16xi32>
      %add3A_664 = arith.addi %mul3A_91, %add3A_663 : vector<16xi32>
      %mul3A_665 = arith.mulf %exp3A, %gather3A_212 : vector<16xf32>
      tpu.vector_store_idx %arg14[%add3A_664], %mul3A_665 {add = true} : memref<32768xf32, #tpu.memory_space<vmem>>[vector<16xi32>], vector<16xf32>,
      %add3A_666 = arith.constant 8 : i32
      %add3A_667 = vector.broadcast %add3A_666 : i32 to vector<16xi32>
      %add3A_668 = arith.addi %mul3A_91, %add3A_667 : vector<16xi32>
      %mul3A_669 = arith.mulf %exp3A, %gather3A_229 : vector<16xf32>
      tpu.vector_store_idx %arg14[%add3A_668], %mul3A_669 {add = true} : memref<32768xf32, #tpu.memory_space<vmem>>[vector<16xi32>], vector<16xf32>,
      %add3A_670 = arith.constant 9 : i32
      %add3A_671 = vector.broadcast %add3A_670 : i32 to vector<16xi32>
      %add3A_672 = arith.addi %mul3A_91, %add3A_671 : vector<16xi32>
      %mul3A_673 = arith.mulf %exp3A, %gather3A_246 : vector<16xf32>
      tpu.vector_store_idx %arg14[%add3A_672], %mul3A_673 {add = true} : memref<32768xf32, #tpu.memory_space<vmem>>[vector<16xi32>], vector<16xf32>,
      %add3A_674 = arith.constant 10 : i32
      %add3A_675 = vector.broadcast %add3A_674 : i32 to vector<16xi32>
      %add3A_676 = arith.addi %mul3A_91, %add3A_675 : vector<16xi32>
      %mul3A_677 = arith.mulf %exp3A, %gather3A_263 : vector<16xf32>
      tpu.vector_store_idx %arg14[%add3A_676], %mul3A_677 {add = true} : memref<32768xf32, #tpu.memory_space<vmem>>[vector<16xi32>], vector<16xf32>,
      %add3A_678 = arith.constant 11 : i32
      %add3A_679 = vector.broadcast %add3A_678 : i32 to vector<16xi32>
      %add3A_680 = arith.addi %mul3A_91, %add3A_679 : vector<16xi32>
      %mul3A_681 = arith.mulf %exp3A, %gather3A_280 : vector<16xf32>
      tpu.vector_store_idx %arg14[%add3A_680], %mul3A_681 {add = true} : memref<32768xf32, #tpu.memory_space<vmem>>[vector<16xi32>], vector<16xf32>,
      %add3A_682 = arith.constant 12 : i32
      %add3A_683 = vector.broadcast %add3A_682 : i32 to vector<16xi32>
      %add3A_684 = arith.addi %mul3A_91, %add3A_683 : vector<16xi32>
      %mul3A_685 = arith.mulf %exp3A, %gather3A_297 : vector<16xf32>
      tpu.vector_store_idx %arg14[%add3A_684], %mul3A_685 {add = true} : memref<32768xf32, #tpu.memory_space<vmem>>[vector<16xi32>], vector<16xf32>,
      %add3A_686 = arith.constant 13 : i32
      %add3A_687 = vector.broadcast %add3A_686 : i32 to vector<16xi32>
      %add3A_688 = arith.addi %mul3A_91, %add3A_687 : vector<16xi32>
      %mul3A_689 = arith.mulf %exp3A, %gather3A_314 : vector<16xf32>
      tpu.vector_store_idx %arg14[%add3A_688], %mul3A_689 {add = true} : memref<32768xf32, #tpu.memory_space<vmem>>[vector<16xi32>], vector<16xf32>,
      %add3A_690 = arith.constant 14 : i32
      %add3A_691 = vector.broadcast %add3A_690 : i32 to vector<16xi32>
      %add3A_692 = arith.addi %mul3A_91, %add3A_691 : vector<16xi32>
      %mul3A_693 = arith.mulf %exp3A, %gather3A_331 : vector<16xf32>
      tpu.vector_store_idx %arg14[%add3A_692], %mul3A_693 {add = true} : memref<32768xf32, #tpu.memory_space<vmem>>[vector<16xi32>], vector<16xf32>,
      %add3A_694 = arith.constant 15 : i32
      %add3A_695 = vector.broadcast %add3A_694 : i32 to vector<16xi32>
      %add3A_696 = arith.addi %mul3A_91, %add3A_695 : vector<16xi32>
      %mul3A_697 = arith.mulf %exp3A, %gather3A_348 : vector<16xf32>
      tpu.vector_store_idx %arg14[%add3A_696], %mul3A_697 {add = true} : memref<32768xf32, #tpu.memory_space<vmem>>[vector<16xi32>], vector<16xf32>,
      %add3A_698 = arith.constant 16 : i32
      %add3A_699 = vector.broadcast %add3A_698 : i32 to vector<16xi32>
      %add3A_700 = arith.addi %mul3A_91, %add3A_699 : vector<16xi32>
      %mul3A_701 = arith.mulf %exp3A, %gather3A_365 : vector<16xf32>
      tpu.vector_store_idx %arg14[%add3A_700], %mul3A_701 {add = true} : memref<32768xf32, #tpu.memory_space<vmem>>[vector<16xi32>], vector<16xf32>,
      %add3A_702 = arith.constant 17 : i32
      %add3A_703 = vector.broadcast %add3A_702 : i32 to vector<16xi32>
      %add3A_704 = arith.addi %mul3A_91, %add3A_703 : vector<16xi32>
      %mul3A_705 = arith.mulf %exp3A, %gather3A_382 : vector<16xf32>
      tpu.vector_store_idx %arg14[%add3A_704], %mul3A_705 {add = true} : memref<32768xf32, #tpu.memory_space<vmem>>[vector<16xi32>], vector<16xf32>,
      %add3A_706 = arith.constant 18 : i32
      %add3A_707 = vector.broadcast %add3A_706 : i32 to vector<16xi32>
      %add3A_708 = arith.addi %mul3A_91, %add3A_707 : vector<16xi32>
      %mul3A_709 = arith.mulf %exp3A, %gather3A_399 : vector<16xf32>
      tpu.vector_store_idx %arg14[%add3A_708], %mul3A_709 {add = true} : memref<32768xf32, #tpu.memory_space<vmem>>[vector<16xi32>], vector<16xf32>,
      %add3A_710 = arith.constant 19 : i32
      %add3A_711 = vector.broadcast %add3A_710 : i32 to vector<16xi32>
      %add3A_712 = arith.addi %mul3A_91, %add3A_711 : vector<16xi32>
      %mul3A_713 = arith.mulf %exp3A, %gather3A_416 : vector<16xf32>
      tpu.vector_store_idx %arg14[%add3A_712], %mul3A_713 {add = true} : memref<32768xf32, #tpu.memory_space<vmem>>[vector<16xi32>], vector<16xf32>,
      %add3A_714 = arith.constant 20 : i32
      %add3A_715 = vector.broadcast %add3A_714 : i32 to vector<16xi32>
      %add3A_716 = arith.addi %mul3A_91, %add3A_715 : vector<16xi32>
      %mul3A_717 = arith.mulf %exp3A, %gather3A_433 : vector<16xf32>
      tpu.vector_store_idx %arg14[%add3A_716], %mul3A_717 {add = true} : memref<32768xf32, #tpu.memory_space<vmem>>[vector<16xi32>], vector<16xf32>,
      %add3A_718 = arith.constant 21 : i32
      %add3A_719 = vector.broadcast %add3A_718 : i32 to vector<16xi32>
      %add3A_720 = arith.addi %mul3A_91, %add3A_719 : vector<16xi32>
      %mul3A_721 = arith.mulf %exp3A, %gather3A_450 : vector<16xf32>
      tpu.vector_store_idx %arg14[%add3A_720], %mul3A_721 {add = true} : memref<32768xf32, #tpu.memory_space<vmem>>[vector<16xi32>], vector<16xf32>,
      %add3A_722 = arith.constant 22 : i32
      %add3A_723 = vector.broadcast %add3A_722 : i32 to vector<16xi32>
      %add3A_724 = arith.addi %mul3A_91, %add3A_723 : vector<16xi32>
      %mul3A_725 = arith.mulf %exp3A, %gather3A_467 : vector<16xf32>
      tpu.vector_store_idx %arg14[%add3A_724], %mul3A_725 {add = true} : memref<32768xf32, #tpu.memory_space<vmem>>[vector<16xi32>], vector<16xf32>,
      %add3A_726 = arith.constant 23 : i32
      %add3A_727 = vector.broadcast %add3A_726 : i32 to vector<16xi32>
      %add3A_728 = arith.addi %mul3A_91, %add3A_727 : vector<16xi32>
      %mul3A_729 = arith.mulf %exp3A, %gather3A_484 : vector<16xf32>
      tpu.vector_store_idx %arg14[%add3A_728], %mul3A_729 {add = true} : memref<32768xf32, #tpu.memory_space<vmem>>[vector<16xi32>], vector<16xf32>,
      %add3A_730 = arith.constant 24 : i32
      %add3A_731 = vector.broadcast %add3A_730 : i32 to vector<16xi32>
      %add3A_732 = arith.addi %mul3A_91, %add3A_731 : vector<16xi32>
      %mul3A_733 = arith.mulf %exp3A, %gather3A_501 : vector<16xf32>
      tpu.vector_store_idx %arg14[%add3A_732], %mul3A_733 {add = true} : memref<32768xf32, #tpu.memory_space<vmem>>[vector<16xi32>], vector<16xf32>,
      %add3A_734 = arith.constant 25 : i32
      %add3A_735 = vector.broadcast %add3A_734 : i32 to vector<16xi32>
      %add3A_736 = arith.addi %mul3A_91, %add3A_735 : vector<16xi32>
      %mul3A_737 = arith.mulf %exp3A, %gather3A_518 : vector<16xf32>
      tpu.vector_store_idx %arg14[%add3A_736], %mul3A_737 {add = true} : memref<32768xf32, #tpu.memory_space<vmem>>[vector<16xi32>], vector<16xf32>,
      %add3A_738 = arith.constant 26 : i32
      %add3A_739 = vector.broadcast %add3A_738 : i32 to vector<16xi32>
      %add3A_740 = arith.addi %mul3A_91, %add3A_739 : vector<16xi32>
      %mul3A_741 = arith.mulf %exp3A, %gather3A_535 : vector<16xf32>
      tpu.vector_store_idx %arg14[%add3A_740], %mul3A_741 {add = true} : memref<32768xf32, #tpu.memory_space<vmem>>[vector<16xi32>], vector<16xf32>,
      %add3A_742 = arith.constant 27 : i32
      %add3A_743 = vector.broadcast %add3A_742 : i32 to vector<16xi32>
      %add3A_744 = arith.addi %mul3A_91, %add3A_743 : vector<16xi32>
      %mul3A_745 = arith.mulf %exp3A, %gather3A_552 : vector<16xf32>
      tpu.vector_store_idx %arg14[%add3A_744], %mul3A_745 {add = true} : memref<32768xf32, #tpu.memory_space<vmem>>[vector<16xi32>], vector<16xf32>,
      %add3A_746 = arith.constant 28 : i32
      %add3A_747 = vector.broadcast %add3A_746 : i32 to vector<16xi32>
      %add3A_748 = arith.addi %mul3A_91, %add3A_747 : vector<16xi32>
      %mul3A_749 = arith.mulf %exp3A, %gather3A_569 : vector<16xf32>
      tpu.vector_store_idx %arg14[%add3A_748], %mul3A_749 {add = true} : memref<32768xf32, #tpu.memory_space<vmem>>[vector<16xi32>], vector<16xf32>,
      %add3A_750 = arith.constant 29 : i32
      %add3A_751 = vector.broadcast %add3A_750 : i32 to vector<16xi32>
      %add3A_752 = arith.addi %mul3A_91, %add3A_751 : vector<16xi32>
      %mul3A_753 = arith.mulf %exp3A, %gather3A_586 : vector<16xf32>
      tpu.vector_store_idx %arg14[%add3A_752], %mul3A_753 {add = true} : memref<32768xf32, #tpu.memory_space<vmem>>[vector<16xi32>], vector<16xf32>,
      %add3A_754 = arith.constant 30 : i32
      %add3A_755 = vector.broadcast %add3A_754 : i32 to vector<16xi32>
      %add3A_756 = arith.addi %mul3A_91, %add3A_755 : vector<16xi32>
      %mul3A_757 = arith.mulf %exp3A, %gather3A_603 : vector<16xf32>
      tpu.vector_store_idx %arg14[%add3A_756], %mul3A_757 {add = true} : memref<32768xf32, #tpu.memory_space<vmem>>[vector<16xi32>], vector<16xf32>,
      %add3A_758 = arith.constant 31 : i32
      %add3A_759 = vector.broadcast %add3A_758 : i32 to vector<16xi32>
      %add3A_760 = arith.addi %mul3A_91, %add3A_759 : vector<16xi32>
      %mul3A_761 = arith.mulf %exp3A, %gather3A_620 : vector<16xf32>
      tpu.vector_store_idx %arg14[%add3A_760], %mul3A_761 {add = true} : memref<32768xf32, #tpu.memory_space<vmem>>[vector<16xi32>], vector<16xf32>,
    }
    %scan3A_68 = arith.constant 512 : i32
    "tpu.region"() ({
      %run_scoped3A = tpu.sem_alloc : memref<!tpu.dma_semaphore, #tpu.memory_space<semaphore_mem>>
      %dma_start3A = arith.constant 8192 : i32
      %dma_start3A_74 = tpu.memref_slice %arg4[%dma_start3A] : memref<16384xi32, #tpu.memory_space<hbm>> -> memref<8192xi32, #tpu.memory_space<hbm>>
      %dma_start3A_75 = arith.constant 8192 : i32
      %dma_start3A_76 = tpu.memref_slice %arg4[%dma_start3A_75] : memref<16384xi32, #tpu.memory_space<hbm>> -> memref<8192xi32, #tpu.memory_space<hbm>>
      tpu.enqueue_dma source(%dma_start3A_76 : memref<8192xi32, #tpu.memory_space<hbm>>) target(%arg12 : memref<8192xi32, #tpu.memory_space<vmem>>) target_semaphore(%run_scoped3A : memref<!tpu.dma_semaphore, #tpu.memory_space<semaphore_mem>>)
      %dma_wait3A = arith.constant 8192 : i32
      %dma_wait3A_77 = tpu.memref_slice %arg4[%dma_wait3A] : memref<16384xi32, #tpu.memory_space<hbm>> -> memref<8192xi32, #tpu.memory_space<hbm>>
      %dma_wait3A_78 = arith.constant 8192 : i32
      %dma_wait3A_79 = tpu.memref_slice %arg4[%dma_wait3A_78] : memref<16384xi32, #tpu.memory_space<hbm>> -> memref<8192xi32, #tpu.memory_space<hbm>>
      tpu.wait_dma2 semaphore(%run_scoped3A : memref<!tpu.dma_semaphore, #tpu.memory_space<semaphore_mem>>) src(%dma_wait3A_79 : memref<8192xi32, #tpu.memory_space<hbm>>) dst(%arg12 : memref<8192xi32, #tpu.memory_space<vmem>>)
      tpu.yield
    }) : () -> ()
    "tpu.region"() ({
      %run_scoped3A = tpu.sem_alloc : memref<!tpu.dma_semaphore, #tpu.memory_space<semaphore_mem>>
      %dma_start3A = arith.constant 8192 : i32
      %dma_start3A_74 = tpu.memref_slice %arg5[%dma_start3A] : memref<16384xi32, #tpu.memory_space<hbm>> -> memref<8192xi32, #tpu.memory_space<hbm>>
      %dma_start3A_75 = arith.constant 8192 : i32
      %dma_start3A_76 = tpu.memref_slice %arg5[%dma_start3A_75] : memref<16384xi32, #tpu.memory_space<hbm>> -> memref<8192xi32, #tpu.memory_space<hbm>>
      tpu.enqueue_dma source(%dma_start3A_76 : memref<8192xi32, #tpu.memory_space<hbm>>) target(%arg13 : memref<8192xi32, #tpu.memory_space<vmem>>) target_semaphore(%run_scoped3A : memref<!tpu.dma_semaphore, #tpu.memory_space<semaphore_mem>>)
      %dma_wait3A = arith.constant 8192 : i32
      %dma_wait3A_77 = tpu.memref_slice %arg5[%dma_wait3A] : memref<16384xi32, #tpu.memory_space<hbm>> -> memref<8192xi32, #tpu.memory_space<hbm>>
      %dma_wait3A_78 = arith.constant 8192 : i32
      %dma_wait3A_79 = tpu.memref_slice %arg5[%dma_wait3A_78] : memref<16384xi32, #tpu.memory_space<hbm>> -> memref<8192xi32, #tpu.memory_space<hbm>>
      tpu.wait_dma2 semaphore(%run_scoped3A : memref<!tpu.dma_semaphore, #tpu.memory_space<semaphore_mem>>) src(%dma_wait3A_79 : memref<8192xi32, #tpu.memory_space<hbm>>) dst(%arg13 : memref<8192xi32, #tpu.memory_space<vmem>>)
      tpu.yield
    }) : () -> ()
    %scan3A_69 = arith.constant 0 : i32
    %scan3A_70 = arith.constant 512 : i32
    %scan3A_71 = arith.addi %scan3A_69, %scan3A_70 : i32
    %scan3A_72 = arith.constant 1 : i32
    scf.for %scan3A_74 = %scan3A_69 to %scan3A_71 step %scan3A_72  : i32 {
      %mul3A_75 = arith.constant 1 : i32
      %mul3A_76 = arith.muli %scan3A_74, %mul3A_75 : i32
      %add3A_77 = arith.constant 0 : i32
      %add3A_78 = arith.addi %add3A_77, %mul3A_76 : i32
      %mul3A_79 = arith.constant 16 : i32
      %mul3A_80 = arith.muli %add3A_78, %mul3A_79 : i32
      %get3A = arith.index_cast %mul3A_80 : i32 to index
      %get3A_81 = tpu.vector_load %arg12[%get3A] {strides = array<i32>} : memref<8192xi32, #tpu.memory_space<vmem>>, vector<16xi32>,
      %mul3A_82 = arith.constant 16 : i32
      %mul3A_83 = arith.muli %add3A_78, %mul3A_82 : i32
      %get3A_84 = arith.index_cast %mul3A_83 : i32 to index
      %get3A_85 = tpu.vector_load %arg13[%get3A_84] {strides = array<i32>} : memref<8192xi32, #tpu.memory_space<vmem>>, vector<16xi32>,
      %mul3A_86 = arith.constant 32 : i32
      %mul3A_87 = vector.broadcast %mul3A_86 : i32 to vector<16xi32>
      %mul3A_88 = arith.muli %get3A_81, %mul3A_87 : vector<16xi32>
      %mul3A_89 = arith.constant 32 : i32
      %mul3A_90 = vector.broadcast %mul3A_89 : i32 to vector<16xi32>
      %mul3A_91 = arith.muli %get3A_85, %mul3A_90 : vector<16xi32>
      %add3A_92 = arith.constant 0 : i32
      %add3A_93 = vector.broadcast %add3A_92 : i32 to vector<16xi32>
      %add3A_94 = arith.addi %mul3A_88, %add3A_93 : vector<16xi32>
      %gather3A = tpu.vector_load_idx %arg9[%add3A_94] : memref<32768xf32, #tpu.memory_space<vmem>>[vector<16xi32>], vector<16xf32>,
      %add3A_95 = arith.constant 0 : i32
      %add3A_96 = vector.broadcast %add3A_95 : i32 to vector<16xi32>
      %add3A_97 = arith.addi %mul3A_91, %add3A_96 : vector<16xi32>
      %gather3A_98 = tpu.vector_load_idx %arg10[%add3A_97] : memref<32768xf32, #tpu.memory_space<vmem>>[vector<16xi32>], vector<16xf32>,
      %add3A_99 = arith.addf %gather3A, %gather3A_98 : vector<16xf32>
      %mul3A_100 = arith.constant 2.000000e-01 : f32
      %mul3A_101 = vector.broadcast %mul3A_100 : f32 to vector<16xf32>
      %mul3A_102 = arith.mulf %mul3A_101, %add3A_99 : vector<16xf32>
      %max3A = arith.maximumf %add3A_99, %mul3A_102 : vector<16xf32>
      %get3A_103 = arith.constant 0 : index
      %get3A_104 = tpu.vector_load %arg11[%get3A_103] {strides = array<i32>} : memref<512xf32, #tpu.memory_space<vmem>>, vector<16xf32>,
      %mul3A_105 = arith.mulf %get3A_104, %max3A : vector<16xf32>
      %add3A_106 = arith.addf %broadcast_in_dim3A_1, %mul3A_105 : vector<16xf32>
      %add3A_107 = arith.constant 1 : i32
      %add3A_108 = vector.broadcast %add3A_107 : i32 to vector<16xi32>
      %add3A_109 = arith.addi %mul3A_88, %add3A_108 : vector<16xi32>
      %gather3A_110 = tpu.vector_load_idx %arg9[%add3A_109] : memref<32768xf32, #tpu.memory_space<vmem>>[vector<16xi32>], vector<16xf32>,
      %add3A_111 = arith.constant 1 : i32
      %add3A_112 = vector.broadcast %add3A_111 : i32 to vector<16xi32>
      %add3A_113 = arith.addi %mul3A_91, %add3A_112 : vector<16xi32>
      %gather3A_114 = tpu.vector_load_idx %arg10[%add3A_113] : memref<32768xf32, #tpu.memory_space<vmem>>[vector<16xi32>], vector<16xf32>,
      %add3A_115 = arith.addf %gather3A_110, %gather3A_114 : vector<16xf32>
      %mul3A_116 = arith.constant 2.000000e-01 : f32
      %mul3A_117 = vector.broadcast %mul3A_116 : f32 to vector<16xf32>
      %mul3A_118 = arith.mulf %mul3A_117, %add3A_115 : vector<16xf32>
      %max3A_119 = arith.maximumf %add3A_115, %mul3A_118 : vector<16xf32>
      %get3A_120 = arith.constant 16 : index
      %get3A_121 = tpu.vector_load %arg11[%get3A_120] {strides = array<i32>} : memref<512xf32, #tpu.memory_space<vmem>>, vector<16xf32>,
      %mul3A_122 = arith.mulf %get3A_121, %max3A_119 : vector<16xf32>
      %add3A_123 = arith.addf %add3A_106, %mul3A_122 : vector<16xf32>
      %add3A_124 = arith.constant 2 : i32
      %add3A_125 = vector.broadcast %add3A_124 : i32 to vector<16xi32>
      %add3A_126 = arith.addi %mul3A_88, %add3A_125 : vector<16xi32>
      %gather3A_127 = tpu.vector_load_idx %arg9[%add3A_126] : memref<32768xf32, #tpu.memory_space<vmem>>[vector<16xi32>], vector<16xf32>,
      %add3A_128 = arith.constant 2 : i32
      %add3A_129 = vector.broadcast %add3A_128 : i32 to vector<16xi32>
      %add3A_130 = arith.addi %mul3A_91, %add3A_129 : vector<16xi32>
      %gather3A_131 = tpu.vector_load_idx %arg10[%add3A_130] : memref<32768xf32, #tpu.memory_space<vmem>>[vector<16xi32>], vector<16xf32>,
      %add3A_132 = arith.addf %gather3A_127, %gather3A_131 : vector<16xf32>
      %mul3A_133 = arith.constant 2.000000e-01 : f32
      %mul3A_134 = vector.broadcast %mul3A_133 : f32 to vector<16xf32>
      %mul3A_135 = arith.mulf %mul3A_134, %add3A_132 : vector<16xf32>
      %max3A_136 = arith.maximumf %add3A_132, %mul3A_135 : vector<16xf32>
      %get3A_137 = arith.constant 32 : index
      %get3A_138 = tpu.vector_load %arg11[%get3A_137] {strides = array<i32>} : memref<512xf32, #tpu.memory_space<vmem>>, vector<16xf32>,
      %mul3A_139 = arith.mulf %get3A_138, %max3A_136 : vector<16xf32>
      %add3A_140 = arith.addf %add3A_123, %mul3A_139 : vector<16xf32>
      %add3A_141 = arith.constant 3 : i32
      %add3A_142 = vector.broadcast %add3A_141 : i32 to vector<16xi32>
      %add3A_143 = arith.addi %mul3A_88, %add3A_142 : vector<16xi32>
      %gather3A_144 = tpu.vector_load_idx %arg9[%add3A_143] : memref<32768xf32, #tpu.memory_space<vmem>>[vector<16xi32>], vector<16xf32>,
      %add3A_145 = arith.constant 3 : i32
      %add3A_146 = vector.broadcast %add3A_145 : i32 to vector<16xi32>
      %add3A_147 = arith.addi %mul3A_91, %add3A_146 : vector<16xi32>
      %gather3A_148 = tpu.vector_load_idx %arg10[%add3A_147] : memref<32768xf32, #tpu.memory_space<vmem>>[vector<16xi32>], vector<16xf32>,
      %add3A_149 = arith.addf %gather3A_144, %gather3A_148 : vector<16xf32>
      %mul3A_150 = arith.constant 2.000000e-01 : f32
      %mul3A_151 = vector.broadcast %mul3A_150 : f32 to vector<16xf32>
      %mul3A_152 = arith.mulf %mul3A_151, %add3A_149 : vector<16xf32>
      %max3A_153 = arith.maximumf %add3A_149, %mul3A_152 : vector<16xf32>
      %get3A_154 = arith.constant 48 : index
      %get3A_155 = tpu.vector_load %arg11[%get3A_154] {strides = array<i32>} : memref<512xf32, #tpu.memory_space<vmem>>, vector<16xf32>,
      %mul3A_156 = arith.mulf %get3A_155, %max3A_153 : vector<16xf32>
      %add3A_157 = arith.addf %add3A_140, %mul3A_156 : vector<16xf32>
      %add3A_158 = arith.constant 4 : i32
      %add3A_159 = vector.broadcast %add3A_158 : i32 to vector<16xi32>
      %add3A_160 = arith.addi %mul3A_88, %add3A_159 : vector<16xi32>
      %gather3A_161 = tpu.vector_load_idx %arg9[%add3A_160] : memref<32768xf32, #tpu.memory_space<vmem>>[vector<16xi32>], vector<16xf32>,
      %add3A_162 = arith.constant 4 : i32
      %add3A_163 = vector.broadcast %add3A_162 : i32 to vector<16xi32>
      %add3A_164 = arith.addi %mul3A_91, %add3A_163 : vector<16xi32>
      %gather3A_165 = tpu.vector_load_idx %arg10[%add3A_164] : memref<32768xf32, #tpu.memory_space<vmem>>[vector<16xi32>], vector<16xf32>,
      %add3A_166 = arith.addf %gather3A_161, %gather3A_165 : vector<16xf32>
      %mul3A_167 = arith.constant 2.000000e-01 : f32
      %mul3A_168 = vector.broadcast %mul3A_167 : f32 to vector<16xf32>
      %mul3A_169 = arith.mulf %mul3A_168, %add3A_166 : vector<16xf32>
      %max3A_170 = arith.maximumf %add3A_166, %mul3A_169 : vector<16xf32>
      %get3A_171 = arith.constant 64 : index
      %get3A_172 = tpu.vector_load %arg11[%get3A_171] {strides = array<i32>} : memref<512xf32, #tpu.memory_space<vmem>>, vector<16xf32>,
      %mul3A_173 = arith.mulf %get3A_172, %max3A_170 : vector<16xf32>
      %add3A_174 = arith.addf %add3A_157, %mul3A_173 : vector<16xf32>
      %add3A_175 = arith.constant 5 : i32
      %add3A_176 = vector.broadcast %add3A_175 : i32 to vector<16xi32>
      %add3A_177 = arith.addi %mul3A_88, %add3A_176 : vector<16xi32>
      %gather3A_178 = tpu.vector_load_idx %arg9[%add3A_177] : memref<32768xf32, #tpu.memory_space<vmem>>[vector<16xi32>], vector<16xf32>,
      %add3A_179 = arith.constant 5 : i32
      %add3A_180 = vector.broadcast %add3A_179 : i32 to vector<16xi32>
      %add3A_181 = arith.addi %mul3A_91, %add3A_180 : vector<16xi32>
      %gather3A_182 = tpu.vector_load_idx %arg10[%add3A_181] : memref<32768xf32, #tpu.memory_space<vmem>>[vector<16xi32>], vector<16xf32>,
      %add3A_183 = arith.addf %gather3A_178, %gather3A_182 : vector<16xf32>
      %mul3A_184 = arith.constant 2.000000e-01 : f32
      %mul3A_185 = vector.broadcast %mul3A_184 : f32 to vector<16xf32>
      %mul3A_186 = arith.mulf %mul3A_185, %add3A_183 : vector<16xf32>
      %max3A_187 = arith.maximumf %add3A_183, %mul3A_186 : vector<16xf32>
      %get3A_188 = arith.constant 80 : index
      %get3A_189 = tpu.vector_load %arg11[%get3A_188] {strides = array<i32>} : memref<512xf32, #tpu.memory_space<vmem>>, vector<16xf32>,
      %mul3A_190 = arith.mulf %get3A_189, %max3A_187 : vector<16xf32>
      %add3A_191 = arith.addf %add3A_174, %mul3A_190 : vector<16xf32>
      %add3A_192 = arith.constant 6 : i32
      %add3A_193 = vector.broadcast %add3A_192 : i32 to vector<16xi32>
      %add3A_194 = arith.addi %mul3A_88, %add3A_193 : vector<16xi32>
      %gather3A_195 = tpu.vector_load_idx %arg9[%add3A_194] : memref<32768xf32, #tpu.memory_space<vmem>>[vector<16xi32>], vector<16xf32>,
      %add3A_196 = arith.constant 6 : i32
      %add3A_197 = vector.broadcast %add3A_196 : i32 to vector<16xi32>
      %add3A_198 = arith.addi %mul3A_91, %add3A_197 : vector<16xi32>
      %gather3A_199 = tpu.vector_load_idx %arg10[%add3A_198] : memref<32768xf32, #tpu.memory_space<vmem>>[vector<16xi32>], vector<16xf32>,
      %add3A_200 = arith.addf %gather3A_195, %gather3A_199 : vector<16xf32>
      %mul3A_201 = arith.constant 2.000000e-01 : f32
      %mul3A_202 = vector.broadcast %mul3A_201 : f32 to vector<16xf32>
      %mul3A_203 = arith.mulf %mul3A_202, %add3A_200 : vector<16xf32>
      %max3A_204 = arith.maximumf %add3A_200, %mul3A_203 : vector<16xf32>
      %get3A_205 = arith.constant 96 : index
      %get3A_206 = tpu.vector_load %arg11[%get3A_205] {strides = array<i32>} : memref<512xf32, #tpu.memory_space<vmem>>, vector<16xf32>,
      %mul3A_207 = arith.mulf %get3A_206, %max3A_204 : vector<16xf32>
      %add3A_208 = arith.addf %add3A_191, %mul3A_207 : vector<16xf32>
      %add3A_209 = arith.constant 7 : i32
      %add3A_210 = vector.broadcast %add3A_209 : i32 to vector<16xi32>
      %add3A_211 = arith.addi %mul3A_88, %add3A_210 : vector<16xi32>
      %gather3A_212 = tpu.vector_load_idx %arg9[%add3A_211] : memref<32768xf32, #tpu.memory_space<vmem>>[vector<16xi32>], vector<16xf32>,
      %add3A_213 = arith.constant 7 : i32
      %add3A_214 = vector.broadcast %add3A_213 : i32 to vector<16xi32>
      %add3A_215 = arith.addi %mul3A_91, %add3A_214 : vector<16xi32>
      %gather3A_216 = tpu.vector_load_idx %arg10[%add3A_215] : memref<32768xf32, #tpu.memory_space<vmem>>[vector<16xi32>], vector<16xf32>,
      %add3A_217 = arith.addf %gather3A_212, %gather3A_216 : vector<16xf32>
      %mul3A_218 = arith.constant 2.000000e-01 : f32
      %mul3A_219 = vector.broadcast %mul3A_218 : f32 to vector<16xf32>
      %mul3A_220 = arith.mulf %mul3A_219, %add3A_217 : vector<16xf32>
      %max3A_221 = arith.maximumf %add3A_217, %mul3A_220 : vector<16xf32>
      %get3A_222 = arith.constant 112 : index
      %get3A_223 = tpu.vector_load %arg11[%get3A_222] {strides = array<i32>} : memref<512xf32, #tpu.memory_space<vmem>>, vector<16xf32>,
      %mul3A_224 = arith.mulf %get3A_223, %max3A_221 : vector<16xf32>
      %add3A_225 = arith.addf %add3A_208, %mul3A_224 : vector<16xf32>
      %add3A_226 = arith.constant 8 : i32
      %add3A_227 = vector.broadcast %add3A_226 : i32 to vector<16xi32>
      %add3A_228 = arith.addi %mul3A_88, %add3A_227 : vector<16xi32>
      %gather3A_229 = tpu.vector_load_idx %arg9[%add3A_228] : memref<32768xf32, #tpu.memory_space<vmem>>[vector<16xi32>], vector<16xf32>,
      %add3A_230 = arith.constant 8 : i32
      %add3A_231 = vector.broadcast %add3A_230 : i32 to vector<16xi32>
      %add3A_232 = arith.addi %mul3A_91, %add3A_231 : vector<16xi32>
      %gather3A_233 = tpu.vector_load_idx %arg10[%add3A_232] : memref<32768xf32, #tpu.memory_space<vmem>>[vector<16xi32>], vector<16xf32>,
      %add3A_234 = arith.addf %gather3A_229, %gather3A_233 : vector<16xf32>
      %mul3A_235 = arith.constant 2.000000e-01 : f32
      %mul3A_236 = vector.broadcast %mul3A_235 : f32 to vector<16xf32>
      %mul3A_237 = arith.mulf %mul3A_236, %add3A_234 : vector<16xf32>
      %max3A_238 = arith.maximumf %add3A_234, %mul3A_237 : vector<16xf32>
      %get3A_239 = arith.constant 128 : index
      %get3A_240 = tpu.vector_load %arg11[%get3A_239] {strides = array<i32>} : memref<512xf32, #tpu.memory_space<vmem>>, vector<16xf32>,
      %mul3A_241 = arith.mulf %get3A_240, %max3A_238 : vector<16xf32>
      %add3A_242 = arith.addf %add3A_225, %mul3A_241 : vector<16xf32>
      %add3A_243 = arith.constant 9 : i32
      %add3A_244 = vector.broadcast %add3A_243 : i32 to vector<16xi32>
      %add3A_245 = arith.addi %mul3A_88, %add3A_244 : vector<16xi32>
      %gather3A_246 = tpu.vector_load_idx %arg9[%add3A_245] : memref<32768xf32, #tpu.memory_space<vmem>>[vector<16xi32>], vector<16xf32>,
      %add3A_247 = arith.constant 9 : i32
      %add3A_248 = vector.broadcast %add3A_247 : i32 to vector<16xi32>
      %add3A_249 = arith.addi %mul3A_91, %add3A_248 : vector<16xi32>
      %gather3A_250 = tpu.vector_load_idx %arg10[%add3A_249] : memref<32768xf32, #tpu.memory_space<vmem>>[vector<16xi32>], vector<16xf32>,
      %add3A_251 = arith.addf %gather3A_246, %gather3A_250 : vector<16xf32>
      %mul3A_252 = arith.constant 2.000000e-01 : f32
      %mul3A_253 = vector.broadcast %mul3A_252 : f32 to vector<16xf32>
      %mul3A_254 = arith.mulf %mul3A_253, %add3A_251 : vector<16xf32>
      %max3A_255 = arith.maximumf %add3A_251, %mul3A_254 : vector<16xf32>
      %get3A_256 = arith.constant 144 : index
      %get3A_257 = tpu.vector_load %arg11[%get3A_256] {strides = array<i32>} : memref<512xf32, #tpu.memory_space<vmem>>, vector<16xf32>,
      %mul3A_258 = arith.mulf %get3A_257, %max3A_255 : vector<16xf32>
      %add3A_259 = arith.addf %add3A_242, %mul3A_258 : vector<16xf32>
      %add3A_260 = arith.constant 10 : i32
      %add3A_261 = vector.broadcast %add3A_260 : i32 to vector<16xi32>
      %add3A_262 = arith.addi %mul3A_88, %add3A_261 : vector<16xi32>
      %gather3A_263 = tpu.vector_load_idx %arg9[%add3A_262] : memref<32768xf32, #tpu.memory_space<vmem>>[vector<16xi32>], vector<16xf32>,
      %add3A_264 = arith.constant 10 : i32
      %add3A_265 = vector.broadcast %add3A_264 : i32 to vector<16xi32>
      %add3A_266 = arith.addi %mul3A_91, %add3A_265 : vector<16xi32>
      %gather3A_267 = tpu.vector_load_idx %arg10[%add3A_266] : memref<32768xf32, #tpu.memory_space<vmem>>[vector<16xi32>], vector<16xf32>,
      %add3A_268 = arith.addf %gather3A_263, %gather3A_267 : vector<16xf32>
      %mul3A_269 = arith.constant 2.000000e-01 : f32
      %mul3A_270 = vector.broadcast %mul3A_269 : f32 to vector<16xf32>
      %mul3A_271 = arith.mulf %mul3A_270, %add3A_268 : vector<16xf32>
      %max3A_272 = arith.maximumf %add3A_268, %mul3A_271 : vector<16xf32>
      %get3A_273 = arith.constant 160 : index
      %get3A_274 = tpu.vector_load %arg11[%get3A_273] {strides = array<i32>} : memref<512xf32, #tpu.memory_space<vmem>>, vector<16xf32>,
      %mul3A_275 = arith.mulf %get3A_274, %max3A_272 : vector<16xf32>
      %add3A_276 = arith.addf %add3A_259, %mul3A_275 : vector<16xf32>
      %add3A_277 = arith.constant 11 : i32
      %add3A_278 = vector.broadcast %add3A_277 : i32 to vector<16xi32>
      %add3A_279 = arith.addi %mul3A_88, %add3A_278 : vector<16xi32>
      %gather3A_280 = tpu.vector_load_idx %arg9[%add3A_279] : memref<32768xf32, #tpu.memory_space<vmem>>[vector<16xi32>], vector<16xf32>,
      %add3A_281 = arith.constant 11 : i32
      %add3A_282 = vector.broadcast %add3A_281 : i32 to vector<16xi32>
      %add3A_283 = arith.addi %mul3A_91, %add3A_282 : vector<16xi32>
      %gather3A_284 = tpu.vector_load_idx %arg10[%add3A_283] : memref<32768xf32, #tpu.memory_space<vmem>>[vector<16xi32>], vector<16xf32>,
      %add3A_285 = arith.addf %gather3A_280, %gather3A_284 : vector<16xf32>
      %mul3A_286 = arith.constant 2.000000e-01 : f32
      %mul3A_287 = vector.broadcast %mul3A_286 : f32 to vector<16xf32>
      %mul3A_288 = arith.mulf %mul3A_287, %add3A_285 : vector<16xf32>
      %max3A_289 = arith.maximumf %add3A_285, %mul3A_288 : vector<16xf32>
      %get3A_290 = arith.constant 176 : index
      %get3A_291 = tpu.vector_load %arg11[%get3A_290] {strides = array<i32>} : memref<512xf32, #tpu.memory_space<vmem>>, vector<16xf32>,
      %mul3A_292 = arith.mulf %get3A_291, %max3A_289 : vector<16xf32>
      %add3A_293 = arith.addf %add3A_276, %mul3A_292 : vector<16xf32>
      %add3A_294 = arith.constant 12 : i32
      %add3A_295 = vector.broadcast %add3A_294 : i32 to vector<16xi32>
      %add3A_296 = arith.addi %mul3A_88, %add3A_295 : vector<16xi32>
      %gather3A_297 = tpu.vector_load_idx %arg9[%add3A_296] : memref<32768xf32, #tpu.memory_space<vmem>>[vector<16xi32>], vector<16xf32>,
      %add3A_298 = arith.constant 12 : i32
      %add3A_299 = vector.broadcast %add3A_298 : i32 to vector<16xi32>
      %add3A_300 = arith.addi %mul3A_91, %add3A_299 : vector<16xi32>
      %gather3A_301 = tpu.vector_load_idx %arg10[%add3A_300] : memref<32768xf32, #tpu.memory_space<vmem>>[vector<16xi32>], vector<16xf32>,
      %add3A_302 = arith.addf %gather3A_297, %gather3A_301 : vector<16xf32>
      %mul3A_303 = arith.constant 2.000000e-01 : f32
      %mul3A_304 = vector.broadcast %mul3A_303 : f32 to vector<16xf32>
      %mul3A_305 = arith.mulf %mul3A_304, %add3A_302 : vector<16xf32>
      %max3A_306 = arith.maximumf %add3A_302, %mul3A_305 : vector<16xf32>
      %get3A_307 = arith.constant 192 : index
      %get3A_308 = tpu.vector_load %arg11[%get3A_307] {strides = array<i32>} : memref<512xf32, #tpu.memory_space<vmem>>, vector<16xf32>,
      %mul3A_309 = arith.mulf %get3A_308, %max3A_306 : vector<16xf32>
      %add3A_310 = arith.addf %add3A_293, %mul3A_309 : vector<16xf32>
      %add3A_311 = arith.constant 13 : i32
      %add3A_312 = vector.broadcast %add3A_311 : i32 to vector<16xi32>
      %add3A_313 = arith.addi %mul3A_88, %add3A_312 : vector<16xi32>
      %gather3A_314 = tpu.vector_load_idx %arg9[%add3A_313] : memref<32768xf32, #tpu.memory_space<vmem>>[vector<16xi32>], vector<16xf32>,
      %add3A_315 = arith.constant 13 : i32
      %add3A_316 = vector.broadcast %add3A_315 : i32 to vector<16xi32>
      %add3A_317 = arith.addi %mul3A_91, %add3A_316 : vector<16xi32>
      %gather3A_318 = tpu.vector_load_idx %arg10[%add3A_317] : memref<32768xf32, #tpu.memory_space<vmem>>[vector<16xi32>], vector<16xf32>,
      %add3A_319 = arith.addf %gather3A_314, %gather3A_318 : vector<16xf32>
      %mul3A_320 = arith.constant 2.000000e-01 : f32
      %mul3A_321 = vector.broadcast %mul3A_320 : f32 to vector<16xf32>
      %mul3A_322 = arith.mulf %mul3A_321, %add3A_319 : vector<16xf32>
      %max3A_323 = arith.maximumf %add3A_319, %mul3A_322 : vector<16xf32>
      %get3A_324 = arith.constant 208 : index
      %get3A_325 = tpu.vector_load %arg11[%get3A_324] {strides = array<i32>} : memref<512xf32, #tpu.memory_space<vmem>>, vector<16xf32>,
      %mul3A_326 = arith.mulf %get3A_325, %max3A_323 : vector<16xf32>
      %add3A_327 = arith.addf %add3A_310, %mul3A_326 : vector<16xf32>
      %add3A_328 = arith.constant 14 : i32
      %add3A_329 = vector.broadcast %add3A_328 : i32 to vector<16xi32>
      %add3A_330 = arith.addi %mul3A_88, %add3A_329 : vector<16xi32>
      %gather3A_331 = tpu.vector_load_idx %arg9[%add3A_330] : memref<32768xf32, #tpu.memory_space<vmem>>[vector<16xi32>], vector<16xf32>,
      %add3A_332 = arith.constant 14 : i32
      %add3A_333 = vector.broadcast %add3A_332 : i32 to vector<16xi32>
      %add3A_334 = arith.addi %mul3A_91, %add3A_333 : vector<16xi32>
      %gather3A_335 = tpu.vector_load_idx %arg10[%add3A_334] : memref<32768xf32, #tpu.memory_space<vmem>>[vector<16xi32>], vector<16xf32>,
      %add3A_336 = arith.addf %gather3A_331, %gather3A_335 : vector<16xf32>
      %mul3A_337 = arith.constant 2.000000e-01 : f32
      %mul3A_338 = vector.broadcast %mul3A_337 : f32 to vector<16xf32>
      %mul3A_339 = arith.mulf %mul3A_338, %add3A_336 : vector<16xf32>
      %max3A_340 = arith.maximumf %add3A_336, %mul3A_339 : vector<16xf32>
      %get3A_341 = arith.constant 224 : index
      %get3A_342 = tpu.vector_load %arg11[%get3A_341] {strides = array<i32>} : memref<512xf32, #tpu.memory_space<vmem>>, vector<16xf32>,
      %mul3A_343 = arith.mulf %get3A_342, %max3A_340 : vector<16xf32>
      %add3A_344 = arith.addf %add3A_327, %mul3A_343 : vector<16xf32>
      %add3A_345 = arith.constant 15 : i32
      %add3A_346 = vector.broadcast %add3A_345 : i32 to vector<16xi32>
      %add3A_347 = arith.addi %mul3A_88, %add3A_346 : vector<16xi32>
      %gather3A_348 = tpu.vector_load_idx %arg9[%add3A_347] : memref<32768xf32, #tpu.memory_space<vmem>>[vector<16xi32>], vector<16xf32>,
      %add3A_349 = arith.constant 15 : i32
      %add3A_350 = vector.broadcast %add3A_349 : i32 to vector<16xi32>
      %add3A_351 = arith.addi %mul3A_91, %add3A_350 : vector<16xi32>
      %gather3A_352 = tpu.vector_load_idx %arg10[%add3A_351] : memref<32768xf32, #tpu.memory_space<vmem>>[vector<16xi32>], vector<16xf32>,
      %add3A_353 = arith.addf %gather3A_348, %gather3A_352 : vector<16xf32>
      %mul3A_354 = arith.constant 2.000000e-01 : f32
      %mul3A_355 = vector.broadcast %mul3A_354 : f32 to vector<16xf32>
      %mul3A_356 = arith.mulf %mul3A_355, %add3A_353 : vector<16xf32>
      %max3A_357 = arith.maximumf %add3A_353, %mul3A_356 : vector<16xf32>
      %get3A_358 = arith.constant 240 : index
      %get3A_359 = tpu.vector_load %arg11[%get3A_358] {strides = array<i32>} : memref<512xf32, #tpu.memory_space<vmem>>, vector<16xf32>,
      %mul3A_360 = arith.mulf %get3A_359, %max3A_357 : vector<16xf32>
      %add3A_361 = arith.addf %add3A_344, %mul3A_360 : vector<16xf32>
      %add3A_362 = arith.constant 16 : i32
      %add3A_363 = vector.broadcast %add3A_362 : i32 to vector<16xi32>
      %add3A_364 = arith.addi %mul3A_88, %add3A_363 : vector<16xi32>
      %gather3A_365 = tpu.vector_load_idx %arg9[%add3A_364] : memref<32768xf32, #tpu.memory_space<vmem>>[vector<16xi32>], vector<16xf32>,
      %add3A_366 = arith.constant 16 : i32
      %add3A_367 = vector.broadcast %add3A_366 : i32 to vector<16xi32>
      %add3A_368 = arith.addi %mul3A_91, %add3A_367 : vector<16xi32>
      %gather3A_369 = tpu.vector_load_idx %arg10[%add3A_368] : memref<32768xf32, #tpu.memory_space<vmem>>[vector<16xi32>], vector<16xf32>,
      %add3A_370 = arith.addf %gather3A_365, %gather3A_369 : vector<16xf32>
      %mul3A_371 = arith.constant 2.000000e-01 : f32
      %mul3A_372 = vector.broadcast %mul3A_371 : f32 to vector<16xf32>
      %mul3A_373 = arith.mulf %mul3A_372, %add3A_370 : vector<16xf32>
      %max3A_374 = arith.maximumf %add3A_370, %mul3A_373 : vector<16xf32>
      %get3A_375 = arith.constant 256 : index
      %get3A_376 = tpu.vector_load %arg11[%get3A_375] {strides = array<i32>} : memref<512xf32, #tpu.memory_space<vmem>>, vector<16xf32>,
      %mul3A_377 = arith.mulf %get3A_376, %max3A_374 : vector<16xf32>
      %add3A_378 = arith.addf %add3A_361, %mul3A_377 : vector<16xf32>
      %add3A_379 = arith.constant 17 : i32
      %add3A_380 = vector.broadcast %add3A_379 : i32 to vector<16xi32>
      %add3A_381 = arith.addi %mul3A_88, %add3A_380 : vector<16xi32>
      %gather3A_382 = tpu.vector_load_idx %arg9[%add3A_381] : memref<32768xf32, #tpu.memory_space<vmem>>[vector<16xi32>], vector<16xf32>,
      %add3A_383 = arith.constant 17 : i32
      %add3A_384 = vector.broadcast %add3A_383 : i32 to vector<16xi32>
      %add3A_385 = arith.addi %mul3A_91, %add3A_384 : vector<16xi32>
      %gather3A_386 = tpu.vector_load_idx %arg10[%add3A_385] : memref<32768xf32, #tpu.memory_space<vmem>>[vector<16xi32>], vector<16xf32>,
      %add3A_387 = arith.addf %gather3A_382, %gather3A_386 : vector<16xf32>
      %mul3A_388 = arith.constant 2.000000e-01 : f32
      %mul3A_389 = vector.broadcast %mul3A_388 : f32 to vector<16xf32>
      %mul3A_390 = arith.mulf %mul3A_389, %add3A_387 : vector<16xf32>
      %max3A_391 = arith.maximumf %add3A_387, %mul3A_390 : vector<16xf32>
      %get3A_392 = arith.constant 272 : index
      %get3A_393 = tpu.vector_load %arg11[%get3A_392] {strides = array<i32>} : memref<512xf32, #tpu.memory_space<vmem>>, vector<16xf32>,
      %mul3A_394 = arith.mulf %get3A_393, %max3A_391 : vector<16xf32>
      %add3A_395 = arith.addf %add3A_378, %mul3A_394 : vector<16xf32>
      %add3A_396 = arith.constant 18 : i32
      %add3A_397 = vector.broadcast %add3A_396 : i32 to vector<16xi32>
      %add3A_398 = arith.addi %mul3A_88, %add3A_397 : vector<16xi32>
      %gather3A_399 = tpu.vector_load_idx %arg9[%add3A_398] : memref<32768xf32, #tpu.memory_space<vmem>>[vector<16xi32>], vector<16xf32>,
      %add3A_400 = arith.constant 18 : i32
      %add3A_401 = vector.broadcast %add3A_400 : i32 to vector<16xi32>
      %add3A_402 = arith.addi %mul3A_91, %add3A_401 : vector<16xi32>
      %gather3A_403 = tpu.vector_load_idx %arg10[%add3A_402] : memref<32768xf32, #tpu.memory_space<vmem>>[vector<16xi32>], vector<16xf32>,
      %add3A_404 = arith.addf %gather3A_399, %gather3A_403 : vector<16xf32>
      %mul3A_405 = arith.constant 2.000000e-01 : f32
      %mul3A_406 = vector.broadcast %mul3A_405 : f32 to vector<16xf32>
      %mul3A_407 = arith.mulf %mul3A_406, %add3A_404 : vector<16xf32>
      %max3A_408 = arith.maximumf %add3A_404, %mul3A_407 : vector<16xf32>
      %get3A_409 = arith.constant 288 : index
      %get3A_410 = tpu.vector_load %arg11[%get3A_409] {strides = array<i32>} : memref<512xf32, #tpu.memory_space<vmem>>, vector<16xf32>,
      %mul3A_411 = arith.mulf %get3A_410, %max3A_408 : vector<16xf32>
      %add3A_412 = arith.addf %add3A_395, %mul3A_411 : vector<16xf32>
      %add3A_413 = arith.constant 19 : i32
      %add3A_414 = vector.broadcast %add3A_413 : i32 to vector<16xi32>
      %add3A_415 = arith.addi %mul3A_88, %add3A_414 : vector<16xi32>
      %gather3A_416 = tpu.vector_load_idx %arg9[%add3A_415] : memref<32768xf32, #tpu.memory_space<vmem>>[vector<16xi32>], vector<16xf32>,
      %add3A_417 = arith.constant 19 : i32
      %add3A_418 = vector.broadcast %add3A_417 : i32 to vector<16xi32>
      %add3A_419 = arith.addi %mul3A_91, %add3A_418 : vector<16xi32>
      %gather3A_420 = tpu.vector_load_idx %arg10[%add3A_419] : memref<32768xf32, #tpu.memory_space<vmem>>[vector<16xi32>], vector<16xf32>,
      %add3A_421 = arith.addf %gather3A_416, %gather3A_420 : vector<16xf32>
      %mul3A_422 = arith.constant 2.000000e-01 : f32
      %mul3A_423 = vector.broadcast %mul3A_422 : f32 to vector<16xf32>
      %mul3A_424 = arith.mulf %mul3A_423, %add3A_421 : vector<16xf32>
      %max3A_425 = arith.maximumf %add3A_421, %mul3A_424 : vector<16xf32>
      %get3A_426 = arith.constant 304 : index
      %get3A_427 = tpu.vector_load %arg11[%get3A_426] {strides = array<i32>} : memref<512xf32, #tpu.memory_space<vmem>>, vector<16xf32>,
      %mul3A_428 = arith.mulf %get3A_427, %max3A_425 : vector<16xf32>
      %add3A_429 = arith.addf %add3A_412, %mul3A_428 : vector<16xf32>
      %add3A_430 = arith.constant 20 : i32
      %add3A_431 = vector.broadcast %add3A_430 : i32 to vector<16xi32>
      %add3A_432 = arith.addi %mul3A_88, %add3A_431 : vector<16xi32>
      %gather3A_433 = tpu.vector_load_idx %arg9[%add3A_432] : memref<32768xf32, #tpu.memory_space<vmem>>[vector<16xi32>], vector<16xf32>,
      %add3A_434 = arith.constant 20 : i32
      %add3A_435 = vector.broadcast %add3A_434 : i32 to vector<16xi32>
      %add3A_436 = arith.addi %mul3A_91, %add3A_435 : vector<16xi32>
      %gather3A_437 = tpu.vector_load_idx %arg10[%add3A_436] : memref<32768xf32, #tpu.memory_space<vmem>>[vector<16xi32>], vector<16xf32>,
      %add3A_438 = arith.addf %gather3A_433, %gather3A_437 : vector<16xf32>
      %mul3A_439 = arith.constant 2.000000e-01 : f32
      %mul3A_440 = vector.broadcast %mul3A_439 : f32 to vector<16xf32>
      %mul3A_441 = arith.mulf %mul3A_440, %add3A_438 : vector<16xf32>
      %max3A_442 = arith.maximumf %add3A_438, %mul3A_441 : vector<16xf32>
      %get3A_443 = arith.constant 320 : index
      %get3A_444 = tpu.vector_load %arg11[%get3A_443] {strides = array<i32>} : memref<512xf32, #tpu.memory_space<vmem>>, vector<16xf32>,
      %mul3A_445 = arith.mulf %get3A_444, %max3A_442 : vector<16xf32>
      %add3A_446 = arith.addf %add3A_429, %mul3A_445 : vector<16xf32>
      %add3A_447 = arith.constant 21 : i32
      %add3A_448 = vector.broadcast %add3A_447 : i32 to vector<16xi32>
      %add3A_449 = arith.addi %mul3A_88, %add3A_448 : vector<16xi32>
      %gather3A_450 = tpu.vector_load_idx %arg9[%add3A_449] : memref<32768xf32, #tpu.memory_space<vmem>>[vector<16xi32>], vector<16xf32>,
      %add3A_451 = arith.constant 21 : i32
      %add3A_452 = vector.broadcast %add3A_451 : i32 to vector<16xi32>
      %add3A_453 = arith.addi %mul3A_91, %add3A_452 : vector<16xi32>
      %gather3A_454 = tpu.vector_load_idx %arg10[%add3A_453] : memref<32768xf32, #tpu.memory_space<vmem>>[vector<16xi32>], vector<16xf32>,
      %add3A_455 = arith.addf %gather3A_450, %gather3A_454 : vector<16xf32>
      %mul3A_456 = arith.constant 2.000000e-01 : f32
      %mul3A_457 = vector.broadcast %mul3A_456 : f32 to vector<16xf32>
      %mul3A_458 = arith.mulf %mul3A_457, %add3A_455 : vector<16xf32>
      %max3A_459 = arith.maximumf %add3A_455, %mul3A_458 : vector<16xf32>
      %get3A_460 = arith.constant 336 : index
      %get3A_461 = tpu.vector_load %arg11[%get3A_460] {strides = array<i32>} : memref<512xf32, #tpu.memory_space<vmem>>, vector<16xf32>,
      %mul3A_462 = arith.mulf %get3A_461, %max3A_459 : vector<16xf32>
      %add3A_463 = arith.addf %add3A_446, %mul3A_462 : vector<16xf32>
      %add3A_464 = arith.constant 22 : i32
      %add3A_465 = vector.broadcast %add3A_464 : i32 to vector<16xi32>
      %add3A_466 = arith.addi %mul3A_88, %add3A_465 : vector<16xi32>
      %gather3A_467 = tpu.vector_load_idx %arg9[%add3A_466] : memref<32768xf32, #tpu.memory_space<vmem>>[vector<16xi32>], vector<16xf32>,
      %add3A_468 = arith.constant 22 : i32
      %add3A_469 = vector.broadcast %add3A_468 : i32 to vector<16xi32>
      %add3A_470 = arith.addi %mul3A_91, %add3A_469 : vector<16xi32>
      %gather3A_471 = tpu.vector_load_idx %arg10[%add3A_470] : memref<32768xf32, #tpu.memory_space<vmem>>[vector<16xi32>], vector<16xf32>,
      %add3A_472 = arith.addf %gather3A_467, %gather3A_471 : vector<16xf32>
      %mul3A_473 = arith.constant 2.000000e-01 : f32
      %mul3A_474 = vector.broadcast %mul3A_473 : f32 to vector<16xf32>
      %mul3A_475 = arith.mulf %mul3A_474, %add3A_472 : vector<16xf32>
      %max3A_476 = arith.maximumf %add3A_472, %mul3A_475 : vector<16xf32>
      %get3A_477 = arith.constant 352 : index
      %get3A_478 = tpu.vector_load %arg11[%get3A_477] {strides = array<i32>} : memref<512xf32, #tpu.memory_space<vmem>>, vector<16xf32>,
      %mul3A_479 = arith.mulf %get3A_478, %max3A_476 : vector<16xf32>
      %add3A_480 = arith.addf %add3A_463, %mul3A_479 : vector<16xf32>
      %add3A_481 = arith.constant 23 : i32
      %add3A_482 = vector.broadcast %add3A_481 : i32 to vector<16xi32>
      %add3A_483 = arith.addi %mul3A_88, %add3A_482 : vector<16xi32>
      %gather3A_484 = tpu.vector_load_idx %arg9[%add3A_483] : memref<32768xf32, #tpu.memory_space<vmem>>[vector<16xi32>], vector<16xf32>,
      %add3A_485 = arith.constant 23 : i32
      %add3A_486 = vector.broadcast %add3A_485 : i32 to vector<16xi32>
      %add3A_487 = arith.addi %mul3A_91, %add3A_486 : vector<16xi32>
      %gather3A_488 = tpu.vector_load_idx %arg10[%add3A_487] : memref<32768xf32, #tpu.memory_space<vmem>>[vector<16xi32>], vector<16xf32>,
      %add3A_489 = arith.addf %gather3A_484, %gather3A_488 : vector<16xf32>
      %mul3A_490 = arith.constant 2.000000e-01 : f32
      %mul3A_491 = vector.broadcast %mul3A_490 : f32 to vector<16xf32>
      %mul3A_492 = arith.mulf %mul3A_491, %add3A_489 : vector<16xf32>
      %max3A_493 = arith.maximumf %add3A_489, %mul3A_492 : vector<16xf32>
      %get3A_494 = arith.constant 368 : index
      %get3A_495 = tpu.vector_load %arg11[%get3A_494] {strides = array<i32>} : memref<512xf32, #tpu.memory_space<vmem>>, vector<16xf32>,
      %mul3A_496 = arith.mulf %get3A_495, %max3A_493 : vector<16xf32>
      %add3A_497 = arith.addf %add3A_480, %mul3A_496 : vector<16xf32>
      %add3A_498 = arith.constant 24 : i32
      %add3A_499 = vector.broadcast %add3A_498 : i32 to vector<16xi32>
      %add3A_500 = arith.addi %mul3A_88, %add3A_499 : vector<16xi32>
      %gather3A_501 = tpu.vector_load_idx %arg9[%add3A_500] : memref<32768xf32, #tpu.memory_space<vmem>>[vector<16xi32>], vector<16xf32>,
      %add3A_502 = arith.constant 24 : i32
      %add3A_503 = vector.broadcast %add3A_502 : i32 to vector<16xi32>
      %add3A_504 = arith.addi %mul3A_91, %add3A_503 : vector<16xi32>
      %gather3A_505 = tpu.vector_load_idx %arg10[%add3A_504] : memref<32768xf32, #tpu.memory_space<vmem>>[vector<16xi32>], vector<16xf32>,
      %add3A_506 = arith.addf %gather3A_501, %gather3A_505 : vector<16xf32>
      %mul3A_507 = arith.constant 2.000000e-01 : f32
      %mul3A_508 = vector.broadcast %mul3A_507 : f32 to vector<16xf32>
      %mul3A_509 = arith.mulf %mul3A_508, %add3A_506 : vector<16xf32>
      %max3A_510 = arith.maximumf %add3A_506, %mul3A_509 : vector<16xf32>
      %get3A_511 = arith.constant 384 : index
      %get3A_512 = tpu.vector_load %arg11[%get3A_511] {strides = array<i32>} : memref<512xf32, #tpu.memory_space<vmem>>, vector<16xf32>,
      %mul3A_513 = arith.mulf %get3A_512, %max3A_510 : vector<16xf32>
      %add3A_514 = arith.addf %add3A_497, %mul3A_513 : vector<16xf32>
      %add3A_515 = arith.constant 25 : i32
      %add3A_516 = vector.broadcast %add3A_515 : i32 to vector<16xi32>
      %add3A_517 = arith.addi %mul3A_88, %add3A_516 : vector<16xi32>
      %gather3A_518 = tpu.vector_load_idx %arg9[%add3A_517] : memref<32768xf32, #tpu.memory_space<vmem>>[vector<16xi32>], vector<16xf32>,
      %add3A_519 = arith.constant 25 : i32
      %add3A_520 = vector.broadcast %add3A_519 : i32 to vector<16xi32>
      %add3A_521 = arith.addi %mul3A_91, %add3A_520 : vector<16xi32>
      %gather3A_522 = tpu.vector_load_idx %arg10[%add3A_521] : memref<32768xf32, #tpu.memory_space<vmem>>[vector<16xi32>], vector<16xf32>,
      %add3A_523 = arith.addf %gather3A_518, %gather3A_522 : vector<16xf32>
      %mul3A_524 = arith.constant 2.000000e-01 : f32
      %mul3A_525 = vector.broadcast %mul3A_524 : f32 to vector<16xf32>
      %mul3A_526 = arith.mulf %mul3A_525, %add3A_523 : vector<16xf32>
      %max3A_527 = arith.maximumf %add3A_523, %mul3A_526 : vector<16xf32>
      %get3A_528 = arith.constant 400 : index
      %get3A_529 = tpu.vector_load %arg11[%get3A_528] {strides = array<i32>} : memref<512xf32, #tpu.memory_space<vmem>>, vector<16xf32>,
      %mul3A_530 = arith.mulf %get3A_529, %max3A_527 : vector<16xf32>
      %add3A_531 = arith.addf %add3A_514, %mul3A_530 : vector<16xf32>
      %add3A_532 = arith.constant 26 : i32
      %add3A_533 = vector.broadcast %add3A_532 : i32 to vector<16xi32>
      %add3A_534 = arith.addi %mul3A_88, %add3A_533 : vector<16xi32>
      %gather3A_535 = tpu.vector_load_idx %arg9[%add3A_534] : memref<32768xf32, #tpu.memory_space<vmem>>[vector<16xi32>], vector<16xf32>,
      %add3A_536 = arith.constant 26 : i32
      %add3A_537 = vector.broadcast %add3A_536 : i32 to vector<16xi32>
      %add3A_538 = arith.addi %mul3A_91, %add3A_537 : vector<16xi32>
      %gather3A_539 = tpu.vector_load_idx %arg10[%add3A_538] : memref<32768xf32, #tpu.memory_space<vmem>>[vector<16xi32>], vector<16xf32>,
      %add3A_540 = arith.addf %gather3A_535, %gather3A_539 : vector<16xf32>
      %mul3A_541 = arith.constant 2.000000e-01 : f32
      %mul3A_542 = vector.broadcast %mul3A_541 : f32 to vector<16xf32>
      %mul3A_543 = arith.mulf %mul3A_542, %add3A_540 : vector<16xf32>
      %max3A_544 = arith.maximumf %add3A_540, %mul3A_543 : vector<16xf32>
      %get3A_545 = arith.constant 416 : index
      %get3A_546 = tpu.vector_load %arg11[%get3A_545] {strides = array<i32>} : memref<512xf32, #tpu.memory_space<vmem>>, vector<16xf32>,
      %mul3A_547 = arith.mulf %get3A_546, %max3A_544 : vector<16xf32>
      %add3A_548 = arith.addf %add3A_531, %mul3A_547 : vector<16xf32>
      %add3A_549 = arith.constant 27 : i32
      %add3A_550 = vector.broadcast %add3A_549 : i32 to vector<16xi32>
      %add3A_551 = arith.addi %mul3A_88, %add3A_550 : vector<16xi32>
      %gather3A_552 = tpu.vector_load_idx %arg9[%add3A_551] : memref<32768xf32, #tpu.memory_space<vmem>>[vector<16xi32>], vector<16xf32>,
      %add3A_553 = arith.constant 27 : i32
      %add3A_554 = vector.broadcast %add3A_553 : i32 to vector<16xi32>
      %add3A_555 = arith.addi %mul3A_91, %add3A_554 : vector<16xi32>
      %gather3A_556 = tpu.vector_load_idx %arg10[%add3A_555] : memref<32768xf32, #tpu.memory_space<vmem>>[vector<16xi32>], vector<16xf32>,
      %add3A_557 = arith.addf %gather3A_552, %gather3A_556 : vector<16xf32>
      %mul3A_558 = arith.constant 2.000000e-01 : f32
      %mul3A_559 = vector.broadcast %mul3A_558 : f32 to vector<16xf32>
      %mul3A_560 = arith.mulf %mul3A_559, %add3A_557 : vector<16xf32>
      %max3A_561 = arith.maximumf %add3A_557, %mul3A_560 : vector<16xf32>
      %get3A_562 = arith.constant 432 : index
      %get3A_563 = tpu.vector_load %arg11[%get3A_562] {strides = array<i32>} : memref<512xf32, #tpu.memory_space<vmem>>, vector<16xf32>,
      %mul3A_564 = arith.mulf %get3A_563, %max3A_561 : vector<16xf32>
      %add3A_565 = arith.addf %add3A_548, %mul3A_564 : vector<16xf32>
      %add3A_566 = arith.constant 28 : i32
      %add3A_567 = vector.broadcast %add3A_566 : i32 to vector<16xi32>
      %add3A_568 = arith.addi %mul3A_88, %add3A_567 : vector<16xi32>
      %gather3A_569 = tpu.vector_load_idx %arg9[%add3A_568] : memref<32768xf32, #tpu.memory_space<vmem>>[vector<16xi32>], vector<16xf32>,
      %add3A_570 = arith.constant 28 : i32
      %add3A_571 = vector.broadcast %add3A_570 : i32 to vector<16xi32>
      %add3A_572 = arith.addi %mul3A_91, %add3A_571 : vector<16xi32>
      %gather3A_573 = tpu.vector_load_idx %arg10[%add3A_572] : memref<32768xf32, #tpu.memory_space<vmem>>[vector<16xi32>], vector<16xf32>,
      %add3A_574 = arith.addf %gather3A_569, %gather3A_573 : vector<16xf32>
      %mul3A_575 = arith.constant 2.000000e-01 : f32
      %mul3A_576 = vector.broadcast %mul3A_575 : f32 to vector<16xf32>
      %mul3A_577 = arith.mulf %mul3A_576, %add3A_574 : vector<16xf32>
      %max3A_578 = arith.maximumf %add3A_574, %mul3A_577 : vector<16xf32>
      %get3A_579 = arith.constant 448 : index
      %get3A_580 = tpu.vector_load %arg11[%get3A_579] {strides = array<i32>} : memref<512xf32, #tpu.memory_space<vmem>>, vector<16xf32>,
      %mul3A_581 = arith.mulf %get3A_580, %max3A_578 : vector<16xf32>
      %add3A_582 = arith.addf %add3A_565, %mul3A_581 : vector<16xf32>
      %add3A_583 = arith.constant 29 : i32
      %add3A_584 = vector.broadcast %add3A_583 : i32 to vector<16xi32>
      %add3A_585 = arith.addi %mul3A_88, %add3A_584 : vector<16xi32>
      %gather3A_586 = tpu.vector_load_idx %arg9[%add3A_585] : memref<32768xf32, #tpu.memory_space<vmem>>[vector<16xi32>], vector<16xf32>,
      %add3A_587 = arith.constant 29 : i32
      %add3A_588 = vector.broadcast %add3A_587 : i32 to vector<16xi32>
      %add3A_589 = arith.addi %mul3A_91, %add3A_588 : vector<16xi32>
      %gather3A_590 = tpu.vector_load_idx %arg10[%add3A_589] : memref<32768xf32, #tpu.memory_space<vmem>>[vector<16xi32>], vector<16xf32>,
      %add3A_591 = arith.addf %gather3A_586, %gather3A_590 : vector<16xf32>
      %mul3A_592 = arith.constant 2.000000e-01 : f32
      %mul3A_593 = vector.broadcast %mul3A_592 : f32 to vector<16xf32>
      %mul3A_594 = arith.mulf %mul3A_593, %add3A_591 : vector<16xf32>
      %max3A_595 = arith.maximumf %add3A_591, %mul3A_594 : vector<16xf32>
      %get3A_596 = arith.constant 464 : index
      %get3A_597 = tpu.vector_load %arg11[%get3A_596] {strides = array<i32>} : memref<512xf32, #tpu.memory_space<vmem>>, vector<16xf32>,
      %mul3A_598 = arith.mulf %get3A_597, %max3A_595 : vector<16xf32>
      %add3A_599 = arith.addf %add3A_582, %mul3A_598 : vector<16xf32>
      %add3A_600 = arith.constant 30 : i32
      %add3A_601 = vector.broadcast %add3A_600 : i32 to vector<16xi32>
      %add3A_602 = arith.addi %mul3A_88, %add3A_601 : vector<16xi32>
      %gather3A_603 = tpu.vector_load_idx %arg9[%add3A_602] : memref<32768xf32, #tpu.memory_space<vmem>>[vector<16xi32>], vector<16xf32>,
      %add3A_604 = arith.constant 30 : i32
      %add3A_605 = vector.broadcast %add3A_604 : i32 to vector<16xi32>
      %add3A_606 = arith.addi %mul3A_91, %add3A_605 : vector<16xi32>
      %gather3A_607 = tpu.vector_load_idx %arg10[%add3A_606] : memref<32768xf32, #tpu.memory_space<vmem>>[vector<16xi32>], vector<16xf32>,
      %add3A_608 = arith.addf %gather3A_603, %gather3A_607 : vector<16xf32>
      %mul3A_609 = arith.constant 2.000000e-01 : f32
      %mul3A_610 = vector.broadcast %mul3A_609 : f32 to vector<16xf32>
      %mul3A_611 = arith.mulf %mul3A_610, %add3A_608 : vector<16xf32>
      %max3A_612 = arith.maximumf %add3A_608, %mul3A_611 : vector<16xf32>
      %get3A_613 = arith.constant 480 : index
      %get3A_614 = tpu.vector_load %arg11[%get3A_613] {strides = array<i32>} : memref<512xf32, #tpu.memory_space<vmem>>, vector<16xf32>,
      %mul3A_615 = arith.mulf %get3A_614, %max3A_612 : vector<16xf32>
      %add3A_616 = arith.addf %add3A_599, %mul3A_615 : vector<16xf32>
      %add3A_617 = arith.constant 31 : i32
      %add3A_618 = vector.broadcast %add3A_617 : i32 to vector<16xi32>
      %add3A_619 = arith.addi %mul3A_88, %add3A_618 : vector<16xi32>
      %gather3A_620 = tpu.vector_load_idx %arg9[%add3A_619] : memref<32768xf32, #tpu.memory_space<vmem>>[vector<16xi32>], vector<16xf32>,
      %add3A_621 = arith.constant 31 : i32
      %add3A_622 = vector.broadcast %add3A_621 : i32 to vector<16xi32>
      %add3A_623 = arith.addi %mul3A_91, %add3A_622 : vector<16xi32>
      %gather3A_624 = tpu.vector_load_idx %arg10[%add3A_623] : memref<32768xf32, #tpu.memory_space<vmem>>[vector<16xi32>], vector<16xf32>,
      %add3A_625 = arith.addf %gather3A_620, %gather3A_624 : vector<16xf32>
      %mul3A_626 = arith.constant 2.000000e-01 : f32
      %mul3A_627 = vector.broadcast %mul3A_626 : f32 to vector<16xf32>
      %mul3A_628 = arith.mulf %mul3A_627, %add3A_625 : vector<16xf32>
      %max3A_629 = arith.maximumf %add3A_625, %mul3A_628 : vector<16xf32>
      %get3A_630 = arith.constant 496 : index
      %get3A_631 = tpu.vector_load %arg11[%get3A_630] {strides = array<i32>} : memref<512xf32, #tpu.memory_space<vmem>>, vector<16xf32>,
      %mul3A_632 = arith.mulf %get3A_631, %max3A_629 : vector<16xf32>
      %add3A_633 = arith.addf %add3A_616, %mul3A_632 : vector<16xf32>
      %exp3A = math.exp %add3A_633 : vector<16xf32>
      tpu.vector_store_idx %arg15[%get3A_85], %exp3A {add = true} : memref<1024xf32, #tpu.memory_space<vmem>>[vector<16xi32>], vector<16xf32>,
      %add3A_634 = arith.constant 0 : i32
      %add3A_635 = vector.broadcast %add3A_634 : i32 to vector<16xi32>
      %add3A_636 = arith.addi %mul3A_91, %add3A_635 : vector<16xi32>
      %mul3A_637 = arith.mulf %exp3A, %gather3A : vector<16xf32>
      tpu.vector_store_idx %arg14[%add3A_636], %mul3A_637 {add = true} : memref<32768xf32, #tpu.memory_space<vmem>>[vector<16xi32>], vector<16xf32>,
      %add3A_638 = arith.constant 1 : i32
      %add3A_639 = vector.broadcast %add3A_638 : i32 to vector<16xi32>
      %add3A_640 = arith.addi %mul3A_91, %add3A_639 : vector<16xi32>
      %mul3A_641 = arith.mulf %exp3A, %gather3A_110 : vector<16xf32>
      tpu.vector_store_idx %arg14[%add3A_640], %mul3A_641 {add = true} : memref<32768xf32, #tpu.memory_space<vmem>>[vector<16xi32>], vector<16xf32>,
      %add3A_642 = arith.constant 2 : i32
      %add3A_643 = vector.broadcast %add3A_642 : i32 to vector<16xi32>
      %add3A_644 = arith.addi %mul3A_91, %add3A_643 : vector<16xi32>
      %mul3A_645 = arith.mulf %exp3A, %gather3A_127 : vector<16xf32>
      tpu.vector_store_idx %arg14[%add3A_644], %mul3A_645 {add = true} : memref<32768xf32, #tpu.memory_space<vmem>>[vector<16xi32>], vector<16xf32>,
      %add3A_646 = arith.constant 3 : i32
      %add3A_647 = vector.broadcast %add3A_646 : i32 to vector<16xi32>
      %add3A_648 = arith.addi %mul3A_91, %add3A_647 : vector<16xi32>
      %mul3A_649 = arith.mulf %exp3A, %gather3A_144 : vector<16xf32>
      tpu.vector_store_idx %arg14[%add3A_648], %mul3A_649 {add = true} : memref<32768xf32, #tpu.memory_space<vmem>>[vector<16xi32>], vector<16xf32>,
      %add3A_650 = arith.constant 4 : i32
      %add3A_651 = vector.broadcast %add3A_650 : i32 to vector<16xi32>
      %add3A_652 = arith.addi %mul3A_91, %add3A_651 : vector<16xi32>
      %mul3A_653 = arith.mulf %exp3A, %gather3A_161 : vector<16xf32>
      tpu.vector_store_idx %arg14[%add3A_652], %mul3A_653 {add = true} : memref<32768xf32, #tpu.memory_space<vmem>>[vector<16xi32>], vector<16xf32>,
      %add3A_654 = arith.constant 5 : i32
      %add3A_655 = vector.broadcast %add3A_654 : i32 to vector<16xi32>
      %add3A_656 = arith.addi %mul3A_91, %add3A_655 : vector<16xi32>
      %mul3A_657 = arith.mulf %exp3A, %gather3A_178 : vector<16xf32>
      tpu.vector_store_idx %arg14[%add3A_656], %mul3A_657 {add = true} : memref<32768xf32, #tpu.memory_space<vmem>>[vector<16xi32>], vector<16xf32>,
      %add3A_658 = arith.constant 6 : i32
      %add3A_659 = vector.broadcast %add3A_658 : i32 to vector<16xi32>
      %add3A_660 = arith.addi %mul3A_91, %add3A_659 : vector<16xi32>
      %mul3A_661 = arith.mulf %exp3A, %gather3A_195 : vector<16xf32>
      tpu.vector_store_idx %arg14[%add3A_660], %mul3A_661 {add = true} : memref<32768xf32, #tpu.memory_space<vmem>>[vector<16xi32>], vector<16xf32>,
      %add3A_662 = arith.constant 7 : i32
      %add3A_663 = vector.broadcast %add3A_662 : i32 to vector<16xi32>
      %add3A_664 = arith.addi %mul3A_91, %add3A_663 : vector<16xi32>
      %mul3A_665 = arith.mulf %exp3A, %gather3A_212 : vector<16xf32>
      tpu.vector_store_idx %arg14[%add3A_664], %mul3A_665 {add = true} : memref<32768xf32, #tpu.memory_space<vmem>>[vector<16xi32>], vector<16xf32>,
      %add3A_666 = arith.constant 8 : i32
      %add3A_667 = vector.broadcast %add3A_666 : i32 to vector<16xi32>
      %add3A_668 = arith.addi %mul3A_91, %add3A_667 : vector<16xi32>
      %mul3A_669 = arith.mulf %exp3A, %gather3A_229 : vector<16xf32>
      tpu.vector_store_idx %arg14[%add3A_668], %mul3A_669 {add = true} : memref<32768xf32, #tpu.memory_space<vmem>>[vector<16xi32>], vector<16xf32>,
      %add3A_670 = arith.constant 9 : i32
      %add3A_671 = vector.broadcast %add3A_670 : i32 to vector<16xi32>
      %add3A_672 = arith.addi %mul3A_91, %add3A_671 : vector<16xi32>
      %mul3A_673 = arith.mulf %exp3A, %gather3A_246 : vector<16xf32>
      tpu.vector_store_idx %arg14[%add3A_672], %mul3A_673 {add = true} : memref<32768xf32, #tpu.memory_space<vmem>>[vector<16xi32>], vector<16xf32>,
      %add3A_674 = arith.constant 10 : i32
      %add3A_675 = vector.broadcast %add3A_674 : i32 to vector<16xi32>
      %add3A_676 = arith.addi %mul3A_91, %add3A_675 : vector<16xi32>
      %mul3A_677 = arith.mulf %exp3A, %gather3A_263 : vector<16xf32>
      tpu.vector_store_idx %arg14[%add3A_676], %mul3A_677 {add = true} : memref<32768xf32, #tpu.memory_space<vmem>>[vector<16xi32>], vector<16xf32>,
      %add3A_678 = arith.constant 11 : i32
      %add3A_679 = vector.broadcast %add3A_678 : i32 to vector<16xi32>
      %add3A_680 = arith.addi %mul3A_91, %add3A_679 : vector<16xi32>
      %mul3A_681 = arith.mulf %exp3A, %gather3A_280 : vector<16xf32>
      tpu.vector_store_idx %arg14[%add3A_680], %mul3A_681 {add = true} : memref<32768xf32, #tpu.memory_space<vmem>>[vector<16xi32>], vector<16xf32>,
      %add3A_682 = arith.constant 12 : i32
      %add3A_683 = vector.broadcast %add3A_682 : i32 to vector<16xi32>
      %add3A_684 = arith.addi %mul3A_91, %add3A_683 : vector<16xi32>
      %mul3A_685 = arith.mulf %exp3A, %gather3A_297 : vector<16xf32>
      tpu.vector_store_idx %arg14[%add3A_684], %mul3A_685 {add = true} : memref<32768xf32, #tpu.memory_space<vmem>>[vector<16xi32>], vector<16xf32>,
      %add3A_686 = arith.constant 13 : i32
      %add3A_687 = vector.broadcast %add3A_686 : i32 to vector<16xi32>
      %add3A_688 = arith.addi %mul3A_91, %add3A_687 : vector<16xi32>
      %mul3A_689 = arith.mulf %exp3A, %gather3A_314 : vector<16xf32>
      tpu.vector_store_idx %arg14[%add3A_688], %mul3A_689 {add = true} : memref<32768xf32, #tpu.memory_space<vmem>>[vector<16xi32>], vector<16xf32>,
      %add3A_690 = arith.constant 14 : i32
      %add3A_691 = vector.broadcast %add3A_690 : i32 to vector<16xi32>
      %add3A_692 = arith.addi %mul3A_91, %add3A_691 : vector<16xi32>
      %mul3A_693 = arith.mulf %exp3A, %gather3A_331 : vector<16xf32>
      tpu.vector_store_idx %arg14[%add3A_692], %mul3A_693 {add = true} : memref<32768xf32, #tpu.memory_space<vmem>>[vector<16xi32>], vector<16xf32>,
      %add3A_694 = arith.constant 15 : i32
      %add3A_695 = vector.broadcast %add3A_694 : i32 to vector<16xi32>
      %add3A_696 = arith.addi %mul3A_91, %add3A_695 : vector<16xi32>
      %mul3A_697 = arith.mulf %exp3A, %gather3A_348 : vector<16xf32>
      tpu.vector_store_idx %arg14[%add3A_696], %mul3A_697 {add = true} : memref<32768xf32, #tpu.memory_space<vmem>>[vector<16xi32>], vector<16xf32>,
      %add3A_698 = arith.constant 16 : i32
      %add3A_699 = vector.broadcast %add3A_698 : i32 to vector<16xi32>
      %add3A_700 = arith.addi %mul3A_91, %add3A_699 : vector<16xi32>
      %mul3A_701 = arith.mulf %exp3A, %gather3A_365 : vector<16xf32>
      tpu.vector_store_idx %arg14[%add3A_700], %mul3A_701 {add = true} : memref<32768xf32, #tpu.memory_space<vmem>>[vector<16xi32>], vector<16xf32>,
      %add3A_702 = arith.constant 17 : i32
      %add3A_703 = vector.broadcast %add3A_702 : i32 to vector<16xi32>
      %add3A_704 = arith.addi %mul3A_91, %add3A_703 : vector<16xi32>
      %mul3A_705 = arith.mulf %exp3A, %gather3A_382 : vector<16xf32>
      tpu.vector_store_idx %arg14[%add3A_704], %mul3A_705 {add = true} : memref<32768xf32, #tpu.memory_space<vmem>>[vector<16xi32>], vector<16xf32>,
      %add3A_706 = arith.constant 18 : i32
      %add3A_707 = vector.broadcast %add3A_706 : i32 to vector<16xi32>
      %add3A_708 = arith.addi %mul3A_91, %add3A_707 : vector<16xi32>
      %mul3A_709 = arith.mulf %exp3A, %gather3A_399 : vector<16xf32>
      tpu.vector_store_idx %arg14[%add3A_708], %mul3A_709 {add = true} : memref<32768xf32, #tpu.memory_space<vmem>>[vector<16xi32>], vector<16xf32>,
      %add3A_710 = arith.constant 19 : i32
      %add3A_711 = vector.broadcast %add3A_710 : i32 to vector<16xi32>
      %add3A_712 = arith.addi %mul3A_91, %add3A_711 : vector<16xi32>
      %mul3A_713 = arith.mulf %exp3A, %gather3A_416 : vector<16xf32>
      tpu.vector_store_idx %arg14[%add3A_712], %mul3A_713 {add = true} : memref<32768xf32, #tpu.memory_space<vmem>>[vector<16xi32>], vector<16xf32>,
      %add3A_714 = arith.constant 20 : i32
      %add3A_715 = vector.broadcast %add3A_714 : i32 to vector<16xi32>
      %add3A_716 = arith.addi %mul3A_91, %add3A_715 : vector<16xi32>
      %mul3A_717 = arith.mulf %exp3A, %gather3A_433 : vector<16xf32>
      tpu.vector_store_idx %arg14[%add3A_716], %mul3A_717 {add = true} : memref<32768xf32, #tpu.memory_space<vmem>>[vector<16xi32>], vector<16xf32>,
      %add3A_718 = arith.constant 21 : i32
      %add3A_719 = vector.broadcast %add3A_718 : i32 to vector<16xi32>
      %add3A_720 = arith.addi %mul3A_91, %add3A_719 : vector<16xi32>
      %mul3A_721 = arith.mulf %exp3A, %gather3A_450 : vector<16xf32>
      tpu.vector_store_idx %arg14[%add3A_720], %mul3A_721 {add = true} : memref<32768xf32, #tpu.memory_space<vmem>>[vector<16xi32>], vector<16xf32>,
      %add3A_722 = arith.constant 22 : i32
      %add3A_723 = vector.broadcast %add3A_722 : i32 to vector<16xi32>
      %add3A_724 = arith.addi %mul3A_91, %add3A_723 : vector<16xi32>
      %mul3A_725 = arith.mulf %exp3A, %gather3A_467 : vector<16xf32>
      tpu.vector_store_idx %arg14[%add3A_724], %mul3A_725 {add = true} : memref<32768xf32, #tpu.memory_space<vmem>>[vector<16xi32>], vector<16xf32>,
      %add3A_726 = arith.constant 23 : i32
      %add3A_727 = vector.broadcast %add3A_726 : i32 to vector<16xi32>
      %add3A_728 = arith.addi %mul3A_91, %add3A_727 : vector<16xi32>
      %mul3A_729 = arith.mulf %exp3A, %gather3A_484 : vector<16xf32>
      tpu.vector_store_idx %arg14[%add3A_728], %mul3A_729 {add = true} : memref<32768xf32, #tpu.memory_space<vmem>>[vector<16xi32>], vector<16xf32>,
      %add3A_730 = arith.constant 24 : i32
      %add3A_731 = vector.broadcast %add3A_730 : i32 to vector<16xi32>
      %add3A_732 = arith.addi %mul3A_91, %add3A_731 : vector<16xi32>
      %mul3A_733 = arith.mulf %exp3A, %gather3A_501 : vector<16xf32>
      tpu.vector_store_idx %arg14[%add3A_732], %mul3A_733 {add = true} : memref<32768xf32, #tpu.memory_space<vmem>>[vector<16xi32>], vector<16xf32>,
      %add3A_734 = arith.constant 25 : i32
      %add3A_735 = vector.broadcast %add3A_734 : i32 to vector<16xi32>
      %add3A_736 = arith.addi %mul3A_91, %add3A_735 : vector<16xi32>
      %mul3A_737 = arith.mulf %exp3A, %gather3A_518 : vector<16xf32>
      tpu.vector_store_idx %arg14[%add3A_736], %mul3A_737 {add = true} : memref<32768xf32, #tpu.memory_space<vmem>>[vector<16xi32>], vector<16xf32>,
      %add3A_738 = arith.constant 26 : i32
      %add3A_739 = vector.broadcast %add3A_738 : i32 to vector<16xi32>
      %add3A_740 = arith.addi %mul3A_91, %add3A_739 : vector<16xi32>
      %mul3A_741 = arith.mulf %exp3A, %gather3A_535 : vector<16xf32>
      tpu.vector_store_idx %arg14[%add3A_740], %mul3A_741 {add = true} : memref<32768xf32, #tpu.memory_space<vmem>>[vector<16xi32>], vector<16xf32>,
      %add3A_742 = arith.constant 27 : i32
      %add3A_743 = vector.broadcast %add3A_742 : i32 to vector<16xi32>
      %add3A_744 = arith.addi %mul3A_91, %add3A_743 : vector<16xi32>
      %mul3A_745 = arith.mulf %exp3A, %gather3A_552 : vector<16xf32>
      tpu.vector_store_idx %arg14[%add3A_744], %mul3A_745 {add = true} : memref<32768xf32, #tpu.memory_space<vmem>>[vector<16xi32>], vector<16xf32>,
      %add3A_746 = arith.constant 28 : i32
      %add3A_747 = vector.broadcast %add3A_746 : i32 to vector<16xi32>
      %add3A_748 = arith.addi %mul3A_91, %add3A_747 : vector<16xi32>
      %mul3A_749 = arith.mulf %exp3A, %gather3A_569 : vector<16xf32>
      tpu.vector_store_idx %arg14[%add3A_748], %mul3A_749 {add = true} : memref<32768xf32, #tpu.memory_space<vmem>>[vector<16xi32>], vector<16xf32>,
      %add3A_750 = arith.constant 29 : i32
      %add3A_751 = vector.broadcast %add3A_750 : i32 to vector<16xi32>
      %add3A_752 = arith.addi %mul3A_91, %add3A_751 : vector<16xi32>
      %mul3A_753 = arith.mulf %exp3A, %gather3A_586 : vector<16xf32>
      tpu.vector_store_idx %arg14[%add3A_752], %mul3A_753 {add = true} : memref<32768xf32, #tpu.memory_space<vmem>>[vector<16xi32>], vector<16xf32>,
      %add3A_754 = arith.constant 30 : i32
      %add3A_755 = vector.broadcast %add3A_754 : i32 to vector<16xi32>
      %add3A_756 = arith.addi %mul3A_91, %add3A_755 : vector<16xi32>
      %mul3A_757 = arith.mulf %exp3A, %gather3A_603 : vector<16xf32>
      tpu.vector_store_idx %arg14[%add3A_756], %mul3A_757 {add = true} : memref<32768xf32, #tpu.memory_space<vmem>>[vector<16xi32>], vector<16xf32>,
      %add3A_758 = arith.constant 31 : i32
      %add3A_759 = vector.broadcast %add3A_758 : i32 to vector<16xi32>
      %add3A_760 = arith.addi %mul3A_91, %add3A_759 : vector<16xi32>
      %mul3A_761 = arith.mulf %exp3A, %gather3A_620 : vector<16xf32>
      tpu.vector_store_idx %arg14[%add3A_760], %mul3A_761 {add = true} : memref<32768xf32, #tpu.memory_space<vmem>>[vector<16xi32>], vector<16xf32>,
    }
    %scan3A_73 = arith.constant 512 : i32
    "tpu.region"() ({
      %run_scoped3A = tpu.sem_alloc : memref<!tpu.dma_semaphore, #tpu.memory_space<semaphore_mem>>
      %dma_start3A = arith.constant 0 : i32
      %dma_start3A_74 = tpu.memref_slice %arg7[%add3A_37, %dma_start3A] : memref<64x32768xf32, #tpu.memory_space<hbm>> -> memref<1x32768xf32, #tpu.memory_space<hbm>>
      %dma_start3A_75 = tpu.memref_squeeze %dma_start3A_74 : memref<1x32768xf32, #tpu.memory_space<hbm>> -> memref<32768xf32, #tpu.memory_space<hbm>>
      %dma_start3A_76 = arith.constant 0 : i32
      %dma_start3A_77 = tpu.memref_slice %arg7[%add3A_37, %dma_start3A_76] : memref<64x32768xf32, #tpu.memory_space<hbm>> -> memref<1x32768xf32, #tpu.memory_space<hbm>>
      %dma_start3A_78 = tpu.memref_squeeze %dma_start3A_77 : memref<1x32768xf32, #tpu.memory_space<hbm>> -> memref<32768xf32, #tpu.memory_space<hbm>>
      tpu.enqueue_dma source(%arg14 : memref<32768xf32, #tpu.memory_space<vmem>>) target(%dma_start3A_78 : memref<32768xf32, #tpu.memory_space<hbm>>) target_semaphore(%run_scoped3A : memref<!tpu.dma_semaphore, #tpu.memory_space<semaphore_mem>>)
      %dma_wait3A = arith.constant 0 : i32
      %dma_wait3A_79 = tpu.memref_slice %arg7[%add3A_37, %dma_wait3A] : memref<64x32768xf32, #tpu.memory_space<hbm>> -> memref<1x32768xf32, #tpu.memory_space<hbm>>
      %dma_wait3A_80 = tpu.memref_squeeze %dma_wait3A_79 : memref<1x32768xf32, #tpu.memory_space<hbm>> -> memref<32768xf32, #tpu.memory_space<hbm>>
      %dma_wait3A_81 = arith.constant 0 : i32
      %dma_wait3A_82 = tpu.memref_slice %arg7[%add3A_37, %dma_wait3A_81] : memref<64x32768xf32, #tpu.memory_space<hbm>> -> memref<1x32768xf32, #tpu.memory_space<hbm>>
      %dma_wait3A_83 = tpu.memref_squeeze %dma_wait3A_82 : memref<1x32768xf32, #tpu.memory_space<hbm>> -> memref<32768xf32, #tpu.memory_space<hbm>>
      tpu.wait_dma2 semaphore(%run_scoped3A : memref<!tpu.dma_semaphore, #tpu.memory_space<semaphore_mem>>) src(%arg14 : memref<32768xf32, #tpu.memory_space<vmem>>) dst(%dma_wait3A_83 : memref<32768xf32, #tpu.memory_space<hbm>>)
      tpu.yield
    }) : () -> ()
    "tpu.region"() ({
      %run_scoped3A = tpu.sem_alloc : memref<!tpu.dma_semaphore, #tpu.memory_space<semaphore_mem>>
      %dma_start3A = arith.constant 0 : i32
      %dma_start3A_74 = tpu.memref_slice %arg8[%add3A_37, %dma_start3A] : memref<64x1024xf32, #tpu.memory_space<hbm>> -> memref<1x1024xf32, #tpu.memory_space<hbm>>
      %dma_start3A_75 = tpu.memref_squeeze %dma_start3A_74 : memref<1x1024xf32, #tpu.memory_space<hbm>> -> memref<1024xf32, #tpu.memory_space<hbm>>
      %dma_start3A_76 = arith.constant 0 : i32
      %dma_start3A_77 = tpu.memref_slice %arg8[%add3A_37, %dma_start3A_76] : memref<64x1024xf32, #tpu.memory_space<hbm>> -> memref<1x1024xf32, #tpu.memory_space<hbm>>
      %dma_start3A_78 = tpu.memref_squeeze %dma_start3A_77 : memref<1x1024xf32, #tpu.memory_space<hbm>> -> memref<1024xf32, #tpu.memory_space<hbm>>
      tpu.enqueue_dma source(%arg15 : memref<1024xf32, #tpu.memory_space<vmem>>) target(%dma_start3A_78 : memref<1024xf32, #tpu.memory_space<hbm>>) target_semaphore(%run_scoped3A : memref<!tpu.dma_semaphore, #tpu.memory_space<semaphore_mem>>)
      %dma_wait3A = arith.constant 0 : i32
      %dma_wait3A_79 = tpu.memref_slice %arg8[%add3A_37, %dma_wait3A] : memref<64x1024xf32, #tpu.memory_space<hbm>> -> memref<1x1024xf32, #tpu.memory_space<hbm>>
      %dma_wait3A_80 = tpu.memref_squeeze %dma_wait3A_79 : memref<1x1024xf32, #tpu.memory_space<hbm>> -> memref<1024xf32, #tpu.memory_space<hbm>>
      %dma_wait3A_81 = arith.constant 0 : i32
      %dma_wait3A_82 = tpu.memref_slice %arg8[%add3A_37, %dma_wait3A_81] : memref<64x1024xf32, #tpu.memory_space<hbm>> -> memref<1x1024xf32, #tpu.memory_space<hbm>>
      %dma_wait3A_83 = tpu.memref_squeeze %dma_wait3A_82 : memref<1x1024xf32, #tpu.memory_space<hbm>> -> memref<1024xf32, #tpu.memory_space<hbm>>
      tpu.wait_dma2 semaphore(%run_scoped3A : memref<!tpu.dma_semaphore, #tpu.memory_space<semaphore_mem>>) src(%arg15 : memref<1024xf32, #tpu.memory_space<vmem>>) dst(%dma_wait3A_83 : memref<1024xf32, #tpu.memory_space<hbm>>)
      tpu.yield
    }) : () -> ()
    return
  }
}

module attributes {stable_mosaic.version = 14 : i64} {
  func.func @_proj_body(%arg0: i32, %arg1: memref<1x1024x32xf32, #tpu.memory_space<vmem>>, %arg2: memref<32x128xf32, #tpu.memory_space<vmem>>, %arg3: memref<32x128xf32, #tpu.memory_space<vmem>>, %arg4: memref<4x1024x32xf32, #tpu.memory_space<vmem>>, %arg5: memref<4x1024x32xf32, #tpu.memory_space<vmem>>) attributes {dimension_semantics = [#tpu.dimension_semantics<arbitrary>], iteration_bounds = array<i64: 16>, scalar_prefetch = 0 : i64, scratch_operands = 0 : i64, tpu.core_type = #tpu.core_type<tc>, window_params = [{transform_indices = @transform_0, window_bounds = array<i64: 1, 1024, 32>}, {pipeline_mode = #tpu.pipeline_mode<synchronous>, transform_indices = @transform_1, window_bounds = array<i64: 32, 128>}, {pipeline_mode = #tpu.pipeline_mode<synchronous>, transform_indices = @transform_2, window_bounds = array<i64: 32, 128>}, {transform_indices = @transform_3, window_bounds = array<i64: 4, 1024, 32>}, {transform_indices = @transform_4, window_bounds = array<i64: 4, 1024, 32>}]} {
    %get3A = arith.constant 0 : index
    %get3A_0 = arith.constant 0 : index
    %get3A_1 = arith.constant 0 : index
    %get3A_2 = vector.load %arg1[%get3A, %get3A_0, %get3A_1] : memref<1x1024x32xf32, #tpu.memory_space<vmem>>, vector<1x1024x32xf32>
    %get3A_3 = vector.shape_cast %get3A_2 : vector<1x1024x32xf32> to vector<1024x32xf32>
    %get3A_4 = arith.constant 0 : index
    %get3A_5 = arith.constant 0 : index
    %get3A_6 = vector.load %arg2[%get3A_4, %get3A_5] : memref<32x128xf32, #tpu.memory_space<vmem>>, vector<32x128xf32>
    %dot_general3A = arith.constant dense<0.000000e+00> : vector<1024x128xf32>
    %dot_general3A_7 = tpu.matmul %get3A_3, %get3A_6, %dot_general3A {dimension_numbers = #tpu.dot_dimension_numbers<[1], [0], [0], [1], [0, 0, 1, 1], [], []>, transpose_lhs_hint = false} : vector<1024x32xf32>, vector<32x128xf32>, vector<1024x128xf32> -> vector<1024x128xf32>
    %get3A_8 = arith.constant 0 : index
    %get3A_9 = arith.constant 0 : index
    %get3A_10 = vector.load %arg3[%get3A_8, %get3A_9] : memref<32x128xf32, #tpu.memory_space<vmem>>, vector<32x128xf32>
    %dot_general3A_11 = arith.constant dense<0.000000e+00> : vector<1024x128xf32>
    %dot_general3A_12 = tpu.matmul %get3A_3, %get3A_10, %dot_general3A_11 {dimension_numbers = #tpu.dot_dimension_numbers<[1], [0], [0], [1], [0, 0, 1, 1], [], []>, transpose_lhs_hint = false} : vector<1024x32xf32>, vector<32x128xf32>, vector<1024x128xf32> -> vector<1024x128xf32>
    %slice3A = vector.extract_strided_slice %dot_general3A_7 {offsets = [0, 0], sizes = [1024, 32], strides = [1, 1]} : vector<1024x128xf32> to vector<1024x32xf32>
    %swap3A = arith.constant 0 : index
    %swap3A_13 = arith.constant 0 : index
    %swap3A_14 = arith.constant 0 : index
    %swap3A_15 = vector.load %arg4[%swap3A, %swap3A_13, %swap3A_14] : memref<4x1024x32xf32, #tpu.memory_space<vmem>>, vector<1x1024x32xf32>
    %swap3A_16 = vector.shape_cast %swap3A_15 : vector<1x1024x32xf32> to vector<1024x32xf32>
    %swap3A_17 = vector.shape_cast %slice3A : vector<1024x32xf32> to vector<1x1024x32xf32>
    tpu.vector_store %arg4[%swap3A, %swap3A_13, %swap3A_14], %swap3A_17 {strides = array<i32>} : memref<4x1024x32xf32, #tpu.memory_space<vmem>>, vector<1x1024x32xf32>,
    %slice3A_18 = vector.extract_strided_slice %dot_general3A_12 {offsets = [0, 0], sizes = [1024, 32], strides = [1, 1]} : vector<1024x128xf32> to vector<1024x32xf32>
    %swap3A_19 = arith.constant 0 : index
    %swap3A_20 = arith.constant 0 : index
    %swap3A_21 = arith.constant 0 : index
    %swap3A_22 = vector.load %arg5[%swap3A_19, %swap3A_20, %swap3A_21] : memref<4x1024x32xf32, #tpu.memory_space<vmem>>, vector<1x1024x32xf32>
    %swap3A_23 = vector.shape_cast %swap3A_22 : vector<1x1024x32xf32> to vector<1024x32xf32>
    %swap3A_24 = vector.shape_cast %slice3A_18 : vector<1024x32xf32> to vector<1x1024x32xf32>
    tpu.vector_store %arg5[%swap3A_19, %swap3A_20, %swap3A_21], %swap3A_24 {strides = array<i32>} : memref<4x1024x32xf32, #tpu.memory_space<vmem>>, vector<1x1024x32xf32>,
    %slice3A_25 = vector.extract_strided_slice %dot_general3A_7 {offsets = [0, 32], sizes = [1024, 32], strides = [1, 1]} : vector<1024x128xf32> to vector<1024x32xf32>
    %swap3A_26 = arith.constant 1 : index
    %swap3A_27 = arith.constant 0 : index
    %swap3A_28 = arith.constant 0 : index
    %swap3A_29 = vector.load %arg4[%swap3A_26, %swap3A_27, %swap3A_28] : memref<4x1024x32xf32, #tpu.memory_space<vmem>>, vector<1x1024x32xf32>
    %swap3A_30 = vector.shape_cast %swap3A_29 : vector<1x1024x32xf32> to vector<1024x32xf32>
    %swap3A_31 = vector.shape_cast %slice3A_25 : vector<1024x32xf32> to vector<1x1024x32xf32>
    tpu.vector_store %arg4[%swap3A_26, %swap3A_27, %swap3A_28], %swap3A_31 {strides = array<i32>} : memref<4x1024x32xf32, #tpu.memory_space<vmem>>, vector<1x1024x32xf32>,
    %slice3A_32 = vector.extract_strided_slice %dot_general3A_12 {offsets = [0, 32], sizes = [1024, 32], strides = [1, 1]} : vector<1024x128xf32> to vector<1024x32xf32>
    %swap3A_33 = arith.constant 1 : index
    %swap3A_34 = arith.constant 0 : index
    %swap3A_35 = arith.constant 0 : index
    %swap3A_36 = vector.load %arg5[%swap3A_33, %swap3A_34, %swap3A_35] : memref<4x1024x32xf32, #tpu.memory_space<vmem>>, vector<1x1024x32xf32>
    %swap3A_37 = vector.shape_cast %swap3A_36 : vector<1x1024x32xf32> to vector<1024x32xf32>
    %swap3A_38 = vector.shape_cast %slice3A_32 : vector<1024x32xf32> to vector<1x1024x32xf32>
    tpu.vector_store %arg5[%swap3A_33, %swap3A_34, %swap3A_35], %swap3A_38 {strides = array<i32>} : memref<4x1024x32xf32, #tpu.memory_space<vmem>>, vector<1x1024x32xf32>,
    %slice3A_39 = vector.extract_strided_slice %dot_general3A_7 {offsets = [0, 64], sizes = [1024, 32], strides = [1, 1]} : vector<1024x128xf32> to vector<1024x32xf32>
    %swap3A_40 = arith.constant 2 : index
    %swap3A_41 = arith.constant 0 : index
    %swap3A_42 = arith.constant 0 : index
    %swap3A_43 = vector.load %arg4[%swap3A_40, %swap3A_41, %swap3A_42] : memref<4x1024x32xf32, #tpu.memory_space<vmem>>, vector<1x1024x32xf32>
    %swap3A_44 = vector.shape_cast %swap3A_43 : vector<1x1024x32xf32> to vector<1024x32xf32>
    %swap3A_45 = vector.shape_cast %slice3A_39 : vector<1024x32xf32> to vector<1x1024x32xf32>
    tpu.vector_store %arg4[%swap3A_40, %swap3A_41, %swap3A_42], %swap3A_45 {strides = array<i32>} : memref<4x1024x32xf32, #tpu.memory_space<vmem>>, vector<1x1024x32xf32>,
    %slice3A_46 = vector.extract_strided_slice %dot_general3A_12 {offsets = [0, 64], sizes = [1024, 32], strides = [1, 1]} : vector<1024x128xf32> to vector<1024x32xf32>
    %swap3A_47 = arith.constant 2 : index
    %swap3A_48 = arith.constant 0 : index
    %swap3A_49 = arith.constant 0 : index
    %swap3A_50 = vector.load %arg5[%swap3A_47, %swap3A_48, %swap3A_49] : memref<4x1024x32xf32, #tpu.memory_space<vmem>>, vector<1x1024x32xf32>
    %swap3A_51 = vector.shape_cast %swap3A_50 : vector<1x1024x32xf32> to vector<1024x32xf32>
    %swap3A_52 = vector.shape_cast %slice3A_46 : vector<1024x32xf32> to vector<1x1024x32xf32>
    tpu.vector_store %arg5[%swap3A_47, %swap3A_48, %swap3A_49], %swap3A_52 {strides = array<i32>} : memref<4x1024x32xf32, #tpu.memory_space<vmem>>, vector<1x1024x32xf32>,
    %slice3A_53 = vector.extract_strided_slice %dot_general3A_7 {offsets = [0, 96], sizes = [1024, 32], strides = [1, 1]} : vector<1024x128xf32> to vector<1024x32xf32>
    %swap3A_54 = arith.constant 3 : index
    %swap3A_55 = arith.constant 0 : index
    %swap3A_56 = arith.constant 0 : index
    %swap3A_57 = vector.load %arg4[%swap3A_54, %swap3A_55, %swap3A_56] : memref<4x1024x32xf32, #tpu.memory_space<vmem>>, vector<1x1024x32xf32>
    %swap3A_58 = vector.shape_cast %swap3A_57 : vector<1x1024x32xf32> to vector<1024x32xf32>
    %swap3A_59 = vector.shape_cast %slice3A_53 : vector<1024x32xf32> to vector<1x1024x32xf32>
    tpu.vector_store %arg4[%swap3A_54, %swap3A_55, %swap3A_56], %swap3A_59 {strides = array<i32>} : memref<4x1024x32xf32, #tpu.memory_space<vmem>>, vector<1x1024x32xf32>,
    %slice3A_60 = vector.extract_strided_slice %dot_general3A_12 {offsets = [0, 96], sizes = [1024, 32], strides = [1, 1]} : vector<1024x128xf32> to vector<1024x32xf32>
    %swap3A_61 = arith.constant 3 : index
    %swap3A_62 = arith.constant 0 : index
    %swap3A_63 = arith.constant 0 : index
    %swap3A_64 = vector.load %arg5[%swap3A_61, %swap3A_62, %swap3A_63] : memref<4x1024x32xf32, #tpu.memory_space<vmem>>, vector<1x1024x32xf32>
    %swap3A_65 = vector.shape_cast %swap3A_64 : vector<1x1024x32xf32> to vector<1024x32xf32>
    %swap3A_66 = vector.shape_cast %slice3A_60 : vector<1024x32xf32> to vector<1x1024x32xf32>
    tpu.vector_store %arg5[%swap3A_61, %swap3A_62, %swap3A_63], %swap3A_66 {strides = array<i32>} : memref<4x1024x32xf32, #tpu.memory_space<vmem>>, vector<1x1024x32xf32>,
    return
  }
  func.func @transform_0(%arg0: i32) -> (i32, i32, i32) {
    %c0_i32 = arith.constant 0 : i32
    %c0_i32_0 = arith.constant 0 : i32
    %c0_i32_1 = arith.constant 0 : i32
    return %arg0, %c0_i32, %c0_i32_0 : i32, i32, i32
  }
  func.func @transform_1(%arg0: i32) -> (i32, i32) {
    %c0_i32 = arith.constant 0 : i32
    %c0_i32_0 = arith.constant 0 : i32
    %c0_i32_1 = arith.constant 0 : i32
    return %c0_i32, %c0_i32_0 : i32, i32
  }
  func.func @transform_2(%arg0: i32) -> (i32, i32) {
    %c0_i32 = arith.constant 0 : i32
    %c0_i32_0 = arith.constant 0 : i32
    %c0_i32_1 = arith.constant 0 : i32
    return %c0_i32, %c0_i32_0 : i32, i32
  }
  func.func @transform_3(%arg0: i32) -> (i32, i32, i32) {
    %c0_i32 = arith.constant 0 : i32
    %c0_i32_0 = arith.constant 0 : i32
    %c0_i32_1 = arith.constant 0 : i32
    return %arg0, %c0_i32, %c0_i32_0 : i32, i32, i32
  }
  func.func @transform_4(%arg0: i32) -> (i32, i32, i32) {
    %c0_i32 = arith.constant 0 : i32
    %c0_i32_0 = arith.constant 0 : i32
    %c0_i32_1 = arith.constant 0 : i32
    return %arg0, %c0_i32, %c0_i32_0 : i32, i32, i32
  }
}

module attributes {stable_mosaic.version = 14 : i64} {
  func.func @_pergene_body(%arg0: i32, %arg1: memref<16x16x128xf32, #tpu.memory_space<vmem>>, %arg2: memref<16x128x32xf32, #tpu.memory_space<vmem>>, %arg3: memref<16x32xf32, #tpu.memory_space<vmem>>, %arg4: memref<16x16x32xf32, #tpu.memory_space<vmem>>) attributes {dimension_semantics = [#tpu.dimension_semantics<arbitrary>], iteration_bounds = array<i64: 64>, scalar_prefetch = 0 : i64, scratch_operands = 0 : i64, tpu.core_type = #tpu.core_type<tc>, window_params = [{transform_indices = @transform_0, window_bounds = array<i64: 16, 16, 128>}, {transform_indices = @transform_1, window_bounds = array<i64: 16, 128, 32>}, {transform_indices = @transform_2, window_bounds = array<i64: 16, 32>}, {transform_indices = @transform_3, window_bounds = array<i64: 16, 16, 32>}]} {
    %get3A = arith.constant 0 : index
    %get3A_0 = arith.constant 0 : index
    %get3A_1 = arith.constant 0 : index
    %get3A_2 = vector.load %arg1[%get3A, %get3A_0, %get3A_1] : memref<16x16x128xf32, #tpu.memory_space<vmem>>, vector<1x16x128xf32>
    %get3A_3 = vector.shape_cast %get3A_2 : vector<1x16x128xf32> to vector<16x128xf32>
    %get3A_4 = arith.constant 0 : index
    %get3A_5 = arith.constant 0 : index
    %get3A_6 = arith.constant 0 : index
    %get3A_7 = vector.load %arg2[%get3A_4, %get3A_5, %get3A_6] : memref<16x128x32xf32, #tpu.memory_space<vmem>>, vector<1x128x32xf32>
    %get3A_8 = vector.shape_cast %get3A_7 : vector<1x128x32xf32> to vector<128x32xf32>
    %dot_general3A = arith.constant dense<0.000000e+00> : vector<16x32xf32>
    %dot_general3A_9 = tpu.matmul %get3A_3, %get3A_8, %dot_general3A {dimension_numbers = #tpu.dot_dimension_numbers<[1], [0], [0], [1], [0, 0, 1, 1], [], []>, transpose_lhs_hint = false} : vector<16x128xf32>, vector<128x32xf32>, vector<16x32xf32> -> vector<16x32xf32>
    %get3A_10 = arith.constant 0 : index
    %get3A_11 = arith.constant 0 : index
    %get3A_12 = vector.load %arg3[%get3A_10, %get3A_11] : memref<16x32xf32, #tpu.memory_space<vmem>>, vector<1x32xf32>
    %get3A_13 = vector.shape_cast %get3A_12 : vector<1x32xf32> to vector<32xf32>
    %broadcast_in_dim3A = vector.shape_cast %get3A_13 : vector<32xf32> to vector<1x32xf32>
    %add3A = vector.broadcast %broadcast_in_dim3A : vector<1x32xf32> to vector<16x32xf32>
    %add3A_14 = arith.addf %dot_general3A_9, %add3A : vector<16x32xf32>
    %mul3A = arith.constant 0.00999999977 : f32
    %mul3A_15 = vector.broadcast %mul3A : f32 to vector<16x32xf32>
    %mul3A_16 = arith.mulf %mul3A_15, %add3A_14 : vector<16x32xf32>
    %max3A = arith.maximumf %add3A_14, %mul3A_16 : vector<16x32xf32>
    %swap3A = arith.constant 0 : index
    %swap3A_17 = arith.constant 0 : index
    %swap3A_18 = arith.constant 0 : index
    %swap3A_19 = vector.load %arg4[%swap3A, %swap3A_17, %swap3A_18] : memref<16x16x32xf32, #tpu.memory_space<vmem>>, vector<16x1x32xf32>
    %swap3A_20 = vector.shape_cast %swap3A_19 : vector<16x1x32xf32> to vector<16x32xf32>
    %swap3A_21 = vector.shape_cast %max3A : vector<16x32xf32> to vector<16x1x32xf32>
    tpu.vector_store %arg4[%swap3A, %swap3A_17, %swap3A_18], %swap3A_21 {strides = array<i32>} : memref<16x16x32xf32, #tpu.memory_space<vmem>>, vector<16x1x32xf32>,
    %get3A_22 = arith.constant 1 : index
    %get3A_23 = arith.constant 0 : index
    %get3A_24 = arith.constant 0 : index
    %get3A_25 = vector.load %arg1[%get3A_22, %get3A_23, %get3A_24] : memref<16x16x128xf32, #tpu.memory_space<vmem>>, vector<1x16x128xf32>
    %get3A_26 = vector.shape_cast %get3A_25 : vector<1x16x128xf32> to vector<16x128xf32>
    %get3A_27 = arith.constant 1 : index
    %get3A_28 = arith.constant 0 : index
    %get3A_29 = arith.constant 0 : index
    %get3A_30 = vector.load %arg2[%get3A_27, %get3A_28, %get3A_29] : memref<16x128x32xf32, #tpu.memory_space<vmem>>, vector<1x128x32xf32>
    %get3A_31 = vector.shape_cast %get3A_30 : vector<1x128x32xf32> to vector<128x32xf32>
    %dot_general3A_32 = arith.constant dense<0.000000e+00> : vector<16x32xf32>
    %dot_general3A_33 = tpu.matmul %get3A_26, %get3A_31, %dot_general3A_32 {dimension_numbers = #tpu.dot_dimension_numbers<[1], [0], [0], [1], [0, 0, 1, 1], [], []>, transpose_lhs_hint = false} : vector<16x128xf32>, vector<128x32xf32>, vector<16x32xf32> -> vector<16x32xf32>
    %get3A_34 = arith.constant 1 : index
    %get3A_35 = arith.constant 0 : index
    %get3A_36 = vector.load %arg3[%get3A_34, %get3A_35] : memref<16x32xf32, #tpu.memory_space<vmem>>, vector<1x32xf32>
    %get3A_37 = vector.shape_cast %get3A_36 : vector<1x32xf32> to vector<32xf32>
    %broadcast_in_dim3A_38 = vector.shape_cast %get3A_37 : vector<32xf32> to vector<1x32xf32>
    %add3A_39 = vector.broadcast %broadcast_in_dim3A_38 : vector<1x32xf32> to vector<16x32xf32>
    %add3A_40 = arith.addf %dot_general3A_33, %add3A_39 : vector<16x32xf32>
    %mul3A_41 = arith.constant 0.00999999977 : f32
    %mul3A_42 = vector.broadcast %mul3A_41 : f32 to vector<16x32xf32>
    %mul3A_43 = arith.mulf %mul3A_42, %add3A_40 : vector<16x32xf32>
    %max3A_44 = arith.maximumf %add3A_40, %mul3A_43 : vector<16x32xf32>
    %swap3A_45 = arith.constant 0 : index
    %swap3A_46 = arith.constant 1 : index
    %swap3A_47 = arith.constant 0 : index
    %swap3A_48 = vector.load %arg4[%swap3A_45, %swap3A_46, %swap3A_47] : memref<16x16x32xf32, #tpu.memory_space<vmem>>, vector<16x1x32xf32>
    %swap3A_49 = vector.shape_cast %swap3A_48 : vector<16x1x32xf32> to vector<16x32xf32>
    %swap3A_50 = vector.shape_cast %max3A_44 : vector<16x32xf32> to vector<16x1x32xf32>
    tpu.vector_store %arg4[%swap3A_45, %swap3A_46, %swap3A_47], %swap3A_50 {strides = array<i32>} : memref<16x16x32xf32, #tpu.memory_space<vmem>>, vector<16x1x32xf32>,
    %get3A_51 = arith.constant 2 : index
    %get3A_52 = arith.constant 0 : index
    %get3A_53 = arith.constant 0 : index
    %get3A_54 = vector.load %arg1[%get3A_51, %get3A_52, %get3A_53] : memref<16x16x128xf32, #tpu.memory_space<vmem>>, vector<1x16x128xf32>
    %get3A_55 = vector.shape_cast %get3A_54 : vector<1x16x128xf32> to vector<16x128xf32>
    %get3A_56 = arith.constant 2 : index
    %get3A_57 = arith.constant 0 : index
    %get3A_58 = arith.constant 0 : index
    %get3A_59 = vector.load %arg2[%get3A_56, %get3A_57, %get3A_58] : memref<16x128x32xf32, #tpu.memory_space<vmem>>, vector<1x128x32xf32>
    %get3A_60 = vector.shape_cast %get3A_59 : vector<1x128x32xf32> to vector<128x32xf32>
    %dot_general3A_61 = arith.constant dense<0.000000e+00> : vector<16x32xf32>
    %dot_general3A_62 = tpu.matmul %get3A_55, %get3A_60, %dot_general3A_61 {dimension_numbers = #tpu.dot_dimension_numbers<[1], [0], [0], [1], [0, 0, 1, 1], [], []>, transpose_lhs_hint = false} : vector<16x128xf32>, vector<128x32xf32>, vector<16x32xf32> -> vector<16x32xf32>
    %get3A_63 = arith.constant 2 : index
    %get3A_64 = arith.constant 0 : index
    %get3A_65 = vector.load %arg3[%get3A_63, %get3A_64] : memref<16x32xf32, #tpu.memory_space<vmem>>, vector<1x32xf32>
    %get3A_66 = vector.shape_cast %get3A_65 : vector<1x32xf32> to vector<32xf32>
    %broadcast_in_dim3A_67 = vector.shape_cast %get3A_66 : vector<32xf32> to vector<1x32xf32>
    %add3A_68 = vector.broadcast %broadcast_in_dim3A_67 : vector<1x32xf32> to vector<16x32xf32>
    %add3A_69 = arith.addf %dot_general3A_62, %add3A_68 : vector<16x32xf32>
    %mul3A_70 = arith.constant 0.00999999977 : f32
    %mul3A_71 = vector.broadcast %mul3A_70 : f32 to vector<16x32xf32>
    %mul3A_72 = arith.mulf %mul3A_71, %add3A_69 : vector<16x32xf32>
    %max3A_73 = arith.maximumf %add3A_69, %mul3A_72 : vector<16x32xf32>
    %swap3A_74 = arith.constant 0 : index
    %swap3A_75 = arith.constant 2 : index
    %swap3A_76 = arith.constant 0 : index
    %swap3A_77 = vector.load %arg4[%swap3A_74, %swap3A_75, %swap3A_76] : memref<16x16x32xf32, #tpu.memory_space<vmem>>, vector<16x1x32xf32>
    %swap3A_78 = vector.shape_cast %swap3A_77 : vector<16x1x32xf32> to vector<16x32xf32>
    %swap3A_79 = vector.shape_cast %max3A_73 : vector<16x32xf32> to vector<16x1x32xf32>
    tpu.vector_store %arg4[%swap3A_74, %swap3A_75, %swap3A_76], %swap3A_79 {strides = array<i32>} : memref<16x16x32xf32, #tpu.memory_space<vmem>>, vector<16x1x32xf32>,
    %get3A_80 = arith.constant 3 : index
    %get3A_81 = arith.constant 0 : index
    %get3A_82 = arith.constant 0 : index
    %get3A_83 = vector.load %arg1[%get3A_80, %get3A_81, %get3A_82] : memref<16x16x128xf32, #tpu.memory_space<vmem>>, vector<1x16x128xf32>
    %get3A_84 = vector.shape_cast %get3A_83 : vector<1x16x128xf32> to vector<16x128xf32>
    %get3A_85 = arith.constant 3 : index
    %get3A_86 = arith.constant 0 : index
    %get3A_87 = arith.constant 0 : index
    %get3A_88 = vector.load %arg2[%get3A_85, %get3A_86, %get3A_87] : memref<16x128x32xf32, #tpu.memory_space<vmem>>, vector<1x128x32xf32>
    %get3A_89 = vector.shape_cast %get3A_88 : vector<1x128x32xf32> to vector<128x32xf32>
    %dot_general3A_90 = arith.constant dense<0.000000e+00> : vector<16x32xf32>
    %dot_general3A_91 = tpu.matmul %get3A_84, %get3A_89, %dot_general3A_90 {dimension_numbers = #tpu.dot_dimension_numbers<[1], [0], [0], [1], [0, 0, 1, 1], [], []>, transpose_lhs_hint = false} : vector<16x128xf32>, vector<128x32xf32>, vector<16x32xf32> -> vector<16x32xf32>
    %get3A_92 = arith.constant 3 : index
    %get3A_93 = arith.constant 0 : index
    %get3A_94 = vector.load %arg3[%get3A_92, %get3A_93] : memref<16x32xf32, #tpu.memory_space<vmem>>, vector<1x32xf32>
    %get3A_95 = vector.shape_cast %get3A_94 : vector<1x32xf32> to vector<32xf32>
    %broadcast_in_dim3A_96 = vector.shape_cast %get3A_95 : vector<32xf32> to vector<1x32xf32>
    %add3A_97 = vector.broadcast %broadcast_in_dim3A_96 : vector<1x32xf32> to vector<16x32xf32>
    %add3A_98 = arith.addf %dot_general3A_91, %add3A_97 : vector<16x32xf32>
    %mul3A_99 = arith.constant 0.00999999977 : f32
    %mul3A_100 = vector.broadcast %mul3A_99 : f32 to vector<16x32xf32>
    %mul3A_101 = arith.mulf %mul3A_100, %add3A_98 : vector<16x32xf32>
    %max3A_102 = arith.maximumf %add3A_98, %mul3A_101 : vector<16x32xf32>
    %swap3A_103 = arith.constant 0 : index
    %swap3A_104 = arith.constant 3 : index
    %swap3A_105 = arith.constant 0 : index
    %swap3A_106 = vector.load %arg4[%swap3A_103, %swap3A_104, %swap3A_105] : memref<16x16x32xf32, #tpu.memory_space<vmem>>, vector<16x1x32xf32>
    %swap3A_107 = vector.shape_cast %swap3A_106 : vector<16x1x32xf32> to vector<16x32xf32>
    %swap3A_108 = vector.shape_cast %max3A_102 : vector<16x32xf32> to vector<16x1x32xf32>
    tpu.vector_store %arg4[%swap3A_103, %swap3A_104, %swap3A_105], %swap3A_108 {strides = array<i32>} : memref<16x16x32xf32, #tpu.memory_space<vmem>>, vector<16x1x32xf32>,
    %get3A_109 = arith.constant 4 : index
    %get3A_110 = arith.constant 0 : index
    %get3A_111 = arith.constant 0 : index
    %get3A_112 = vector.load %arg1[%get3A_109, %get3A_110, %get3A_111] : memref<16x16x128xf32, #tpu.memory_space<vmem>>, vector<1x16x128xf32>
    %get3A_113 = vector.shape_cast %get3A_112 : vector<1x16x128xf32> to vector<16x128xf32>
    %get3A_114 = arith.constant 4 : index
    %get3A_115 = arith.constant 0 : index
    %get3A_116 = arith.constant 0 : index
    %get3A_117 = vector.load %arg2[%get3A_114, %get3A_115, %get3A_116] : memref<16x128x32xf32, #tpu.memory_space<vmem>>, vector<1x128x32xf32>
    %get3A_118 = vector.shape_cast %get3A_117 : vector<1x128x32xf32> to vector<128x32xf32>
    %dot_general3A_119 = arith.constant dense<0.000000e+00> : vector<16x32xf32>
    %dot_general3A_120 = tpu.matmul %get3A_113, %get3A_118, %dot_general3A_119 {dimension_numbers = #tpu.dot_dimension_numbers<[1], [0], [0], [1], [0, 0, 1, 1], [], []>, transpose_lhs_hint = false} : vector<16x128xf32>, vector<128x32xf32>, vector<16x32xf32> -> vector<16x32xf32>
    %get3A_121 = arith.constant 4 : index
    %get3A_122 = arith.constant 0 : index
    %get3A_123 = vector.load %arg3[%get3A_121, %get3A_122] : memref<16x32xf32, #tpu.memory_space<vmem>>, vector<1x32xf32>
    %get3A_124 = vector.shape_cast %get3A_123 : vector<1x32xf32> to vector<32xf32>
    %broadcast_in_dim3A_125 = vector.shape_cast %get3A_124 : vector<32xf32> to vector<1x32xf32>
    %add3A_126 = vector.broadcast %broadcast_in_dim3A_125 : vector<1x32xf32> to vector<16x32xf32>
    %add3A_127 = arith.addf %dot_general3A_120, %add3A_126 : vector<16x32xf32>
    %mul3A_128 = arith.constant 0.00999999977 : f32
    %mul3A_129 = vector.broadcast %mul3A_128 : f32 to vector<16x32xf32>
    %mul3A_130 = arith.mulf %mul3A_129, %add3A_127 : vector<16x32xf32>
    %max3A_131 = arith.maximumf %add3A_127, %mul3A_130 : vector<16x32xf32>
    %swap3A_132 = arith.constant 0 : index
    %swap3A_133 = arith.constant 4 : index
    %swap3A_134 = arith.constant 0 : index
    %swap3A_135 = vector.load %arg4[%swap3A_132, %swap3A_133, %swap3A_134] : memref<16x16x32xf32, #tpu.memory_space<vmem>>, vector<16x1x32xf32>
    %swap3A_136 = vector.shape_cast %swap3A_135 : vector<16x1x32xf32> to vector<16x32xf32>
    %swap3A_137 = vector.shape_cast %max3A_131 : vector<16x32xf32> to vector<16x1x32xf32>
    tpu.vector_store %arg4[%swap3A_132, %swap3A_133, %swap3A_134], %swap3A_137 {strides = array<i32>} : memref<16x16x32xf32, #tpu.memory_space<vmem>>, vector<16x1x32xf32>,
    %get3A_138 = arith.constant 5 : index
    %get3A_139 = arith.constant 0 : index
    %get3A_140 = arith.constant 0 : index
    %get3A_141 = vector.load %arg1[%get3A_138, %get3A_139, %get3A_140] : memref<16x16x128xf32, #tpu.memory_space<vmem>>, vector<1x16x128xf32>
    %get3A_142 = vector.shape_cast %get3A_141 : vector<1x16x128xf32> to vector<16x128xf32>
    %get3A_143 = arith.constant 5 : index
    %get3A_144 = arith.constant 0 : index
    %get3A_145 = arith.constant 0 : index
    %get3A_146 = vector.load %arg2[%get3A_143, %get3A_144, %get3A_145] : memref<16x128x32xf32, #tpu.memory_space<vmem>>, vector<1x128x32xf32>
    %get3A_147 = vector.shape_cast %get3A_146 : vector<1x128x32xf32> to vector<128x32xf32>
    %dot_general3A_148 = arith.constant dense<0.000000e+00> : vector<16x32xf32>
    %dot_general3A_149 = tpu.matmul %get3A_142, %get3A_147, %dot_general3A_148 {dimension_numbers = #tpu.dot_dimension_numbers<[1], [0], [0], [1], [0, 0, 1, 1], [], []>, transpose_lhs_hint = false} : vector<16x128xf32>, vector<128x32xf32>, vector<16x32xf32> -> vector<16x32xf32>
    %get3A_150 = arith.constant 5 : index
    %get3A_151 = arith.constant 0 : index
    %get3A_152 = vector.load %arg3[%get3A_150, %get3A_151] : memref<16x32xf32, #tpu.memory_space<vmem>>, vector<1x32xf32>
    %get3A_153 = vector.shape_cast %get3A_152 : vector<1x32xf32> to vector<32xf32>
    %broadcast_in_dim3A_154 = vector.shape_cast %get3A_153 : vector<32xf32> to vector<1x32xf32>
    %add3A_155 = vector.broadcast %broadcast_in_dim3A_154 : vector<1x32xf32> to vector<16x32xf32>
    %add3A_156 = arith.addf %dot_general3A_149, %add3A_155 : vector<16x32xf32>
    %mul3A_157 = arith.constant 0.00999999977 : f32
    %mul3A_158 = vector.broadcast %mul3A_157 : f32 to vector<16x32xf32>
    %mul3A_159 = arith.mulf %mul3A_158, %add3A_156 : vector<16x32xf32>
    %max3A_160 = arith.maximumf %add3A_156, %mul3A_159 : vector<16x32xf32>
    %swap3A_161 = arith.constant 0 : index
    %swap3A_162 = arith.constant 5 : index
    %swap3A_163 = arith.constant 0 : index
    %swap3A_164 = vector.load %arg4[%swap3A_161, %swap3A_162, %swap3A_163] : memref<16x16x32xf32, #tpu.memory_space<vmem>>, vector<16x1x32xf32>
    %swap3A_165 = vector.shape_cast %swap3A_164 : vector<16x1x32xf32> to vector<16x32xf32>
    %swap3A_166 = vector.shape_cast %max3A_160 : vector<16x32xf32> to vector<16x1x32xf32>
    tpu.vector_store %arg4[%swap3A_161, %swap3A_162, %swap3A_163], %swap3A_166 {strides = array<i32>} : memref<16x16x32xf32, #tpu.memory_space<vmem>>, vector<16x1x32xf32>,
    %get3A_167 = arith.constant 6 : index
    %get3A_168 = arith.constant 0 : index
    %get3A_169 = arith.constant 0 : index
    %get3A_170 = vector.load %arg1[%get3A_167, %get3A_168, %get3A_169] : memref<16x16x128xf32, #tpu.memory_space<vmem>>, vector<1x16x128xf32>
    %get3A_171 = vector.shape_cast %get3A_170 : vector<1x16x128xf32> to vector<16x128xf32>
    %get3A_172 = arith.constant 6 : index
    %get3A_173 = arith.constant 0 : index
    %get3A_174 = arith.constant 0 : index
    %get3A_175 = vector.load %arg2[%get3A_172, %get3A_173, %get3A_174] : memref<16x128x32xf32, #tpu.memory_space<vmem>>, vector<1x128x32xf32>
    %get3A_176 = vector.shape_cast %get3A_175 : vector<1x128x32xf32> to vector<128x32xf32>
    %dot_general3A_177 = arith.constant dense<0.000000e+00> : vector<16x32xf32>
    %dot_general3A_178 = tpu.matmul %get3A_171, %get3A_176, %dot_general3A_177 {dimension_numbers = #tpu.dot_dimension_numbers<[1], [0], [0], [1], [0, 0, 1, 1], [], []>, transpose_lhs_hint = false} : vector<16x128xf32>, vector<128x32xf32>, vector<16x32xf32> -> vector<16x32xf32>
    %get3A_179 = arith.constant 6 : index
    %get3A_180 = arith.constant 0 : index
    %get3A_181 = vector.load %arg3[%get3A_179, %get3A_180] : memref<16x32xf32, #tpu.memory_space<vmem>>, vector<1x32xf32>
    %get3A_182 = vector.shape_cast %get3A_181 : vector<1x32xf32> to vector<32xf32>
    %broadcast_in_dim3A_183 = vector.shape_cast %get3A_182 : vector<32xf32> to vector<1x32xf32>
    %add3A_184 = vector.broadcast %broadcast_in_dim3A_183 : vector<1x32xf32> to vector<16x32xf32>
    %add3A_185 = arith.addf %dot_general3A_178, %add3A_184 : vector<16x32xf32>
    %mul3A_186 = arith.constant 0.00999999977 : f32
    %mul3A_187 = vector.broadcast %mul3A_186 : f32 to vector<16x32xf32>
    %mul3A_188 = arith.mulf %mul3A_187, %add3A_185 : vector<16x32xf32>
    %max3A_189 = arith.maximumf %add3A_185, %mul3A_188 : vector<16x32xf32>
    %swap3A_190 = arith.constant 0 : index
    %swap3A_191 = arith.constant 6 : index
    %swap3A_192 = arith.constant 0 : index
    %swap3A_193 = vector.load %arg4[%swap3A_190, %swap3A_191, %swap3A_192] : memref<16x16x32xf32, #tpu.memory_space<vmem>>, vector<16x1x32xf32>
    %swap3A_194 = vector.shape_cast %swap3A_193 : vector<16x1x32xf32> to vector<16x32xf32>
    %swap3A_195 = vector.shape_cast %max3A_189 : vector<16x32xf32> to vector<16x1x32xf32>
    tpu.vector_store %arg4[%swap3A_190, %swap3A_191, %swap3A_192], %swap3A_195 {strides = array<i32>} : memref<16x16x32xf32, #tpu.memory_space<vmem>>, vector<16x1x32xf32>,
    %get3A_196 = arith.constant 7 : index
    %get3A_197 = arith.constant 0 : index
    %get3A_198 = arith.constant 0 : index
    %get3A_199 = vector.load %arg1[%get3A_196, %get3A_197, %get3A_198] : memref<16x16x128xf32, #tpu.memory_space<vmem>>, vector<1x16x128xf32>
    %get3A_200 = vector.shape_cast %get3A_199 : vector<1x16x128xf32> to vector<16x128xf32>
    %get3A_201 = arith.constant 7 : index
    %get3A_202 = arith.constant 0 : index
    %get3A_203 = arith.constant 0 : index
    %get3A_204 = vector.load %arg2[%get3A_201, %get3A_202, %get3A_203] : memref<16x128x32xf32, #tpu.memory_space<vmem>>, vector<1x128x32xf32>
    %get3A_205 = vector.shape_cast %get3A_204 : vector<1x128x32xf32> to vector<128x32xf32>
    %dot_general3A_206 = arith.constant dense<0.000000e+00> : vector<16x32xf32>
    %dot_general3A_207 = tpu.matmul %get3A_200, %get3A_205, %dot_general3A_206 {dimension_numbers = #tpu.dot_dimension_numbers<[1], [0], [0], [1], [0, 0, 1, 1], [], []>, transpose_lhs_hint = false} : vector<16x128xf32>, vector<128x32xf32>, vector<16x32xf32> -> vector<16x32xf32>
    %get3A_208 = arith.constant 7 : index
    %get3A_209 = arith.constant 0 : index
    %get3A_210 = vector.load %arg3[%get3A_208, %get3A_209] : memref<16x32xf32, #tpu.memory_space<vmem>>, vector<1x32xf32>
    %get3A_211 = vector.shape_cast %get3A_210 : vector<1x32xf32> to vector<32xf32>
    %broadcast_in_dim3A_212 = vector.shape_cast %get3A_211 : vector<32xf32> to vector<1x32xf32>
    %add3A_213 = vector.broadcast %broadcast_in_dim3A_212 : vector<1x32xf32> to vector<16x32xf32>
    %add3A_214 = arith.addf %dot_general3A_207, %add3A_213 : vector<16x32xf32>
    %mul3A_215 = arith.constant 0.00999999977 : f32
    %mul3A_216 = vector.broadcast %mul3A_215 : f32 to vector<16x32xf32>
    %mul3A_217 = arith.mulf %mul3A_216, %add3A_214 : vector<16x32xf32>
    %max3A_218 = arith.maximumf %add3A_214, %mul3A_217 : vector<16x32xf32>
    %swap3A_219 = arith.constant 0 : index
    %swap3A_220 = arith.constant 7 : index
    %swap3A_221 = arith.constant 0 : index
    %swap3A_222 = vector.load %arg4[%swap3A_219, %swap3A_220, %swap3A_221] : memref<16x16x32xf32, #tpu.memory_space<vmem>>, vector<16x1x32xf32>
    %swap3A_223 = vector.shape_cast %swap3A_222 : vector<16x1x32xf32> to vector<16x32xf32>
    %swap3A_224 = vector.shape_cast %max3A_218 : vector<16x32xf32> to vector<16x1x32xf32>
    tpu.vector_store %arg4[%swap3A_219, %swap3A_220, %swap3A_221], %swap3A_224 {strides = array<i32>} : memref<16x16x32xf32, #tpu.memory_space<vmem>>, vector<16x1x32xf32>,
    %get3A_225 = arith.constant 8 : index
    %get3A_226 = arith.constant 0 : index
    %get3A_227 = arith.constant 0 : index
    %get3A_228 = vector.load %arg1[%get3A_225, %get3A_226, %get3A_227] : memref<16x16x128xf32, #tpu.memory_space<vmem>>, vector<1x16x128xf32>
    %get3A_229 = vector.shape_cast %get3A_228 : vector<1x16x128xf32> to vector<16x128xf32>
    %get3A_230 = arith.constant 8 : index
    %get3A_231 = arith.constant 0 : index
    %get3A_232 = arith.constant 0 : index
    %get3A_233 = vector.load %arg2[%get3A_230, %get3A_231, %get3A_232] : memref<16x128x32xf32, #tpu.memory_space<vmem>>, vector<1x128x32xf32>
    %get3A_234 = vector.shape_cast %get3A_233 : vector<1x128x32xf32> to vector<128x32xf32>
    %dot_general3A_235 = arith.constant dense<0.000000e+00> : vector<16x32xf32>
    %dot_general3A_236 = tpu.matmul %get3A_229, %get3A_234, %dot_general3A_235 {dimension_numbers = #tpu.dot_dimension_numbers<[1], [0], [0], [1], [0, 0, 1, 1], [], []>, transpose_lhs_hint = false} : vector<16x128xf32>, vector<128x32xf32>, vector<16x32xf32> -> vector<16x32xf32>
    %get3A_237 = arith.constant 8 : index
    %get3A_238 = arith.constant 0 : index
    %get3A_239 = vector.load %arg3[%get3A_237, %get3A_238] : memref<16x32xf32, #tpu.memory_space<vmem>>, vector<1x32xf32>
    %get3A_240 = vector.shape_cast %get3A_239 : vector<1x32xf32> to vector<32xf32>
    %broadcast_in_dim3A_241 = vector.shape_cast %get3A_240 : vector<32xf32> to vector<1x32xf32>
    %add3A_242 = vector.broadcast %broadcast_in_dim3A_241 : vector<1x32xf32> to vector<16x32xf32>
    %add3A_243 = arith.addf %dot_general3A_236, %add3A_242 : vector<16x32xf32>
    %mul3A_244 = arith.constant 0.00999999977 : f32
    %mul3A_245 = vector.broadcast %mul3A_244 : f32 to vector<16x32xf32>
    %mul3A_246 = arith.mulf %mul3A_245, %add3A_243 : vector<16x32xf32>
    %max3A_247 = arith.maximumf %add3A_243, %mul3A_246 : vector<16x32xf32>
    %swap3A_248 = arith.constant 0 : index
    %swap3A_249 = arith.constant 8 : index
    %swap3A_250 = arith.constant 0 : index
    %swap3A_251 = vector.load %arg4[%swap3A_248, %swap3A_249, %swap3A_250] : memref<16x16x32xf32, #tpu.memory_space<vmem>>, vector<16x1x32xf32>
    %swap3A_252 = vector.shape_cast %swap3A_251 : vector<16x1x32xf32> to vector<16x32xf32>
    %swap3A_253 = vector.shape_cast %max3A_247 : vector<16x32xf32> to vector<16x1x32xf32>
    tpu.vector_store %arg4[%swap3A_248, %swap3A_249, %swap3A_250], %swap3A_253 {strides = array<i32>} : memref<16x16x32xf32, #tpu.memory_space<vmem>>, vector<16x1x32xf32>,
    %get3A_254 = arith.constant 9 : index
    %get3A_255 = arith.constant 0 : index
    %get3A_256 = arith.constant 0 : index
    %get3A_257 = vector.load %arg1[%get3A_254, %get3A_255, %get3A_256] : memref<16x16x128xf32, #tpu.memory_space<vmem>>, vector<1x16x128xf32>
    %get3A_258 = vector.shape_cast %get3A_257 : vector<1x16x128xf32> to vector<16x128xf32>
    %get3A_259 = arith.constant 9 : index
    %get3A_260 = arith.constant 0 : index
    %get3A_261 = arith.constant 0 : index
    %get3A_262 = vector.load %arg2[%get3A_259, %get3A_260, %get3A_261] : memref<16x128x32xf32, #tpu.memory_space<vmem>>, vector<1x128x32xf32>
    %get3A_263 = vector.shape_cast %get3A_262 : vector<1x128x32xf32> to vector<128x32xf32>
    %dot_general3A_264 = arith.constant dense<0.000000e+00> : vector<16x32xf32>
    %dot_general3A_265 = tpu.matmul %get3A_258, %get3A_263, %dot_general3A_264 {dimension_numbers = #tpu.dot_dimension_numbers<[1], [0], [0], [1], [0, 0, 1, 1], [], []>, transpose_lhs_hint = false} : vector<16x128xf32>, vector<128x32xf32>, vector<16x32xf32> -> vector<16x32xf32>
    %get3A_266 = arith.constant 9 : index
    %get3A_267 = arith.constant 0 : index
    %get3A_268 = vector.load %arg3[%get3A_266, %get3A_267] : memref<16x32xf32, #tpu.memory_space<vmem>>, vector<1x32xf32>
    %get3A_269 = vector.shape_cast %get3A_268 : vector<1x32xf32> to vector<32xf32>
    %broadcast_in_dim3A_270 = vector.shape_cast %get3A_269 : vector<32xf32> to vector<1x32xf32>
    %add3A_271 = vector.broadcast %broadcast_in_dim3A_270 : vector<1x32xf32> to vector<16x32xf32>
    %add3A_272 = arith.addf %dot_general3A_265, %add3A_271 : vector<16x32xf32>
    %mul3A_273 = arith.constant 0.00999999977 : f32
    %mul3A_274 = vector.broadcast %mul3A_273 : f32 to vector<16x32xf32>
    %mul3A_275 = arith.mulf %mul3A_274, %add3A_272 : vector<16x32xf32>
    %max3A_276 = arith.maximumf %add3A_272, %mul3A_275 : vector<16x32xf32>
    %swap3A_277 = arith.constant 0 : index
    %swap3A_278 = arith.constant 9 : index
    %swap3A_279 = arith.constant 0 : index
    %swap3A_280 = vector.load %arg4[%swap3A_277, %swap3A_278, %swap3A_279] : memref<16x16x32xf32, #tpu.memory_space<vmem>>, vector<16x1x32xf32>
    %swap3A_281 = vector.shape_cast %swap3A_280 : vector<16x1x32xf32> to vector<16x32xf32>
    %swap3A_282 = vector.shape_cast %max3A_276 : vector<16x32xf32> to vector<16x1x32xf32>
    tpu.vector_store %arg4[%swap3A_277, %swap3A_278, %swap3A_279], %swap3A_282 {strides = array<i32>} : memref<16x16x32xf32, #tpu.memory_space<vmem>>, vector<16x1x32xf32>,
    %get3A_283 = arith.constant 10 : index
    %get3A_284 = arith.constant 0 : index
    %get3A_285 = arith.constant 0 : index
    %get3A_286 = vector.load %arg1[%get3A_283, %get3A_284, %get3A_285] : memref<16x16x128xf32, #tpu.memory_space<vmem>>, vector<1x16x128xf32>
    %get3A_287 = vector.shape_cast %get3A_286 : vector<1x16x128xf32> to vector<16x128xf32>
    %get3A_288 = arith.constant 10 : index
    %get3A_289 = arith.constant 0 : index
    %get3A_290 = arith.constant 0 : index
    %get3A_291 = vector.load %arg2[%get3A_288, %get3A_289, %get3A_290] : memref<16x128x32xf32, #tpu.memory_space<vmem>>, vector<1x128x32xf32>
    %get3A_292 = vector.shape_cast %get3A_291 : vector<1x128x32xf32> to vector<128x32xf32>
    %dot_general3A_293 = arith.constant dense<0.000000e+00> : vector<16x32xf32>
    %dot_general3A_294 = tpu.matmul %get3A_287, %get3A_292, %dot_general3A_293 {dimension_numbers = #tpu.dot_dimension_numbers<[1], [0], [0], [1], [0, 0, 1, 1], [], []>, transpose_lhs_hint = false} : vector<16x128xf32>, vector<128x32xf32>, vector<16x32xf32> -> vector<16x32xf32>
    %get3A_295 = arith.constant 10 : index
    %get3A_296 = arith.constant 0 : index
    %get3A_297 = vector.load %arg3[%get3A_295, %get3A_296] : memref<16x32xf32, #tpu.memory_space<vmem>>, vector<1x32xf32>
    %get3A_298 = vector.shape_cast %get3A_297 : vector<1x32xf32> to vector<32xf32>
    %broadcast_in_dim3A_299 = vector.shape_cast %get3A_298 : vector<32xf32> to vector<1x32xf32>
    %add3A_300 = vector.broadcast %broadcast_in_dim3A_299 : vector<1x32xf32> to vector<16x32xf32>
    %add3A_301 = arith.addf %dot_general3A_294, %add3A_300 : vector<16x32xf32>
    %mul3A_302 = arith.constant 0.00999999977 : f32
    %mul3A_303 = vector.broadcast %mul3A_302 : f32 to vector<16x32xf32>
    %mul3A_304 = arith.mulf %mul3A_303, %add3A_301 : vector<16x32xf32>
    %max3A_305 = arith.maximumf %add3A_301, %mul3A_304 : vector<16x32xf32>
    %swap3A_306 = arith.constant 0 : index
    %swap3A_307 = arith.constant 10 : index
    %swap3A_308 = arith.constant 0 : index
    %swap3A_309 = vector.load %arg4[%swap3A_306, %swap3A_307, %swap3A_308] : memref<16x16x32xf32, #tpu.memory_space<vmem>>, vector<16x1x32xf32>
    %swap3A_310 = vector.shape_cast %swap3A_309 : vector<16x1x32xf32> to vector<16x32xf32>
    %swap3A_311 = vector.shape_cast %max3A_305 : vector<16x32xf32> to vector<16x1x32xf32>
    tpu.vector_store %arg4[%swap3A_306, %swap3A_307, %swap3A_308], %swap3A_311 {strides = array<i32>} : memref<16x16x32xf32, #tpu.memory_space<vmem>>, vector<16x1x32xf32>,
    %get3A_312 = arith.constant 11 : index
    %get3A_313 = arith.constant 0 : index
    %get3A_314 = arith.constant 0 : index
    %get3A_315 = vector.load %arg1[%get3A_312, %get3A_313, %get3A_314] : memref<16x16x128xf32, #tpu.memory_space<vmem>>, vector<1x16x128xf32>
    %get3A_316 = vector.shape_cast %get3A_315 : vector<1x16x128xf32> to vector<16x128xf32>
    %get3A_317 = arith.constant 11 : index
    %get3A_318 = arith.constant 0 : index
    %get3A_319 = arith.constant 0 : index
    %get3A_320 = vector.load %arg2[%get3A_317, %get3A_318, %get3A_319] : memref<16x128x32xf32, #tpu.memory_space<vmem>>, vector<1x128x32xf32>
    %get3A_321 = vector.shape_cast %get3A_320 : vector<1x128x32xf32> to vector<128x32xf32>
    %dot_general3A_322 = arith.constant dense<0.000000e+00> : vector<16x32xf32>
    %dot_general3A_323 = tpu.matmul %get3A_316, %get3A_321, %dot_general3A_322 {dimension_numbers = #tpu.dot_dimension_numbers<[1], [0], [0], [1], [0, 0, 1, 1], [], []>, transpose_lhs_hint = false} : vector<16x128xf32>, vector<128x32xf32>, vector<16x32xf32> -> vector<16x32xf32>
    %get3A_324 = arith.constant 11 : index
    %get3A_325 = arith.constant 0 : index
    %get3A_326 = vector.load %arg3[%get3A_324, %get3A_325] : memref<16x32xf32, #tpu.memory_space<vmem>>, vector<1x32xf32>
    %get3A_327 = vector.shape_cast %get3A_326 : vector<1x32xf32> to vector<32xf32>
    %broadcast_in_dim3A_328 = vector.shape_cast %get3A_327 : vector<32xf32> to vector<1x32xf32>
    %add3A_329 = vector.broadcast %broadcast_in_dim3A_328 : vector<1x32xf32> to vector<16x32xf32>
    %add3A_330 = arith.addf %dot_general3A_323, %add3A_329 : vector<16x32xf32>
    %mul3A_331 = arith.constant 0.00999999977 : f32
    %mul3A_332 = vector.broadcast %mul3A_331 : f32 to vector<16x32xf32>
    %mul3A_333 = arith.mulf %mul3A_332, %add3A_330 : vector<16x32xf32>
    %max3A_334 = arith.maximumf %add3A_330, %mul3A_333 : vector<16x32xf32>
    %swap3A_335 = arith.constant 0 : index
    %swap3A_336 = arith.constant 11 : index
    %swap3A_337 = arith.constant 0 : index
    %swap3A_338 = vector.load %arg4[%swap3A_335, %swap3A_336, %swap3A_337] : memref<16x16x32xf32, #tpu.memory_space<vmem>>, vector<16x1x32xf32>
    %swap3A_339 = vector.shape_cast %swap3A_338 : vector<16x1x32xf32> to vector<16x32xf32>
    %swap3A_340 = vector.shape_cast %max3A_334 : vector<16x32xf32> to vector<16x1x32xf32>
    tpu.vector_store %arg4[%swap3A_335, %swap3A_336, %swap3A_337], %swap3A_340 {strides = array<i32>} : memref<16x16x32xf32, #tpu.memory_space<vmem>>, vector<16x1x32xf32>,
    %get3A_341 = arith.constant 12 : index
    %get3A_342 = arith.constant 0 : index
    %get3A_343 = arith.constant 0 : index
    %get3A_344 = vector.load %arg1[%get3A_341, %get3A_342, %get3A_343] : memref<16x16x128xf32, #tpu.memory_space<vmem>>, vector<1x16x128xf32>
    %get3A_345 = vector.shape_cast %get3A_344 : vector<1x16x128xf32> to vector<16x128xf32>
    %get3A_346 = arith.constant 12 : index
    %get3A_347 = arith.constant 0 : index
    %get3A_348 = arith.constant 0 : index
    %get3A_349 = vector.load %arg2[%get3A_346, %get3A_347, %get3A_348] : memref<16x128x32xf32, #tpu.memory_space<vmem>>, vector<1x128x32xf32>
    %get3A_350 = vector.shape_cast %get3A_349 : vector<1x128x32xf32> to vector<128x32xf32>
    %dot_general3A_351 = arith.constant dense<0.000000e+00> : vector<16x32xf32>
    %dot_general3A_352 = tpu.matmul %get3A_345, %get3A_350, %dot_general3A_351 {dimension_numbers = #tpu.dot_dimension_numbers<[1], [0], [0], [1], [0, 0, 1, 1], [], []>, transpose_lhs_hint = false} : vector<16x128xf32>, vector<128x32xf32>, vector<16x32xf32> -> vector<16x32xf32>
    %get3A_353 = arith.constant 12 : index
    %get3A_354 = arith.constant 0 : index
    %get3A_355 = vector.load %arg3[%get3A_353, %get3A_354] : memref<16x32xf32, #tpu.memory_space<vmem>>, vector<1x32xf32>
    %get3A_356 = vector.shape_cast %get3A_355 : vector<1x32xf32> to vector<32xf32>
    %broadcast_in_dim3A_357 = vector.shape_cast %get3A_356 : vector<32xf32> to vector<1x32xf32>
    %add3A_358 = vector.broadcast %broadcast_in_dim3A_357 : vector<1x32xf32> to vector<16x32xf32>
    %add3A_359 = arith.addf %dot_general3A_352, %add3A_358 : vector<16x32xf32>
    %mul3A_360 = arith.constant 0.00999999977 : f32
    %mul3A_361 = vector.broadcast %mul3A_360 : f32 to vector<16x32xf32>
    %mul3A_362 = arith.mulf %mul3A_361, %add3A_359 : vector<16x32xf32>
    %max3A_363 = arith.maximumf %add3A_359, %mul3A_362 : vector<16x32xf32>
    %swap3A_364 = arith.constant 0 : index
    %swap3A_365 = arith.constant 12 : index
    %swap3A_366 = arith.constant 0 : index
    %swap3A_367 = vector.load %arg4[%swap3A_364, %swap3A_365, %swap3A_366] : memref<16x16x32xf32, #tpu.memory_space<vmem>>, vector<16x1x32xf32>
    %swap3A_368 = vector.shape_cast %swap3A_367 : vector<16x1x32xf32> to vector<16x32xf32>
    %swap3A_369 = vector.shape_cast %max3A_363 : vector<16x32xf32> to vector<16x1x32xf32>
    tpu.vector_store %arg4[%swap3A_364, %swap3A_365, %swap3A_366], %swap3A_369 {strides = array<i32>} : memref<16x16x32xf32, #tpu.memory_space<vmem>>, vector<16x1x32xf32>,
    %get3A_370 = arith.constant 13 : index
    %get3A_371 = arith.constant 0 : index
    %get3A_372 = arith.constant 0 : index
    %get3A_373 = vector.load %arg1[%get3A_370, %get3A_371, %get3A_372] : memref<16x16x128xf32, #tpu.memory_space<vmem>>, vector<1x16x128xf32>
    %get3A_374 = vector.shape_cast %get3A_373 : vector<1x16x128xf32> to vector<16x128xf32>
    %get3A_375 = arith.constant 13 : index
    %get3A_376 = arith.constant 0 : index
    %get3A_377 = arith.constant 0 : index
    %get3A_378 = vector.load %arg2[%get3A_375, %get3A_376, %get3A_377] : memref<16x128x32xf32, #tpu.memory_space<vmem>>, vector<1x128x32xf32>
    %get3A_379 = vector.shape_cast %get3A_378 : vector<1x128x32xf32> to vector<128x32xf32>
    %dot_general3A_380 = arith.constant dense<0.000000e+00> : vector<16x32xf32>
    %dot_general3A_381 = tpu.matmul %get3A_374, %get3A_379, %dot_general3A_380 {dimension_numbers = #tpu.dot_dimension_numbers<[1], [0], [0], [1], [0, 0, 1, 1], [], []>, transpose_lhs_hint = false} : vector<16x128xf32>, vector<128x32xf32>, vector<16x32xf32> -> vector<16x32xf32>
    %get3A_382 = arith.constant 13 : index
    %get3A_383 = arith.constant 0 : index
    %get3A_384 = vector.load %arg3[%get3A_382, %get3A_383] : memref<16x32xf32, #tpu.memory_space<vmem>>, vector<1x32xf32>
    %get3A_385 = vector.shape_cast %get3A_384 : vector<1x32xf32> to vector<32xf32>
    %broadcast_in_dim3A_386 = vector.shape_cast %get3A_385 : vector<32xf32> to vector<1x32xf32>
    %add3A_387 = vector.broadcast %broadcast_in_dim3A_386 : vector<1x32xf32> to vector<16x32xf32>
    %add3A_388 = arith.addf %dot_general3A_381, %add3A_387 : vector<16x32xf32>
    %mul3A_389 = arith.constant 0.00999999977 : f32
    %mul3A_390 = vector.broadcast %mul3A_389 : f32 to vector<16x32xf32>
    %mul3A_391 = arith.mulf %mul3A_390, %add3A_388 : vector<16x32xf32>
    %max3A_392 = arith.maximumf %add3A_388, %mul3A_391 : vector<16x32xf32>
    %swap3A_393 = arith.constant 0 : index
    %swap3A_394 = arith.constant 13 : index
    %swap3A_395 = arith.constant 0 : index
    %swap3A_396 = vector.load %arg4[%swap3A_393, %swap3A_394, %swap3A_395] : memref<16x16x32xf32, #tpu.memory_space<vmem>>, vector<16x1x32xf32>
    %swap3A_397 = vector.shape_cast %swap3A_396 : vector<16x1x32xf32> to vector<16x32xf32>
    %swap3A_398 = vector.shape_cast %max3A_392 : vector<16x32xf32> to vector<16x1x32xf32>
    tpu.vector_store %arg4[%swap3A_393, %swap3A_394, %swap3A_395], %swap3A_398 {strides = array<i32>} : memref<16x16x32xf32, #tpu.memory_space<vmem>>, vector<16x1x32xf32>,
    %get3A_399 = arith.constant 14 : index
    %get3A_400 = arith.constant 0 : index
    %get3A_401 = arith.constant 0 : index
    %get3A_402 = vector.load %arg1[%get3A_399, %get3A_400, %get3A_401] : memref<16x16x128xf32, #tpu.memory_space<vmem>>, vector<1x16x128xf32>
    %get3A_403 = vector.shape_cast %get3A_402 : vector<1x16x128xf32> to vector<16x128xf32>
    %get3A_404 = arith.constant 14 : index
    %get3A_405 = arith.constant 0 : index
    %get3A_406 = arith.constant 0 : index
    %get3A_407 = vector.load %arg2[%get3A_404, %get3A_405, %get3A_406] : memref<16x128x32xf32, #tpu.memory_space<vmem>>, vector<1x128x32xf32>
    %get3A_408 = vector.shape_cast %get3A_407 : vector<1x128x32xf32> to vector<128x32xf32>
    %dot_general3A_409 = arith.constant dense<0.000000e+00> : vector<16x32xf32>
    %dot_general3A_410 = tpu.matmul %get3A_403, %get3A_408, %dot_general3A_409 {dimension_numbers = #tpu.dot_dimension_numbers<[1], [0], [0], [1], [0, 0, 1, 1], [], []>, transpose_lhs_hint = false} : vector<16x128xf32>, vector<128x32xf32>, vector<16x32xf32> -> vector<16x32xf32>
    %get3A_411 = arith.constant 14 : index
    %get3A_412 = arith.constant 0 : index
    %get3A_413 = vector.load %arg3[%get3A_411, %get3A_412] : memref<16x32xf32, #tpu.memory_space<vmem>>, vector<1x32xf32>
    %get3A_414 = vector.shape_cast %get3A_413 : vector<1x32xf32> to vector<32xf32>
    %broadcast_in_dim3A_415 = vector.shape_cast %get3A_414 : vector<32xf32> to vector<1x32xf32>
    %add3A_416 = vector.broadcast %broadcast_in_dim3A_415 : vector<1x32xf32> to vector<16x32xf32>
    %add3A_417 = arith.addf %dot_general3A_410, %add3A_416 : vector<16x32xf32>
    %mul3A_418 = arith.constant 0.00999999977 : f32
    %mul3A_419 = vector.broadcast %mul3A_418 : f32 to vector<16x32xf32>
    %mul3A_420 = arith.mulf %mul3A_419, %add3A_417 : vector<16x32xf32>
    %max3A_421 = arith.maximumf %add3A_417, %mul3A_420 : vector<16x32xf32>
    %swap3A_422 = arith.constant 0 : index
    %swap3A_423 = arith.constant 14 : index
    %swap3A_424 = arith.constant 0 : index
    %swap3A_425 = vector.load %arg4[%swap3A_422, %swap3A_423, %swap3A_424] : memref<16x16x32xf32, #tpu.memory_space<vmem>>, vector<16x1x32xf32>
    %swap3A_426 = vector.shape_cast %swap3A_425 : vector<16x1x32xf32> to vector<16x32xf32>
    %swap3A_427 = vector.shape_cast %max3A_421 : vector<16x32xf32> to vector<16x1x32xf32>
    tpu.vector_store %arg4[%swap3A_422, %swap3A_423, %swap3A_424], %swap3A_427 {strides = array<i32>} : memref<16x16x32xf32, #tpu.memory_space<vmem>>, vector<16x1x32xf32>,
    %get3A_428 = arith.constant 15 : index
    %get3A_429 = arith.constant 0 : index
    %get3A_430 = arith.constant 0 : index
    %get3A_431 = vector.load %arg1[%get3A_428, %get3A_429, %get3A_430] : memref<16x16x128xf32, #tpu.memory_space<vmem>>, vector<1x16x128xf32>
    %get3A_432 = vector.shape_cast %get3A_431 : vector<1x16x128xf32> to vector<16x128xf32>
    %get3A_433 = arith.constant 15 : index
    %get3A_434 = arith.constant 0 : index
    %get3A_435 = arith.constant 0 : index
    %get3A_436 = vector.load %arg2[%get3A_433, %get3A_434, %get3A_435] : memref<16x128x32xf32, #tpu.memory_space<vmem>>, vector<1x128x32xf32>
    %get3A_437 = vector.shape_cast %get3A_436 : vector<1x128x32xf32> to vector<128x32xf32>
    %dot_general3A_438 = arith.constant dense<0.000000e+00> : vector<16x32xf32>
    %dot_general3A_439 = tpu.matmul %get3A_432, %get3A_437, %dot_general3A_438 {dimension_numbers = #tpu.dot_dimension_numbers<[1], [0], [0], [1], [0, 0, 1, 1], [], []>, transpose_lhs_hint = false} : vector<16x128xf32>, vector<128x32xf32>, vector<16x32xf32> -> vector<16x32xf32>
    %get3A_440 = arith.constant 15 : index
    %get3A_441 = arith.constant 0 : index
    %get3A_442 = vector.load %arg3[%get3A_440, %get3A_441] : memref<16x32xf32, #tpu.memory_space<vmem>>, vector<1x32xf32>
    %get3A_443 = vector.shape_cast %get3A_442 : vector<1x32xf32> to vector<32xf32>
    %broadcast_in_dim3A_444 = vector.shape_cast %get3A_443 : vector<32xf32> to vector<1x32xf32>
    %add3A_445 = vector.broadcast %broadcast_in_dim3A_444 : vector<1x32xf32> to vector<16x32xf32>
    %add3A_446 = arith.addf %dot_general3A_439, %add3A_445 : vector<16x32xf32>
    %mul3A_447 = arith.constant 0.00999999977 : f32
    %mul3A_448 = vector.broadcast %mul3A_447 : f32 to vector<16x32xf32>
    %mul3A_449 = arith.mulf %mul3A_448, %add3A_446 : vector<16x32xf32>
    %max3A_450 = arith.maximumf %add3A_446, %mul3A_449 : vector<16x32xf32>
    %swap3A_451 = arith.constant 0 : index
    %swap3A_452 = arith.constant 15 : index
    %swap3A_453 = arith.constant 0 : index
    %swap3A_454 = vector.load %arg4[%swap3A_451, %swap3A_452, %swap3A_453] : memref<16x16x32xf32, #tpu.memory_space<vmem>>, vector<16x1x32xf32>
    %swap3A_455 = vector.shape_cast %swap3A_454 : vector<16x1x32xf32> to vector<16x32xf32>
    %swap3A_456 = vector.shape_cast %max3A_450 : vector<16x32xf32> to vector<16x1x32xf32>
    tpu.vector_store %arg4[%swap3A_451, %swap3A_452, %swap3A_453], %swap3A_456 {strides = array<i32>} : memref<16x16x32xf32, #tpu.memory_space<vmem>>, vector<16x1x32xf32>,
    return
  }
  func.func @transform_0(%arg0: i32) -> (i32, i32, i32) {
    %c0_i32 = arith.constant 0 : i32
    %c0_i32_0 = arith.constant 0 : i32
    %c0_i32_1 = arith.constant 0 : i32
    return %arg0, %c0_i32, %c0_i32_0 : i32, i32, i32
  }
  func.func @transform_1(%arg0: i32) -> (i32, i32, i32) {
    %c0_i32 = arith.constant 0 : i32
    %c0_i32_0 = arith.constant 0 : i32
    %c0_i32_1 = arith.constant 0 : i32
    return %arg0, %c0_i32, %c0_i32_0 : i32, i32, i32
  }
  func.func @transform_2(%arg0: i32) -> (i32, i32) {
    %c0_i32 = arith.constant 0 : i32
    %c0_i32_0 = arith.constant 0 : i32
    return %arg0, %c0_i32 : i32, i32
  }
  func.func @transform_3(%arg0: i32) -> (i32, i32, i32) {
    %c0_i32 = arith.constant 0 : i32
    %c0_i32_0 = arith.constant 0 : i32
    %c0_i32_1 = arith.constant 0 : i32
    return %c0_i32, %arg0, %c0_i32_0 : i32, i32, i32
  }
}

module attributes {stable_mosaic.version = 14 : i64} {
  func.func @_norm_body(%arg0: i32, %arg1: memref<64x128x32xf32, #tpu.memory_space<vmem>>, %arg2: memref<64x128xf32, #tpu.memory_space<vmem>>, %arg3: memref<1x32xf32, #tpu.memory_space<vmem>>, %arg4: memref<16x128x32xf32, #tpu.memory_space<vmem>>) attributes {dimension_semantics = [#tpu.dimension_semantics<arbitrary>], iteration_bounds = array<i64: 8>, scalar_prefetch = 0 : i64, scratch_operands = 0 : i64, tpu.core_type = #tpu.core_type<tc>, window_params = [{transform_indices = @transform_0, window_bounds = array<i64: 64, 128, 32>}, {transform_indices = @transform_1, window_bounds = array<i64: 64, 128>}, {pipeline_mode = #tpu.pipeline_mode<synchronous>, transform_indices = @transform_2, window_bounds = array<i64: 1, 32>}, {transform_indices = @transform_3, window_bounds = array<i64: 16, 128, 32>}]} {
    %get3A = arith.constant 0 : index
    %get3A_0 = arith.constant 0 : index
    %get3A_1 = arith.constant 0 : index
    %get3A_2 = vector.load %arg1[%get3A, %get3A_0, %get3A_1] : memref<64x128x32xf32, #tpu.memory_space<vmem>>, vector<64x128x32xf32>
    %reshape3A = vector.shape_cast %get3A_2 : vector<64x128x32xf32> to vector<16x4x128x32xf32>
    %get3A_3 = arith.constant 0 : index
    %get3A_4 = arith.constant 0 : index
    %get3A_5 = vector.load %arg2[%get3A_3, %get3A_4] : memref<64x128xf32, #tpu.memory_space<vmem>>, vector<64x128xf32>
    %reshape3A_6 = vector.shape_cast %get3A_5 : vector<64x128xf32> to vector<16x4x128xf32>
    %broadcast_in_dim3A = vector.shape_cast %reshape3A_6 : vector<16x4x128xf32> to vector<16x4x128x1xf32>
    %add3A = arith.constant 1.000000e-16 : f32
    %add3A_7 = vector.broadcast %add3A : f32 to vector<16x4x128x1xf32>
    %add3A_8 = arith.addf %broadcast_in_dim3A, %add3A_7 : vector<16x4x128x1xf32>
    %div3A = vector.broadcast %add3A_8 : vector<16x4x128x1xf32> to vector<16x4x128x32xf32>
    %div3A_9 = arith.divf %reshape3A, %div3A : vector<16x4x128x32xf32>
    %reduce_sum3A = arith.constant dense<0.000000e+00> : vector<16x128x32xf32>
    %reduce_sum3A_10 = vector.multi_reduction <add>, %div3A_9, %reduce_sum3A [1] : vector<16x4x128x32xf32> to vector<16x128x32xf32>
    %div3A_11 = arith.constant 4.000000e+00 : f32
    %div3A_12 = vector.broadcast %div3A_11 : f32 to vector<16x128x32xf32>
    %div3A_13 = arith.divf %reduce_sum3A_10, %div3A_12 : vector<16x128x32xf32>
    %get3A_14 = arith.constant 0 : index
    %get3A_15 = arith.constant 0 : index
    %get3A_16 = vector.load %arg3[%get3A_14, %get3A_15] : memref<1x32xf32, #tpu.memory_space<vmem>>, vector<1x32xf32>
    %get3A_17 = vector.shape_cast %get3A_16 : vector<1x32xf32> to vector<32xf32>
    %broadcast_in_dim3A_18 = vector.shape_cast %get3A_17 : vector<32xf32> to vector<1x1x32xf32>
    %add3A_19 = vector.broadcast %broadcast_in_dim3A_18 : vector<1x1x32xf32> to vector<16x128x32xf32>
    %add3A_20 = arith.addf %div3A_13, %add3A_19 : vector<16x128x32xf32>
    %swap3A = arith.constant 0 : index
    %swap3A_21 = arith.constant 0 : index
    %swap3A_22 = arith.constant 0 : index
    %swap3A_23 = vector.load %arg4[%swap3A, %swap3A_21, %swap3A_22] : memref<16x128x32xf32, #tpu.memory_space<vmem>>, vector<16x128x32xf32>
    tpu.vector_store %arg4[%swap3A, %swap3A_21, %swap3A_22], %add3A_20 {strides = array<i32>} : memref<16x128x32xf32, #tpu.memory_space<vmem>>, vector<16x128x32xf32>,
    return
  }
  func.func @transform_0(%arg0: i32) -> (i32, i32, i32) {
    %c0_i32 = arith.constant 0 : i32
    %c0_i32_0 = arith.constant 0 : i32
    %c0_i32_1 = arith.constant 0 : i32
    return %c0_i32, %arg0, %c0_i32_0 : i32, i32, i32
  }
  func.func @transform_1(%arg0: i32) -> (i32, i32) {
    %c0_i32 = arith.constant 0 : i32
    %c0_i32_0 = arith.constant 0 : i32
    return %c0_i32, %arg0 : i32, i32
  }
  func.func @transform_2(%arg0: i32) -> (i32, i32) {
    %c0_i32 = arith.constant 0 : i32
    %c0_i32_0 = arith.constant 0 : i32
    %c0_i32_1 = arith.constant 0 : i32
    return %c0_i32, %c0_i32_0 : i32, i32
  }
  func.func @transform_3(%arg0: i32) -> (i32, i32, i32) {
    %c0_i32 = arith.constant 0 : i32
    %c0_i32_0 = arith.constant 0 : i32
    %c0_i32_1 = arith.constant 0 : i32
    return %c0_i32, %arg0, %c0_i32_0 : i32, i32, i32
  }
}

module attributes {stable_mosaic.version = 14 : i64} {
  func.func @_mlp_body(%arg0: i32, %arg1: memref<16x4096xf32, #tpu.memory_space<vmem>>, %arg2: memref<4096x256xf32, #tpu.memory_space<vmem>>, %arg3: memref<1x256xf32, #tpu.memory_space<vmem>>, %arg4: memref<256x64xf32, #tpu.memory_space<vmem>>, %arg5: memref<1x64xf32, #tpu.memory_space<vmem>>, %arg6: memref<64x1xf32, #tpu.memory_space<vmem>>, %arg7: memref<1x1xf32, #tpu.memory_space<vmem>>, %arg8: memref<16x1xf32, #tpu.memory_space<vmem>>, %arg9: memref<16x256xf32, #tpu.memory_space<vmem>>) attributes {dimension_semantics = [#tpu.dimension_semantics<arbitrary>], iteration_bounds = array<i64: 8>, scalar_prefetch = 0 : i64, scratch_operands = 1 : i64, tpu.core_type = #tpu.core_type<tc>, window_params = [{transform_indices = @transform_0, window_bounds = array<i64: 16, 4096>}, {transform_indices = @transform_1, window_bounds = array<i64: 4096, 256>}, {pipeline_mode = #tpu.pipeline_mode<synchronous>, transform_indices = @transform_2, window_bounds = array<i64: 1, 256>}, {pipeline_mode = #tpu.pipeline_mode<synchronous>, transform_indices = @transform_3, window_bounds = array<i64: 256, 64>}, {pipeline_mode = #tpu.pipeline_mode<synchronous>, transform_indices = @transform_4, window_bounds = array<i64: 1, 64>}, {pipeline_mode = #tpu.pipeline_mode<synchronous>, transform_indices = @transform_5, window_bounds = array<i64: 64, 1>}, {pipeline_mode = #tpu.pipeline_mode<synchronous>, transform_indices = @transform_6, window_bounds = array<i64: 1, 1>}, {pipeline_mode = #tpu.pipeline_mode<synchronous>, transform_indices = @transform_7, window_bounds = array<i64: 16, 1>}]} {
    %eq3A = arith.constant 0 : i32
    %eq3A_0 = arith.cmpi eq, %arg0, %eq3A : i32
    %convert_element_type3A = arith.extui %eq3A_0 : i1 to i32
    %cond3A = arith.constant 0 : i32
    %cond3A_1 = arith.cmpi ne, %convert_element_type3A, %cond3A : i32
    scf.if %cond3A_1 {
      %broadcast_in_dim3A = arith.constant 0.000000e+00 : f32
      %broadcast_in_dim3A_18 = vector.broadcast %broadcast_in_dim3A : f32 to vector<16x256xf32>
      %swap3A_19 = arith.constant 0 : index
      %swap3A_20 = arith.constant 0 : index
      %swap3A_21 = vector.load %arg9[%swap3A_19, %swap3A_20] : memref<16x256xf32, #tpu.memory_space<vmem>>, vector<16x256xf32>
      tpu.vector_store %arg9[%swap3A_19, %swap3A_20], %broadcast_in_dim3A_18 {strides = array<i32>} : memref<16x256xf32, #tpu.memory_space<vmem>>, vector<16x256xf32>,
    } else {
    }
    %get3A = arith.constant 0 : index
    %get3A_2 = arith.constant 0 : index
    %get3A_3 = vector.load %arg9[%get3A, %get3A_2] : memref<16x256xf32, #tpu.memory_space<vmem>>, vector<16x256xf32>
    %get3A_4 = arith.constant 0 : index
    %get3A_5 = arith.constant 0 : index
    %get3A_6 = vector.load %arg1[%get3A_4, %get3A_5] : memref<16x4096xf32, #tpu.memory_space<vmem>>, vector<16x4096xf32>
    %get3A_7 = arith.constant 0 : index
    %get3A_8 = arith.constant 0 : index
    %get3A_9 = vector.load %arg2[%get3A_7, %get3A_8] : memref<4096x256xf32, #tpu.memory_space<vmem>>, vector<4096x256xf32>
    %dot_general3A = arith.constant dense<0.000000e+00> : vector<16x256xf32>
    %dot_general3A_10 = tpu.matmul %get3A_6, %get3A_9, %dot_general3A {dimension_numbers = #tpu.dot_dimension_numbers<[1], [0], [0], [1], [0, 0, 1, 1], [], []>, transpose_lhs_hint = false} : vector<16x4096xf32>, vector<4096x256xf32>, vector<16x256xf32> -> vector<16x256xf32>
    %add3A = arith.addf %get3A_3, %dot_general3A_10 : vector<16x256xf32>
    %swap3A = arith.constant 0 : index
    %swap3A_11 = arith.constant 0 : index
    %swap3A_12 = vector.load %arg9[%swap3A, %swap3A_11] : memref<16x256xf32, #tpu.memory_space<vmem>>, vector<16x256xf32>
    tpu.vector_store %arg9[%swap3A, %swap3A_11], %add3A {strides = array<i32>} : memref<16x256xf32, #tpu.memory_space<vmem>>, vector<16x256xf32>,
    %eq3A_13 = arith.constant 7 : i32
    %eq3A_14 = arith.cmpi eq, %arg0, %eq3A_13 : i32
    %convert_element_type3A_15 = arith.extui %eq3A_14 : i1 to i32
    %cond3A_16 = arith.constant 0 : i32
    %cond3A_17 = arith.cmpi ne, %convert_element_type3A_15, %cond3A_16 : i32
    scf.if %cond3A_17 {
      %get3A_18 = arith.constant 0 : index
      %get3A_19 = arith.constant 0 : index
      %get3A_20 = vector.load %arg9[%get3A_18, %get3A_19] : memref<16x256xf32, #tpu.memory_space<vmem>>, vector<16x256xf32>
      %get3A_21 = arith.constant 0 : index
      %get3A_22 = arith.constant 0 : index
      %get3A_23 = vector.load %arg3[%get3A_21, %get3A_22] : memref<1x256xf32, #tpu.memory_space<vmem>>, vector<1x256xf32>
      %add3A_24 = vector.broadcast %get3A_23 : vector<1x256xf32> to vector<16x256xf32>
      %add3A_25 = arith.addf %get3A_20, %add3A_24 : vector<16x256xf32>
      %max3A = arith.constant 0.000000e+00 : f32
      %max3A_26 = vector.broadcast %max3A : f32 to vector<16x256xf32>
      %max3A_27 = arith.maximumf %add3A_25, %max3A_26 : vector<16x256xf32>
      %get3A_28 = arith.constant 0 : index
      %get3A_29 = arith.constant 0 : index
      %get3A_30 = vector.load %arg4[%get3A_28, %get3A_29] : memref<256x64xf32, #tpu.memory_space<vmem>>, vector<256x64xf32>
      %dot_general3A_31 = arith.constant dense<0.000000e+00> : vector<16x64xf32>
      %dot_general3A_32 = tpu.matmul %max3A_27, %get3A_30, %dot_general3A_31 {dimension_numbers = #tpu.dot_dimension_numbers<[1], [0], [0], [1], [0, 0, 1, 1], [], []>, transpose_lhs_hint = false} : vector<16x256xf32>, vector<256x64xf32>, vector<16x64xf32> -> vector<16x64xf32>
      %get3A_33 = arith.constant 0 : index
      %get3A_34 = arith.constant 0 : index
      %get3A_35 = vector.load %arg5[%get3A_33, %get3A_34] : memref<1x64xf32, #tpu.memory_space<vmem>>, vector<1x64xf32>
      %add3A_36 = vector.broadcast %get3A_35 : vector<1x64xf32> to vector<16x64xf32>
      %add3A_37 = arith.addf %dot_general3A_32, %add3A_36 : vector<16x64xf32>
      %max3A_38 = arith.constant 0.000000e+00 : f32
      %max3A_39 = vector.broadcast %max3A_38 : f32 to vector<16x64xf32>
      %max3A_40 = arith.maximumf %add3A_37, %max3A_39 : vector<16x64xf32>
      %get3A_41 = arith.constant 0 : index
      %get3A_42 = arith.constant 0 : index
      %get3A_43 = vector.load %arg6[%get3A_41, %get3A_42] : memref<64x1xf32, #tpu.memory_space<vmem>>, vector<64x1xf32>
      %dot_general3A_44 = arith.constant dense<0.000000e+00> : vector<16x1xf32>
      %dot_general3A_45 = tpu.matmul %max3A_40, %get3A_43, %dot_general3A_44 {dimension_numbers = #tpu.dot_dimension_numbers<[1], [0], [0], [1], [0, 0, 1, 1], [], []>, transpose_lhs_hint = false} : vector<16x64xf32>, vector<64x1xf32>, vector<16x1xf32> -> vector<16x1xf32>
      %get3A_46 = arith.constant 0 : index
      %get3A_47 = arith.constant 0 : index
      %get3A_48 = vector.load %arg7[%get3A_46, %get3A_47] : memref<1x1xf32, #tpu.memory_space<vmem>>, vector<1x1xf32>
      %add3A_49 = vector.broadcast %get3A_48 : vector<1x1xf32> to vector<16x1xf32>
      %add3A_50 = arith.addf %dot_general3A_45, %add3A_49 : vector<16x1xf32>
      %swap3A_51 = arith.constant 0 : index
      %swap3A_52 = arith.constant 0 : index
      %swap3A_53 = vector.load %arg8[%swap3A_51, %swap3A_52] : memref<16x1xf32, #tpu.memory_space<vmem>>, vector<16x1xf32>
      tpu.vector_store %arg8[%swap3A_51, %swap3A_52], %add3A_50 {strides = array<i32>} : memref<16x1xf32, #tpu.memory_space<vmem>>, vector<16x1xf32>,
    } else {
    }
    return
  }
  func.func @transform_0(%arg0: i32) -> (i32, i32) {
    %c0_i32 = arith.constant 0 : i32
    %c0_i32_0 = arith.constant 0 : i32
    return %c0_i32, %arg0 : i32, i32
  }
  func.func @transform_1(%arg0: i32) -> (i32, i32) {
    %c0_i32 = arith.constant 0 : i32
    %c0_i32_0 = arith.constant 0 : i32
    return %arg0, %c0_i32 : i32, i32
  }
  func.func @transform_2(%arg0: i32) -> (i32, i32) {
    %c0_i32 = arith.constant 0 : i32
    %c0_i32_0 = arith.constant 0 : i32
    %c0_i32_1 = arith.constant 0 : i32
    return %c0_i32, %c0_i32_0 : i32, i32
  }
  func.func @transform_3(%arg0: i32) -> (i32, i32) {
    %c0_i32 = arith.constant 0 : i32
    %c0_i32_0 = arith.constant 0 : i32
    %c0_i32_1 = arith.constant 0 : i32
    return %c0_i32, %c0_i32_0 : i32, i32
  }
  func.func @transform_4(%arg0: i32) -> (i32, i32) {
    %c0_i32 = arith.constant 0 : i32
    %c0_i32_0 = arith.constant 0 : i32
    %c0_i32_1 = arith.constant 0 : i32
    return %c0_i32, %c0_i32_0 : i32, i32
  }
  func.func @transform_5(%arg0: i32) -> (i32, i32) {
    %c0_i32 = arith.constant 0 : i32
    %c0_i32_0 = arith.constant 0 : i32
    %c0_i32_1 = arith.constant 0 : i32
    return %c0_i32, %c0_i32_0 : i32, i32
  }
  func.func @transform_6(%arg0: i32) -> (i32, i32) {
    %c0_i32 = arith.constant 0 : i32
    %c0_i32_0 = arith.constant 0 : i32
    %c0_i32_1 = arith.constant 0 : i32
    return %c0_i32, %c0_i32_0 : i32, i32
  }
  func.func @transform_7(%arg0: i32) -> (i32, i32) {
    %c0_i32 = arith.constant 0 : i32
    %c0_i32_0 = arith.constant 0 : i32
    %c0_i32_1 = arith.constant 0 : i32
    return %c0_i32, %c0_i32_0 : i32, i32
  }
}

</mosaic_0001>

<sc_bundles>
// kernel: _run.7.cloned.1.call-start
scs
__scs_entry_jumppad:
0x0: {  	(pc) =	sbr.rel $0x88, $3  }
0x1: {  	(tag) =	ssettag $0x0;
	lr =	simm.s32 $0x1  }
0x2: {  	[smem:$0x3F93] =	sst lr;
	_ =	strace $0xD0000000  }
0x3: {  	_ = 	snop  }
0x4: {  	_ = 	snop  }
0x5: {  	_ = 	snop  }
0x6: {  	_ = 	snop  }
0x7: {  	_ = 	snop  }
__scs_overlays_trampoline_lowered:
0x8: {  	[smem:$0x3FA2] =	sst s0  }
0x9: {  	[smem:$0x3FA3] =	sst s1  }
0xa: {  	[smem:$0x3FA4] =	sst s2  }
0xb: {  	[smem:$0x3FA5] =	sst s3  }
0xc: {  	[smem:$0x3FA6] =	sst s4  }
0xd: {  	[smem:$0x3FA7] =	sst s5  }
0xe: {  	[smem:$0x3FA8] =	sst s6  }
0xf: {  	[smem:$0x3FA9] =	sst s7  }
0x10: {  	[smem:$0x3FAA] =	sst s8  }
0x11: {  	[smem:$0x3FAB] =	sst s9;
	s0 =	simm.s32 @!p0 $0x0  }
0x12: {  	s1 =	sld [smem:$0x3F91];
	s0 =	simm.s32 @p0 $0x1  }
0x13: {  	[smem:$0x3FAC] =	sst s0;
	s0 =	simm.s32 @!p1 $0x0  }
0x14: {  	s2 =	sld [smem:$0x3F90];
	s0 =	simm.s32 @p1 $0x1  }
0x15: {  	[smem:$0x3FAD] =	sst s0;
	s0 =	simm.s32 @!p2 $0x0  }
0x16: {  	s3 =	sld [smem:$0x3FDB];
	s0 =	simm.s32 @p2 $0x1  }
0x17: {  	s4 =	simm.s32 $0x1BF5;
	[smem:$0x3FAF] =	sst s0  }
0x18: {  	s0 =	sld [smem:$0x3F92];
	_ =	swait.ge [sflag:s4], $0x0  }
0x19: {  	s7 =	sld [smem:$0x3F93]  }
0x1a: {  	s8 =	sadd.s32 $0xFFFFE003, lr  }
0x1b: {  	s9 =	sadd.s32 $0xFFFFFEF7, lr;
	s5 =	simm.s32 $0xFFFFFFFF;
	p2 =	slt.u32 s8, $0xFFFFF086  }
0x1c: {  	p1 =	slt.u32 s9, $0xF7A;
	s5 =	simm.s32 @!p2 $0x0  }
0x1d: {  	s5 =	simm.s32 @p1 $0x1;
	p0 =	seq.s32 s7, s2  }
0x1e: {  	s7 =	smul.u32 @!p0 $0xF7A, s2;
	p2 =	seq.s32 @!p0 s5, $0x0  }
0x1f: {  	s9 =	smul.u32 $0xF7A, s1;
	s8 =	simm.s32 @!p0 $0x1BF5;
	p2 =	por !p2, p0  }
0x20: {  	[sflag:s8] =	ssyncset.s32 @!p0 $0xFFFFF086;
	s6 =	sadd.s32 @!p0 s3, s7;
	s7 =	simm.s32 @!p0 $0x108  }
0x21: {  	s3 =	sadd.s32 s3, s9;
	s6 =	sadd.s32 @!p0 $0x88, s6;
	s7 =	simm.s32 @p2 $0x1082  }
0x22: {  	[simem:s7], [sflag:s8] =	dma.local @!p0 [hbm:s6], $0xF7A  }
0x23: {  	s9 =	sor.u32 $0xD0000000, s2;
	s6 =	simm.s32 $0x108;
	_ =	swait.ge @!p0 [sflag:s8], $0x0  }
0x24: {  	s3 =	sadd.s32 $0x88, s3;
	s6 =	simm.s32 @!p1 $0x1082;
	[sflag:s4] =	ssyncset.s32 $0xFFFFF086  }
0x25: {  	[simem:s6], [sflag:s4] =	dma.local [hbm:s3], $0xF7A  }
0x26: {  	[smem:$0x3F93] =	sst s1;
	(tag) =	ssettag s2;
	_ =	strace s9  }
0x27: {  	s1 =	sld [smem:$0x3FA3]  }
0x28: {  	s2 =	sld [smem:$0x3FA4]  }
0x29: {  	s4 =	sld [smem:$0x3FA6]  }
0x2a: {  	p0 =	seq.s32 s5, $0x0;
	s5 =	sld [smem:$0x3FA7]  }
0x2b: {  	s6 =	sld [smem:$0x3FA8]  }
0x2c: {  	s7 =	sld [smem:$0x3FA9]  }
0x2d: {  	s3 =	simm.s32 $0x108;
	s8 =	sld [smem:$0x3FAA]  }
0x2e: {  	s3 =	simm.s32 @!p0 $0x1082;
	s9 =	sld [smem:$0x3FAB]  }
0x2f: {  	lr =	sadd.s32 s0, s3;
	s0 =	sld [smem:$0x3FA2]  }
0x30: {  	s3 =	sld [smem:$0x3FA5]  }
0x31: {  	[smem:$0x3FAE] =	sst s10  }
0x32: {  	s10 =	sld [smem:$0x3FAC];
	_ =	sdelay $0x3  }
0x33: {  	p0 =	seq.s32 s10, $0x1;
	s10 =	sld [smem:$0x3FAE];
	_ =	sdelay $0x3  }
0x34: {  	[smem:$0x3FAE] =	sst s10  }
0x35: {  	s10 =	sld [smem:$0x3FAD];
	_ =	sdelay $0x3  }
0x36: {  	p1 =	seq.s32 s10, $0x1;
	s10 =	sld [smem:$0x3FAE];
	_ =	sdelay $0x3  }
0x37: {  	[smem:$0x3FAE] =	sst s10  }
0x38: {  	s10 =	sld [smem:$0x3FAF]  }
0x39: {  	_ = 	snop;
	(pc) =	sbr.ind lr, $3  }
0x3a: {  	_ = 	snop  }
0x3b: {  	_ = 	snop  }
0x3c: {  	p2 =	seq.s32 s10, $0x1;
	s10 =	sld [smem:$0x3FAE]  }
0x3d: {  	_ =	shalt  }
0x3e: {  	_ =	shalt  }
0x3f: {  	_ =	shalt  }
0x40: {  	_ =	shalt  }
0x41: {  	_ =	shalt  }
0x42: {  	_ =	shalt  }
0x43: {  	_ =	shalt  }
0x44: {  	_ =	shalt  }
0x45: {  	_ =	shalt  }
0x46: {  	_ =	shalt  }
0x47: {  	_ =	shalt  }
0x48: {  	_ =	shalt  }
0x49: {  	_ =	shalt  }
0x4a: {  	_ =	shalt  }
0x4b: {  	_ =	shalt  }
0x4c: {  	_ =	shalt  }
0x4d: {  	_ =	shalt  }
0x4e: {  	_ =	shalt  }
0x4f: {  	_ =	shalt  }
0x50: {  	_ =	shalt  }
0x51: {  	_ =	shalt  }
0x52: {  	_ =	shalt  }
0x53: {  	_ =	shalt  }
0x54: {  	_ =	shalt  }
0x55: {  	_ =	shalt  }
0x56: {  	_ =	shalt  }
0x57: {  	_ =	shalt  }
0x58: {  	_ =	shalt  }
0x59: {  	_ =	shalt  }
0x5a: {  	_ =	shalt  }
0x5b: {  	_ =	shalt  }
0x5c: {  	_ =	shalt  }
0x5d: {  	_ =	shalt  }
0x5e: {  	_ =	shalt  }
0x5f: {  	_ =	shalt  }
0x60: {  	_ =	shalt  }
0x61: {  	_ =	shalt  }
0x62: {  	_ =	shalt  }
0x63: {  	_ =	shalt  }
0x64: {  	_ =	shalt  }
0x65: {  	_ =	shalt  }
0x66: {  	_ =	shalt  }
0x67: {  	_ =	shalt  }
0x68: {  	_ =	shalt  }
0x69: {  	_ =	shalt  }
0x6a: {  	_ =	shalt  }
0x6b: {  	_ =	shalt  }
0x6c: {  	_ =	shalt  }
0x6d: {  	_ =	shalt  }
0x6e: {  	_ =	shalt  }
0x6f: {  	_ =	shalt  }
0x70: {  	_ =	shalt  }
0x71: {  	_ =	shalt  }
0x72: {  	_ =	shalt  }
0x73: {  	_ =	shalt  }
0x74: {  	_ =	shalt  }
0x75: {  	_ =	shalt  }
0x76: {  	_ =	shalt  }
0x77: {  	_ =	shalt  }
0x78: {  	_ =	shalt  }
0x79: {  	_ =	shalt  }
0x7a: {  	_ =	shalt  }
0x7b: {  	_ =	shalt  }
0x7c: {  	_ =	shalt  }
0x7d: {  	_ =	shalt  }
0x7e: {  	_ =	shalt  }
0x7f: {  	_ =	shalt  }
0x80: {  	_ =	shalt  }
0x81: {  	_ =	shalt  }
0x82: {  	_ =	shalt  }
0x83: {  	_ =	shalt  }
0x84: {  	_ =	shalt  }
0x85: {  	_ =	shalt  }
0x86: {  	_ =	shalt  }
0x87: {  	_ =	shalt  }
.Lfunc_end0:
.L_simem_size_0:
called_computation_lowered:
.L_overlay_start_0:
0x88: {  	s2 =	sld [smem:$0x3FD9]  }
0x89: {  	s3 =	sld [smem:$0x3FFE];
	_ =	sdelay $0x1  }
0x8a: {  	s1 =	srdreg.scid  }
0x8b: {  	s0 =	sand.u32 $0x1, s1  }
0x8c: {  	s16 =	sshll.u32 s0, $0xA;
	s2 =	sadd.s32 s3, s2  }
0x8d: {  	s2 =	sadd.s32 s2, s16  }
0x8e: {  	[smem:$0x3FBA] =	sst s2  }
0x8f: {  	_ = 	snop  }
0x90: {  	(tm) =	ssettm $0x1  }
0x91: {  	s17 =	sld [smem:$0x3FFB];
	_ =	sdelay $0x3  }
0x92: {  	_ =	strace s17  }
0x93: {  	s2 =	sld [smem:$0x3FFC];
	_ =	sdelay $0x3  }
0x94: {  	_ =	strace s2  }
0x95: {  	s2 =	sld [smem:$0x3FFD];
	_ =	sdelay $0x3  }
0x96: {  	_ =	strace s2  }
0x97: {  	_ =	strace $0x8FFFFFFF  }
0x98: {  	s18 =	sld [smem:$0x3FDB];
	_ =	sdelay $0x1  }
0x99: {  	s19 =	simm.s32 $_scs_section_size  }
0x9a: {  	s4 =	simm.s32 $_size__tile_overlayer_lowered;
	s5 =	simm.s32 $_tile_overlayer_lowered  }
0x9b: {  	s22 =	simm.s32 $0x1BFF;
	s21 =	sshll.u32 s5, $0x1;
	s2 =	sadd.s32 s19, s18  }
0x9c: {  	s6 =	simm.s32 $0x0;
	s20 =	sshll.u32 s4, $0x1;
	s4 =	sadd.s32 s21, s2  }
0x9d: {  	[timem:s6], [sflag:s22] =	dma.local [hbm:s4], s20  }
0x9e: {  	_ =	swait.ge [sflag:s22], s20  }
0x9f: {  	s3 =	ssub.s32 $0x0, s20;
	[sflag:s22] =	ssyncset.done $0x0  }
0xa0: {  	[sflag:s22] =	ssyncadd.s32 s3;
	_ =	sdelay $0x1  }
0xa1: {  	s23 =	simm.s32 $0x1B8B  }
0xa2: {  	_ =	swait.ge [sflag:s23], $0x1  }
0xa3: {  	[sflag:s23] =	ssyncset.done $0x0  }
0xa4: {  	s25 =	simm.s32 $0x1B8E;
	s24 =	sld [smem:$0x3FFE];
	[sflag:s23] =	ssyncadd.s32 $0xFFFFFFFF  }
0xa5: {  	s26 =	simm.s32 $execute0_lowered;
	[smem:$0x3FD2] =	sst s25  }
0xa6: {  	s4 =	sshll.u32 s26, $0x1;
	_ =	strace $0x80000046;
	[dreg:$0x1] =	wrdreg $0xFFFFFFFF  }
0xa7: {  	s28 =	simm.s32 $_size_execute0_lowered;
	s2 =	sadd.s32 s2, s4;
	[dreg:$0x0] =	wrdreg $0x0  }
0xa8: {  	s4 =	sshll.u32 s28, $0x1;
	[dreg:$0x2] =	wrdreg s2  }
0xa9: {  	[dreg:$0x3] =	wrdreg s4  }
0xaa: {  	[dreg:$0x4] =	wrdreg $0xC0  }
0xab: {  	_ =	task [dreg:s6], $0x5FFFF  }
0xac: {  	[dreg:$0x1] =	wrdreg $0xFFFFFFFF  }
0xad: {  	[dreg:$0x0] =	wrdreg $0x60  }
0xae: {  	[dreg:$0x2] =	wrdreg s24  }
0xaf: {  	[dreg:$0x3] =	wrdreg $0x9  }
0xb0: {  	_ =	task.clear_ibuf [dreg:s6], $0x4FFFF;
	_ =	strace $0x90000046  }
0xb1: {  	s29 =	simm.s32 $0x9;
	_ =	strace $0x80000048  }
0xb2: {  	_ =	swait.ge [sflag:s29], $0x1  }
0xb3: {  	[sflag:s29] =	ssyncadd.s32 $0xFFFFFFFF  }
0xb4: {  	_ =	strace $0x90000048  }
0xb5: {  	_ =	sfence  }
0xb6: {  	s30 =	sld [smem:$0x0];
	_ =	sdelay $0x2  }
0xb7: {  	s31 =	sshll.u32 s1, $0xD;
	s1 =	sshrl.u32 s1, $0x2  }
0xb8: {  	s3 =	sand.u32 $0x4000, s31;
	s1 =	sadd.s32 s1, s30  }
0xb9: {  	s0 =	sor.u32 s3, s0;
	s1 =	sshll.u32 s1, $0x11  }
0xba: {  	s0 =	sor.u32 s1, s0  }
0xbb: {  	s0 =	sadd.s32 $0x8F2B, s0  }
0xbc: {  	[sflag:s0] =	ssyncadd.remote.s32 $0x1  }
0xbd: {  	_ =	sfence.sel $0xFFFF  }
0xbe: {  	[dreg:$0x0] =	wrdreg $0xFFFFFFFF;
	(pc) =	sbr.abs _section_cstart, $3  }
0xbf: {  	[dreg:$0x1] =	wrdreg $0xFFFFFFFF  }
0xc0: {  	_ =	task.clear_ibuf [dreg:s6], $0x2FFFF;
	_ =	strace $0x9FFFFFFF  }
0xc1: {  	(tm) =	ssettm $0x7FFFFFFF  }
tec
execute0_lowered:
.L_overlay_start_1:
0x0: {  	(tag) =	ssettag $0x1  }
0x1: {  	s9 =	rddreg [dreg:$0x0]  }
0x2: {  	s0 =	rddreg [dreg:$0x1];
	s2 =	simm.s32 $0x0;
	s3 =	srdreg.scid  }
0x3: {  	s1 =	stileid.u32;
	s28 =	simm.s32 $0x14200;
	s29 =	simm.s32 $0x0  }
0x4: {  	[smem:$0x7FF] =	sst s2;
	s7 =	sand.u32 $0x1, s3;
	s23 =	sshll.u32 s1, $0x2  }
0x5: {  	s12 =	sadd.s32 $0x42400, s9;
	s13 =	sadd.s32 $0x2400, s9;
	s3 =	sadd.s32 $0x82C00, s9  }
0x6: {  	s10 =	sshrl.u32 s1, $0x1;
	s15 =	sadd.s32 $0x83400, s9;
	s16 =	sadd.s32 $0x83600, s9  }
0x7: {  	s19 =	sadd.s32 $0xC3600, s9;
	_ =	strace $0x80000047;
	s4 =	sshll.u32 s7, $0x1  }
0x8: {  	s14 =	sshll.u32 s10, $0x12;
	s24 =	ssub.s32 $0x2, s7;
	s7 =	sshll.u32 s7, $0x5  }
0x9: {  	s21 =	sshll.u32 s10, $0xD;
	s8 =	sor.u32 s4, s23;
	s4 =	sadd.s32 $0x82400, s9  }
0xa: {  	s17 =	sshrl.u32 s24, $0x1;
	s7 =	sadd.s32 s15, s7;
	s23 =	simm.s32 $0x10000  }
0xb: {  	s5 =	sshll.u32 s8, $0x7;
	s17 =	ssub.s32 s24, s17;
	s20 =	sor.u32 $0x1, s8  }
0xc: {  	s8 =	sadd.s32 $0x83000, s9;
	s9 =	sadd.s32 $0x82800, s9;
	s24 =	simm.s32 $0x10200  }
0xd: {  	s11 =	sand.u32 $0x300, s5;
	s25 =	sshll.u32 s20, $0x7;
	s30 =	sshll.u32 s20, $0x4  }
0xe: {  	s17 =	smax.u32 s17, $0x1;
	s6 =	sor.u32 s14, s11;
	s11 =	sor.u32 s21, s11  }
0xf: {  	s22 =	sand.u32 $0x380, s25;
	s25 =	simm.s32 $0x12200;
	s18 =	sshrl.u32 s6, $0x3  }
0x10: {  	s11 =	sshrl.u32 s11, $0x3;
	s14 =	sor.u32 s14, s22;
	s31 =	sor.u32 s21, s22  }
0x11: {  	s21 =	simm.s32 $0x8000;
	s22 =	simm.s32 $0x200;
	s5 =	sadd.s32 s12, s18  }
0x12: {  	s6 =	sadd.s32 s13, s18;
	s10 =	sadd.s32 s16, s18;
	s11 =	sadd.s32 s19, s11  }
0x13: {  	s26 =	sshrl.u32 s14, $0x3;
	s14 =	sand.u32 $0x30, s30;
	s20 =	sshrl.u32 s31, $0x3  }
0x14: {  	s18 =	simm.s32 $0x80;
	s12 =	sadd.s32 s12, s26;
	s13 =	sadd.s32 s13, s26  }
0x15: {  	s14 =	sadd.s32 s15, s14;
	s15 =	sadd.s32 s16, s26;
	s16 =	sadd.s32 s19, s20  }
0x16: {  	v0 =	vimm.f32 $0.0e+00;
	s19 =	simm.s32 $0x400;
	s20 =	simm.s32 $0x1;
	s26 =	simm.s32 $0x1C200  }
.LBB2_1:
0x17: {  	[tilespmem:s2], [sflag:$0x1] =	stream.strided.gather [hbm4b:s5+s18], $0x8000, s19, s18, $0x38;
	[tilespmem:$0x1C600] =	vst v63  }
0x18: {  	_ =	swait.ge [sflag:s20], $0x8000  }
0x19: {  	[sflag:s20] =	ssyncset.done $0x0  }
0x1a: {  	[sflag:s20] =	ssyncadd.s32 $0xFFFF8000  }
0x1b: {  	[tilespmem:s21], [sflag:$0x1] =	stream.strided.gather [hbm4b:s6+s18], $0x8000, s19, s18, $0x38;
	[tilespmem:$0x1C600] =	vst v63  }
0x1c: {  	_ =	swait.ge [sflag:s20], $0x8000  }
0x1d: {  	[sflag:s20] =	ssyncset.done $0x0  }
0x1e: {  	[sflag:s20] =	ssyncadd.s32 $0xFFFF8000  }
0x1f: {  	[tilespmem:s23], [sflag:$0x1] =	stream.strided.gather [hbm4b:s7+s18], $0x200, s22, s18, $0x38;
	[tilespmem:$0x1C600] =	vst v63  }
0x20: {  	_ =	swait.ge [sflag:s20], $0x200  }
0x21: {  	[sflag:s20] =	ssyncset.done $0x0  }
0x22: {  	s30 =	simm.s32 $0x0;
	[sflag:s20] =	ssyncadd.s32 $0xFFFFFE00  }
.LBB2_2:
0x23: {  	p0 =	sne.s32 s30, $0x1FFC0  }
.Ltmp0:
0x24: {  	_ = 	snop;
	(pc) =	sbr.rel @p0 .LBB2_2-.Ltmp0, $3  }
0x25: {  	_ =	sdelay $0x1  }
0x26: {  	s31 =	sshra.s32 s30, $0x2  }
0x27: {  	s30 =	sadd.s32 $0x40, s30;
	[tilespmem:s31+$0x14200] =	vst v0  }
0x28: {  	s30 =	simm.s32 $0x40;
	s31 =	simm.s32 $0x0  }
.LBB2_4:
0x29: {  	p0 =	sne.s32 s30, $0xFC0;
	[tilespmem:s31+$0x1C200] =	vst v0;
	s31 =	smov.u32 s30;
	s30 =	sadd.s32 $0x40, s30  }
.Ltmp1:
0x2a: {  	(pc) =	sbr.rel @p0 .LBB2_4-.Ltmp1, $2  }
0x2b: {  	_ =	sdelay $0x2  }
0x2c: {  	s31 =	sshra.s32 s31, $0x2  }
0x2d: {  	[tilespmem:s31+$0x1C200] =	vst v0;
	s30 =	simm.s32 $0x0  }
0x2e: {  	[tilespmem:s24], [sflag:$0x1] =	stream.linear.gather [hbm4b:s3+s30], $0x2000, $0x38;
	[tilespmem:$0x1C600] =	vst v63  }
0x2f: {  	_ =	swait.ge [sflag:s20], $0x2000  }
0x30: {  	[sflag:s20] =	ssyncset.done $0x0  }
0x31: {  	[sflag:s20] =	ssyncadd.s32 $0xFFFFE000  }
0x32: {  	[tilespmem:s25], [sflag:$0x1] =	stream.linear.gather [hbm4b:s4+s30], $0x2000, $0x38;
	[tilespmem:$0x1C600] =	vst v63  }
0x33: {  	_ =	swait.ge [sflag:s20], $0x2000  }
0x34: {  	[sflag:s20] =	ssyncset.done $0x0  }
0x35: {  	[sflag:s20] =	ssyncadd.s32 $0xFFFFE000  }
0x36: {  	v10 =	vld [tilespmem:$0x10120]  }
0x37: {  	v17 =	vld [tilespmem:$0x10100]  }
0x38: {  	v46 =	vld [tilespmem:$0x100F0]  }
0x39: {  	v3 =	vld [tilespmem:$0x100E0]  }
0x3a: {  	v52 =	vld [tilespmem:$0x100D0]  }
0x3b: {  	v49 =	vld [tilespmem:$0x100C0]  }
0x3c: {  	v48 =	vld [tilespmem:$0x100B0]  }
0x3d: {  	v43 =	vld [tilespmem:$0x100A0]  }
0x3e: {  	v40 =	vld [tilespmem:$0x10090]  }
0x3f: {  	s30 =	simm.s32 $0x0;
	v38 =	vld [tilespmem:$0x10080]  }
0x40: {  	v2 =	vld [tilespmem:s30+$0x10200]  }
0x41: {  	v0 =	vld [tilespmem:s30+$0x12200]  }
0x42: {  	v37 =	vld [tilespmem:$0x10070]  }
0x43: {  	v36 =	vld [tilespmem:$0x10060]  }
0x44: {  	v34 =	vld [tilespmem:$0x10050]  }
0x45: {  	v32 =	vld [tilespmem:$0x10040];
	v22 =	vshll.u32 v2, $0x5  }
0x46: {  	v30 =	vld [tilespmem:$0x10030];
	v2 =	vshll.u32 v0, $0x5  }
0x47: {  	v28 =	vld [tilespmem:$0x10020];
	[tilespmem:$0x1FF40] =	vst v0;
	v0 =	vor.u32 $0x1, v2  }
0x48: {  	v26 =	vld [tilespmem:$0x10010];
	v6 =	vor.u32 $0x1, v22  }
0x49: {  	v24 =	vld [tilespmem:$0x10000];
	v8 =	vor.u32 $0x2, v22  }
0x4a: {  	v1 =	vor.u32 $0x2, v2;
	v5 =	vld.idx.msk [tilespmem:v22+s2+$0x0], $0xffff  }
0x4b: {  	v9 =	vor.u32 $0x3, v22;
	v16 =	vld.idx.msk [tilespmem:v2+s21+$0x0], $0xffff  }
0x4c: {  	v12 =	vor.u32 $0x4, v22;
	v19 =	vld.idx.msk [tilespmem:v0+s21+$0x0], $0xffff  }
0x4d: {  	v4 =	vor.u32 $0x4, v2;
	v7 =	vld.idx.msk [tilespmem:v6+s2+$0x0], $0xffff  }
0x4e: {  	v15 =	vor.u32 $0x5, v22;
	v61 =	vld.idx.msk [tilespmem:v8+s2+$0x0], $0xffff  }
0x4f: {  	v18 =	vor.u32 $0x6, v22;
	v21 =	vld.idx.msk [tilespmem:v1+s21+$0x0], $0xffff  }
0x50: {  	v20 =	vor.u32 $0x7, v22;
	v62 =	vld.idx.msk [tilespmem:v9+s2+$0x0], $0xffff  }
0x51: {  	v63 =	vor.u32 $0x7, v2;
	v9 =	vld.idx.msk [tilespmem:v12+s2+$0x0], $0xffff  }
0x52: {  	[tilespmem:$0x1FF70] =	vst v0;
	v0 =	vor.u32 $0x3, v2;
	v27 =	vld.idx.msk [tilespmem:v4+s21+$0x0], $0xffff  }
0x53: {  	v23 =	vor.u32 $0x8, v22;
	v15 =	vld.idx.msk [tilespmem:v15+s2+$0x0], $0xffff  }
0x54: {  	v29 =	vor.u32 $0x9, v22;
	[tilespmem:$0x1FF90] =	vst v1;
	v1 =	vor.u32 $0x5, v2;
	v18 =	vld.idx.msk [tilespmem:v18+s2+$0x0], $0xffff  }
0x55: {  	v31 =	vor.u32 $0xA, v22;
	v39 =	vor.u32 $0xB, v22;
	v41 =	vor.u32 $0xC, v22;
	v20 =	vld.idx.msk [tilespmem:v20+s2+$0x0], $0xffff  }
0x56: {  	v42 =	vor.u32 $0xD, v22;
	v11 =	vld.idx.msk [tilespmem:v63+s21+$0x0], $0xffff;
	v33 =	vadd.f32 v16, v5;
	v16 =	vor.u32 $0x8, v2  }
0x57: {  	v44 =	vor.u32 $0xE, v22;
	v50 =	vor.u32 $0xF, v22;
	[tilespmem:$0x1FFB0] =	vst v0;
	v25 =	vld.idx.msk [tilespmem:v0+s21+$0x0], $0xffff;
	v0 =	vor.u32 $0x6, v2  }
0x58: {  	v23 =	vld.idx.msk [tilespmem:v23+s2+$0x0], $0xffff;
	v53 =	vadd.f32 v19, v7;
	v57 =	vadd.f32 v21, v61;
	v45 =	vmul.f32 $2.000000030e-01, v33  }
0x59: {  	v54 =	vor.u32 $0x10, v22;
	v55 =	vor.u32 $0x11, v22;
	v35 =	vld.idx.msk [tilespmem:v1+s21+$0x0], $0xffff;
	v19 =	vor.u32 $0x9, v2  }
0x5a: {  	v51 =	vld.idx.msk [tilespmem:v41+s2+$0x0], $0xffff;
	v56 =	vmul.f32 $2.000000030e-01, v53;
	v12 =	vmul.f32 $2.000000030e-01, v57;
	v33 =	vmax.f32 v33, v45  }
0x5b: {  	[tilespmem:$0x1FFF0] =	vst v63;
	v21 =	vor.u32 $0xA, v2;
	v45 =	vadd.f32 v11, v20;
	v33 =	vmul.f32 v33, v24;
	v60 =	vld.idx.msk [tilespmem:v16+s21+$0x0], $0xffff  }
0x5c: {  	[tilespmem:$0x1FF80] =	vst v62;
	v53 =	vmax.f32 v53, v56;
	v24 =	vor.u32 $0xB, v2;
	v56 =	vmax.f32 v57, v12;
	v47 =	vld.idx.msk [tilespmem:v0+s21+$0x0], $0xffff  }
0x5d: {  	v59 =	vadd.f32 v25, v62;
	v25 =	vld.idx.msk [tilespmem:v29+s2+$0x0], $0xffff;
	v13 =	vmul.f32 v53, v26;
	v62 =	vadd.f32 v27, v9  }
0x5e: {  	[tilespmem:$0x1FF60] =	vst v61;
	v61 =	vld.idx.msk [tilespmem:v19+s21+$0x0], $0xffff;
	v26 =	vor.u32 $0xC, v2;
	v63 =	vmul.f32 v56, v28;
	v35 =	vadd.f32 v35, v15  }
0x5f: {  	v27 =	vld.idx.msk [tilespmem:v31+s2+$0x0], $0xffff;
	v28 =	vor.u32 $0xD, v2;
	v29 =	vadd.f32 $0.0e+00, v33;
	v14 =	vmul.f32 $2.000000030e-01, v59  }
0x60: {  	v58 =	vor.u32 $0x12, v22;
	[tilespmem:$0x1FFC0] =	vst v4;
	v56 =	vld.idx.msk [tilespmem:v21+s21+$0x0], $0xffff;
	v12 =	vmul.f32 $2.000000030e-01, v45;
	v4 =	vmul.f32 $2.000000030e-01, v62  }
0x61: {  	[tilespmem:$0x1FF30] =	vst v5;
	v6 =	vmul.f32 $2.000000030e-01, v35;
	v31 =	vadd.f32 v13, v29;
	v29 =	vld.idx.msk [tilespmem:v39+s2+$0x0], $0xffff;
	v53 =	vmax.f32 v59, v14  }
0x62: {  	[tilespmem:$0x1FFE0] =	vst v0;
	v0 =	vor.u32 $0x17, v22;
	v45 =	vmax.f32 v45, v12;
	v5 =	vmul.f32 v53, v30;
	v53 =	vld.idx.msk [tilespmem:v24+s21+$0x0], $0xffff  }
0x63: {  	v57 =	vmax.f32 v62, v4;
	v35 =	vmax.f32 v35, v6;
	v47 =	vadd.f32 v47, v18;
	v62 =	vld.idx.msk [tilespmem:v26+s21+$0x0], $0xffff  }
0x64: {  	[tilespmem:$0x1FF50] =	vst v7;
	v33 =	vadd.f32 v63, v31;
	v30 =	vor.u32 $0xE, v2;
	v7 =	vmul.f32 v57, v32;
	v57 =	vld.idx.msk [tilespmem:v28+s21+$0x0], $0xffff  }
0x65: {  	[tilespmem:$0x1FFA0] =	vst v9;
	v13 =	vadd.f32 v60, v23;
	v9 =	vmul.f32 v35, v34;
	v35 =	vld.idx.msk [tilespmem:v44+s2+$0x0], $0xffff;
	v8 =	vmul.f32 $2.000000030e-01, v47  }
0x66: {  	v32 =	vor.u32 $0xF, v2;
	v34 =	vor.u32 $0x10, v2;
	v39 =	vadd.f32 v5, v33;
	v33 =	vld.idx.msk [tilespmem:v42+s2+$0x0], $0xffff  }
0x67: {  	v56 =	vadd.f32 v56, v27;
	v11 =	vmax.f32 v47, v8;
	v8 =	vmul.f32 v45, v37;
	v37 =	vld.idx.msk [tilespmem:v54+s2+$0x0], $0xffff  }
0x68: {  	[tilespmem:$0x1FFD0] =	vst v1;
	v1 =	vor.u32 $0x18, v22;
	v14 =	vor.u32 $0x13, v22;
	v63 =	vor.u32 $0x16, v22;
	v45 =	vld.idx.msk [tilespmem:v0+s2+$0x0], $0xffff  }
0x69: {  	v6 =	vmul.f32 $2.000000030e-01, v13;
	v12 =	vmul.f32 $2.000000030e-01, v56;
	v39 =	vadd.f32 v7, v39;
	v60 =	vld.idx.msk [tilespmem:v30+s21+$0x0], $0xffff  }
0x6a: {  	v5 =	vor.u32 $0x14, v22;
	v7 =	vadd.f32 v61, v25;
	v4 =	vmul.f32 v11, v36;
	v36 =	vld.idx.msk [tilespmem:v50+s2+$0x0], $0xffff  }
0x6b: {  	v47 =	vmax.f32 v13, v6;
	v13 =	vmax.f32 v56, v12;
	v61 =	vld.idx.msk [tilespmem:v32+s21+$0x0], $0xffff;
	v39 =	vadd.f32 v9, v39  }
0x6c: {  	v6 =	vor.u32 $0x1A, v22;
	v0 =	vor.u32 $0x1B, v22;
	v54 =	vor.u32 $0x13, v2;
	v59 =	vld.idx.msk [tilespmem:v34+s21+$0x0], $0xffff  }
0x6d: {  	v47 =	vmul.f32 v47, v38;
	v38 =	vld.idx.msk [tilespmem:v55+s2+$0x0], $0xffff;
	v11 =	vmul.f32 $2.000000030e-01, v7;
	v39 =	vadd.f32 v4, v39  }
0x6e: {  	v12 =	vor.u32 $0x1C, v22;
	v53 =	vadd.f32 v53, v29;
	v44 =	vld.idx.msk [tilespmem:v63+s2+$0x0], $0xffff;
	v9 =	vor.u32 $0x15, v22  }
0x6f: {  	v55 =	vor.u32 $0x19, v22;
	v42 =	vld.idx.msk [tilespmem:v5+s2+$0x0], $0xffff;
	v50 =	vmax.f32 v7, v11;
	v41 =	vadd.f32 v8, v39  }
0x70: {  	v57 =	vadd.f32 v57, v33;
	v4 =	vadd.f32 v62, v51;
	v50 =	vmul.f32 v50, v40;
	v40 =	vld.idx.msk [tilespmem:v14+s2+$0x0], $0xffff  }
0x71: {  	v5 =	vmul.f32 v13, v43;
	v14 =	vmul.f32 $2.000000030e-01, v53;
	v63 =	vld.idx.msk [tilespmem:v54+s21+$0x0], $0xffff;
	v47 =	vadd.f32 v47, v41  }
0x72: {  	v7 =	vmul.f32 $2.000000030e-01, v57;
	v39 =	vld.idx.msk [tilespmem:v58+s2+$0x0], $0xffff;
	v11 =	vmul.f32 $2.000000030e-01, v4;
	v41 =	vor.u32 $0x11, v2  }
0x73: {  	v8 =	vadd.f32 v60, v35;
	v43 =	vld.idx.msk [tilespmem:v9+s2+$0x0], $0xffff;
	v53 =	vmax.f32 v53, v14;
	v50 =	vadd.f32 v50, v47  }
0x74: {  	v13 =	vmax.f32 v57, v7;
	v53 =	vmul.f32 v53, v48;
	v48 =	vld.idx.msk [tilespmem:v1+s2+$0x0], $0xffff;
	v47 =	vor.u32 $0x12, v2  }
0x75: {  	v1 =	vmax.f32 v4, v11;
	v4 =	vmul.f32 v13, v52;
	v52 =	vld.idx.msk [tilespmem:v0+s2+$0x0], $0xffff;
	v50 =	vadd.f32 v5, v50  }
0x76: {  	v61 =	vadd.f32 v61, v36;
	v14 =	vmul.f32 $2.000000030e-01, v8;
	v1 =	vmul.f32 v1, v49;
	v49 =	vld.idx.msk [tilespmem:v55+s2+$0x0], $0xffff  }
0x77: {  	v56 =	vor.u32 $0x14, v2;
	v9 =	vld.idx.msk [tilespmem:v41+s21+$0x0], $0xffff;
	v53 =	vadd.f32 v53, v50  }
0x78: {  	v11 =	vor.u32 $0x1D, v22;
	v57 =	vmax.f32 v8, v14;
	v8 =	vmul.f32 $2.000000030e-01, v61;
	v50 =	vld.idx.msk [tilespmem:v6+s2+$0x0], $0xffff  }
0x79: {  	v5 =	vor.u32 $0x1E, v22;
	v6 =	vld.idx.msk [tilespmem:v47+s21+$0x0], $0xffff;
	v1 =	vadd.f32 v1, v53  }
0x7a: {  	v7 =	vadd.f32 v59, v37;
	v13 =	vor.u32 $0x18, v2;
	v14 =	vld.idx.msk [tilespmem:v12+s2+$0x0], $0xffff;
	v59 =	vmax.f32 v61, v8  }
0x7b: {  	v61 =	vld [tilespmem:$0x10110];
	v0 =	vadd.f32 v4, v1;
	v1 =	vmul.f32 v57, v3;
	v57 =	vor.u32 $0x15, v2  }
0x7c: {  	v59 =	vmul.f32 v59, v46;
	v60 =	vadd.f32 v9, v38;
	v4 =	vld.idx.msk [tilespmem:v56+s21+$0x0], $0xffff  }
0x7d: {  	v46 =	vor.u32 $0x16, v2;
	v53 =	vld.idx.msk [tilespmem:v11+s2+$0x0], $0xffff;
	v0 =	vadd.f32 v1, v0;
	v1 =	vmul.f32 $2.000000030e-01, v7  }
0x7e: {  	v58 =	vor.u32 $0x17, v2;
	v55 =	vld.idx.msk [tilespmem:v5+s2+$0x0], $0xffff;
	v62 =	vadd.f32 v6, v39;
	v9 =	vmul.f32 $2.000000030e-01, v60  }
0x7f: {  	v63 =	vadd.f32 v63, v40;
	v5 =	vld.idx.msk [tilespmem:v13+s21+$0x0], $0xffff;
	v1 =	vmax.f32 v7, v1;
	v3 =	vadd.f32 v59, v0  }
0x80: {  	v0 =	vmul.f32 $2.000000030e-01, v62;
	v59 =	vmax.f32 v60, v9;
	v11 =	vld.idx.msk [tilespmem:v57+s21+$0x0], $0xffff;
	v17 =	vmul.f32 v1, v17  }
0x81: {  	v22 =	vor.u32 $0x1F, v22;
	v60 =	vld [tilespmem:$0x10130];
	v59 =	vmul.f32 v59, v61;
	v4 =	vadd.f32 v4, v42  }
0x82: {  	v1 =	vmax.f32 v62, v0;
	v62 =	vld.idx.msk [tilespmem:v46+s21+$0x0], $0xffff;
	v0 =	vmul.f32 $2.000000030e-01, v63;
	v17 =	vadd.f32 v17, v3  }
0x83: {  	v12 =	vor.u32 $0x19, v2;
	v61 =	vld [tilespmem:$0x10140];
	v1 =	vmul.f32 v1, v10  }
0x84: {  	v3 =	vld.idx.msk [tilespmem:v58+s21+$0x0], $0xffff;
	v0 =	vmax.f32 v63, v0;
	v63 =	vmul.f32 $2.000000030e-01, v4;
	v17 =	vadd.f32 v59, v17  }
0x85: {  	v6 =	vld [tilespmem:$0x10150];
	v10 =	vor.u32 $0x1A, v2;
	v59 =	vadd.f32 v11, v43  }
0x86: {  	v7 =	vld [tilespmem:$0x10160];
	v4 =	vmax.f32 v4, v63;
	v1 =	vadd.f32 v1, v17;
	v17 =	vmul.f32 v0, v60  }
0x87: {  	v11 =	vld.idx.msk [tilespmem:v22+s2+$0x0], $0xffff;
	v60 =	vadd.f32 v62, v44;
	v62 =	vor.u32 $0x1B, v2;
	v9 =	vmul.f32 $2.000000030e-01, v59  }
0x88: {  	v22 =	vld.idx.msk [tilespmem:v12+s21+$0x0], $0xffff;
	v63 =	vor.u32 $0x1C, v2;
	v4 =	vmul.f32 v4, v61;
	v1 =	vadd.f32 v17, v1  }
0x89: {  	v3 =	vadd.f32 v3, v45;
	v61 =	vmul.f32 $2.000000030e-01, v60;
	v17 =	vmax.f32 v59, v9;
	v59 =	vld [tilespmem:$0x10170]  }
0x8a: {  	v5 =	vadd.f32 v5, v48;
	v1 =	vadd.f32 v4, v1;
	v9 =	vmul.f32 v17, v6;
	v6 =	vld.idx.msk [tilespmem:v10+s21+$0x0], $0xffff  }
0x8b: {  	v0 =	vmul.f32 $2.000000030e-01, v3;
	v17 =	vmax.f32 v60, v61;
	v60 =	vld [tilespmem:$0x10180];
	v61 =	vor.u32 $0x1D, v2  }
0x8c: {  	v4 =	vmul.f32 v17, v7;
	v17 =	vmul.f32 $2.000000030e-01, v5;
	v1 =	vadd.f32 v9, v1;
	v9 =	vld.idx.msk [tilespmem:v62+s21+$0x0], $0xffff  }
0x8d: {  	v31 =	vor.u32 $0x1E, v2;
	v8 =	vld [tilespmem:$0x10190];
	v0 =	vmax.f32 v3, v0;
	v3 =	vadd.f32 v22, v49  }
0x8e: {  	v22 =	vmax.f32 v5, v17;
	v5 =	vld.idx.msk [tilespmem:v63+s21+$0x0], $0xffff;
	v7 =	vadd.f32 v4, v1;
	v1 =	vmul.f32 v0, v59  }
0x8f: {  	v17 =	vor.u32 $0x1F, v2;
	v59 =	vld [tilespmem:$0x101A0];
	v0 =	vmul.f32 $2.000000030e-01, v3;
	v6 =	vadd.f32 v6, v50  }
0x90: {  	v4 =	vmul.f32 v22, v60;
	v1 =	vadd.f32 v1, v7;
	v7 =	vld.idx.msk [tilespmem:v61+s21+$0x0], $0xffff  }
0x91: {  	v0 =	vmax.f32 v3, v0;
	v3 =	vadd.f32 v9, v52;
	v9 =	vld [tilespmem:$0x101B0];
	v22 =	vmul.f32 $2.000000030e-01, v6  }
0x92: {  	v0 =	vmul.f32 v0, v8;
	v1 =	vadd.f32 v4, v1;
	v4 =	vld.idx.msk [tilespmem:v31+s21+$0x0], $0xffff  }
0x93: {  	v8 =	vld [tilespmem:$0x101C0];
	v5 =	vadd.f32 v5, v14;
	v6 =	vmax.f32 v6, v22;
	v22 =	vmul.f32 $2.000000030e-01, v3  }
0x94: {  	v0 =	vadd.f32 v0, v1;
	v1 =	vmul.f32 v6, v59;
	v6 =	vld.idx.msk [tilespmem:v17+s21+$0x0], $0xffff  }
0x95: {  	v60 =	vld [tilespmem:$0x101D0];
	v3 =	vmax.f32 v3, v22;
	v7 =	vadd.f32 v7, v53;
	v22 =	vmul.f32 $2.000000030e-01, v5  }
0x96: {  	v0 =	vadd.f32 v1, v0;
	v1 =	vmul.f32 v3, v9  }
0x97: {  	v9 =	vld [tilespmem:$0x101E0];
	v3 =	vmax.f32 v5, v22;
	v4 =	vadd.f32 v4, v55;
	v59 =	vmul.f32 $2.000000030e-01, v7  }
0x98: {  	v0 =	vadd.f32 v1, v0;
	v1 =	vmul.f32 v3, v8  }
0x99: {  	v3 =	vmax.f32 v7, v59;
	v5 =	vadd.f32 v6, v11;
	v22 =	vmul.f32 $2.000000030e-01, v4;
	v59 =	vld [tilespmem:$0x101F0]  }
0x9a: {  	v0 =	vadd.f32 v1, v0;
	v1 =	vmul.f32 v3, v60  }
0x9b: {  	v3 =	vmax.f32 v4, v22;
	v60 =	vmul.f32 $2.000000030e-01, v5  }
0x9c: {  	v0 =	vadd.f32 v1, v0;
	v1 =	vmul.f32 v3, v9  }
0x9d: {  	v3 =	vmax.f32 v5, v60  }
0x9e: {  	v0 =	vadd.f32 v1, v0;
	v1 =	vmul.f32 v3, v59;
	_ =	sdelay $0x1  }
0x9f: {  	v0 =	vadd.f32 v1, v0;
	_ =	sdelay $0x1  }
0xa0: {  	v0 =	vmul.f32 $1.442695020e+00, v0;
	_ =	sdelay $0x1  }
0xa1: {  	(erf) = vpow2.f32 v0;
	_ =	sdelay $0x2  }
0xa2: {  	v3 =	vld [tilespmem:$0x1FF40];
	_ =	sdelay $0x1  }
0xa3: {  	v1 =	vld [tilespmem:$0x1FF30];
	_ =	sdelay $0x3  }
0xa4: {  	v0 =	vpop (erf)  }
0xa5: {  	v1 =	vmul.f32 v0, v1  }
0xa6: {  	[tilespmem:v3+s26+$0x0] =	vst.idx.add.f32.msk $0xffff, v0  }
0xa7: {  	[tilespmem:v2+s28+$0x0] =	vst.idx.add.f32.msk $0xffff, v1  }
0xa8: {  	v2 =	vld [tilespmem:$0x1FF70]  }
0xa9: {  	v3 =	vld [tilespmem:$0x1FF50];
	_ =	sdelay $0x4  }
0xaa: {  	v3 =	vmul.f32 v0, v3;
	_ =	sdelay $0x1  }
0xab: {  	[tilespmem:v2+s28+$0x0] =	vst.idx.add.f32.msk $0xffff, v3  }
0xac: {  	v3 =	vld [tilespmem:$0x1FF90]  }
0xad: {  	v1 =	vld [tilespmem:$0x1FF60];
	_ =	sdelay $0x4  }
0xae: {  	v1 =	vmul.f32 v0, v1;
	_ =	sdelay $0x1  }
0xaf: {  	[tilespmem:v3+s28+$0x0] =	vst.idx.add.f32.msk $0xffff, v1  }
0xb0: {  	v3 =	vld [tilespmem:$0x1FFB0]  }
0xb1: {  	v2 =	vld [tilespmem:$0x1FF80];
	_ =	sdelay $0x4  }
0xb2: {  	v2 =	vmul.f32 v0, v2;
	_ =	sdelay $0x1  }
0xb3: {  	[tilespmem:v3+s28+$0x0] =	vst.idx.add.f32.msk $0xffff, v2  }
0xb4: {  	v3 =	vld [tilespmem:$0x1FFC0]  }
0xb5: {  	v1 =	vld [tilespmem:$0x1FFA0];
	_ =	sdelay $0x4  }
0xb6: {  	v1 =	vmul.f32 v0, v1;
	_ =	sdelay $0x1  }
0xb7: {  	[tilespmem:v3+s28+$0x0] =	vst.idx.add.f32.msk $0xffff, v1  }
0xb8: {  	v3 =	vld [tilespmem:$0x1FFD0];
	_ =	sdelay $0x5  }
0xb9: {  	v2 =	vmul.f32 v0, v15;
	_ =	sdelay $0x1  }
0xba: {  	[tilespmem:v3+s28+$0x0] =	vst.idx.add.f32.msk $0xffff, v2  }
0xbb: {  	v3 =	vld [tilespmem:$0x1FFE0];
	_ =	sdelay $0x5  }
0xbc: {  	v1 =	vmul.f32 v0, v18;
	_ =	sdelay $0x1  }
0xbd: {  	[tilespmem:v3+s28+$0x0] =	vst.idx.add.f32.msk $0xffff, v1  }
0xbe: {  	v3 =	vld [tilespmem:$0x1FFF0];
	_ =	sdelay $0x5  }
0xbf: {  	v2 =	vmul.f32 v0, v20  }
0xc0: {  	v1 =	vmul.f32 v0, v23  }
0xc1: {  	[tilespmem:v3+s28+$0x0] =	vst.idx.add.f32.msk $0xffff, v2;
	v2 =	vmul.f32 v0, v25  }
0xc2: {  	[tilespmem:v16+s28+$0x0] =	vst.idx.add.f32.msk $0xffff, v1;
	v1 =	vmul.f32 v0, v27  }
0xc3: {  	[tilespmem:v19+s28+$0x0] =	vst.idx.add.f32.msk $0xffff, v2;
	v2 =	vmul.f32 v0, v29  }
0xc4: {  	[tilespmem:v21+s28+$0x0] =	vst.idx.add.f32.msk $0xffff, v1;
	v1 =	vmul.f32 v0, v51  }
0xc5: {  	[tilespmem:v24+s28+$0x0] =	vst.idx.add.f32.msk $0xffff, v2;
	v2 =	vmul.f32 v0, v33  }
0xc6: {  	[tilespmem:v26+s28+$0x0] =	vst.idx.add.f32.msk $0xffff, v1;
	v1 =	vmul.f32 v0, v35  }
0xc7: {  	[tilespmem:v28+s28+$0x0] =	vst.idx.add.f32.msk $0xffff, v2;
	v2 =	vmul.f32 v0, v36  }
0xc8: {  	[tilespmem:v30+s28+$0x0] =	vst.idx.add.f32.msk $0xffff, v1;
	v1 =	vmul.f32 v0, v37  }
0xc9: {  	[tilespmem:v32+s28+$0x0] =	vst.idx.add.f32.msk $0xffff, v2;
	v2 =	vmul.f32 v0, v38  }
0xca: {  	[tilespmem:v34+s28+$0x0] =	vst.idx.add.f32.msk $0xffff, v1;
	v1 =	vmul.f32 v0, v39  }
0xcb: {  	[tilespmem:v41+s28+$0x0] =	vst.idx.add.f32.msk $0xffff, v2;
	v2 =	vmul.f32 v0, v40  }
0xcc: {  	[tilespmem:v47+s28+$0x0] =	vst.idx.add.f32.msk $0xffff, v1;
	v1 =	vmul.f32 v0, v42  }
0xcd: {  	[tilespmem:v54+s28+$0x0] =	vst.idx.add.f32.msk $0xffff, v2;
	v2 =	vmul.f32 v0, v43  }
0xce: {  	[tilespmem:v56+s28+$0x0] =	vst.idx.add.f32.msk $0xffff, v1;
	v1 =	vmul.f32 v0, v44  }
0xcf: {  	[tilespmem:v57+s28+$0x0] =	vst.idx.add.f32.msk $0xffff, v2;
	v2 =	vmul.f32 v0, v45  }
0xd0: {  	[tilespmem:v46+s28+$0x0] =	vst.idx.add.f32.msk $0xffff, v1;
	v1 =	vmul.f32 v0, v48  }
0xd1: {  	[tilespmem:v58+s28+$0x0] =	vst.idx.add.f32.msk $0xffff, v2;
	v2 =	vmul.f32 v0, v49  }
0xd2: {  	[tilespmem:v13+s28+$0x0] =	vst.idx.add.f32.msk $0xffff, v1;
	v1 =	vmul.f32 v0, v50  }
0xd3: {  	[tilespmem:v12+s28+$0x0] =	vst.idx.add.f32.msk $0xffff, v2;
	v2 =	vmul.f32 v0, v52  }
0xd4: {  	[tilespmem:v10+s28+$0x0] =	vst.idx.add.f32.msk $0xffff, v1;
	v1 =	vmul.f32 v0, v14  }
0xd5: {  	[tilespmem:v62+s28+$0x0] =	vst.idx.add.f32.msk $0xffff, v2;
	v2 =	vmul.f32 v0, v53  }
0xd6: {  	[tilespmem:v63+s28+$0x0] =	vst.idx.add.f32.msk $0xffff, v1  }
0xd7: {  	s30 =	simm.s32 $0x40;
	v1 =	vmul.f32 v0, v55;
	v0 =	vmul.f32 v0, v11;
	[tilespmem:v61+s28+$0x0] =	vst.idx.add.f32.msk $0xffff, v2  }
.LBB2_6:
0xd8: {  	_ = 	snop  }
0xd9: {  	[tilespmem:v31+s28+$0x0] =	vst.idx.add.f32.msk $0xffff, v1  }
0xda: {  	[tilespmem:v17+s28+$0x0] =	vst.idx.add.f32.msk $0xffff, v0  }
0xdb: {  	v0 =	vld [tilespmem:$0x101C0];
	_ =	sdelay $0x4  }
0xdc: {  	[tilespmem:$0x1FE80] =	vst v0;
	v0 =	vld [tilespmem:$0x101B0];
	_ =	sdelay $0x4  }
0xdd: {  	[tilespmem:$0x1FE70] =	vst v0;
	v0 =	vld [tilespmem:$0x101A0];
	_ =	sdelay $0x4  }
0xde: {  	[tilespmem:$0x1FE60] =	vst v0;
	v0 =	vld [tilespmem:$0x10180];
	_ =	sdelay $0x4  }
0xdf: {  	[tilespmem:$0x1FE40] =	vst v0;
	v0 =	vld [tilespmem:$0x10170];
	_ =	sdelay $0x2  }
0xe0: {  	v48 =	vld [tilespmem:$0x10100]  }
0xe1: {  	v53 =	vld [tilespmem:$0x100F0]  }
0xe2: {  	[tilespmem:$0x1FE30] =	vst v0;
	v0 =	vld [tilespmem:$0x10160]  }
0xe3: {  	v57 =	vld [tilespmem:$0x100D0]  }
0xe4: {  	s31 =	smov.u32 s30;
	v54 =	vld [tilespmem:$0x100C0]  }
0xe5: {  	s31 =	sshra.s32 s31, $0x2;
	v15 =	vld [tilespmem:$0x100B0]  }
0xe6: {  	v1 =	vld [tilespmem:s31+$0x12200]  }
0xe7: {  	[tilespmem:$0x1FE20] =	vst v0;
	v0 =	vld [tilespmem:$0x10150]  }
0xe8: {  	v13 =	vld [tilespmem:$0x100A0]  }
0xe9: {  	v45 =	vld [tilespmem:$0x10090]  }
0xea: {  	v42 =	vld [tilespmem:$0x10080]  }
0xeb: {  	v10 =	vld [tilespmem:$0x10070]  }
0xec: {  	v4 =	vshll.u32 v1, $0x5;
	[tilespmem:$0x1FE10] =	vst v0;
	v0 =	vld [tilespmem:s31+$0x10200]  }
0xed: {  	v37 =	vld [tilespmem:$0x10060];
	[tilespmem:$0x1FEB0] =	vst v1;
	v1 =	vor.u32 $0x1, v4  }
0xee: {  	v34 =	vld [tilespmem:$0x10050]  }
0xef: {  	v32 =	vld [tilespmem:$0x10040]  }
0xf0: {  	v29 =	vld [tilespmem:$0x10030]  }
0xf1: {  	v27 =	vld [tilespmem:$0x10020];
	v3 =	vor.u32 $0x2, v4;
	v6 =	vor.u32 $0x5, v4;
	v19 =	vshll.u32 v0, $0x5  }
0xf2: {  	v7 =	vor.u32 $0x6, v4;
	[tilespmem:$0x1FED0] =	vst v1;
	v23 =	vld.idx.msk [tilespmem:v1+s21+$0x0], $0xffff;
	v1 =	vor.u32 $0x3, v4;
	v0 =	vor.u32 $0x1, v19  }
0xf3: {  	v24 =	vld [tilespmem:$0x10010];
	v2 =	vor.u32 $0x2, v19;
	v8 =	vor.u32 $0x3, v19;
	v55 =	vor.u32 $0x4, v19  }
0xf4: {  	v30 =	vld [tilespmem:$0x10000];
	v21 =	vor.u32 $0x5, v19;
	v25 =	vor.u32 $0x6, v19;
	v28 =	vor.u32 $0x7, v19  }
0xf5: {  	v20 =	vld.idx.msk [tilespmem:v4+s21+$0x0], $0xffff;
	v33 =	vor.u32 $0x8, v19;
	v36 =	vor.u32 $0x9, v19;
	v38 =	vor.u32 $0xA, v19  }
0xf6: {  	v40 =	vor.u32 $0xB, v19;
	v41 =	vor.u32 $0xC, v19;
	v43 =	vor.u32 $0xD, v19;
	v5 =	vld.idx.msk [tilespmem:v19+s2+$0x0], $0xffff  }
0xf7: {  	v52 =	vld.idx.msk [tilespmem:v3+s21+$0x0], $0xffff;
	v46 =	vor.u32 $0xE, v19;
	v49 =	vor.u32 $0xF, v19;
	v47 =	vor.u32 $0x10, v19  }
0xf8: {  	v50 =	vor.u32 $0x11, v19;
	v59 =	vor.u32 $0x12, v19;
	v62 =	vor.u32 $0x13, v19;
	v0 =	vld.idx.msk [tilespmem:v0+s2+$0x0], $0xffff  }
0xf9: {  	[tilespmem:$0x1FEE0] =	vst v3;
	v9 =	vor.u32 $0x14, v19;
	v11 =	vor.u32 $0x15, v19;
	v16 =	vld.idx.msk [tilespmem:v2+s2+$0x0], $0xffff;
	v2 =	vor.u32 $0x4, v4  }
0xfa: {  	[tilespmem:$0x1FEF0] =	vst v1;
	v3 =	vld.idx.msk [tilespmem:v1+s21+$0x0], $0xffff;
	v12 =	vor.u32 $0x16, v19;
	v14 =	vor.u32 $0x17, v19;
	v1 =	vor.u32 $0x1F, v19  }
0xfb: {  	v17 =	vor.u32 $0x18, v19;
	v18 =	vor.u32 $0x19, v19;
	[tilespmem:$0x1FE50] =	vst v1;
	v26 =	vld.idx.msk [tilespmem:v8+s2+$0x0], $0xffff;
	v56 =	vadd.f32 v20, v5  }
0xfc: {  	v22 =	vor.u32 $0x1A, v19;
	v63 =	vor.u32 $0x1B, v19;
	v61 =	vor.u32 $0x1C, v19;
	[tilespmem:$0x1FE90] =	vst v5;
	v20 =	vld.idx.msk [tilespmem:v55+s2+$0x0], $0xffff  }
0xfd: {  	v58 =	vor.u32 $0x1D, v19;
	v5 =	vld.idx.msk [tilespmem:v6+s21+$0x0], $0xffff;
	[tilespmem:$0x1FEA0] =	vst v0;
	v0 =	vadd.f32 v23, v0;
	v1 =	vmul.f32 $2.000000030e-01, v56  }
0xfe: {  	[tilespmem:$0x1FF00] =	vst v2;
	v55 =	vor.u32 $0x1E, v19;
	v19 =	vor.u32 $0x7, v4;
	v2 =	vld.idx.msk [tilespmem:v2+s21+$0x0], $0xffff;
	v52 =	vadd.f32 v52, v16  }
0xff: {  	v23 =	vld.idx.msk [tilespmem:v21+s2+$0x0], $0xffff;
	v21 =	vor.u32 $0x8, v4;
	v8 =	vmul.f32 $2.000000030e-01, v0;
	v1 =	vmax.f32 v56, v1  }
0x100: {  	v25 =	vld.idx.msk [tilespmem:v25+s2+$0x0], $0xffff;
	v1 =	vmul.f32 v1, v30  }
0x101: {  	v28 =	vld.idx.msk [tilespmem:v28+s2+$0x0], $0xffff;
	v3 =	vadd.f32 v3, v26;
	v0 =	vmax.f32 v0, v8;
	v30 =	vmul.f32 $2.000000030e-01, v52  }
0x102: {  	[tilespmem:$0x1FF10] =	vst v6;
	v56 =	vld.idx.msk [tilespmem:v7+s21+$0x0], $0xffff;
	v0 =	vmul.f32 v0, v24;
	v24 =	vor.u32 $0x9, v4;
	v1 =	vadd.f32 $0.0e+00, v1  }
0x103: {  	[tilespmem:$0x1FF20] =	vst v7;
	v6 =	vld.idx.msk [tilespmem:v19+s21+$0x0], $0xffff;
	v2 =	vadd.f32 v2, v20;
	v30 =	vmax.f32 v52, v30;
	v52 =	vmul.f32 $2.000000030e-01, v3  }
0x104: {  	v5 =	vadd.f32 v5, v23;
	v7 =	vld.idx.msk [tilespmem:v21+s21+$0x0], $0xffff;
	v0 =	vadd.f32 v0, v1;
	v1 =	vmul.f32 v30, v27  }
0x105: {  	v30 =	vld.idx.msk [tilespmem:v33+s2+$0x0], $0xffff;
	v27 =	vor.u32 $0xA, v4;
	v3 =	vmax.f32 v3, v52;
	v52 =	vmul.f32 $2.000000030e-01, v2  }
0x106: {  	v41 =	vld.idx.msk [tilespmem:v41+s2+$0x0], $0xffff;
	v0 =	vadd.f32 v1, v0;
	v1 =	vmul.f32 v3, v29;
	v29 =	vor.u32 $0xB, v4  }
0x107: {  	v33 =	vld.idx.msk [tilespmem:v36+s2+$0x0], $0xffff;
	v2 =	vmax.f32 v2, v52;
	v3 =	vmul.f32 $2.000000030e-01, v5;
	v52 =	vadd.f32 v56, v25  }
0x108: {  	v56 =	vld.idx.msk [tilespmem:v24+s21+$0x0], $0xffff;
	v0 =	vadd.f32 v1, v0;
	v1 =	vmul.f32 v2, v32;
	v32 =	vor.u32 $0xC, v4  }
0x109: {  	v36 =	vld.idx.msk [tilespmem:v38+s2+$0x0], $0xffff;
	v2 =	vmax.f32 v5, v3;
	v3 =	vmul.f32 $2.000000030e-01, v52;
	v5 =	vadd.f32 v6, v28  }
0x10a: {  	v6 =	vld.idx.msk [tilespmem:v27+s21+$0x0], $0xffff;
	v7 =	vadd.f32 v7, v30;
	v0 =	vadd.f32 v1, v0;
	v1 =	vmul.f32 v2, v34  }
0x10b: {  	v38 =	vld.idx.msk [tilespmem:v40+s2+$0x0], $0xffff;
	v34 =	vor.u32 $0xD, v4;
	v2 =	vmax.f32 v52, v3;
	v3 =	vmul.f32 $2.000000030e-01, v5  }
0x10c: {  	v52 =	vld.idx.msk [tilespmem:v29+s21+$0x0], $0xffff;
	v0 =	vadd.f32 v1, v0;
	v1 =	vmul.f32 v2, v37;
	v37 =	vor.u32 $0xE, v4  }
0x10d: {  	v43 =	vld.idx.msk [tilespmem:v43+s2+$0x0], $0xffff;
	v2 =	vmax.f32 v5, v3;
	v3 =	vmul.f32 $2.000000030e-01, v7;
	v5 =	vadd.f32 v56, v33  }
0x10e: {  	v40 =	vor.u32 $0xF, v4;
	v56 =	vld.idx.msk [tilespmem:v32+s21+$0x0], $0xffff;
	v0 =	vadd.f32 v1, v0;
	v1 =	vmul.f32 v2, v10  }
0x10f: {  	v46 =	vld.idx.msk [tilespmem:v46+s2+$0x0], $0xffff;
	v2 =	vmax.f32 v7, v3;
	v3 =	vmul.f32 $2.000000030e-01, v5;
	v6 =	vadd.f32 v6, v36  }
0x110: {  	v7 =	vld.idx.msk [tilespmem:v34+s21+$0x0], $0xffff;
	v0 =	vadd.f32 v1, v0;
	v1 =	vmul.f32 v2, v42;
	v42 =	vor.u32 $0x10, v4  }
0x111: {  	v49 =	vld.idx.msk [tilespmem:v49+s2+$0x0], $0xffff;
	v2 =	vmax.f32 v5, v3;
	v3 =	vmul.f32 $2.000000030e-01, v6;
	v5 =	vadd.f32 v52, v38  }
0x112: {  	v10 =	vld.idx.msk [tilespmem:v37+s21+$0x0], $0xffff;
	v0 =	vadd.f32 v1, v0;
	v1 =	vmul.f32 v2, v45;
	v45 =	vor.u32 $0x11, v4  }
0x113: {  	v8 =	vld.idx.msk [tilespmem:v40+s21+$0x0], $0xffff;
	v2 =	vmax.f32 v6, v3;
	v3 =	vmul.f32 $2.000000030e-01, v5;
	v6 =	vadd.f32 v56, v41  }
0x114: {  	v52 =	vld.idx.msk [tilespmem:v47+s2+$0x0], $0xffff;
	v47 =	vor.u32 $0x12, v4;
	v0 =	vadd.f32 v1, v0;
	v1 =	vmul.f32 v2, v13  }
0x115: {  	v56 =	vld.idx.msk [tilespmem:v50+s2+$0x0], $0xffff;
	v2 =	vmax.f32 v5, v3;
	v3 =	vmul.f32 $2.000000030e-01, v6;
	v5 =	vadd.f32 v7, v43  }
0x116: {  	v50 =	vor.u32 $0x13, v4;
	v7 =	vld.idx.msk [tilespmem:v42+s21+$0x0], $0xffff;
	v0 =	vadd.f32 v1, v0;
	v1 =	vmul.f32 v2, v15  }
0x117: {  	v60 =	vld [tilespmem:$0x100E0];
	v2 =	vmax.f32 v6, v3;
	v3 =	vmul.f32 $2.000000030e-01, v5;
	v6 =	vadd.f32 v10, v46  }
0x118: {  	v13 =	vld.idx.msk [tilespmem:v45+s21+$0x0], $0xffff;
	v0 =	vadd.f32 v1, v0;
	v1 =	vmul.f32 v2, v54  }
0x119: {  	v59 =	vld.idx.msk [tilespmem:v59+s2+$0x0], $0xffff;
	v2 =	vmax.f32 v5, v3;
	v3 =	vmul.f32 $2.000000030e-01, v6;
	v5 =	vadd.f32 v8, v49  }
0x11a: {  	v8 =	vld.idx.msk [tilespmem:v47+s21+$0x0], $0xffff;
	v0 =	vadd.f32 v1, v0;
	v1 =	vmul.f32 v2, v57  }
0x11b: {  	v62 =	vld.idx.msk [tilespmem:v62+s2+$0x0], $0xffff;
	v2 =	vmax.f32 v6, v3;
	v3 =	vmul.f32 $2.000000030e-01, v5;
	v6 =	vadd.f32 v7, v52  }
0x11c: {  	v54 =	vor.u32 $0x14, v4;
	v7 =	vld.idx.msk [tilespmem:v50+s21+$0x0], $0xffff;
	v0 =	vadd.f32 v1, v0;
	v1 =	vmul.f32 v2, v60  }
0x11d: {  	v44 =	vld [tilespmem:$0x10110];
	v2 =	vmax.f32 v5, v3;
	v3 =	vmul.f32 $2.000000030e-01, v6;
	v5 =	vadd.f32 v13, v56  }
0x11e: {  	v35 =	vld [tilespmem:$0x10130];
	v57 =	vor.u32 $0x15, v4;
	v0 =	vadd.f32 v1, v0;
	v1 =	vmul.f32 v2, v53  }
0x11f: {  	v39 =	vld [tilespmem:$0x10120];
	v8 =	vadd.f32 v8, v59;
	v2 =	vmax.f32 v6, v3;
	v3 =	vmul.f32 $2.000000030e-01, v5  }
0x120: {  	[tilespmem:$0x1FEC0] =	vst v16;
	v16 =	vld.idx.msk [tilespmem:v9+s2+$0x0], $0xffff;
	v0 =	vadd.f32 v1, v0;
	v1 =	vmul.f32 v2, v48  }
0x121: {  	v13 =	vld.idx.msk [tilespmem:v54+s21+$0x0], $0xffff;
	v7 =	vadd.f32 v7, v62;
	v2 =	vmax.f32 v5, v3;
	v5 =	vmul.f32 $2.000000030e-01, v8  }
0x122: {  	v10 =	vld.idx.msk [tilespmem:v11+s2+$0x0], $0xffff;
	v0 =	vadd.f32 v1, v0;
	v1 =	vmul.f32 v2, v44  }
0x123: {  	v11 =	vld.idx.msk [tilespmem:v57+s21+$0x0], $0xffff;
	v2 =	vmax.f32 v8, v5;
	v5 =	vmul.f32 $2.000000030e-01, v7  }
0x124: {  	v0 =	vadd.f32 v1, v0;
	v1 =	vmul.f32 v2, v39  }
0x125: {  	v60 =	vor.u32 $0x16, v4;
	v5 =	vmax.f32 v7, v5  }
0x126: {  	v31 =	vld [tilespmem:$0x10140];
	v8 =	vadd.f32 v13, v16;
	v0 =	vadd.f32 v1, v0;
	v1 =	vmul.f32 v5, v35;
	_ =	sdelay $0x1  }
0x127: {  	v7 =	vmul.f32 $2.000000030e-01, v8;
	v11 =	vadd.f32 v11, v10;
	v0 =	vadd.f32 v1, v0;
	v1 =	vld [tilespmem:$0x1FE10]  }
0x128: {  	v9 =	vld.idx.msk [tilespmem:v12+s2+$0x0], $0xffff  }
0x129: {  	v12 =	vld.idx.msk [tilespmem:v60+s21+$0x0], $0xffff;
	v7 =	vmax.f32 v8, v7;
	v8 =	vmul.f32 $2.000000030e-01, v11  }
0x12a: {  	v53 =	vor.u32 $0x17, v4;
	v3 =	vld.idx.msk [tilespmem:v17+s2+$0x0], $0xffff;
	v17 =	vmul.f32 v7, v31  }
0x12b: {  	v8 =	vmax.f32 v11, v8  }
0x12c: {  	v0 =	vadd.f32 v17, v0;
	v17 =	vmul.f32 v8, v1  }
0x12d: {  	v6 =	vld.idx.msk [tilespmem:v14+s2+$0x0], $0xffff  }
0x12e: {  	v12 =	vadd.f32 v12, v9;
	v0 =	vadd.f32 v17, v0;
	v17 =	vld [tilespmem:$0x1FE20]  }
0x12f: {  	v13 =	vld.idx.msk [tilespmem:v53+s21+$0x0], $0xffff  }
0x130: {  	v2 =	vld.idx.msk [tilespmem:v22+s2+$0x0], $0xffff;
	v22 =	vmul.f32 $2.000000030e-01, v12;
	_ =	sdelay $0x1  }
0x131: {  	v48 =	vor.u32 $0x18, v4;
	v11 =	vmax.f32 v12, v22  }
0x132: {  	v11 =	vmul.f32 v11, v17  }
0x133: {  	v44 =	vor.u32 $0x19, v4  }
0x134: {  	v13 =	vadd.f32 v13, v6;
	v0 =	vadd.f32 v11, v0;
	v11 =	vld [tilespmem:$0x1FE30];
	_ =	sdelay $0x1  }
0x135: {  	v14 =	vld.idx.msk [tilespmem:v48+s21+$0x0], $0xffff;
	v22 =	vmul.f32 $2.000000030e-01, v13  }
0x136: {  	v35 =	vld.idx.msk [tilespmem:v18+s2+$0x0], $0xffff  }
0x137: {  	v15 =	vld.idx.msk [tilespmem:v44+s21+$0x0], $0xffff;
	v12 =	vmax.f32 v13, v22  }
0x138: {  	v11 =	vmul.f32 v12, v11  }
0x139: {  	v39 =	vor.u32 $0x1A, v4  }
0x13a: {  	v14 =	vadd.f32 v14, v3;
	v0 =	vadd.f32 v11, v0;
	v11 =	vld [tilespmem:$0x1FE40];
	_ =	sdelay $0x1  }
0x13b: {  	v51 =	vld [tilespmem:$0x10190];
	v13 =	vmul.f32 $2.000000030e-01, v14;
	v15 =	vadd.f32 v15, v35;
	_ =	sdelay $0x1  }
0x13c: {  	v18 =	vld.idx.msk [tilespmem:v39+s21+$0x0], $0xffff;
	v12 =	vmax.f32 v14, v13;
	v13 =	vmul.f32 $2.000000030e-01, v15  }
0x13d: {  	v11 =	vmul.f32 v12, v11  }
0x13e: {  	v5 =	vor.u32 $0x1B, v4;
	v12 =	vmax.f32 v15, v13  }
0x13f: {  	v12 =	vmul.f32 v12, v51;
	v11 =	vadd.f32 v11, v0;
	_ =	sdelay $0x1  }
0x140: {  	v14 =	vadd.f32 v18, v2;
	v11 =	vadd.f32 v12, v11;
	v12 =	vld [tilespmem:$0x1FE60]  }
0x141: {  	v63 =	vld.idx.msk [tilespmem:v63+s2+$0x0], $0xffff  }
0x142: {  	v1 =	vld.idx.msk [tilespmem:v5+s21+$0x0], $0xffff;
	v13 =	vmul.f32 $2.000000030e-01, v14;
	_ =	sdelay $0x1  }
0x143: {  	v7 =	vor.u32 $0x1C, v4;
	v13 =	vmax.f32 v14, v13  }
0x144: {  	v61 =	vld.idx.msk [tilespmem:v61+s2+$0x0], $0xffff;
	v12 =	vmul.f32 v13, v12  }
0x145: {  	v8 =	vor.u32 $0x1D, v4;
	v0 =	vld [tilespmem:$0x1FE50]  }
0x146: {  	v31 =	vor.u32 $0x1E, v4;
	v1 =	vadd.f32 v1, v63;
	v11 =	vadd.f32 v12, v11;
	v12 =	vld [tilespmem:$0x1FE70]  }
0x147: {  	v58 =	vld.idx.msk [tilespmem:v58+s2+$0x0], $0xffff;
	v17 =	vor.u32 $0x1F, v4  }
0x148: {  	v22 =	vld.idx.msk [tilespmem:v7+s21+$0x0], $0xffff;
	v14 =	vmul.f32 $2.000000030e-01, v1  }
0x149: {  	v55 =	vld.idx.msk [tilespmem:v55+s2+$0x0], $0xffff  }
0x14a: {  	v18 =	vld.idx.msk [tilespmem:v8+s21+$0x0], $0xffff;
	v1 =	vmax.f32 v1, v14  }
0x14b: {  	v15 =	vld.idx.msk [tilespmem:v31+s21+$0x0], $0xffff;
	v1 =	vmul.f32 v1, v12  }
0x14c: {  	v51 =	vld.idx.msk [tilespmem:v17+s21+$0x0], $0xffff  }
0x14d: {  	v22 =	vadd.f32 v22, v61;
	v1 =	vadd.f32 v1, v11;
	v11 =	vld [tilespmem:$0x1FE80]  }
0x14e: {  	v0 =	vld.idx.msk [tilespmem:v0+s2+$0x0], $0xffff  }
0x14f: {  	v14 =	vadd.f32 v18, v58;
	v18 =	vld [tilespmem:$0x101D0];
	v13 =	vmul.f32 $2.000000030e-01, v22;
	_ =	sdelay $0x1  }
0x150: {  	v15 =	vadd.f32 v15, v55;
	v12 =	vmax.f32 v22, v13;
	v13 =	vmul.f32 $2.000000030e-01, v14;
	v22 =	vld [tilespmem:$0x101E0]  }
0x151: {  	v11 =	vmul.f32 v12, v11  }
0x152: {  	v12 =	vmax.f32 v14, v13;
	v13 =	vmul.f32 $2.000000030e-01, v15;
	v14 =	vadd.f32 v51, v0;
	v51 =	vld [tilespmem:$0x101F0]  }
0x153: {  	v1 =	vadd.f32 v11, v1;
	v11 =	vmul.f32 v12, v18  }
0x154: {  	v12 =	vmax.f32 v15, v13;
	v13 =	vmul.f32 $2.000000030e-01, v14  }
0x155: {  	v1 =	vadd.f32 v11, v1;
	v11 =	vmul.f32 v12, v22  }
0x156: {  	v22 =	vmax.f32 v14, v13  }
0x157: {  	v14 =	vmul.f32 v22, v51;
	v1 =	vadd.f32 v11, v1;
	_ =	sdelay $0x1  }
0x158: {  	v1 =	vadd.f32 v14, v1;
	_ =	sdelay $0x1  }
0x159: {  	v1 =	vmul.f32 $1.442695020e+00, v1;
	_ =	sdelay $0x1  }
0x15a: {  	(erf) = vpow2.f32 v1;
	_ =	sdelay $0x1  }
0x15b: {  	v51 =	vld [tilespmem:$0x1FEB0];
	_ =	sdelay $0x2  }
0x15c: {  	v1 =	vld [tilespmem:$0x1FE90]  }
0x15d: {  	v22 =	vld [tilespmem:$0x1FEA0];
	_ =	sdelay $0x2  }
0x15e: {  	v14 =	vld [tilespmem:$0x1FED0];
	v11 =	vpop (erf)  }
0x15f: {  	v1 =	vmul.f32 v11, v1;
	[tilespmem:v51+s26+$0x0] =	vst.idx.add.f32.msk $0xffff, v11  }
0x160: {  	v12 =	vmul.f32 v11, v22;
	v22 =	vmul.f32 v11, v26;
	v26 =	vld [tilespmem:$0x1FEE0]  }
0x161: {  	v51 =	vld [tilespmem:$0x1FEF0]  }
0x162: {  	[tilespmem:v4+s28+$0x0] =	vst.idx.add.f32.msk $0xffff, v1  }
0x163: {  	v1 =	vld [tilespmem:$0x1FEC0];
	_ =	sdelay $0x4  }
0x164: {  	v1 =	vmul.f32 v11, v1  }
0x165: {  	[tilespmem:v14+s28+$0x0] =	vst.idx.add.f32.msk $0xffff, v12  }
0x166: {  	[tilespmem:v26+s28+$0x0] =	vst.idx.add.f32.msk $0xffff, v1  }
0x167: {  	[tilespmem:v51+s28+$0x0] =	vst.idx.add.f32.msk $0xffff, v22  }
0x168: {  	v22 =	vld [tilespmem:$0x1FF00]  }
0x169: {  	v1 =	vmul.f32 v11, v20;
	v20 =	vmul.f32 v11, v23;
	v23 =	vld [tilespmem:$0x1FF10]  }
0x16a: {  	v26 =	vld [tilespmem:$0x1FF20];
	_ =	sdelay $0x5  }
0x16b: {  	[tilespmem:v22+s28+$0x0] =	vst.idx.add.f32.msk $0xffff, v1;
	v1 =	vmul.f32 v11, v25  }
0x16c: {  	v25 =	vmul.f32 v11, v28;
	[tilespmem:v23+s28+$0x0] =	vst.idx.add.f32.msk $0xffff, v20  }
0x16d: {  	[tilespmem:v26+s28+$0x0] =	vst.idx.add.f32.msk $0xffff, v1;
	v1 =	vmul.f32 v11, v30  }
0x16e: {  	v33 =	vmul.f32 v11, v33;
	[tilespmem:v19+s28+$0x0] =	vst.idx.add.f32.msk $0xffff, v25  }
0x16f: {  	[tilespmem:v21+s28+$0x0] =	vst.idx.add.f32.msk $0xffff, v1;
	v1 =	vmul.f32 v11, v36  }
0x170: {  	v38 =	vmul.f32 v11, v38;
	[tilespmem:v24+s28+$0x0] =	vst.idx.add.f32.msk $0xffff, v33  }
0x171: {  	[tilespmem:v27+s28+$0x0] =	vst.idx.add.f32.msk $0xffff, v1;
	v1 =	vmul.f32 v11, v41  }
0x172: {  	v43 =	vmul.f32 v11, v43;
	[tilespmem:v29+s28+$0x0] =	vst.idx.add.f32.msk $0xffff, v38  }
0x173: {  	[tilespmem:v32+s28+$0x0] =	vst.idx.add.f32.msk $0xffff, v1;
	v1 =	vmul.f32 v11, v46  }
0x174: {  	v51 =	vmul.f32 v11, v49;
	[tilespmem:v34+s28+$0x0] =	vst.idx.add.f32.msk $0xffff, v43  }
0x175: {  	[tilespmem:v37+s28+$0x0] =	vst.idx.add.f32.msk $0xffff, v1;
	v1 =	vmul.f32 v11, v52  }
0x176: {  	v52 =	vmul.f32 v11, v56;
	[tilespmem:v40+s28+$0x0] =	vst.idx.add.f32.msk $0xffff, v51  }
0x177: {  	[tilespmem:v42+s28+$0x0] =	vst.idx.add.f32.msk $0xffff, v1;
	v1 =	vmul.f32 v11, v59  }
0x178: {  	v56 =	vmul.f32 v11, v62;
	[tilespmem:v45+s28+$0x0] =	vst.idx.add.f32.msk $0xffff, v52  }
0x179: {  	[tilespmem:v47+s28+$0x0] =	vst.idx.add.f32.msk $0xffff, v1;
	v1 =	vmul.f32 v11, v16  }
0x17a: {  	v59 =	vmul.f32 v11, v10;
	[tilespmem:v50+s28+$0x0] =	vst.idx.add.f32.msk $0xffff, v56  }
0x17b: {  	[tilespmem:v54+s28+$0x0] =	vst.idx.add.f32.msk $0xffff, v1;
	v1 =	vmul.f32 v11, v9  }
0x17c: {  	v62 =	vmul.f32 v11, v6;
	[tilespmem:v57+s28+$0x0] =	vst.idx.add.f32.msk $0xffff, v59  }
0x17d: {  	[tilespmem:v60+s28+$0x0] =	vst.idx.add.f32.msk $0xffff, v1;
	v1 =	vmul.f32 v11, v3  }
0x17e: {  	v3 =	vmul.f32 v11, v35;
	[tilespmem:v53+s28+$0x0] =	vst.idx.add.f32.msk $0xffff, v62  }
0x17f: {  	p0 =	sne.s32 s30, $0x7FC0;
	[tilespmem:v48+s28+$0x0] =	vst.idx.add.f32.msk $0xffff, v1;
	v1 =	vmul.f32 v11, v2  }
.Ltmp2:
0x180: {  	v2 =	vmul.f32 v11, v63;
	[tilespmem:v44+s28+$0x0] =	vst.idx.add.f32.msk $0xffff, v3;
	(pc) =	sbr.rel @p0 .LBB2_6-.Ltmp2, $4  }
0x181: {  	[tilespmem:v39+s28+$0x0] =	vst.idx.add.f32.msk $0xffff, v1;
	v1 =	vmul.f32 v11, v61  }
0x182: {  	[tilespmem:v5+s28+$0x0] =	vst.idx.add.f32.msk $0xffff, v2;
	v2 =	vmul.f32 v11, v58  }
0x183: {  	[tilespmem:v7+s28+$0x0] =	vst.idx.add.f32.msk $0xffff, v1  }
0x184: {  	s30 =	sadd.s32 $0x40, s30;
	v0 =	vmul.f32 v11, v0;
	v1 =	vmul.f32 v11, v55;
	[tilespmem:v8+s28+$0x0] =	vst.idx.add.f32.msk $0xffff, v2  }
0x185: {  	_ =	sdelay $0x3  }
0x186: {  	[tilespmem:v31+s28+$0x0] =	vst.idx.add.f32.msk $0xffff, v1  }
0x187: {  	s30 =	simm.s32 $0x0;
	[tilespmem:v17+s28+$0x0] =	vst.idx.add.f32.msk $0xffff, v0  }
0x188: {  	[tilespmem:s24], [sflag:$0x1] =	stream.linear.gather [hbm4b:s8+s30], $0x2000, $0x38;
	[tilespmem:$0x1C600] =	vst v63  }
0x189: {  	_ =	swait.ge [sflag:s20], $0x2000  }
0x18a: {  	[sflag:s20] =	ssyncset.done $0x0  }
0x18b: {  	[sflag:s20] =	ssyncadd.s32 $0xFFFFE000  }
0x18c: {  	[tilespmem:s25], [sflag:$0x1] =	stream.linear.gather [hbm4b:s9+s30], $0x2000, $0x38;
	[tilespmem:$0x1C600] =	vst v63  }
0x18d: {  	_ =	swait.ge [sflag:s20], $0x2000  }
0x18e: {  	[sflag:s20] =	ssyncset.done $0x0  }
0x18f: {  	[sflag:s20] =	ssyncadd.s32 $0xFFFFE000  }
0x190: {  	v10 =	vld [tilespmem:$0x10120]  }
0x191: {  	v17 =	vld [tilespmem:$0x10100]  }
0x192: {  	v46 =	vld [tilespmem:$0x100F0]  }
0x193: {  	v3 =	vld [tilespmem:$0x100E0]  }
0x194: {  	v52 =	vld [tilespmem:$0x100D0]  }
0x195: {  	v49 =	vld [tilespmem:$0x100C0]  }
0x196: {  	v48 =	vld [tilespmem:$0x100B0]  }
0x197: {  	v43 =	vld [tilespmem:$0x100A0]  }
0x198: {  	v40 =	vld [tilespmem:$0x10090]  }
0x199: {  	s30 =	simm.s32 $0x0;
	v38 =	vld [tilespmem:$0x10080]  }
0x19a: {  	v2 =	vld [tilespmem:s30+$0x10200]  }
0x19b: {  	v0 =	vld [tilespmem:s30+$0x12200]  }
0x19c: {  	v37 =	vld [tilespmem:$0x10070]  }
0x19d: {  	v36 =	vld [tilespmem:$0x10060]  }
0x19e: {  	v34 =	vld [tilespmem:$0x10050]  }
0x19f: {  	v32 =	vld [tilespmem:$0x10040];
	v22 =	vshll.u32 v2, $0x5  }
0x1a0: {  	v30 =	vld [tilespmem:$0x10030];
	v2 =	vshll.u32 v0, $0x5  }
0x1a1: {  	v28 =	vld [tilespmem:$0x10020];
	[tilespmem:$0x1FD50] =	vst v0;
	v0 =	vor.u32 $0x1, v2  }
0x1a2: {  	v26 =	vld [tilespmem:$0x10010];
	v6 =	vor.u32 $0x1, v22  }
0x1a3: {  	v24 =	vld [tilespmem:$0x10000];
	v8 =	vor.u32 $0x2, v22  }
0x1a4: {  	v1 =	vor.u32 $0x2, v2;
	v5 =	vld.idx.msk [tilespmem:v22+s2+$0x0], $0xffff  }
0x1a5: {  	v9 =	vor.u32 $0x3, v22;
	v16 =	vld.idx.msk [tilespmem:v2+s21+$0x0], $0xffff  }
0x1a6: {  	v12 =	vor.u32 $0x4, v22;
	v19 =	vld.idx.msk [tilespmem:v0+s21+$0x0], $0xffff  }
0x1a7: {  	v4 =	vor.u32 $0x4, v2;
	v7 =	vld.idx.msk [tilespmem:v6+s2+$0x0], $0xffff  }
0x1a8: {  	v15 =	vor.u32 $0x5, v22;
	v61 =	vld.idx.msk [tilespmem:v8+s2+$0x0], $0xffff  }
0x1a9: {  	v18 =	vor.u32 $0x6, v22;
	v21 =	vld.idx.msk [tilespmem:v1+s21+$0x0], $0xffff  }
0x1aa: {  	v20 =	vor.u32 $0x7, v22;
	v62 =	vld.idx.msk [tilespmem:v9+s2+$0x0], $0xffff  }
0x1ab: {  	v63 =	vor.u32 $0x7, v2;
	v9 =	vld.idx.msk [tilespmem:v12+s2+$0x0], $0xffff  }
0x1ac: {  	[tilespmem:$0x1FD80] =	vst v0;
	v0 =	vor.u32 $0x3, v2;
	v27 =	vld.idx.msk [tilespmem:v4+s21+$0x0], $0xffff  }
0x1ad: {  	v23 =	vor.u32 $0x8, v22;
	v15 =	vld.idx.msk [tilespmem:v15+s2+$0x0], $0xffff  }
0x1ae: {  	v29 =	vor.u32 $0x9, v22;
	[tilespmem:$0x1FDA0] =	vst v1;
	v1 =	vor.u32 $0x5, v2;
	v18 =	vld.idx.msk [tilespmem:v18+s2+$0x0], $0xffff  }
0x1af: {  	v31 =	vor.u32 $0xA, v22;
	v39 =	vor.u32 $0xB, v22;
	v41 =	vor.u32 $0xC, v22;
	v20 =	vld.idx.msk [tilespmem:v20+s2+$0x0], $0xffff  }
0x1b0: {  	v42 =	vor.u32 $0xD, v22;
	v11 =	vld.idx.msk [tilespmem:v63+s21+$0x0], $0xffff;
	v33 =	vadd.f32 v16, v5;
	v16 =	vor.u32 $0x8, v2  }
0x1b1: {  	v44 =	vor.u32 $0xE, v22;
	v50 =	vor.u32 $0xF, v22;
	[tilespmem:$0x1FDC0] =	vst v0;
	v25 =	vld.idx.msk [tilespmem:v0+s21+$0x0], $0xffff;
	v0 =	vor.u32 $0x6, v2  }
0x1b2: {  	v23 =	vld.idx.msk [tilespmem:v23+s2+$0x0], $0xffff;
	v53 =	vadd.f32 v19, v7;
	v57 =	vadd.f32 v21, v61;
	v45 =	vmul.f32 $2.000000030e-01, v33  }
0x1b3: {  	v54 =	vor.u32 $0x10, v22;
	v55 =	vor.u32 $0x11, v22;
	v35 =	vld.idx.msk [tilespmem:v1+s21+$0x0], $0xffff;
	v19 =	vor.u32 $0x9, v2  }
0x1b4: {  	v51 =	vld.idx.msk [tilespmem:v41+s2+$0x0], $0xffff;
	v56 =	vmul.f32 $2.000000030e-01, v53;
	v12 =	vmul.f32 $2.000000030e-01, v57;
	v33 =	vmax.f32 v33, v45  }
0x1b5: {  	[tilespmem:$0x1FE00] =	vst v63;
	v21 =	vor.u32 $0xA, v2;
	v45 =	vadd.f32 v11, v20;
	v33 =	vmul.f32 v33, v24;
	v60 =	vld.idx.msk [tilespmem:v16+s21+$0x0], $0xffff  }
0x1b6: {  	[tilespmem:$0x1FD90] =	vst v62;
	v53 =	vmax.f32 v53, v56;
	v24 =	vor.u32 $0xB, v2;
	v56 =	vmax.f32 v57, v12;
	v47 =	vld.idx.msk [tilespmem:v0+s21+$0x0], $0xffff  }
0x1b7: {  	v59 =	vadd.f32 v25, v62;
	v25 =	vld.idx.msk [tilespmem:v29+s2+$0x0], $0xffff;
	v13 =	vmul.f32 v53, v26;
	v62 =	vadd.f32 v27, v9  }
0x1b8: {  	[tilespmem:$0x1FD70] =	vst v61;
	v61 =	vld.idx.msk [tilespmem:v19+s21+$0x0], $0xffff;
	v26 =	vor.u32 $0xC, v2;
	v63 =	vmul.f32 v56, v28;
	v35 =	vadd.f32 v35, v15  }
0x1b9: {  	v27 =	vld.idx.msk [tilespmem:v31+s2+$0x0], $0xffff;
	v28 =	vor.u32 $0xD, v2;
	v29 =	vadd.f32 $0.0e+00, v33;
	v14 =	vmul.f32 $2.000000030e-01, v59  }
0x1ba: {  	v58 =	vor.u32 $0x12, v22;
	[tilespmem:$0x1FDD0] =	vst v4;
	v56 =	vld.idx.msk [tilespmem:v21+s21+$0x0], $0xffff;
	v12 =	vmul.f32 $2.000000030e-01, v45;
	v4 =	vmul.f32 $2.000000030e-01, v62  }
0x1bb: {  	[tilespmem:$0x1FD40] =	vst v5;
	v6 =	vmul.f32 $2.000000030e-01, v35;
	v31 =	vadd.f32 v13, v29;
	v29 =	vld.idx.msk [tilespmem:v39+s2+$0x0], $0xffff;
	v53 =	vmax.f32 v59, v14  }
0x1bc: {  	[tilespmem:$0x1FDF0] =	vst v0;
	v0 =	vor.u32 $0x17, v22;
	v45 =	vmax.f32 v45, v12;
	v5 =	vmul.f32 v53, v30;
	v53 =	vld.idx.msk [tilespmem:v24+s21+$0x0], $0xffff  }
0x1bd: {  	v57 =	vmax.f32 v62, v4;
	v35 =	vmax.f32 v35, v6;
	v47 =	vadd.f32 v47, v18;
	v62 =	vld.idx.msk [tilespmem:v26+s21+$0x0], $0xffff  }
0x1be: {  	[tilespmem:$0x1FD60] =	vst v7;
	v33 =	vadd.f32 v63, v31;
	v30 =	vor.u32 $0xE, v2;
	v7 =	vmul.f32 v57, v32;
	v57 =	vld.idx.msk [tilespmem:v28+s21+$0x0], $0xffff  }
0x1bf: {  	[tilespmem:$0x1FDB0] =	vst v9;
	v13 =	vadd.f32 v60, v23;
	v9 =	vmul.f32 v35, v34;
	v35 =	vld.idx.msk [tilespmem:v44+s2+$0x0], $0xffff;
	v8 =	vmul.f32 $2.000000030e-01, v47  }
0x1c0: {  	v32 =	vor.u32 $0xF, v2;
	v34 =	vor.u32 $0x10, v2;
	v39 =	vadd.f32 v5, v33;
	v33 =	vld.idx.msk [tilespmem:v42+s2+$0x0], $0xffff  }
0x1c1: {  	v56 =	vadd.f32 v56, v27;
	v11 =	vmax.f32 v47, v8;
	v8 =	vmul.f32 v45, v37;
	v37 =	vld.idx.msk [tilespmem:v54+s2+$0x0], $0xffff  }
0x1c2: {  	[tilespmem:$0x1FDE0] =	vst v1;
	v1 =	vor.u32 $0x18, v22;
	v14 =	vor.u32 $0x13, v22;
	v63 =	vor.u32 $0x16, v22;
	v45 =	vld.idx.msk [tilespmem:v0+s2+$0x0], $0xffff  }
0x1c3: {  	v6 =	vmul.f32 $2.000000030e-01, v13;
	v12 =	vmul.f32 $2.000000030e-01, v56;
	v39 =	vadd.f32 v7, v39;
	v60 =	vld.idx.msk [tilespmem:v30+s21+$0x0], $0xffff  }
0x1c4: {  	v5 =	vor.u32 $0x14, v22;
	v7 =	vadd.f32 v61, v25;
	v4 =	vmul.f32 v11, v36;
	v36 =	vld.idx.msk [tilespmem:v50+s2+$0x0], $0xffff  }
0x1c5: {  	v47 =	vmax.f32 v13, v6;
	v13 =	vmax.f32 v56, v12;
	v61 =	vld.idx.msk [tilespmem:v32+s21+$0x0], $0xffff;
	v39 =	vadd.f32 v9, v39  }
0x1c6: {  	v6 =	vor.u32 $0x1A, v22;
	v0 =	vor.u32 $0x1B, v22;
	v54 =	vor.u32 $0x13, v2;
	v59 =	vld.idx.msk [tilespmem:v34+s21+$0x0], $0xffff  }
0x1c7: {  	v47 =	vmul.f32 v47, v38;
	v38 =	vld.idx.msk [tilespmem:v55+s2+$0x0], $0xffff;
	v11 =	vmul.f32 $2.000000030e-01, v7;
	v39 =	vadd.f32 v4, v39  }
0x1c8: {  	v12 =	vor.u32 $0x1C, v22;
	v53 =	vadd.f32 v53, v29;
	v44 =	vld.idx.msk [tilespmem:v63+s2+$0x0], $0xffff;
	v9 =	vor.u32 $0x15, v22  }
0x1c9: {  	v55 =	vor.u32 $0x19, v22;
	v42 =	vld.idx.msk [tilespmem:v5+s2+$0x0], $0xffff;
	v50 =	vmax.f32 v7, v11;
	v41 =	vadd.f32 v8, v39  }
0x1ca: {  	v57 =	vadd.f32 v57, v33;
	v4 =	vadd.f32 v62, v51;
	v50 =	vmul.f32 v50, v40;
	v40 =	vld.idx.msk [tilespmem:v14+s2+$0x0], $0xffff  }
0x1cb: {  	v5 =	vmul.f32 v13, v43;
	v14 =	vmul.f32 $2.000000030e-01, v53;
	v63 =	vld.idx.msk [tilespmem:v54+s21+$0x0], $0xffff;
	v47 =	vadd.f32 v47, v41  }
0x1cc: {  	v7 =	vmul.f32 $2.000000030e-01, v57;
	v39 =	vld.idx.msk [tilespmem:v58+s2+$0x0], $0xffff;
	v11 =	vmul.f32 $2.000000030e-01, v4;
	v41 =	vor.u32 $0x11, v2  }
0x1cd: {  	v8 =	vadd.f32 v60, v35;
	v43 =	vld.idx.msk [tilespmem:v9+s2+$0x0], $0xffff;
	v53 =	vmax.f32 v53, v14;
	v50 =	vadd.f32 v50, v47  }
0x1ce: {  	v13 =	vmax.f32 v57, v7;
	v53 =	vmul.f32 v53, v48;
	v48 =	vld.idx.msk [tilespmem:v1+s2+$0x0], $0xffff;
	v47 =	vor.u32 $0x12, v2  }
0x1cf: {  	v1 =	vmax.f32 v4, v11;
	v4 =	vmul.f32 v13, v52;
	v52 =	vld.idx.msk [tilespmem:v0+s2+$0x0], $0xffff;
	v50 =	vadd.f32 v5, v50  }
0x1d0: {  	v61 =	vadd.f32 v61, v36;
	v14 =	vmul.f32 $2.000000030e-01, v8;
	v1 =	vmul.f32 v1, v49;
	v49 =	vld.idx.msk [tilespmem:v55+s2+$0x0], $0xffff  }
0x1d1: {  	v56 =	vor.u32 $0x14, v2;
	v9 =	vld.idx.msk [tilespmem:v41+s21+$0x0], $0xffff;
	v53 =	vadd.f32 v53, v50  }
0x1d2: {  	v11 =	vor.u32 $0x1D, v22;
	v57 =	vmax.f32 v8, v14;
	v8 =	vmul.f32 $2.000000030e-01, v61;
	v50 =	vld.idx.msk [tilespmem:v6+s2+$0x0], $0xffff  }
0x1d3: {  	v5 =	vor.u32 $0x1E, v22;
	v6 =	vld.idx.msk [tilespmem:v47+s21+$0x0], $0xffff;
	v1 =	vadd.f32 v1, v53  }
0x1d4: {  	v7 =	vadd.f32 v59, v37;
	v13 =	vor.u32 $0x18, v2;
	v14 =	vld.idx.msk [tilespmem:v12+s2+$0x0], $0xffff;
	v59 =	vmax.f32 v61, v8  }
0x1d5: {  	v61 =	vld [tilespmem:$0x10110];
	v0 =	vadd.f32 v4, v1;
	v1 =	vmul.f32 v57, v3;
	v57 =	vor.u32 $0x15, v2  }
0x1d6: {  	v59 =	vmul.f32 v59, v46;
	v60 =	vadd.f32 v9, v38;
	v4 =	vld.idx.msk [tilespmem:v56+s21+$0x0], $0xffff  }
0x1d7: {  	v46 =	vor.u32 $0x16, v2;
	v53 =	vld.idx.msk [tilespmem:v11+s2+$0x0], $0xffff;
	v0 =	vadd.f32 v1, v0;
	v1 =	vmul.f32 $2.000000030e-01, v7  }
0x1d8: {  	v58 =	vor.u32 $0x17, v2;
	v55 =	vld.idx.msk [tilespmem:v5+s2+$0x0], $0xffff;
	v62 =	vadd.f32 v6, v39;
	v9 =	vmul.f32 $2.000000030e-01, v60  }
0x1d9: {  	v63 =	vadd.f32 v63, v40;
	v5 =	vld.idx.msk [tilespmem:v13+s21+$0x0], $0xffff;
	v1 =	vmax.f32 v7, v1;
	v3 =	vadd.f32 v59, v0  }
0x1da: {  	v0 =	vmul.f32 $2.000000030e-01, v62;
	v59 =	vmax.f32 v60, v9;
	v11 =	vld.idx.msk [tilespmem:v57+s21+$0x0], $0xffff;
	v17 =	vmul.f32 v1, v17  }
0x1db: {  	v22 =	vor.u32 $0x1F, v22;
	v60 =	vld [tilespmem:$0x10130];
	v59 =	vmul.f32 v59, v61;
	v4 =	vadd.f32 v4, v42  }
0x1dc: {  	v1 =	vmax.f32 v62, v0;
	v62 =	vld.idx.msk [tilespmem:v46+s21+$0x0], $0xffff;
	v0 =	vmul.f32 $2.000000030e-01, v63;
	v17 =	vadd.f32 v17, v3  }
0x1dd: {  	v12 =	vor.u32 $0x19, v2;
	v61 =	vld [tilespmem:$0x10140];
	v1 =	vmul.f32 v1, v10  }
0x1de: {  	v3 =	vld.idx.msk [tilespmem:v58+s21+$0x0], $0xffff;
	v0 =	vmax.f32 v63, v0;
	v63 =	vmul.f32 $2.000000030e-01, v4;
	v17 =	vadd.f32 v59, v17  }
0x1df: {  	v6 =	vld [tilespmem:$0x10150];
	v10 =	vor.u32 $0x1A, v2;
	v59 =	vadd.f32 v11, v43  }
0x1e0: {  	v7 =	vld [tilespmem:$0x10160];
	v4 =	vmax.f32 v4, v63;
	v1 =	vadd.f32 v1, v17;
	v17 =	vmul.f32 v0, v60  }
0x1e1: {  	v11 =	vld.idx.msk [tilespmem:v22+s2+$0x0], $0xffff;
	v60 =	vadd.f32 v62, v44;
	v62 =	vor.u32 $0x1B, v2;
	v9 =	vmul.f32 $2.000000030e-01, v59  }
0x1e2: {  	v22 =	vld.idx.msk [tilespmem:v12+s21+$0x0], $0xffff;
	v63 =	vor.u32 $0x1C, v2;
	v4 =	vmul.f32 v4, v61;
	v1 =	vadd.f32 v17, v1  }
0x1e3: {  	v3 =	vadd.f32 v3, v45;
	v61 =	vmul.f32 $2.000000030e-01, v60;
	v17 =	vmax.f32 v59, v9;
	v59 =	vld [tilespmem:$0x10170]  }
0x1e4: {  	v5 =	vadd.f32 v5, v48;
	v1 =	vadd.f32 v4, v1;
	v9 =	vmul.f32 v17, v6;
	v6 =	vld.idx.msk [tilespmem:v10+s21+$0x0], $0xffff  }
0x1e5: {  	v0 =	vmul.f32 $2.000000030e-01, v3;
	v17 =	vmax.f32 v60, v61;
	v60 =	vld [tilespmem:$0x10180];
	v61 =	vor.u32 $0x1D, v2  }
0x1e6: {  	v4 =	vmul.f32 v17, v7;
	v17 =	vmul.f32 $2.000000030e-01, v5;
	v1 =	vadd.f32 v9, v1;
	v9 =	vld.idx.msk [tilespmem:v62+s21+$0x0], $0xffff  }
0x1e7: {  	v31 =	vor.u32 $0x1E, v2;
	v8 =	vld [tilespmem:$0x10190];
	v0 =	vmax.f32 v3, v0;
	v3 =	vadd.f32 v22, v49  }
0x1e8: {  	v22 =	vmax.f32 v5, v17;
	v5 =	vld.idx.msk [tilespmem:v63+s21+$0x0], $0xffff;
	v7 =	vadd.f32 v4, v1;
	v1 =	vmul.f32 v0, v59  }
0x1e9: {  	v17 =	vor.u32 $0x1F, v2;
	v59 =	vld [tilespmem:$0x101A0];
	v0 =	vmul.f32 $2.000000030e-01, v3;
	v6 =	vadd.f32 v6, v50  }
0x1ea: {  	v4 =	vmul.f32 v22, v60;
	v1 =	vadd.f32 v1, v7;
	v7 =	vld.idx.msk [tilespmem:v61+s21+$0x0], $0xffff  }
0x1eb: {  	v0 =	vmax.f32 v3, v0;
	v3 =	vadd.f32 v9, v52;
	v9 =	vld [tilespmem:$0x101B0];
	v22 =	vmul.f32 $2.000000030e-01, v6  }
0x1ec: {  	v0 =	vmul.f32 v0, v8;
	v1 =	vadd.f32 v4, v1;
	v4 =	vld.idx.msk [tilespmem:v31+s21+$0x0], $0xffff  }
0x1ed: {  	v8 =	vld [tilespmem:$0x101C0];
	v5 =	vadd.f32 v5, v14;
	v6 =	vmax.f32 v6, v22;
	v22 =	vmul.f32 $2.000000030e-01, v3  }
0x1ee: {  	v0 =	vadd.f32 v0, v1;
	v1 =	vmul.f32 v6, v59;
	v6 =	vld.idx.msk [tilespmem:v17+s21+$0x0], $0xffff  }
0x1ef: {  	v60 =	vld [tilespmem:$0x101D0];
	v3 =	vmax.f32 v3, v22;
	v7 =	vadd.f32 v7, v53;
	v22 =	vmul.f32 $2.000000030e-01, v5  }
0x1f0: {  	v0 =	vadd.f32 v1, v0;
	v1 =	vmul.f32 v3, v9  }
0x1f1: {  	v9 =	vld [tilespmem:$0x101E0];
	v3 =	vmax.f32 v5, v22;
	v4 =	vadd.f32 v4, v55;
	v59 =	vmul.f32 $2.000000030e-01, v7  }
0x1f2: {  	v0 =	vadd.f32 v1, v0;
	v1 =	vmul.f32 v3, v8  }
0x1f3: {  	v3 =	vmax.f32 v7, v59;
	v5 =	vadd.f32 v6, v11;
	v22 =	vmul.f32 $2.000000030e-01, v4;
	v59 =	vld [tilespmem:$0x101F0]  }
0x1f4: {  	v0 =	vadd.f32 v1, v0;
	v1 =	vmul.f32 v3, v60  }
0x1f5: {  	v3 =	vmax.f32 v4, v22;
	v60 =	vmul.f32 $2.000000030e-01, v5  }
0x1f6: {  	v0 =	vadd.f32 v1, v0;
	v1 =	vmul.f32 v3, v9  }
0x1f7: {  	v3 =	vmax.f32 v5, v60  }
0x1f8: {  	v0 =	vadd.f32 v1, v0;
	v1 =	vmul.f32 v3, v59;
	_ =	sdelay $0x1  }
0x1f9: {  	v0 =	vadd.f32 v1, v0;
	_ =	sdelay $0x1  }
0x1fa: {  	v0 =	vmul.f32 $1.442695020e+00, v0;
	_ =	sdelay $0x1  }
0x1fb: {  	(erf) = vpow2.f32 v0;
	_ =	sdelay $0x2  }
0x1fc: {  	v3 =	vld [tilespmem:$0x1FD50];
	_ =	sdelay $0x1  }
0x1fd: {  	v1 =	vld [tilespmem:$0x1FD40];
	_ =	sdelay $0x3  }
0x1fe: {  	v0 =	vpop (erf)  }
0x1ff: {  	v1 =	vmul.f32 v0, v1  }
0x200: {  	[tilespmem:v3+s26+$0x0] =	vst.idx.add.f32.msk $0xffff, v0  }
0x201: {  	[tilespmem:v2+s28+$0x0] =	vst.idx.add.f32.msk $0xffff, v1  }
0x202: {  	v2 =	vld [tilespmem:$0x1FD80]  }
0x203: {  	v3 =	vld [tilespmem:$0x1FD60];
	_ =	sdelay $0x4  }
0x204: {  	v3 =	vmul.f32 v0, v3;
	_ =	sdelay $0x1  }
0x205: {  	[tilespmem:v2+s28+$0x0] =	vst.idx.add.f32.msk $0xffff, v3  }
0x206: {  	v3 =	vld [tilespmem:$0x1FDA0]  }
0x207: {  	v1 =	vld [tilespmem:$0x1FD70];
	_ =	sdelay $0x4  }
0x208: {  	v1 =	vmul.f32 v0, v1;
	_ =	sdelay $0x1  }
0x209: {  	[tilespmem:v3+s28+$0x0] =	vst.idx.add.f32.msk $0xffff, v1  }
0x20a: {  	v3 =	vld [tilespmem:$0x1FDC0]  }
0x20b: {  	v2 =	vld [tilespmem:$0x1FD90];
	_ =	sdelay $0x4  }
0x20c: {  	v2 =	vmul.f32 v0, v2;
	_ =	sdelay $0x1  }
0x20d: {  	[tilespmem:v3+s28+$0x0] =	vst.idx.add.f32.msk $0xffff, v2  }
0x20e: {  	v3 =	vld [tilespmem:$0x1FDD0]  }
0x20f: {  	v1 =	vld [tilespmem:$0x1FDB0];
	_ =	sdelay $0x4  }
0x210: {  	v1 =	vmul.f32 v0, v1;
	_ =	sdelay $0x1  }
0x211: {  	[tilespmem:v3+s28+$0x0] =	vst.idx.add.f32.msk $0xffff, v1  }
0x212: {  	v3 =	vld [tilespmem:$0x1FDE0];
	_ =	sdelay $0x5  }
0x213: {  	v2 =	vmul.f32 v0, v15;
	_ =	sdelay $0x1  }
0x214: {  	[tilespmem:v3+s28+$0x0] =	vst.idx.add.f32.msk $0xffff, v2  }
0x215: {  	v3 =	vld [tilespmem:$0x1FDF0];
	_ =	sdelay $0x5  }
0x216: {  	v1 =	vmul.f32 v0, v18;
	_ =	sdelay $0x1  }
0x217: {  	[tilespmem:v3+s28+$0x0] =	vst.idx.add.f32.msk $0xffff, v1  }
0x218: {  	v3 =	vld [tilespmem:$0x1FE00];
	_ =	sdelay $0x5  }
0x219: {  	v2 =	vmul.f32 v0, v20  }
0x21a: {  	v1 =	vmul.f32 v0, v23  }
0x21b: {  	[tilespmem:v3+s28+$0x0] =	vst.idx.add.f32.msk $0xffff, v2;
	v2 =	vmul.f32 v0, v25  }
0x21c: {  	[tilespmem:v16+s28+$0x0] =	vst.idx.add.f32.msk $0xffff, v1;
	v1 =	vmul.f32 v0, v27  }
0x21d: {  	[tilespmem:v19+s28+$0x0] =	vst.idx.add.f32.msk $0xffff, v2;
	v2 =	vmul.f32 v0, v29  }
0x21e: {  	[tilespmem:v21+s28+$0x0] =	vst.idx.add.f32.msk $0xffff, v1;
	v1 =	vmul.f32 v0, v51  }
0x21f: {  	[tilespmem:v24+s28+$0x0] =	vst.idx.add.f32.msk $0xffff, v2;
	v2 =	vmul.f32 v0, v33  }
0x220: {  	[tilespmem:v26+s28+$0x0] =	vst.idx.add.f32.msk $0xffff, v1;
	v1 =	vmul.f32 v0, v35  }
0x221: {  	[tilespmem:v28+s28+$0x0] =	vst.idx.add.f32.msk $0xffff, v2;
	v2 =	vmul.f32 v0, v36  }
0x222: {  	[tilespmem:v30+s28+$0x0] =	vst.idx.add.f32.msk $0xffff, v1;
	v1 =	vmul.f32 v0, v37  }
0x223: {  	[tilespmem:v32+s28+$0x0] =	vst.idx.add.f32.msk $0xffff, v2;
	v2 =	vmul.f32 v0, v38  }
0x224: {  	[tilespmem:v34+s28+$0x0] =	vst.idx.add.f32.msk $0xffff, v1;
	v1 =	vmul.f32 v0, v39  }
0x225: {  	[tilespmem:v41+s28+$0x0] =	vst.idx.add.f32.msk $0xffff, v2;
	v2 =	vmul.f32 v0, v40  }
0x226: {  	[tilespmem:v47+s28+$0x0] =	vst.idx.add.f32.msk $0xffff, v1;
	v1 =	vmul.f32 v0, v42  }
0x227: {  	[tilespmem:v54+s28+$0x0] =	vst.idx.add.f32.msk $0xffff, v2;
	v2 =	vmul.f32 v0, v43  }
0x228: {  	[tilespmem:v56+s28+$0x0] =	vst.idx.add.f32.msk $0xffff, v1;
	v1 =	vmul.f32 v0, v44  }
0x229: {  	[tilespmem:v57+s28+$0x0] =	vst.idx.add.f32.msk $0xffff, v2;
	v2 =	vmul.f32 v0, v45  }
0x22a: {  	[tilespmem:v46+s28+$0x0] =	vst.idx.add.f32.msk $0xffff, v1;
	v1 =	vmul.f32 v0, v48  }
0x22b: {  	[tilespmem:v58+s28+$0x0] =	vst.idx.add.f32.msk $0xffff, v2;
	v2 =	vmul.f32 v0, v49  }
0x22c: {  	[tilespmem:v13+s28+$0x0] =	vst.idx.add.f32.msk $0xffff, v1;
	v1 =	vmul.f32 v0, v50  }
0x22d: {  	[tilespmem:v12+s28+$0x0] =	vst.idx.add.f32.msk $0xffff, v2;
	v2 =	vmul.f32 v0, v52  }
0x22e: {  	[tilespmem:v10+s28+$0x0] =	vst.idx.add.f32.msk $0xffff, v1;
	v1 =	vmul.f32 v0, v14  }
0x22f: {  	[tilespmem:v62+s28+$0x0] =	vst.idx.add.f32.msk $0xffff, v2;
	v2 =	vmul.f32 v0, v53  }
0x230: {  	[tilespmem:v63+s28+$0x0] =	vst.idx.add.f32.msk $0xffff, v1  }
0x231: {  	s30 =	simm.s32 $0x40;
	v1 =	vmul.f32 v0, v55;
	v0 =	vmul.f32 v0, v11;
	[tilespmem:v61+s28+$0x0] =	vst.idx.add.f32.msk $0xffff, v2  }
.LBB2_8:
0x232: {  	_ = 	snop  }
0x233: {  	[tilespmem:v31+s28+$0x0] =	vst.idx.add.f32.msk $0xffff, v1  }
0x234: {  	[tilespmem:v17+s28+$0x0] =	vst.idx.add.f32.msk $0xffff, v0  }
0x235: {  	v0 =	vld [tilespmem:$0x101C0];
	_ =	sdelay $0x4  }
0x236: {  	[tilespmem:$0x1FC90] =	vst v0;
	v0 =	vld [tilespmem:$0x101B0];
	_ =	sdelay $0x4  }
0x237: {  	[tilespmem:$0x1FC80] =	vst v0;
	v0 =	vld [tilespmem:$0x101A0];
	_ =	sdelay $0x4  }
0x238: {  	[tilespmem:$0x1FC70] =	vst v0;
	v0 =	vld [tilespmem:$0x10180];
	_ =	sdelay $0x4  }
0x239: {  	[tilespmem:$0x1FC50] =	vst v0;
	v0 =	vld [tilespmem:$0x10170];
	_ =	sdelay $0x2  }
0x23a: {  	v48 =	vld [tilespmem:$0x10100]  }
0x23b: {  	v53 =	vld [tilespmem:$0x100F0]  }
0x23c: {  	[tilespmem:$0x1FC40] =	vst v0;
	v0 =	vld [tilespmem:$0x10160]  }
0x23d: {  	v57 =	vld [tilespmem:$0x100D0]  }
0x23e: {  	s31 =	smov.u32 s30;
	v54 =	vld [tilespmem:$0x100C0]  }
0x23f: {  	s31 =	sshra.s32 s31, $0x2;
	v15 =	vld [tilespmem:$0x100B0]  }
0x240: {  	v1 =	vld [tilespmem:s31+$0x12200]  }
0x241: {  	[tilespmem:$0x1FC30] =	vst v0;
	v0 =	vld [tilespmem:$0x10150]  }
0x242: {  	v13 =	vld [tilespmem:$0x100A0]  }
0x243: {  	v45 =	vld [tilespmem:$0x10090]  }
0x244: {  	v42 =	vld [tilespmem:$0x10080]  }
0x245: {  	v10 =	vld [tilespmem:$0x10070]  }
0x246: {  	v4 =	vshll.u32 v1, $0x5;
	[tilespmem:$0x1FC20] =	vst v0;
	v0 =	vld [tilespmem:s31+$0x10200]  }
0x247: {  	v37 =	vld [tilespmem:$0x10060];
	v2 =	vor.u32 $0x1, v4  }
0x248: {  	v34 =	vld [tilespmem:$0x10050]  }
0x249: {  	v32 =	vld [tilespmem:$0x10040]  }
0x24a: {  	v29 =	vld [tilespmem:$0x10030]  }
0x24b: {  	v27 =	vld [tilespmem:$0x10020];
	v3 =	vor.u32 $0x2, v4;
	v6 =	vor.u32 $0x4, v4;
	v19 =	vshll.u32 v0, $0x5  }
0x24c: {  	v7 =	vor.u32 $0x5, v4;
	[tilespmem:$0x1FCE0] =	vst v2;
	v23 =	vld.idx.msk [tilespmem:v2+s21+$0x0], $0xffff;
	v2 =	vor.u32 $0x3, v4;
	v0 =	vor.u32 $0x1, v19  }
0x24d: {  	v24 =	vld [tilespmem:$0x10010];
	[tilespmem:$0x1FCC0] =	vst v1;
	v1 =	vor.u32 $0x2, v19;
	v8 =	vor.u32 $0x3, v19;
	v55 =	vor.u32 $0x4, v19  }
0x24e: {  	v30 =	vld [tilespmem:$0x10000];
	v21 =	vor.u32 $0x5, v19;
	v25 =	vor.u32 $0x6, v19;
	v28 =	vor.u32 $0x7, v19  }
0x24f: {  	v20 =	vld.idx.msk [tilespmem:v4+s21+$0x0], $0xffff;
	v33 =	vor.u32 $0x8, v19;
	v36 =	vor.u32 $0x9, v19;
	v38 =	vor.u32 $0xA, v19  }
0x250: {  	v40 =	vor.u32 $0xB, v19;
	v41 =	vor.u32 $0xC, v19;
	v43 =	vor.u32 $0xD, v19;
	v5 =	vld.idx.msk [tilespmem:v19+s2+$0x0], $0xffff  }
0x251: {  	v52 =	vld.idx.msk [tilespmem:v3+s21+$0x0], $0xffff;
	v46 =	vor.u32 $0xE, v19;
	v49 =	vor.u32 $0xF, v19;
	v47 =	vor.u32 $0x10, v19  }
0x252: {  	v50 =	vor.u32 $0x11, v19;
	v59 =	vor.u32 $0x12, v19;
	v62 =	vor.u32 $0x13, v19;
	v0 =	vld.idx.msk [tilespmem:v0+s2+$0x0], $0xffff  }
0x253: {  	v9 =	vor.u32 $0x14, v19;
	v11 =	vor.u32 $0x15, v19;
	v12 =	vor.u32 $0x16, v19;
	v16 =	vld.idx.msk [tilespmem:v1+s2+$0x0], $0xffff  }
0x254: {  	[tilespmem:$0x1FCF0] =	vst v3;
	v3 =	vld.idx.msk [tilespmem:v2+s21+$0x0], $0xffff;
	v14 =	vor.u32 $0x17, v19;
	v17 =	vor.u32 $0x18, v19;
	v18 =	vor.u32 $0x19, v19  }
0x255: {  	[tilespmem:$0x1FD00] =	vst v2;
	v2 =	vld.idx.msk [tilespmem:v6+s21+$0x0], $0xffff;
	v22 =	vor.u32 $0x1A, v19;
	v1 =	vor.u32 $0x1F, v19;
	v56 =	vadd.f32 v20, v5  }
0x256: {  	v63 =	vor.u32 $0x1B, v19;
	v61 =	vor.u32 $0x1C, v19;
	v58 =	vor.u32 $0x1D, v19;
	v26 =	vld.idx.msk [tilespmem:v8+s2+$0x0], $0xffff;
	[tilespmem:$0x1FC60] =	vst v1  }
0x257: {  	v8 =	vor.u32 $0x6, v4;
	v20 =	vld.idx.msk [tilespmem:v55+s2+$0x0], $0xffff;
	[tilespmem:$0x1FCB0] =	vst v0;
	v0 =	vadd.f32 v23, v0;
	v1 =	vmul.f32 $2.000000030e-01, v56  }
0x258: {  	[tilespmem:$0x1FCA0] =	vst v5;
	v55 =	vor.u32 $0x1E, v19;
	v19 =	vor.u32 $0x7, v4;
	v5 =	vld.idx.msk [tilespmem:v7+s21+$0x0], $0xffff;
	v52 =	vadd.f32 v52, v16  }
0x259: {  	v23 =	vld.idx.msk [tilespmem:v21+s2+$0x0], $0xffff;
	v21 =	vor.u32 $0x8, v4;
	v1 =	vmax.f32 v56, v1;
	v56 =	vmul.f32 $2.000000030e-01, v0  }
0x25a: {  	v25 =	vld.idx.msk [tilespmem:v25+s2+$0x0], $0xffff;
	v1 =	vmul.f32 v1, v30  }
0x25b: {  	v28 =	vld.idx.msk [tilespmem:v28+s2+$0x0], $0xffff;
	v3 =	vadd.f32 v3, v26;
	v30 =	vmul.f32 $2.000000030e-01, v52;
	v0 =	vmax.f32 v0, v56  }
0x25c: {  	[tilespmem:$0x1FD10] =	vst v6;
	v2 =	vadd.f32 v2, v20;
	v56 =	vld.idx.msk [tilespmem:v8+s21+$0x0], $0xffff;
	v1 =	vadd.f32 $0.0e+00, v1;
	v0 =	vmul.f32 v0, v24  }
0x25d: {  	[tilespmem:$0x1FD20] =	vst v7;
	v6 =	vld.idx.msk [tilespmem:v19+s21+$0x0], $0xffff;
	v24 =	vor.u32 $0x9, v4;
	v30 =	vmax.f32 v52, v30;
	v52 =	vmul.f32 $2.000000030e-01, v3  }
0x25e: {  	v5 =	vadd.f32 v5, v23;
	v7 =	vld.idx.msk [tilespmem:v21+s21+$0x0], $0xffff;
	v0 =	vadd.f32 v0, v1;
	v1 =	vmul.f32 v30, v27  }
0x25f: {  	v30 =	vld.idx.msk [tilespmem:v33+s2+$0x0], $0xffff;
	v27 =	vor.u32 $0xA, v4;
	v3 =	vmax.f32 v3, v52;
	v52 =	vmul.f32 $2.000000030e-01, v2  }
0x260: {  	v41 =	vld.idx.msk [tilespmem:v41+s2+$0x0], $0xffff;
	v0 =	vadd.f32 v1, v0;
	v1 =	vmul.f32 v3, v29;
	v29 =	vor.u32 $0xB, v4  }
0x261: {  	v33 =	vld.idx.msk [tilespmem:v36+s2+$0x0], $0xffff;
	v2 =	vmax.f32 v2, v52;
	v3 =	vmul.f32 $2.000000030e-01, v5;
	v52 =	vadd.f32 v56, v25  }
0x262: {  	v56 =	vld.idx.msk [tilespmem:v24+s21+$0x0], $0xffff;
	v0 =	vadd.f32 v1, v0;
	v1 =	vmul.f32 v2, v32;
	v32 =	vor.u32 $0xC, v4  }
0x263: {  	v36 =	vld.idx.msk [tilespmem:v38+s2+$0x0], $0xffff;
	v2 =	vmax.f32 v5, v3;
	v3 =	vmul.f32 $2.000000030e-01, v52;
	v5 =	vadd.f32 v6, v28  }
0x264: {  	v6 =	vld.idx.msk [tilespmem:v27+s21+$0x0], $0xffff;
	v7 =	vadd.f32 v7, v30;
	v0 =	vadd.f32 v1, v0;
	v1 =	vmul.f32 v2, v34  }
0x265: {  	v38 =	vld.idx.msk [tilespmem:v40+s2+$0x0], $0xffff;
	v34 =	vor.u32 $0xD, v4;
	v2 =	vmax.f32 v52, v3;
	v3 =	vmul.f32 $2.000000030e-01, v5  }
0x266: {  	v52 =	vld.idx.msk [tilespmem:v29+s21+$0x0], $0xffff;
	v0 =	vadd.f32 v1, v0;
	v1 =	vmul.f32 v2, v37;
	v37 =	vor.u32 $0xE, v4  }
0x267: {  	v43 =	vld.idx.msk [tilespmem:v43+s2+$0x0], $0xffff;
	v2 =	vmax.f32 v5, v3;
	v3 =	vmul.f32 $2.000000030e-01, v7;
	v5 =	vadd.f32 v56, v33  }
0x268: {  	v40 =	vor.u32 $0xF, v4;
	v56 =	vld.idx.msk [tilespmem:v32+s21+$0x0], $0xffff;
	v0 =	vadd.f32 v1, v0;
	v1 =	vmul.f32 v2, v10  }
0x269: {  	v46 =	vld.idx.msk [tilespmem:v46+s2+$0x0], $0xffff;
	v2 =	vmax.f32 v7, v3;
	v3 =	vmul.f32 $2.000000030e-01, v5;
	v6 =	vadd.f32 v6, v36  }
0x26a: {  	v7 =	vld.idx.msk [tilespmem:v34+s21+$0x0], $0xffff;
	v0 =	vadd.f32 v1, v0;
	v1 =	vmul.f32 v2, v42;
	v42 =	vor.u32 $0x10, v4  }
0x26b: {  	v49 =	vld.idx.msk [tilespmem:v49+s2+$0x0], $0xffff;
	v2 =	vmax.f32 v5, v3;
	v3 =	vmul.f32 $2.000000030e-01, v6;
	v5 =	vadd.f32 v52, v38  }
0x26c: {  	v10 =	vld.idx.msk [tilespmem:v37+s21+$0x0], $0xffff;
	v0 =	vadd.f32 v1, v0;
	v1 =	vmul.f32 v2, v45;
	v45 =	vor.u32 $0x11, v4  }
0x26d: {  	[tilespmem:$0x1FD30] =	vst v8;
	v8 =	vld.idx.msk [tilespmem:v40+s21+$0x0], $0xffff;
	v2 =	vmax.f32 v6, v3;
	v3 =	vmul.f32 $2.000000030e-01, v5;
	v6 =	vadd.f32 v56, v41  }
0x26e: {  	v52 =	vld.idx.msk [tilespmem:v47+s2+$0x0], $0xffff;
	v47 =	vor.u32 $0x12, v4;
	v0 =	vadd.f32 v1, v0;
	v1 =	vmul.f32 v2, v13  }
0x26f: {  	v56 =	vld.idx.msk [tilespmem:v50+s2+$0x0], $0xffff;
	v2 =	vmax.f32 v5, v3;
	v3 =	vmul.f32 $2.000000030e-01, v6;
	v5 =	vadd.f32 v7, v43  }
0x270: {  	v50 =	vor.u32 $0x13, v4;
	v7 =	vld.idx.msk [tilespmem:v42+s21+$0x0], $0xffff;
	v0 =	vadd.f32 v1, v0;
	v1 =	vmul.f32 v2, v15  }
0x271: {  	v60 =	vld [tilespmem:$0x100E0];
	v2 =	vmax.f32 v6, v3;
	v3 =	vmul.f32 $2.000000030e-01, v5;
	v6 =	vadd.f32 v10, v46  }
0x272: {  	v13 =	vld.idx.msk [tilespmem:v45+s21+$0x0], $0xffff;
	v0 =	vadd.f32 v1, v0;
	v1 =	vmul.f32 v2, v54  }
0x273: {  	v59 =	vld.idx.msk [tilespmem:v59+s2+$0x0], $0xffff;
	v2 =	vmax.f32 v5, v3;
	v3 =	vmul.f32 $2.000000030e-01, v6;
	v5 =	vadd.f32 v8, v49  }
0x274: {  	v8 =	vld.idx.msk [tilespmem:v47+s21+$0x0], $0xffff;
	v0 =	vadd.f32 v1, v0;
	v1 =	vmul.f32 v2, v57  }
0x275: {  	v62 =	vld.idx.msk [tilespmem:v62+s2+$0x0], $0xffff;
	v2 =	vmax.f32 v6, v3;
	v3 =	vmul.f32 $2.000000030e-01, v5;
	v6 =	vadd.f32 v7, v52  }
0x276: {  	v54 =	vor.u32 $0x14, v4;
	v7 =	vld.idx.msk [tilespmem:v50+s21+$0x0], $0xffff;
	v0 =	vadd.f32 v1, v0;
	v1 =	vmul.f32 v2, v60  }
0x277: {  	v44 =	vld [tilespmem:$0x10110];
	v2 =	vmax.f32 v5, v3;
	v3 =	vmul.f32 $2.000000030e-01, v6;
	v5 =	vadd.f32 v13, v56  }
0x278: {  	v35 =	vld [tilespmem:$0x10130];
	v57 =	vor.u32 $0x15, v4;
	v0 =	vadd.f32 v1, v0;
	v1 =	vmul.f32 v2, v53  }
0x279: {  	v39 =	vld [tilespmem:$0x10120];
	v8 =	vadd.f32 v8, v59;
	v2 =	vmax.f32 v6, v3;
	v3 =	vmul.f32 $2.000000030e-01, v5  }
0x27a: {  	[tilespmem:$0x1FCD0] =	vst v16;
	v16 =	vld.idx.msk [tilespmem:v9+s2+$0x0], $0xffff;
	v0 =	vadd.f32 v1, v0;
	v1 =	vmul.f32 v2, v48  }
0x27b: {  	v13 =	vld.idx.msk [tilespmem:v54+s21+$0x0], $0xffff;
	v7 =	vadd.f32 v7, v62;
	v2 =	vmax.f32 v5, v3;
	v5 =	vmul.f32 $2.000000030e-01, v8  }
0x27c: {  	v10 =	vld.idx.msk [tilespmem:v11+s2+$0x0], $0xffff;
	v0 =	vadd.f32 v1, v0;
	v1 =	vmul.f32 v2, v44  }
0x27d: {  	v11 =	vld.idx.msk [tilespmem:v57+s21+$0x0], $0xffff;
	v2 =	vmax.f32 v8, v5;
	v5 =	vmul.f32 $2.000000030e-01, v7  }
0x27e: {  	v0 =	vadd.f32 v1, v0;
	v1 =	vmul.f32 v2, v39  }
0x27f: {  	v60 =	vor.u32 $0x16, v4;
	v5 =	vmax.f32 v7, v5  }
0x280: {  	v31 =	vld [tilespmem:$0x10140];
	v8 =	vadd.f32 v13, v16;
	v0 =	vadd.f32 v1, v0;
	v1 =	vmul.f32 v5, v35;
	_ =	sdelay $0x1  }
0x281: {  	v7 =	vmul.f32 $2.000000030e-01, v8;
	v11 =	vadd.f32 v11, v10;
	v0 =	vadd.f32 v1, v0;
	v1 =	vld [tilespmem:$0x1FC20]  }
0x282: {  	v9 =	vld.idx.msk [tilespmem:v12+s2+$0x0], $0xffff  }
0x283: {  	v12 =	vld.idx.msk [tilespmem:v60+s21+$0x0], $0xffff;
	v7 =	vmax.f32 v8, v7;
	v8 =	vmul.f32 $2.000000030e-01, v11  }
0x284: {  	v53 =	vor.u32 $0x17, v4;
	v3 =	vld.idx.msk [tilespmem:v17+s2+$0x0], $0xffff;
	v17 =	vmul.f32 v7, v31  }
0x285: {  	v8 =	vmax.f32 v11, v8  }
0x286: {  	v0 =	vadd.f32 v17, v0;
	v17 =	vmul.f32 v8, v1  }
0x287: {  	v6 =	vld.idx.msk [tilespmem:v14+s2+$0x0], $0xffff  }
0x288: {  	v12 =	vadd.f32 v12, v9;
	v0 =	vadd.f32 v17, v0;
	v17 =	vld [tilespmem:$0x1FC30]  }
0x289: {  	v13 =	vld.idx.msk [tilespmem:v53+s21+$0x0], $0xffff  }
0x28a: {  	v2 =	vld.idx.msk [tilespmem:v22+s2+$0x0], $0xffff;
	v22 =	vmul.f32 $2.000000030e-01, v12;
	_ =	sdelay $0x1  }
0x28b: {  	v48 =	vor.u32 $0x18, v4;
	v11 =	vmax.f32 v12, v22  }
0x28c: {  	v11 =	vmul.f32 v11, v17  }
0x28d: {  	v44 =	vor.u32 $0x19, v4  }
0x28e: {  	v13 =	vadd.f32 v13, v6;
	v0 =	vadd.f32 v11, v0;
	v11 =	vld [tilespmem:$0x1FC40];
	_ =	sdelay $0x1  }
0x28f: {  	v14 =	vld.idx.msk [tilespmem:v48+s21+$0x0], $0xffff;
	v22 =	vmul.f32 $2.000000030e-01, v13  }
0x290: {  	v35 =	vld.idx.msk [tilespmem:v18+s2+$0x0], $0xffff  }
0x291: {  	v15 =	vld.idx.msk [tilespmem:v44+s21+$0x0], $0xffff;
	v12 =	vmax.f32 v13, v22  }
0x292: {  	v11 =	vmul.f32 v12, v11  }
0x293: {  	v39 =	vor.u32 $0x1A, v4  }
0x294: {  	v14 =	vadd.f32 v14, v3;
	v0 =	vadd.f32 v11, v0;
	v11 =	vld [tilespmem:$0x1FC50];
	_ =	sdelay $0x1  }
0x295: {  	v51 =	vld [tilespmem:$0x10190];
	v13 =	vmul.f32 $2.000000030e-01, v14;
	v15 =	vadd.f32 v15, v35;
	_ =	sdelay $0x1  }
0x296: {  	v18 =	vld.idx.msk [tilespmem:v39+s21+$0x0], $0xffff;
	v12 =	vmax.f32 v14, v13;
	v13 =	vmul.f32 $2.000000030e-01, v15  }
0x297: {  	v11 =	vmul.f32 v12, v11  }
0x298: {  	v5 =	vor.u32 $0x1B, v4;
	v12 =	vmax.f32 v15, v13  }
0x299: {  	v12 =	vmul.f32 v12, v51;
	v11 =	vadd.f32 v11, v0;
	_ =	sdelay $0x1  }
0x29a: {  	v14 =	vadd.f32 v18, v2;
	v11 =	vadd.f32 v12, v11;
	v12 =	vld [tilespmem:$0x1FC70]  }
0x29b: {  	v63 =	vld.idx.msk [tilespmem:v63+s2+$0x0], $0xffff  }
0x29c: {  	v1 =	vld.idx.msk [tilespmem:v5+s21+$0x0], $0xffff;
	v13 =	vmul.f32 $2.000000030e-01, v14;
	_ =	sdelay $0x1  }
0x29d: {  	v7 =	vor.u32 $0x1C, v4;
	v13 =	vmax.f32 v14, v13  }
0x29e: {  	v61 =	vld.idx.msk [tilespmem:v61+s2+$0x0], $0xffff;
	v12 =	vmul.f32 v13, v12  }
0x29f: {  	v8 =	vor.u32 $0x1D, v4;
	v0 =	vld [tilespmem:$0x1FC60]  }
0x2a0: {  	v31 =	vor.u32 $0x1E, v4;
	v1 =	vadd.f32 v1, v63;
	v11 =	vadd.f32 v12, v11;
	v12 =	vld [tilespmem:$0x1FC80]  }
0x2a1: {  	v58 =	vld.idx.msk [tilespmem:v58+s2+$0x0], $0xffff;
	v17 =	vor.u32 $0x1F, v4  }
0x2a2: {  	v22 =	vld.idx.msk [tilespmem:v7+s21+$0x0], $0xffff;
	v14 =	vmul.f32 $2.000000030e-01, v1  }
0x2a3: {  	v55 =	vld.idx.msk [tilespmem:v55+s2+$0x0], $0xffff  }
0x2a4: {  	v18 =	vld.idx.msk [tilespmem:v8+s21+$0x0], $0xffff;
	v1 =	vmax.f32 v1, v14  }
0x2a5: {  	v15 =	vld.idx.msk [tilespmem:v31+s21+$0x0], $0xffff;
	v1 =	vmul.f32 v1, v12  }
0x2a6: {  	v51 =	vld.idx.msk [tilespmem:v17+s21+$0x0], $0xffff  }
0x2a7: {  	v22 =	vadd.f32 v22, v61;
	v1 =	vadd.f32 v1, v11;
	v11 =	vld [tilespmem:$0x1FC90]  }
0x2a8: {  	v0 =	vld.idx.msk [tilespmem:v0+s2+$0x0], $0xffff  }
0x2a9: {  	v14 =	vadd.f32 v18, v58;
	v18 =	vld [tilespmem:$0x101D0];
	v13 =	vmul.f32 $2.000000030e-01, v22;
	_ =	sdelay $0x1  }
0x2aa: {  	v15 =	vadd.f32 v15, v55;
	v12 =	vmax.f32 v22, v13;
	v13 =	vmul.f32 $2.000000030e-01, v14;
	v22 =	vld [tilespmem:$0x101E0]  }
0x2ab: {  	v11 =	vmul.f32 v12, v11  }
0x2ac: {  	v12 =	vmax.f32 v14, v13;
	v13 =	vmul.f32 $2.000000030e-01, v15;
	v14 =	vadd.f32 v51, v0;
	v51 =	vld [tilespmem:$0x101F0]  }
0x2ad: {  	v1 =	vadd.f32 v11, v1;
	v11 =	vmul.f32 v12, v18  }
0x2ae: {  	v12 =	vmax.f32 v15, v13;
	v13 =	vmul.f32 $2.000000030e-01, v14  }
0x2af: {  	v1 =	vadd.f32 v11, v1;
	v11 =	vmul.f32 v12, v22  }
0x2b0: {  	v22 =	vmax.f32 v14, v13  }
0x2b1: {  	v14 =	vmul.f32 v22, v51;
	v1 =	vadd.f32 v11, v1;
	_ =	sdelay $0x1  }
0x2b2: {  	v1 =	vadd.f32 v14, v1;
	_ =	sdelay $0x1  }
0x2b3: {  	v1 =	vmul.f32 $1.442695020e+00, v1;
	_ =	sdelay $0x1  }
0x2b4: {  	(erf) = vpow2.f32 v1;
	_ =	sdelay $0x1  }
0x2b5: {  	v51 =	vld [tilespmem:$0x1FCC0];
	_ =	sdelay $0x2  }
0x2b6: {  	v1 =	vld [tilespmem:$0x1FCA0]  }
0x2b7: {  	v22 =	vld [tilespmem:$0x1FCB0];
	_ =	sdelay $0x2  }
0x2b8: {  	v14 =	vld [tilespmem:$0x1FCE0];
	v11 =	vpop (erf)  }
0x2b9: {  	v1 =	vmul.f32 v11, v1;
	[tilespmem:v51+s26+$0x0] =	vst.idx.add.f32.msk $0xffff, v11  }
0x2ba: {  	v12 =	vmul.f32 v11, v22;
	v22 =	vmul.f32 v11, v26;
	v26 =	vld [tilespmem:$0x1FCF0]  }
0x2bb: {  	v51 =	vld [tilespmem:$0x1FD00]  }
0x2bc: {  	[tilespmem:v4+s28+$0x0] =	vst.idx.add.f32.msk $0xffff, v1  }
0x2bd: {  	v1 =	vld [tilespmem:$0x1FCD0];
	_ =	sdelay $0x4  }
0x2be: {  	v1 =	vmul.f32 v11, v1  }
0x2bf: {  	[tilespmem:v14+s28+$0x0] =	vst.idx.add.f32.msk $0xffff, v12  }
0x2c0: {  	[tilespmem:v26+s28+$0x0] =	vst.idx.add.f32.msk $0xffff, v1  }
0x2c1: {  	[tilespmem:v51+s28+$0x0] =	vst.idx.add.f32.msk $0xffff, v22  }
0x2c2: {  	v22 =	vld [tilespmem:$0x1FD10]  }
0x2c3: {  	v1 =	vmul.f32 v11, v20;
	v20 =	vmul.f32 v11, v23;
	v23 =	vld [tilespmem:$0x1FD20]  }
0x2c4: {  	v26 =	vld [tilespmem:$0x1FD30];
	_ =	sdelay $0x5  }
0x2c5: {  	[tilespmem:v22+s28+$0x0] =	vst.idx.add.f32.msk $0xffff, v1;
	v1 =	vmul.f32 v11, v25  }
0x2c6: {  	v25 =	vmul.f32 v11, v28;
	[tilespmem:v23+s28+$0x0] =	vst.idx.add.f32.msk $0xffff, v20  }
0x2c7: {  	[tilespmem:v26+s28+$0x0] =	vst.idx.add.f32.msk $0xffff, v1;
	v1 =	vmul.f32 v11, v30  }
0x2c8: {  	v33 =	vmul.f32 v11, v33;
	[tilespmem:v19+s28+$0x0] =	vst.idx.add.f32.msk $0xffff, v25  }
0x2c9: {  	[tilespmem:v21+s28+$0x0] =	vst.idx.add.f32.msk $0xffff, v1;
	v1 =	vmul.f32 v11, v36  }
0x2ca: {  	v38 =	vmul.f32 v11, v38;
	[tilespmem:v24+s28+$0x0] =	vst.idx.add.f32.msk $0xffff, v33  }
0x2cb: {  	[tilespmem:v27+s28+$0x0] =	vst.idx.add.f32.msk $0xffff, v1;
	v1 =	vmul.f32 v11, v41  }
0x2cc: {  	v43 =	vmul.f32 v11, v43;
	[tilespmem:v29+s28+$0x0] =	vst.idx.add.f32.msk $0xffff, v38  }
0x2cd: {  	[tilespmem:v32+s28+$0x0] =	vst.idx.add.f32.msk $0xffff, v1;
	v1 =	vmul.f32 v11, v46  }
0x2ce: {  	v51 =	vmul.f32 v11, v49;
	[tilespmem:v34+s28+$0x0] =	vst.idx.add.f32.msk $0xffff, v43  }
0x2cf: {  	[tilespmem:v37+s28+$0x0] =	vst.idx.add.f32.msk $0xffff, v1;
	v1 =	vmul.f32 v11, v52  }
0x2d0: {  	v52 =	vmul.f32 v11, v56;
	[tilespmem:v40+s28+$0x0] =	vst.idx.add.f32.msk $0xffff, v51  }
0x2d1: {  	[tilespmem:v42+s28+$0x0] =	vst.idx.add.f32.msk $0xffff, v1;
	v1 =	vmul.f32 v11, v59  }
0x2d2: {  	v56 =	vmul.f32 v11, v62;
	[tilespmem:v45+s28+$0x0] =	vst.idx.add.f32.msk $0xffff, v52  }
0x2d3: {  	[tilespmem:v47+s28+$0x0] =	vst.idx.add.f32.msk $0xffff, v1;
	v1 =	vmul.f32 v11, v16  }
0x2d4: {  	v59 =	vmul.f32 v11, v10;
	[tilespmem:v50+s28+$0x0] =	vst.idx.add.f32.msk $0xffff, v56  }
0x2d5: {  	[tilespmem:v54+s28+$0x0] =	vst.idx.add.f32.msk $0xffff, v1;
	v1 =	vmul.f32 v11, v9  }
0x2d6: {  	v62 =	vmul.f32 v11, v6;
	[tilespmem:v57+s28+$0x0] =	vst.idx.add.f32.msk $0xffff, v59  }
0x2d7: {  	[tilespmem:v60+s28+$0x0] =	vst.idx.add.f32.msk $0xffff, v1;
	v1 =	vmul.f32 v11, v3  }
0x2d8: {  	v3 =	vmul.f32 v11, v35;
	[tilespmem:v53+s28+$0x0] =	vst.idx.add.f32.msk $0xffff, v62  }
0x2d9: {  	p0 =	sne.s32 s30, $0x7FC0;
	[tilespmem:v48+s28+$0x0] =	vst.idx.add.f32.msk $0xffff, v1;
	v1 =	vmul.f32 v11, v2  }
.Ltmp3:
0x2da: {  	v2 =	vmul.f32 v11, v63;
	[tilespmem:v44+s28+$0x0] =	vst.idx.add.f32.msk $0xffff, v3;
	(pc) =	sbr.rel @p0 .LBB2_8-.Ltmp3, $4  }
0x2db: {  	[tilespmem:v39+s28+$0x0] =	vst.idx.add.f32.msk $0xffff, v1;
	v1 =	vmul.f32 v11, v61  }
0x2dc: {  	[tilespmem:v5+s28+$0x0] =	vst.idx.add.f32.msk $0xffff, v2;
	v2 =	vmul.f32 v11, v58  }
0x2dd: {  	[tilespmem:v7+s28+$0x0] =	vst.idx.add.f32.msk $0xffff, v1  }
0x2de: {  	s30 =	sadd.s32 $0x40, s30;
	v0 =	vmul.f32 v11, v0;
	v1 =	vmul.f32 v11, v55;
	[tilespmem:v8+s28+$0x0] =	vst.idx.add.f32.msk $0xffff, v2  }
0x2df: {  	_ =	sdelay $0x3  }
0x2e0: {  	[tilespmem:v31+s28+$0x0] =	vst.idx.add.f32.msk $0xffff, v1  }
0x2e1: {  	[tilespmem:v17+s28+$0x0] =	vst.idx.add.f32.msk $0xffff, v0  }
0x2e2: {  	[hbm4b:s10+s18] =	stream.strided.scatter [tilespmem:s28], [sflag:$0x1], $0x8000, s19, s18, $0x38;
	[tilespmem:$0x1C600] =	vst v63  }
0x2e3: {  	_ =	swait.ge [sflag:s20], $0x8000  }
0x2e4: {  	[sflag:s20] =	ssyncset.done $0x0  }
0x2e5: {  	[sflag:s20] =	ssyncadd.s32 $0xFFFF8000  }
0x2e6: {  	[hbm4b:s11+s18] =	stream.strided.scatter [tilespmem:s26], [sflag:$0x1], $0x400, s19, s18, $0x38;
	[tilespmem:$0x1C600] =	vst v63  }
0x2e7: {  	_ =	swait.ge [sflag:s20], $0x400  }
0x2e8: {  	[sflag:s20] =	ssyncset.done $0x0  }
0x2e9: {  	s30 =	simm.s32 $0x0;
	[sflag:s20] =	ssyncadd.s32 $0xFFFFFC00  }
0x2ea: {  	[tilespmem:s30], [sflag:$0x1] =	stream.strided.gather [hbm4b:s12+s18], $0x8000, s19, s18, $0x38;
	[tilespmem:$0x1C600] =	vst v63  }
0x2eb: {  	_ =	swait.ge [sflag:s20], $0x8000  }
0x2ec: {  	[sflag:s20] =	ssyncset.done $0x0  }
0x2ed: {  	[sflag:s20] =	ssyncadd.s32 $0xFFFF8000  }
0x2ee: {  	[tilespmem:s21], [sflag:$0x1] =	stream.strided.gather [hbm4b:s13+s18], $0x8000, s19, s18, $0x38;
	[tilespmem:$0x1C600] =	vst v63  }
0x2ef: {  	_ =	swait.ge [sflag:s20], $0x8000  }
0x2f0: {  	[sflag:s20] =	ssyncset.done $0x0  }
0x2f1: {  	[sflag:s20] =	ssyncadd.s32 $0xFFFF8000  }
0x2f2: {  	[tilespmem:s23], [sflag:$0x1] =	stream.strided.gather [hbm4b:s14+s18], $0x200, s22, s18, $0x38;
	[tilespmem:$0x1C600] =	vst v63  }
0x2f3: {  	_ =	swait.ge [sflag:s20], $0x200  }
0x2f4: {  	[sflag:s20] =	ssyncset.done $0x0  }
0x2f5: {  	s31 =	simm.s32 $0x0;
	v0 =	vimm.f32 $0.0e+00;
	s30 =	simm.s32 $0x40;
	[sflag:s20] =	ssyncadd.s32 $0xFFFFFE00  }
.LBB2_10:
0x2f6: {  	p0 =	sne.s32 s30, $0x1FFC0;
	[tilespmem:s31+$0x14200] =	vst v0;
	s31 =	smov.u32 s30;
	s30 =	sadd.s32 $0x40, s30  }
.Ltmp4:
0x2f7: {  	(pc) =	sbr.rel @p0 .LBB2_10-.Ltmp4, $2  }
0x2f8: {  	_ =	sdelay $0x2  }
0x2f9: {  	s31 =	sshra.s32 s31, $0x2  }
0x2fa: {  	[tilespmem:s31+$0x14200] =	vst v0;
	s30 =	simm.s32 $0x40;
	s31 =	simm.s32 $0x0  }
.LBB2_12:
0x2fb: {  	p0 =	sne.s32 s30, $0xFC0;
	[tilespmem:s31+$0x1C200] =	vst v0;
	s31 =	smov.u32 s30;
	s30 =	sadd.s32 $0x40, s30  }
.Ltmp5:
0x2fc: {  	(pc) =	sbr.rel @p0 .LBB2_12-.Ltmp5, $2  }
0x2fd: {  	_ =	sdelay $0x2  }
0x2fe: {  	s31 =	sshra.s32 s31, $0x2  }
0x2ff: {  	[tilespmem:s31+$0x1C200] =	vst v0;
	s30 =	simm.s32 $0x0  }
0x300: {  	[tilespmem:s24], [sflag:$0x1] =	stream.linear.gather [hbm4b:s3+s30], $0x2000, $0x38;
	[tilespmem:$0x1C600] =	vst v63  }
0x301: {  	_ =	swait.ge [sflag:s20], $0x2000  }
0x302: {  	[sflag:s20] =	ssyncset.done $0x0  }
0x303: {  	[sflag:s20] =	ssyncadd.s32 $0xFFFFE000  }
0x304: {  	[tilespmem:s25], [sflag:$0x1] =	stream.linear.gather [hbm4b:s4+s30], $0x2000, $0x38;
	[tilespmem:$0x1C600] =	vst v63  }
0x305: {  	_ =	swait.ge [sflag:s20], $0x2000  }
0x306: {  	[sflag:s20] =	ssyncset.done $0x0  }
0x307: {  	[sflag:s20] =	ssyncadd.s32 $0xFFFFE000  }
0x308: {  	v10 =	vld [tilespmem:$0x10120]  }
0x309: {  	v17 =	vld [tilespmem:$0x10100]  }
0x30a: {  	v46 =	vld [tilespmem:$0x100F0]  }
0x30b: {  	v3 =	vld [tilespmem:$0x100E0]  }
0x30c: {  	v52 =	vld [tilespmem:$0x100D0]  }
0x30d: {  	v49 =	vld [tilespmem:$0x100C0]  }
0x30e: {  	v48 =	vld [tilespmem:$0x100B0]  }
0x30f: {  	v43 =	vld [tilespmem:$0x100A0]  }
0x310: {  	v40 =	vld [tilespmem:$0x10090]  }
0x311: {  	s30 =	simm.s32 $0x0;
	v38 =	vld [tilespmem:$0x10080]  }
0x312: {  	v2 =	vld [tilespmem:s30+$0x10200]  }
0x313: {  	v0 =	vld [tilespmem:s30+$0x12200]  }
0x314: {  	v37 =	vld [tilespmem:$0x10070]  }
0x315: {  	v36 =	vld [tilespmem:$0x10060]  }
0x316: {  	v34 =	vld [tilespmem:$0x10050]  }
0x317: {  	v32 =	vld [tilespmem:$0x10040];
	v22 =	vshll.u32 v2, $0x5  }
0x318: {  	v30 =	vld [tilespmem:$0x10030];
	v2 =	vshll.u32 v0, $0x5  }
0x319: {  	v28 =	vld [tilespmem:$0x10020];
	[tilespmem:$0x1FB60] =	vst v0;
	v0 =	vor.u32 $0x1, v2  }
0x31a: {  	v26 =	vld [tilespmem:$0x10010];
	v6 =	vor.u32 $0x1, v22  }
0x31b: {  	v24 =	vld [tilespmem:$0x10000];
	v8 =	vor.u32 $0x2, v22  }
0x31c: {  	v1 =	vor.u32 $0x2, v2;
	v5 =	vld.idx.msk [tilespmem:v22+s2+$0x0], $0xffff  }
0x31d: {  	v9 =	vor.u32 $0x3, v22;
	v16 =	vld.idx.msk [tilespmem:v2+s21+$0x0], $0xffff  }
0x31e: {  	v12 =	vor.u32 $0x4, v22;
	v19 =	vld.idx.msk [tilespmem:v0+s21+$0x0], $0xffff  }
0x31f: {  	v4 =	vor.u32 $0x4, v2;
	v7 =	vld.idx.msk [tilespmem:v6+s2+$0x0], $0xffff  }
0x320: {  	v15 =	vor.u32 $0x5, v22;
	v61 =	vld.idx.msk [tilespmem:v8+s2+$0x0], $0xffff  }
0x321: {  	v18 =	vor.u32 $0x6, v22;
	v21 =	vld.idx.msk [tilespmem:v1+s21+$0x0], $0xffff  }
0x322: {  	v20 =	vor.u32 $0x7, v22;
	v62 =	vld.idx.msk [tilespmem:v9+s2+$0x0], $0xffff  }
0x323: {  	v63 =	vor.u32 $0x7, v2;
	v9 =	vld.idx.msk [tilespmem:v12+s2+$0x0], $0xffff  }
0x324: {  	[tilespmem:$0x1FB90] =	vst v0;
	v0 =	vor.u32 $0x3, v2;
	v27 =	vld.idx.msk [tilespmem:v4+s21+$0x0], $0xffff  }
0x325: {  	v23 =	vor.u32 $0x8, v22;
	v15 =	vld.idx.msk [tilespmem:v15+s2+$0x0], $0xffff  }
0x326: {  	v29 =	vor.u32 $0x9, v22;
	[tilespmem:$0x1FBB0] =	vst v1;
	v1 =	vor.u32 $0x5, v2;
	v18 =	vld.idx.msk [tilespmem:v18+s2+$0x0], $0xffff  }
0x327: {  	v31 =	vor.u32 $0xA, v22;
	v39 =	vor.u32 $0xB, v22;
	v41 =	vor.u32 $0xC, v22;
	v20 =	vld.idx.msk [tilespmem:v20+s2+$0x0], $0xffff  }
0x328: {  	v42 =	vor.u32 $0xD, v22;
	v11 =	vld.idx.msk [tilespmem:v63+s21+$0x0], $0xffff;
	v33 =	vadd.f32 v16, v5;
	v16 =	vor.u32 $0x8, v2  }
0x329: {  	v44 =	vor.u32 $0xE, v22;
	v50 =	vor.u32 $0xF, v22;
	[tilespmem:$0x1FBD0] =	vst v0;
	v25 =	vld.idx.msk [tilespmem:v0+s21+$0x0], $0xffff;
	v0 =	vor.u32 $0x6, v2  }
0x32a: {  	v23 =	vld.idx.msk [tilespmem:v23+s2+$0x0], $0xffff;
	v53 =	vadd.f32 v19, v7;
	v57 =	vadd.f32 v21, v61;
	v45 =	vmul.f32 $2.000000030e-01, v33  }
0x32b: {  	v54 =	vor.u32 $0x10, v22;
	v55 =	vor.u32 $0x11, v22;
	v35 =	vld.idx.msk [tilespmem:v1+s21+$0x0], $0xffff;
	v19 =	vor.u32 $0x9, v2  }
0x32c: {  	v51 =	vld.idx.msk [tilespmem:v41+s2+$0x0], $0xffff;
	v56 =	vmul.f32 $2.000000030e-01, v53;
	v12 =	vmul.f32 $2.000000030e-01, v57;
	v33 =	vmax.f32 v33, v45  }
0x32d: {  	[tilespmem:$0x1FC10] =	vst v63;
	v21 =	vor.u32 $0xA, v2;
	v45 =	vadd.f32 v11, v20;
	v33 =	vmul.f32 v33, v24;
	v60 =	vld.idx.msk [tilespmem:v16+s21+$0x0], $0xffff  }
0x32e: {  	[tilespmem:$0x1FBA0] =	vst v62;
	v53 =	vmax.f32 v53, v56;
	v24 =	vor.u32 $0xB, v2;
	v56 =	vmax.f32 v57, v12;
	v47 =	vld.idx.msk [tilespmem:v0+s21+$0x0], $0xffff  }
0x32f: {  	v59 =	vadd.f32 v25, v62;
	v25 =	vld.idx.msk [tilespmem:v29+s2+$0x0], $0xffff;
	v13 =	vmul.f32 v53, v26;
	v62 =	vadd.f32 v27, v9  }
0x330: {  	[tilespmem:$0x1FB80] =	vst v61;
	v61 =	vld.idx.msk [tilespmem:v19+s21+$0x0], $0xffff;
	v26 =	vor.u32 $0xC, v2;
	v63 =	vmul.f32 v56, v28;
	v35 =	vadd.f32 v35, v15  }
0x331: {  	v27 =	vld.idx.msk [tilespmem:v31+s2+$0x0], $0xffff;
	v28 =	vor.u32 $0xD, v2;
	v29 =	vadd.f32 $0.0e+00, v33;
	v14 =	vmul.f32 $2.000000030e-01, v59  }
0x332: {  	v58 =	vor.u32 $0x12, v22;
	[tilespmem:$0x1FBE0] =	vst v4;
	v56 =	vld.idx.msk [tilespmem:v21+s21+$0x0], $0xffff;
	v12 =	vmul.f32 $2.000000030e-01, v45;
	v4 =	vmul.f32 $2.000000030e-01, v62  }
0x333: {  	[tilespmem:$0x1FB50] =	vst v5;
	v6 =	vmul.f32 $2.000000030e-01, v35;
	v31 =	vadd.f32 v13, v29;
	v29 =	vld.idx.msk [tilespmem:v39+s2+$0x0], $0xffff;
	v53 =	vmax.f32 v59, v14  }
0x334: {  	[tilespmem:$0x1FC00] =	vst v0;
	v0 =	vor.u32 $0x17, v22;
	v45 =	vmax.f32 v45, v12;
	v5 =	vmul.f32 v53, v30;
	v53 =	vld.idx.msk [tilespmem:v24+s21+$0x0], $0xffff  }
0x335: {  	v57 =	vmax.f32 v62, v4;
	v35 =	vmax.f32 v35, v6;
	v47 =	vadd.f32 v47, v18;
	v62 =	vld.idx.msk [tilespmem:v26+s21+$0x0], $0xffff  }
0x336: {  	[tilespmem:$0x1FB70] =	vst v7;
	v33 =	vadd.f32 v63, v31;
	v30 =	vor.u32 $0xE, v2;
	v7 =	vmul.f32 v57, v32;
	v57 =	vld.idx.msk [tilespmem:v28+s21+$0x0], $0xffff  }
0x337: {  	[tilespmem:$0x1FBC0] =	vst v9;
	v13 =	vadd.f32 v60, v23;
	v9 =	vmul.f32 v35, v34;
	v35 =	vld.idx.msk [tilespmem:v44+s2+$0x0], $0xffff;
	v8 =	vmul.f32 $2.000000030e-01, v47  }
0x338: {  	v32 =	vor.u32 $0xF, v2;
	v34 =	vor.u32 $0x10, v2;
	v39 =	vadd.f32 v5, v33;
	v33 =	vld.idx.msk [tilespmem:v42+s2+$0x0], $0xffff  }
0x339: {  	v56 =	vadd.f32 v56, v27;
	v11 =	vmax.f32 v47, v8;
	v8 =	vmul.f32 v45, v37;
	v37 =	vld.idx.msk [tilespmem:v54+s2+$0x0], $0xffff  }
0x33a: {  	[tilespmem:$0x1FBF0] =	vst v1;
	v1 =	vor.u32 $0x18, v22;
	v14 =	vor.u32 $0x13, v22;
	v63 =	vor.u32 $0x16, v22;
	v45 =	vld.idx.msk [tilespmem:v0+s2+$0x0], $0xffff  }
0x33b: {  	v6 =	vmul.f32 $2.000000030e-01, v13;
	v12 =	vmul.f32 $2.000000030e-01, v56;
	v39 =	vadd.f32 v7, v39;
	v60 =	vld.idx.msk [tilespmem:v30+s21+$0x0], $0xffff  }
0x33c: {  	v5 =	vor.u32 $0x14, v22;
	v7 =	vadd.f32 v61, v25;
	v4 =	vmul.f32 v11, v36;
	v36 =	vld.idx.msk [tilespmem:v50+s2+$0x0], $0xffff  }
0x33d: {  	v47 =	vmax.f32 v13, v6;
	v13 =	vmax.f32 v56, v12;
	v61 =	vld.idx.msk [tilespmem:v32+s21+$0x0], $0xffff;
	v39 =	vadd.f32 v9, v39  }
0x33e: {  	v6 =	vor.u32 $0x1A, v22;
	v0 =	vor.u32 $0x1B, v22;
	v54 =	vor.u32 $0x13, v2;
	v59 =	vld.idx.msk [tilespmem:v34+s21+$0x0], $0xffff  }
0x33f: {  	v47 =	vmul.f32 v47, v38;
	v38 =	vld.idx.msk [tilespmem:v55+s2+$0x0], $0xffff;
	v11 =	vmul.f32 $2.000000030e-01, v7;
	v39 =	vadd.f32 v4, v39  }
0x340: {  	v12 =	vor.u32 $0x1C, v22;
	v53 =	vadd.f32 v53, v29;
	v44 =	vld.idx.msk [tilespmem:v63+s2+$0x0], $0xffff;
	v9 =	vor.u32 $0x15, v22  }
0x341: {  	v55 =	vor.u32 $0x19, v22;
	v42 =	vld.idx.msk [tilespmem:v5+s2+$0x0], $0xffff;
	v50 =	vmax.f32 v7, v11;
	v41 =	vadd.f32 v8, v39  }
0x342: {  	v57 =	vadd.f32 v57, v33;
	v4 =	vadd.f32 v62, v51;
	v50 =	vmul.f32 v50, v40;
	v40 =	vld.idx.msk [tilespmem:v14+s2+$0x0], $0xffff  }
0x343: {  	v5 =	vmul.f32 v13, v43;
	v14 =	vmul.f32 $2.000000030e-01, v53;
	v63 =	vld.idx.msk [tilespmem:v54+s21+$0x0], $0xffff;
	v47 =	vadd.f32 v47, v41  }
0x344: {  	v7 =	vmul.f32 $2.000000030e-01, v57;
	v39 =	vld.idx.msk [tilespmem:v58+s2+$0x0], $0xffff;
	v11 =	vmul.f32 $2.000000030e-01, v4;
	v41 =	vor.u32 $0x11, v2  }
0x345: {  	v8 =	vadd.f32 v60, v35;
	v43 =	vld.idx.msk [tilespmem:v9+s2+$0x0], $0xffff;
	v53 =	vmax.f32 v53, v14;
	v50 =	vadd.f32 v50, v47  }
0x346: {  	v13 =	vmax.f32 v57, v7;
	v53 =	vmul.f32 v53, v48;
	v48 =	vld.idx.msk [tilespmem:v1+s2+$0x0], $0xffff;
	v47 =	vor.u32 $0x12, v2  }
0x347: {  	v1 =	vmax.f32 v4, v11;
	v4 =	vmul.f32 v13, v52;
	v52 =	vld.idx.msk [tilespmem:v0+s2+$0x0], $0xffff;
	v50 =	vadd.f32 v5, v50  }
0x348: {  	v61 =	vadd.f32 v61, v36;
	v14 =	vmul.f32 $2.000000030e-01, v8;
	v1 =	vmul.f32 v1, v49;
	v49 =	vld.idx.msk [tilespmem:v55+s2+$0x0], $0xffff  }
0x349: {  	v56 =	vor.u32 $0x14, v2;
	v9 =	vld.idx.msk [tilespmem:v41+s21+$0x0], $0xffff;
	v53 =	vadd.f32 v53, v50  }
0x34a: {  	v11 =	vor.u32 $0x1D, v22;
	v57 =	vmax.f32 v8, v14;
	v8 =	vmul.f32 $2.000000030e-01, v61;
	v50 =	vld.idx.msk [tilespmem:v6+s2+$0x0], $0xffff  }
0x34b: {  	v5 =	vor.u32 $0x1E, v22;
	v6 =	vld.idx.msk [tilespmem:v47+s21+$0x0], $0xffff;
	v1 =	vadd.f32 v1, v53  }
0x34c: {  	v7 =	vadd.f32 v59, v37;
	v13 =	vor.u32 $0x18, v2;
	v14 =	vld.idx.msk [tilespmem:v12+s2+$0x0], $0xffff;
	v59 =	vmax.f32 v61, v8  }
0x34d: {  	v61 =	vld [tilespmem:$0x10110];
	v0 =	vadd.f32 v4, v1;
	v1 =	vmul.f32 v57, v3;
	v57 =	vor.u32 $0x15, v2  }
0x34e: {  	v59 =	vmul.f32 v59, v46;
	v60 =	vadd.f32 v9, v38;
	v4 =	vld.idx.msk [tilespmem:v56+s21+$0x0], $0xffff  }
0x34f: {  	v46 =	vor.u32 $0x16, v2;
	v53 =	vld.idx.msk [tilespmem:v11+s2+$0x0], $0xffff;
	v0 =	vadd.f32 v1, v0;
	v1 =	vmul.f32 $2.000000030e-01, v7  }
0x350: {  	v58 =	vor.u32 $0x17, v2;
	v55 =	vld.idx.msk [tilespmem:v5+s2+$0x0], $0xffff;
	v62 =	vadd.f32 v6, v39;
	v9 =	vmul.f32 $2.000000030e-01, v60  }
0x351: {  	v63 =	vadd.f32 v63, v40;
	v5 =	vld.idx.msk [tilespmem:v13+s21+$0x0], $0xffff;
	v1 =	vmax.f32 v7, v1;
	v3 =	vadd.f32 v59, v0  }
0x352: {  	v0 =	vmul.f32 $2.000000030e-01, v62;
	v59 =	vmax.f32 v60, v9;
	v11 =	vld.idx.msk [tilespmem:v57+s21+$0x0], $0xffff;
	v17 =	vmul.f32 v1, v17  }
0x353: {  	v22 =	vor.u32 $0x1F, v22;
	v60 =	vld [tilespmem:$0x10130];
	v59 =	vmul.f32 v59, v61;
	v4 =	vadd.f32 v4, v42  }
0x354: {  	v1 =	vmax.f32 v62, v0;
	v62 =	vld.idx.msk [tilespmem:v46+s21+$0x0], $0xffff;
	v0 =	vmul.f32 $2.000000030e-01, v63;
	v17 =	vadd.f32 v17, v3  }
0x355: {  	v12 =	vor.u32 $0x19, v2;
	v61 =	vld [tilespmem:$0x10140];
	v1 =	vmul.f32 v1, v10  }
0x356: {  	v3 =	vld.idx.msk [tilespmem:v58+s21+$0x0], $0xffff;
	v0 =	vmax.f32 v63, v0;
	v63 =	vmul.f32 $2.000000030e-01, v4;
	v17 =	vadd.f32 v59, v17  }
0x357: {  	v6 =	vld [tilespmem:$0x10150];
	v10 =	vor.u32 $0x1A, v2;
	v59 =	vadd.f32 v11, v43  }
0x358: {  	v7 =	vld [tilespmem:$0x10160];
	v4 =	vmax.f32 v4, v63;
	v1 =	vadd.f32 v1, v17;
	v17 =	vmul.f32 v0, v60  }
0x359: {  	v11 =	vld.idx.msk [tilespmem:v22+s2+$0x0], $0xffff;
	v60 =	vadd.f32 v62, v44;
	v62 =	vor.u32 $0x1B, v2;
	v9 =	vmul.f32 $2.000000030e-01, v59  }
0x35a: {  	v22 =	vld.idx.msk [tilespmem:v12+s21+$0x0], $0xffff;
	v63 =	vor.u32 $0x1C, v2;
	v4 =	vmul.f32 v4, v61;
	v1 =	vadd.f32 v17, v1  }
0x35b: {  	v3 =	vadd.f32 v3, v45;
	v61 =	vmul.f32 $2.000000030e-01, v60;
	v17 =	vmax.f32 v59, v9;
	v59 =	vld [tilespmem:$0x10170]  }
0x35c: {  	v5 =	vadd.f32 v5, v48;
	v1 =	vadd.f32 v4, v1;
	v9 =	vmul.f32 v17, v6;
	v6 =	vld.idx.msk [tilespmem:v10+s21+$0x0], $0xffff  }
0x35d: {  	v0 =	vmul.f32 $2.000000030e-01, v3;
	v17 =	vmax.f32 v60, v61;
	v60 =	vld [tilespmem:$0x10180];
	v61 =	vor.u32 $0x1D, v2  }
0x35e: {  	v4 =	vmul.f32 v17, v7;
	v17 =	vmul.f32 $2.000000030e-01, v5;
	v1 =	vadd.f32 v9, v1;
	v9 =	vld.idx.msk [tilespmem:v62+s21+$0x0], $0xffff  }
0x35f: {  	v31 =	vor.u32 $0x1E, v2;
	v8 =	vld [tilespmem:$0x10190];
	v0 =	vmax.f32 v3, v0;
	v3 =	vadd.f32 v22, v49  }
0x360: {  	v22 =	vmax.f32 v5, v17;
	v5 =	vld.idx.msk [tilespmem:v63+s21+$0x0], $0xffff;
	v7 =	vadd.f32 v4, v1;
	v1 =	vmul.f32 v0, v59  }
0x361: {  	v17 =	vor.u32 $0x1F, v2;
	v59 =	vld [tilespmem:$0x101A0];
	v0 =	vmul.f32 $2.000000030e-01, v3;
	v6 =	vadd.f32 v6, v50  }
0x362: {  	v4 =	vmul.f32 v22, v60;
	v1 =	vadd.f32 v1, v7;
	v7 =	vld.idx.msk [tilespmem:v61+s21+$0x0], $0xffff  }
0x363: {  	v0 =	vmax.f32 v3, v0;
	v3 =	vadd.f32 v9, v52;
	v9 =	vld [tilespmem:$0x101B0];
	v22 =	vmul.f32 $2.000000030e-01, v6  }
0x364: {  	v0 =	vmul.f32 v0, v8;
	v1 =	vadd.f32 v4, v1;
	v4 =	vld.idx.msk [tilespmem:v31+s21+$0x0], $0xffff  }
0x365: {  	v8 =	vld [tilespmem:$0x101C0];
	v5 =	vadd.f32 v5, v14;
	v6 =	vmax.f32 v6, v22;
	v22 =	vmul.f32 $2.000000030e-01, v3  }
0x366: {  	v0 =	vadd.f32 v0, v1;
	v1 =	vmul.f32 v6, v59;
	v6 =	vld.idx.msk [tilespmem:v17+s21+$0x0], $0xffff  }
0x367: {  	v60 =	vld [tilespmem:$0x101D0];
	v3 =	vmax.f32 v3, v22;
	v7 =	vadd.f32 v7, v53;
	v22 =	vmul.f32 $2.000000030e-01, v5  }
0x368: {  	v0 =	vadd.f32 v1, v0;
	v1 =	vmul.f32 v3, v9  }
0x369: {  	v9 =	vld [tilespmem:$0x101E0];
	v3 =	vmax.f32 v5, v22;
	v4 =	vadd.f32 v4, v55;
	v59 =	vmul.f32 $2.000000030e-01, v7  }
0x36a: {  	v0 =	vadd.f32 v1, v0;
	v1 =	vmul.f32 v3, v8  }
0x36b: {  	v3 =	vmax.f32 v7, v59;
	v5 =	vadd.f32 v6, v11;
	v22 =	vmul.f32 $2.000000030e-01, v4;
	v59 =	vld [tilespmem:$0x101F0]  }
0x36c: {  	v0 =	vadd.f32 v1, v0;
	v1 =	vmul.f32 v3, v60  }
0x36d: {  	v3 =	vmax.f32 v4, v22;
	v60 =	vmul.f32 $2.000000030e-01, v5  }
0x36e: {  	v0 =	vadd.f32 v1, v0;
	v1 =	vmul.f32 v3, v9  }
0x36f: {  	v3 =	vmax.f32 v5, v60  }
0x370: {  	v0 =	vadd.f32 v1, v0;
	v1 =	vmul.f32 v3, v59;
	_ =	sdelay $0x1  }
0x371: {  	v0 =	vadd.f32 v1, v0;
	_ =	sdelay $0x1  }
0x372: {  	v0 =	vmul.f32 $1.442695020e+00, v0;
	_ =	sdelay $0x1  }
0x373: {  	(erf) = vpow2.f32 v0;
	_ =	sdelay $0x2  }
0x374: {  	v3 =	vld [tilespmem:$0x1FB60];
	_ =	sdelay $0x1  }
0x375: {  	v1 =	vld [tilespmem:$0x1FB50];
	_ =	sdelay $0x3  }
0x376: {  	v0 =	vpop (erf)  }
0x377: {  	v1 =	vmul.f32 v0, v1  }
0x378: {  	[tilespmem:v3+s26+$0x0] =	vst.idx.add.f32.msk $0xffff, v0  }
0x379: {  	[tilespmem:v2+s28+$0x0] =	vst.idx.add.f32.msk $0xffff, v1  }
0x37a: {  	v2 =	vld [tilespmem:$0x1FB90]  }
0x37b: {  	v3 =	vld [tilespmem:$0x1FB70];
	_ =	sdelay $0x4  }
0x37c: {  	v3 =	vmul.f32 v0, v3;
	_ =	sdelay $0x1  }
0x37d: {  	[tilespmem:v2+s28+$0x0] =	vst.idx.add.f32.msk $0xffff, v3  }
0x37e: {  	v3 =	vld [tilespmem:$0x1FBB0]  }
0x37f: {  	v1 =	vld [tilespmem:$0x1FB80];
	_ =	sdelay $0x4  }
0x380: {  	v1 =	vmul.f32 v0, v1;
	_ =	sdelay $0x1  }
0x381: {  	[tilespmem:v3+s28+$0x0] =	vst.idx.add.f32.msk $0xffff, v1  }
0x382: {  	v3 =	vld [tilespmem:$0x1FBD0]  }
0x383: {  	v2 =	vld [tilespmem:$0x1FBA0];
	_ =	sdelay $0x4  }
0x384: {  	v2 =	vmul.f32 v0, v2;
	_ =	sdelay $0x1  }
0x385: {  	[tilespmem:v3+s28+$0x0] =	vst.idx.add.f32.msk $0xffff, v2  }
0x386: {  	v3 =	vld [tilespmem:$0x1FBE0]  }
0x387: {  	v1 =	vld [tilespmem:$0x1FBC0];
	_ =	sdelay $0x4  }
0x388: {  	v1 =	vmul.f32 v0, v1;
	_ =	sdelay $0x1  }
0x389: {  	[tilespmem:v3+s28+$0x0] =	vst.idx.add.f32.msk $0xffff, v1  }
0x38a: {  	v3 =	vld [tilespmem:$0x1FBF0];
	_ =	sdelay $0x5  }
0x38b: {  	v2 =	vmul.f32 v0, v15;
	_ =	sdelay $0x1  }
0x38c: {  	[tilespmem:v3+s28+$0x0] =	vst.idx.add.f32.msk $0xffff, v2  }
0x38d: {  	v3 =	vld [tilespmem:$0x1FC00];
	_ =	sdelay $0x5  }
0x38e: {  	v1 =	vmul.f32 v0, v18;
	_ =	sdelay $0x1  }
0x38f: {  	[tilespmem:v3+s28+$0x0] =	vst.idx.add.f32.msk $0xffff, v1  }
0x390: {  	v3 =	vld [tilespmem:$0x1FC10];
	_ =	sdelay $0x5  }
0x391: {  	v2 =	vmul.f32 v0, v20  }
0x392: {  	v1 =	vmul.f32 v0, v23  }
0x393: {  	[tilespmem:v3+s28+$0x0] =	vst.idx.add.f32.msk $0xffff, v2;
	v2 =	vmul.f32 v0, v25  }
0x394: {  	[tilespmem:v16+s28+$0x0] =	vst.idx.add.f32.msk $0xffff, v1;
	v1 =	vmul.f32 v0, v27  }
0x395: {  	[tilespmem:v19+s28+$0x0] =	vst.idx.add.f32.msk $0xffff, v2;
	v2 =	vmul.f32 v0, v29  }
0x396: {  	[tilespmem:v21+s28+$0x0] =	vst.idx.add.f32.msk $0xffff, v1;
	v1 =	vmul.f32 v0, v51  }
0x397: {  	[tilespmem:v24+s28+$0x0] =	vst.idx.add.f32.msk $0xffff, v2;
	v2 =	vmul.f32 v0, v33  }
0x398: {  	[tilespmem:v26+s28+$0x0] =	vst.idx.add.f32.msk $0xffff, v1;
	v1 =	vmul.f32 v0, v35  }
0x399: {  	[tilespmem:v28+s28+$0x0] =	vst.idx.add.f32.msk $0xffff, v2;
	v2 =	vmul.f32 v0, v36  }
0x39a: {  	[tilespmem:v30+s28+$0x0] =	vst.idx.add.f32.msk $0xffff, v1;
	v1 =	vmul.f32 v0, v37  }
0x39b: {  	[tilespmem:v32+s28+$0x0] =	vst.idx.add.f32.msk $0xffff, v2;
	v2 =	vmul.f32 v0, v38  }
0x39c: {  	[tilespmem:v34+s28+$0x0] =	vst.idx.add.f32.msk $0xffff, v1;
	v1 =	vmul.f32 v0, v39  }
0x39d: {  	[tilespmem:v41+s28+$0x0] =	vst.idx.add.f32.msk $0xffff, v2;
	v2 =	vmul.f32 v0, v40  }
0x39e: {  	[tilespmem:v47+s28+$0x0] =	vst.idx.add.f32.msk $0xffff, v1;
	v1 =	vmul.f32 v0, v42  }
0x39f: {  	[tilespmem:v54+s28+$0x0] =	vst.idx.add.f32.msk $0xffff, v2;
	v2 =	vmul.f32 v0, v43  }
0x3a0: {  	[tilespmem:v56+s28+$0x0] =	vst.idx.add.f32.msk $0xffff, v1;
	v1 =	vmul.f32 v0, v44  }
0x3a1: {  	[tilespmem:v57+s28+$0x0] =	vst.idx.add.f32.msk $0xffff, v2;
	v2 =	vmul.f32 v0, v45  }
0x3a2: {  	[tilespmem:v46+s28+$0x0] =	vst.idx.add.f32.msk $0xffff, v1;
	v1 =	vmul.f32 v0, v48  }
0x3a3: {  	[tilespmem:v58+s28+$0x0] =	vst.idx.add.f32.msk $0xffff, v2;
	v2 =	vmul.f32 v0, v49  }
0x3a4: {  	[tilespmem:v13+s28+$0x0] =	vst.idx.add.f32.msk $0xffff, v1;
	v1 =	vmul.f32 v0, v50  }
0x3a5: {  	[tilespmem:v12+s28+$0x0] =	vst.idx.add.f32.msk $0xffff, v2;
	v2 =	vmul.f32 v0, v52  }
0x3a6: {  	[tilespmem:v10+s28+$0x0] =	vst.idx.add.f32.msk $0xffff, v1;
	v1 =	vmul.f32 v0, v14  }
0x3a7: {  	[tilespmem:v62+s28+$0x0] =	vst.idx.add.f32.msk $0xffff, v2;
	v2 =	vmul.f32 v0, v53  }
0x3a8: {  	[tilespmem:v63+s28+$0x0] =	vst.idx.add.f32.msk $0xffff, v1  }
0x3a9: {  	s30 =	simm.s32 $0x40;
	v1 =	vmul.f32 v0, v55;
	v0 =	vmul.f32 v0, v11;
	[tilespmem:v61+s28+$0x0] =	vst.idx.add.f32.msk $0xffff, v2  }
.LBB2_14:
0x3aa: {  	_ = 	snop  }
0x3ab: {  	[tilespmem:v31+s28+$0x0] =	vst.idx.add.f32.msk $0xffff, v1  }
0x3ac: {  	[tilespmem:v17+s28+$0x0] =	vst.idx.add.f32.msk $0xffff, v0  }
0x3ad: {  	v0 =	vld [tilespmem:$0x101C0];
	_ =	sdelay $0x4  }
0x3ae: {  	[tilespmem:$0x1FAA0] =	vst v0;
	v0 =	vld [tilespmem:$0x101B0];
	_ =	sdelay $0x4  }
0x3af: {  	[tilespmem:$0x1FA90] =	vst v0;
	v0 =	vld [tilespmem:$0x101A0];
	_ =	sdelay $0x4  }
0x3b0: {  	[tilespmem:$0x1FA80] =	vst v0;
	v0 =	vld [tilespmem:$0x10180];
	_ =	sdelay $0x4  }
0x3b1: {  	[tilespmem:$0x1FA60] =	vst v0;
	v0 =	vld [tilespmem:$0x10170];
	_ =	sdelay $0x2  }
0x3b2: {  	v48 =	vld [tilespmem:$0x10100]  }
0x3b3: {  	v53 =	vld [tilespmem:$0x100F0]  }
0x3b4: {  	[tilespmem:$0x1FA50] =	vst v0;
	v0 =	vld [tilespmem:$0x10160]  }
0x3b5: {  	v57 =	vld [tilespmem:$0x100D0]  }
0x3b6: {  	s31 =	smov.u32 s30;
	v54 =	vld [tilespmem:$0x100C0]  }
0x3b7: {  	s31 =	sshra.s32 s31, $0x2;
	v15 =	vld [tilespmem:$0x100B0]  }
0x3b8: {  	v1 =	vld [tilespmem:s31+$0x12200]  }
0x3b9: {  	[tilespmem:$0x1FA40] =	vst v0;
	v0 =	vld [tilespmem:$0x10150]  }
0x3ba: {  	v13 =	vld [tilespmem:$0x100A0]  }
0x3bb: {  	v45 =	vld [tilespmem:$0x10090]  }
0x3bc: {  	v42 =	vld [tilespmem:$0x10080]  }
0x3bd: {  	v10 =	vld [tilespmem:$0x10070]  }
0x3be: {  	v4 =	vshll.u32 v1, $0x5;
	[tilespmem:$0x1FA30] =	vst v0;
	v0 =	vld [tilespmem:s31+$0x10200]  }
0x3bf: {  	v37 =	vld [tilespmem:$0x10060];
	v2 =	vor.u32 $0x1, v4  }
0x3c0: {  	v34 =	vld [tilespmem:$0x10050]  }
0x3c1: {  	v32 =	vld [tilespmem:$0x10040]  }
0x3c2: {  	v29 =	vld [tilespmem:$0x10030]  }
0x3c3: {  	v27 =	vld [tilespmem:$0x10020];
	v3 =	vor.u32 $0x2, v4;
	v6 =	vor.u32 $0x4, v4;
	v19 =	vshll.u32 v0, $0x5  }
0x3c4: {  	v7 =	vor.u32 $0x5, v4;
	[tilespmem:$0x1FAF0] =	vst v2;
	v23 =	vld.idx.msk [tilespmem:v2+s21+$0x0], $0xffff;
	v2 =	vor.u32 $0x3, v4;
	v0 =	vor.u32 $0x1, v19  }
0x3c5: {  	v24 =	vld [tilespmem:$0x10010];
	[tilespmem:$0x1FAD0] =	vst v1;
	v1 =	vor.u32 $0x2, v19;
	v8 =	vor.u32 $0x3, v19;
	v55 =	vor.u32 $0x4, v19  }
0x3c6: {  	v30 =	vld [tilespmem:$0x10000];
	v21 =	vor.u32 $0x5, v19;
	v25 =	vor.u32 $0x6, v19;
	v28 =	vor.u32 $0x7, v19  }
0x3c7: {  	v20 =	vld.idx.msk [tilespmem:v4+s21+$0x0], $0xffff;
	v33 =	vor.u32 $0x8, v19;
	v36 =	vor.u32 $0x9, v19;
	v38 =	vor.u32 $0xA, v19  }
0x3c8: {  	v40 =	vor.u32 $0xB, v19;
	v41 =	vor.u32 $0xC, v19;
	v43 =	vor.u32 $0xD, v19;
	v5 =	vld.idx.msk [tilespmem:v19+s2+$0x0], $0xffff  }
0x3c9: {  	v52 =	vld.idx.msk [tilespmem:v3+s21+$0x0], $0xffff;
	v46 =	vor.u32 $0xE, v19;
	v49 =	vor.u32 $0xF, v19;
	v47 =	vor.u32 $0x10, v19  }
0x3ca: {  	v50 =	vor.u32 $0x11, v19;
	v59 =	vor.u32 $0x12, v19;
	v62 =	vor.u32 $0x13, v19;
	v0 =	vld.idx.msk [tilespmem:v0+s2+$0x0], $0xffff  }
0x3cb: {  	v9 =	vor.u32 $0x14, v19;
	v11 =	vor.u32 $0x15, v19;
	v12 =	vor.u32 $0x16, v19;
	v16 =	vld.idx.msk [tilespmem:v1+s2+$0x0], $0xffff  }
0x3cc: {  	[tilespmem:$0x1FB00] =	vst v3;
	v3 =	vld.idx.msk [tilespmem:v2+s21+$0x0], $0xffff;
	v14 =	vor.u32 $0x17, v19;
	v17 =	vor.u32 $0x18, v19;
	v18 =	vor.u32 $0x19, v19  }
0x3cd: {  	[tilespmem:$0x1FB10] =	vst v2;
	v2 =	vld.idx.msk [tilespmem:v6+s21+$0x0], $0xffff;
	v22 =	vor.u32 $0x1A, v19;
	v1 =	vor.u32 $0x1F, v19;
	v56 =	vadd.f32 v20, v5  }
0x3ce: {  	v63 =	vor.u32 $0x1B, v19;
	v61 =	vor.u32 $0x1C, v19;
	v58 =	vor.u32 $0x1D, v19;
	v26 =	vld.idx.msk [tilespmem:v8+s2+$0x0], $0xffff;
	[tilespmem:$0x1FA70] =	vst v1  }
0x3cf: {  	v8 =	vor.u32 $0x6, v4;
	v20 =	vld.idx.msk [tilespmem:v55+s2+$0x0], $0xffff;
	[tilespmem:$0x1FAC0] =	vst v0;
	v0 =	vadd.f32 v23, v0;
	v1 =	vmul.f32 $2.000000030e-01, v56  }
0x3d0: {  	[tilespmem:$0x1FAB0] =	vst v5;
	v55 =	vor.u32 $0x1E, v19;
	v19 =	vor.u32 $0x7, v4;
	v5 =	vld.idx.msk [tilespmem:v7+s21+$0x0], $0xffff;
	v52 =	vadd.f32 v52, v16  }
0x3d1: {  	v23 =	vld.idx.msk [tilespmem:v21+s2+$0x0], $0xffff;
	v21 =	vor.u32 $0x8, v4;
	v1 =	vmax.f32 v56, v1;
	v56 =	vmul.f32 $2.000000030e-01, v0  }
0x3d2: {  	v25 =	vld.idx.msk [tilespmem:v25+s2+$0x0], $0xffff;
	v1 =	vmul.f32 v1, v30  }
0x3d3: {  	v28 =	vld.idx.msk [tilespmem:v28+s2+$0x0], $0xffff;
	v3 =	vadd.f32 v3, v26;
	v30 =	vmul.f32 $2.000000030e-01, v52;
	v0 =	vmax.f32 v0, v56  }
0x3d4: {  	[tilespmem:$0x1FB20] =	vst v6;
	v2 =	vadd.f32 v2, v20;
	v56 =	vld.idx.msk [tilespmem:v8+s21+$0x0], $0xffff;
	v1 =	vadd.f32 $0.0e+00, v1;
	v0 =	vmul.f32 v0, v24  }
0x3d5: {  	[tilespmem:$0x1FB30] =	vst v7;
	v6 =	vld.idx.msk [tilespmem:v19+s21+$0x0], $0xffff;
	v24 =	vor.u32 $0x9, v4;
	v30 =	vmax.f32 v52, v30;
	v52 =	vmul.f32 $2.000000030e-01, v3  }
0x3d6: {  	v5 =	vadd.f32 v5, v23;
	v7 =	vld.idx.msk [tilespmem:v21+s21+$0x0], $0xffff;
	v0 =	vadd.f32 v0, v1;
	v1 =	vmul.f32 v30, v27  }
0x3d7: {  	v30 =	vld.idx.msk [tilespmem:v33+s2+$0x0], $0xffff;
	v27 =	vor.u32 $0xA, v4;
	v3 =	vmax.f32 v3, v52;
	v52 =	vmul.f32 $2.000000030e-01, v2  }
0x3d8: {  	v41 =	vld.idx.msk [tilespmem:v41+s2+$0x0], $0xffff;
	v0 =	vadd.f32 v1, v0;
	v1 =	vmul.f32 v3, v29;
	v29 =	vor.u32 $0xB, v4  }
0x3d9: {  	v33 =	vld.idx.msk [tilespmem:v36+s2+$0x0], $0xffff;
	v2 =	vmax.f32 v2, v52;
	v3 =	vmul.f32 $2.000000030e-01, v5;
	v52 =	vadd.f32 v56, v25  }
0x3da: {  	v56 =	vld.idx.msk [tilespmem:v24+s21+$0x0], $0xffff;
	v0 =	vadd.f32 v1, v0;
	v1 =	vmul.f32 v2, v32;
	v32 =	vor.u32 $0xC, v4  }
0x3db: {  	v36 =	vld.idx.msk [tilespmem:v38+s2+$0x0], $0xffff;
	v2 =	vmax.f32 v5, v3;
	v3 =	vmul.f32 $2.000000030e-01, v52;
	v5 =	vadd.f32 v6, v28  }
0x3dc: {  	v6 =	vld.idx.msk [tilespmem:v27+s21+$0x0], $0xffff;
	v7 =	vadd.f32 v7, v30;
	v0 =	vadd.f32 v1, v0;
	v1 =	vmul.f32 v2, v34  }
0x3dd: {  	v38 =	vld.idx.msk [tilespmem:v40+s2+$0x0], $0xffff;
	v34 =	vor.u32 $0xD, v4;
	v2 =	vmax.f32 v52, v3;
	v3 =	vmul.f32 $2.000000030e-01, v5  }
0x3de: {  	v52 =	vld.idx.msk [tilespmem:v29+s21+$0x0], $0xffff;
	v0 =	vadd.f32 v1, v0;
	v1 =	vmul.f32 v2, v37;
	v37 =	vor.u32 $0xE, v4  }
0x3df: {  	v43 =	vld.idx.msk [tilespmem:v43+s2+$0x0], $0xffff;
	v2 =	vmax.f32 v5, v3;
	v3 =	vmul.f32 $2.000000030e-01, v7;
	v5 =	vadd.f32 v56, v33  }
0x3e0: {  	v40 =	vor.u32 $0xF, v4;
	v56 =	vld.idx.msk [tilespmem:v32+s21+$0x0], $0xffff;
	v0 =	vadd.f32 v1, v0;
	v1 =	vmul.f32 v2, v10  }
0x3e1: {  	v46 =	vld.idx.msk [tilespmem:v46+s2+$0x0], $0xffff;
	v2 =	vmax.f32 v7, v3;
	v3 =	vmul.f32 $2.000000030e-01, v5;
	v6 =	vadd.f32 v6, v36  }
0x3e2: {  	v7 =	vld.idx.msk [tilespmem:v34+s21+$0x0], $0xffff;
	v0 =	vadd.f32 v1, v0;
	v1 =	vmul.f32 v2, v42;
	v42 =	vor.u32 $0x10, v4  }
0x3e3: {  	v49 =	vld.idx.msk [tilespmem:v49+s2+$0x0], $0xffff;
	v2 =	vmax.f32 v5, v3;
	v3 =	vmul.f32 $2.000000030e-01, v6;
	v5 =	vadd.f32 v52, v38  }
0x3e4: {  	v10 =	vld.idx.msk [tilespmem:v37+s21+$0x0], $0xffff;
	v0 =	vadd.f32 v1, v0;
	v1 =	vmul.f32 v2, v45;
	v45 =	vor.u32 $0x11, v4  }
0x3e5: {  	[tilespmem:$0x1FB40] =	vst v8;
	v8 =	vld.idx.msk [tilespmem:v40+s21+$0x0], $0xffff;
	v2 =	vmax.f32 v6, v3;
	v3 =	vmul.f32 $2.000000030e-01, v5;
	v6 =	vadd.f32 v56, v41  }
0x3e6: {  	v52 =	vld.idx.msk [tilespmem:v47+s2+$0x0], $0xffff;
	v47 =	vor.u32 $0x12, v4;
	v0 =	vadd.f32 v1, v0;
	v1 =	vmul.f32 v2, v13  }
0x3e7: {  	v56 =	vld.idx.msk [tilespmem:v50+s2+$0x0], $0xffff;
	v2 =	vmax.f32 v5, v3;
	v3 =	vmul.f32 $2.000000030e-01, v6;
	v5 =	vadd.f32 v7, v43  }
0x3e8: {  	v50 =	vor.u32 $0x13, v4;
	v7 =	vld.idx.msk [tilespmem:v42+s21+$0x0], $0xffff;
	v0 =	vadd.f32 v1, v0;
	v1 =	vmul.f32 v2, v15  }
0x3e9: {  	v60 =	vld [tilespmem:$0x100E0];
	v2 =	vmax.f32 v6, v3;
	v3 =	vmul.f32 $2.000000030e-01, v5;
	v6 =	vadd.f32 v10, v46  }
0x3ea: {  	v13 =	vld.idx.msk [tilespmem:v45+s21+$0x0], $0xffff;
	v0 =	vadd.f32 v1, v0;
	v1 =	vmul.f32 v2, v54  }
0x3eb: {  	v59 =	vld.idx.msk [tilespmem:v59+s2+$0x0], $0xffff;
	v2 =	vmax.f32 v5, v3;
	v3 =	vmul.f32 $2.000000030e-01, v6;
	v5 =	vadd.f32 v8, v49  }
0x3ec: {  	v8 =	vld.idx.msk [tilespmem:v47+s21+$0x0], $0xffff;
	v0 =	vadd.f32 v1, v0;
	v1 =	vmul.f32 v2, v57  }
0x3ed: {  	v62 =	vld.idx.msk [tilespmem:v62+s2+$0x0], $0xffff;
	v2 =	vmax.f32 v6, v3;
	v3 =	vmul.f32 $2.000000030e-01, v5;
	v6 =	vadd.f32 v7, v52  }
0x3ee: {  	v54 =	vor.u32 $0x14, v4;
	v7 =	vld.idx.msk [tilespmem:v50+s21+$0x0], $0xffff;
	v0 =	vadd.f32 v1, v0;
	v1 =	vmul.f32 v2, v60  }
0x3ef: {  	v44 =	vld [tilespmem:$0x10110];
	v2 =	vmax.f32 v5, v3;
	v3 =	vmul.f32 $2.000000030e-01, v6;
	v5 =	vadd.f32 v13, v56  }
0x3f0: {  	v35 =	vld [tilespmem:$0x10130];
	v57 =	vor.u32 $0x15, v4;
	v0 =	vadd.f32 v1, v0;
	v1 =	vmul.f32 v2, v53  }
0x3f1: {  	v39 =	vld [tilespmem:$0x10120];
	v8 =	vadd.f32 v8, v59;
	v2 =	vmax.f32 v6, v3;
	v3 =	vmul.f32 $2.000000030e-01, v5  }
0x3f2: {  	[tilespmem:$0x1FAE0] =	vst v16;
	v16 =	vld.idx.msk [tilespmem:v9+s2+$0x0], $0xffff;
	v0 =	vadd.f32 v1, v0;
	v1 =	vmul.f32 v2, v48  }
0x3f3: {  	v13 =	vld.idx.msk [tilespmem:v54+s21+$0x0], $0xffff;
	v7 =	vadd.f32 v7, v62;
	v2 =	vmax.f32 v5, v3;
	v5 =	vmul.f32 $2.000000030e-01, v8  }
0x3f4: {  	v10 =	vld.idx.msk [tilespmem:v11+s2+$0x0], $0xffff;
	v0 =	vadd.f32 v1, v0;
	v1 =	vmul.f32 v2, v44  }
0x3f5: {  	v11 =	vld.idx.msk [tilespmem:v57+s21+$0x0], $0xffff;
	v2 =	vmax.f32 v8, v5;
	v5 =	vmul.f32 $2.000000030e-01, v7  }
0x3f6: {  	v0 =	vadd.f32 v1, v0;
	v1 =	vmul.f32 v2, v39  }
0x3f7: {  	v60 =	vor.u32 $0x16, v4;
	v5 =	vmax.f32 v7, v5  }
0x3f8: {  	v31 =	vld [tilespmem:$0x10140];
	v8 =	vadd.f32 v13, v16;
	v0 =	vadd.f32 v1, v0;
	v1 =	vmul.f32 v5, v35;
	_ =	sdelay $0x1  }
0x3f9: {  	v7 =	vmul.f32 $2.000000030e-01, v8;
	v11 =	vadd.f32 v11, v10;
	v0 =	vadd.f32 v1, v0;
	v1 =	vld [tilespmem:$0x1FA30]  }
0x3fa: {  	v9 =	vld.idx.msk [tilespmem:v12+s2+$0x0], $0xffff  }
0x3fb: {  	v12 =	vld.idx.msk [tilespmem:v60+s21+$0x0], $0xffff;
	v7 =	vmax.f32 v8, v7;
	v8 =	vmul.f32 $2.000000030e-01, v11  }
0x3fc: {  	v53 =	vor.u32 $0x17, v4;
	v3 =	vld.idx.msk [tilespmem:v17+s2+$0x0], $0xffff;
	v17 =	vmul.f32 v7, v31  }
0x3fd: {  	v8 =	vmax.f32 v11, v8  }
0x3fe: {  	v0 =	vadd.f32 v17, v0;
	v17 =	vmul.f32 v8, v1  }
0x3ff: {  	v6 =	vld.idx.msk [tilespmem:v14+s2+$0x0], $0xffff  }
0x400: {  	v12 =	vadd.f32 v12, v9;
	v0 =	vadd.f32 v17, v0;
	v17 =	vld [tilespmem:$0x1FA40]  }
0x401: {  	v13 =	vld.idx.msk [tilespmem:v53+s21+$0x0], $0xffff  }
0x402: {  	v2 =	vld.idx.msk [tilespmem:v22+s2+$0x0], $0xffff;
	v22 =	vmul.f32 $2.000000030e-01, v12;
	_ =	sdelay $0x1  }
0x403: {  	v48 =	vor.u32 $0x18, v4;
	v11 =	vmax.f32 v12, v22  }
0x404: {  	v11 =	vmul.f32 v11, v17  }
0x405: {  	v44 =	vor.u32 $0x19, v4  }
0x406: {  	v13 =	vadd.f32 v13, v6;
	v0 =	vadd.f32 v11, v0;
	v11 =	vld [tilespmem:$0x1FA50];
	_ =	sdelay $0x1  }
0x407: {  	v14 =	vld.idx.msk [tilespmem:v48+s21+$0x0], $0xffff;
	v22 =	vmul.f32 $2.000000030e-01, v13  }
0x408: {  	v35 =	vld.idx.msk [tilespmem:v18+s2+$0x0], $0xffff  }
0x409: {  	v15 =	vld.idx.msk [tilespmem:v44+s21+$0x0], $0xffff;
	v12 =	vmax.f32 v13, v22  }
0x40a: {  	v11 =	vmul.f32 v12, v11  }
0x40b: {  	v39 =	vor.u32 $0x1A, v4  }
0x40c: {  	v14 =	vadd.f32 v14, v3;
	v0 =	vadd.f32 v11, v0;
	v11 =	vld [tilespmem:$0x1FA60];
	_ =	sdelay $0x1  }
0x40d: {  	v51 =	vld [tilespmem:$0x10190];
	v13 =	vmul.f32 $2.000000030e-01, v14;
	v15 =	vadd.f32 v15, v35;
	_ =	sdelay $0x1  }
0x40e: {  	v18 =	vld.idx.msk [tilespmem:v39+s21+$0x0], $0xffff;
	v12 =	vmax.f32 v14, v13;
	v13 =	vmul.f32 $2.000000030e-01, v15  }
0x40f: {  	v11 =	vmul.f32 v12, v11  }
0x410: {  	v5 =	vor.u32 $0x1B, v4;
	v12 =	vmax.f32 v15, v13  }
0x411: {  	v12 =	vmul.f32 v12, v51;
	v11 =	vadd.f32 v11, v0;
	_ =	sdelay $0x1  }
0x412: {  	v14 =	vadd.f32 v18, v2;
	v11 =	vadd.f32 v12, v11;
	v12 =	vld [tilespmem:$0x1FA80]  }
0x413: {  	v63 =	vld.idx.msk [tilespmem:v63+s2+$0x0], $0xffff  }
0x414: {  	v1 =	vld.idx.msk [tilespmem:v5+s21+$0x0], $0xffff;
	v13 =	vmul.f32 $2.000000030e-01, v14;
	_ =	sdelay $0x1  }
0x415: {  	v7 =	vor.u32 $0x1C, v4;
	v13 =	vmax.f32 v14, v13  }
0x416: {  	v61 =	vld.idx.msk [tilespmem:v61+s2+$0x0], $0xffff;
	v12 =	vmul.f32 v13, v12  }
0x417: {  	v8 =	vor.u32 $0x1D, v4;
	v0 =	vld [tilespmem:$0x1FA70]  }
0x418: {  	v31 =	vor.u32 $0x1E, v4;
	v1 =	vadd.f32 v1, v63;
	v11 =	vadd.f32 v12, v11;
	v12 =	vld [tilespmem:$0x1FA90]  }
0x419: {  	v58 =	vld.idx.msk [tilespmem:v58+s2+$0x0], $0xffff;
	v17 =	vor.u32 $0x1F, v4  }
0x41a: {  	v22 =	vld.idx.msk [tilespmem:v7+s21+$0x0], $0xffff;
	v14 =	vmul.f32 $2.000000030e-01, v1  }
0x41b: {  	v55 =	vld.idx.msk [tilespmem:v55+s2+$0x0], $0xffff  }
0x41c: {  	v18 =	vld.idx.msk [tilespmem:v8+s21+$0x0], $0xffff;
	v1 =	vmax.f32 v1, v14  }
0x41d: {  	v15 =	vld.idx.msk [tilespmem:v31+s21+$0x0], $0xffff;
	v1 =	vmul.f32 v1, v12  }
0x41e: {  	v51 =	vld.idx.msk [tilespmem:v17+s21+$0x0], $0xffff  }
0x41f: {  	v22 =	vadd.f32 v22, v61;
	v1 =	vadd.f32 v1, v11;
	v11 =	vld [tilespmem:$0x1FAA0]  }
0x420: {  	v0 =	vld.idx.msk [tilespmem:v0+s2+$0x0], $0xffff  }
0x421: {  	v14 =	vadd.f32 v18, v58;
	v18 =	vld [tilespmem:$0x101D0];
	v13 =	vmul.f32 $2.000000030e-01, v22;
	_ =	sdelay $0x1  }
0x422: {  	v15 =	vadd.f32 v15, v55;
	v12 =	vmax.f32 v22, v13;
	v13 =	vmul.f32 $2.000000030e-01, v14;
	v22 =	vld [tilespmem:$0x101E0]  }
0x423: {  	v11 =	vmul.f32 v12, v11  }
0x424: {  	v12 =	vmax.f32 v14, v13;
	v13 =	vmul.f32 $2.000000030e-01, v15;
	v14 =	vadd.f32 v51, v0;
	v51 =	vld [tilespmem:$0x101F0]  }
0x425: {  	v1 =	vadd.f32 v11, v1;
	v11 =	vmul.f32 v12, v18  }
0x426: {  	v12 =	vmax.f32 v15, v13;
	v13 =	vmul.f32 $2.000000030e-01, v14  }
0x427: {  	v1 =	vadd.f32 v11, v1;
	v11 =	vmul.f32 v12, v22  }
0x428: {  	v22 =	vmax.f32 v14, v13  }
0x429: {  	v14 =	vmul.f32 v22, v51;
	v1 =	vadd.f32 v11, v1;
	_ =	sdelay $0x1  }
0x42a: {  	v1 =	vadd.f32 v14, v1;
	_ =	sdelay $0x1  }
0x42b: {  	v1 =	vmul.f32 $1.442695020e+00, v1;
	_ =	sdelay $0x1  }
0x42c: {  	(erf) = vpow2.f32 v1;
	_ =	sdelay $0x1  }
0x42d: {  	v51 =	vld [tilespmem:$0x1FAD0];
	_ =	sdelay $0x2  }
0x42e: {  	v1 =	vld [tilespmem:$0x1FAB0]  }
0x42f: {  	v22 =	vld [tilespmem:$0x1FAC0];
	_ =	sdelay $0x2  }
0x430: {  	v14 =	vld [tilespmem:$0x1FAF0];
	v11 =	vpop (erf)  }
0x431: {  	v1 =	vmul.f32 v11, v1;
	[tilespmem:v51+s26+$0x0] =	vst.idx.add.f32.msk $0xffff, v11  }
0x432: {  	v12 =	vmul.f32 v11, v22;
	v22 =	vmul.f32 v11, v26;
	v26 =	vld [tilespmem:$0x1FB00]  }
0x433: {  	v51 =	vld [tilespmem:$0x1FB10]  }
0x434: {  	[tilespmem:v4+s28+$0x0] =	vst.idx.add.f32.msk $0xffff, v1  }
0x435: {  	v1 =	vld [tilespmem:$0x1FAE0];
	_ =	sdelay $0x4  }
0x436: {  	v1 =	vmul.f32 v11, v1  }
0x437: {  	[tilespmem:v14+s28+$0x0] =	vst.idx.add.f32.msk $0xffff, v12  }
0x438: {  	[tilespmem:v26+s28+$0x0] =	vst.idx.add.f32.msk $0xffff, v1  }
0x439: {  	[tilespmem:v51+s28+$0x0] =	vst.idx.add.f32.msk $0xffff, v22  }
0x43a: {  	v22 =	vld [tilespmem:$0x1FB20]  }
0x43b: {  	v1 =	vmul.f32 v11, v20;
	v20 =	vmul.f32 v11, v23;
	v23 =	vld [tilespmem:$0x1FB30]  }
0x43c: {  	v26 =	vld [tilespmem:$0x1FB40];
	_ =	sdelay $0x5  }
0x43d: {  	[tilespmem:v22+s28+$0x0] =	vst.idx.add.f32.msk $0xffff, v1;
	v1 =	vmul.f32 v11, v25  }
0x43e: {  	v25 =	vmul.f32 v11, v28;
	[tilespmem:v23+s28+$0x0] =	vst.idx.add.f32.msk $0xffff, v20  }
0x43f: {  	[tilespmem:v26+s28+$0x0] =	vst.idx.add.f32.msk $0xffff, v1;
	v1 =	vmul.f32 v11, v30  }
0x440: {  	v33 =	vmul.f32 v11, v33;
	[tilespmem:v19+s28+$0x0] =	vst.idx.add.f32.msk $0xffff, v25  }
0x441: {  	[tilespmem:v21+s28+$0x0] =	vst.idx.add.f32.msk $0xffff, v1;
	v1 =	vmul.f32 v11, v36  }
0x442: {  	v38 =	vmul.f32 v11, v38;
	[tilespmem:v24+s28+$0x0] =	vst.idx.add.f32.msk $0xffff, v33  }
0x443: {  	[tilespmem:v27+s28+$0x0] =	vst.idx.add.f32.msk $0xffff, v1;
	v1 =	vmul.f32 v11, v41  }
0x444: {  	v43 =	vmul.f32 v11, v43;
	[tilespmem:v29+s28+$0x0] =	vst.idx.add.f32.msk $0xffff, v38  }
0x445: {  	[tilespmem:v32+s28+$0x0] =	vst.idx.add.f32.msk $0xffff, v1;
	v1 =	vmul.f32 v11, v46  }
0x446: {  	v51 =	vmul.f32 v11, v49;
	[tilespmem:v34+s28+$0x0] =	vst.idx.add.f32.msk $0xffff, v43  }
0x447: {  	[tilespmem:v37+s28+$0x0] =	vst.idx.add.f32.msk $0xffff, v1;
	v1 =	vmul.f32 v11, v52  }
0x448: {  	v52 =	vmul.f32 v11, v56;
	[tilespmem:v40+s28+$0x0] =	vst.idx.add.f32.msk $0xffff, v51  }
0x449: {  	[tilespmem:v42+s28+$0x0] =	vst.idx.add.f32.msk $0xffff, v1;
	v1 =	vmul.f32 v11, v59  }
0x44a: {  	v56 =	vmul.f32 v11, v62;
	[tilespmem:v45+s28+$0x0] =	vst.idx.add.f32.msk $0xffff, v52  }
0x44b: {  	[tilespmem:v47+s28+$0x0] =	vst.idx.add.f32.msk $0xffff, v1;
	v1 =	vmul.f32 v11, v16  }
0x44c: {  	v59 =	vmul.f32 v11, v10;
	[tilespmem:v50+s28+$0x0] =	vst.idx.add.f32.msk $0xffff, v56  }
0x44d: {  	[tilespmem:v54+s28+$0x0] =	vst.idx.add.f32.msk $0xffff, v1;
	v1 =	vmul.f32 v11, v9  }
0x44e: {  	v62 =	vmul.f32 v11, v6;
	[tilespmem:v57+s28+$0x0] =	vst.idx.add.f32.msk $0xffff, v59  }
0x44f: {  	[tilespmem:v60+s28+$0x0] =	vst.idx.add.f32.msk $0xffff, v1;
	v1 =	vmul.f32 v11, v3  }
0x450: {  	v3 =	vmul.f32 v11, v35;
	[tilespmem:v53+s28+$0x0] =	vst.idx.add.f32.msk $0xffff, v62  }
0x451: {  	p0 =	sne.s32 s30, $0x7FC0;
	[tilespmem:v48+s28+$0x0] =	vst.idx.add.f32.msk $0xffff, v1;
	v1 =	vmul.f32 v11, v2  }
.Ltmp6:
0x452: {  	v2 =	vmul.f32 v11, v63;
	[tilespmem:v44+s28+$0x0] =	vst.idx.add.f32.msk $0xffff, v3;
	(pc) =	sbr.rel @p0 .LBB2_14-.Ltmp6, $4  }
0x453: {  	[tilespmem:v39+s28+$0x0] =	vst.idx.add.f32.msk $0xffff, v1;
	v1 =	vmul.f32 v11, v61  }
0x454: {  	[tilespmem:v5+s28+$0x0] =	vst.idx.add.f32.msk $0xffff, v2;
	v2 =	vmul.f32 v11, v58  }
0x455: {  	[tilespmem:v7+s28+$0x0] =	vst.idx.add.f32.msk $0xffff, v1  }
0x456: {  	s30 =	sadd.s32 $0x40, s30;
	v0 =	vmul.f32 v11, v0;
	v1 =	vmul.f32 v11, v55;
	[tilespmem:v8+s28+$0x0] =	vst.idx.add.f32.msk $0xffff, v2  }
0x457: {  	_ =	sdelay $0x3  }
0x458: {  	[tilespmem:v31+s28+$0x0] =	vst.idx.add.f32.msk $0xffff, v1  }
0x459: {  	s30 =	simm.s32 $0x0;
	[tilespmem:v17+s28+$0x0] =	vst.idx.add.f32.msk $0xffff, v0  }
0x45a: {  	[tilespmem:s24], [sflag:$0x1] =	stream.linear.gather [hbm4b:s8+s30], $0x2000, $0x38;
	[tilespmem:$0x1C600] =	vst v63  }
0x45b: {  	_ =	swait.ge [sflag:s20], $0x2000  }
0x45c: {  	[sflag:s20] =	ssyncset.done $0x0  }
0x45d: {  	[sflag:s20] =	ssyncadd.s32 $0xFFFFE000  }
0x45e: {  	[tilespmem:s25], [sflag:$0x1] =	stream.linear.gather [hbm4b:s9+s30], $0x2000, $0x38;
	[tilespmem:$0x1C600] =	vst v63  }
0x45f: {  	_ =	swait.ge [sflag:s20], $0x2000  }
0x460: {  	[sflag:s20] =	ssyncset.done $0x0  }
0x461: {  	[sflag:s20] =	ssyncadd.s32 $0xFFFFE000  }
0x462: {  	v10 =	vld [tilespmem:$0x10120]  }
0x463: {  	v17 =	vld [tilespmem:$0x10100]  }
0x464: {  	v46 =	vld [tilespmem:$0x100F0]  }
0x465: {  	v3 =	vld [tilespmem:$0x100E0]  }
0x466: {  	v52 =	vld [tilespmem:$0x100D0]  }
0x467: {  	v49 =	vld [tilespmem:$0x100C0]  }
0x468: {  	v48 =	vld [tilespmem:$0x100B0]  }
0x469: {  	v43 =	vld [tilespmem:$0x100A0]  }
0x46a: {  	v40 =	vld [tilespmem:$0x10090]  }
0x46b: {  	s30 =	simm.s32 $0x0;
	v38 =	vld [tilespmem:$0x10080]  }
0x46c: {  	v2 =	vld [tilespmem:s30+$0x10200]  }
0x46d: {  	v0 =	vld [tilespmem:s30+$0x12200]  }
0x46e: {  	v37 =	vld [tilespmem:$0x10070]  }
0x46f: {  	v36 =	vld [tilespmem:$0x10060]  }
0x470: {  	v34 =	vld [tilespmem:$0x10050]  }
0x471: {  	v32 =	vld [tilespmem:$0x10040];
	v22 =	vshll.u32 v2, $0x5  }
0x472: {  	v30 =	vld [tilespmem:$0x10030];
	v2 =	vshll.u32 v0, $0x5  }
0x473: {  	v28 =	vld [tilespmem:$0x10020];
	[tilespmem:$0x1F970] =	vst v0;
	v0 =	vor.u32 $0x1, v2  }
0x474: {  	v26 =	vld [tilespmem:$0x10010];
	v6 =	vor.u32 $0x1, v22  }
0x475: {  	v24 =	vld [tilespmem:$0x10000];
	v8 =	vor.u32 $0x2, v22  }
0x476: {  	v1 =	vor.u32 $0x2, v2;
	v5 =	vld.idx.msk [tilespmem:v22+s2+$0x0], $0xffff  }
0x477: {  	v9 =	vor.u32 $0x3, v22;
	v16 =	vld.idx.msk [tilespmem:v2+s21+$0x0], $0xffff  }
0x478: {  	v12 =	vor.u32 $0x4, v22;
	v19 =	vld.idx.msk [tilespmem:v0+s21+$0x0], $0xffff  }
0x479: {  	v4 =	vor.u32 $0x4, v2;
	v7 =	vld.idx.msk [tilespmem:v6+s2+$0x0], $0xffff  }
0x47a: {  	v15 =	vor.u32 $0x5, v22;
	v61 =	vld.idx.msk [tilespmem:v8+s2+$0x0], $0xffff  }
0x47b: {  	v18 =	vor.u32 $0x6, v22;
	v21 =	vld.idx.msk [tilespmem:v1+s21+$0x0], $0xffff  }
0x47c: {  	v20 =	vor.u32 $0x7, v22;
	v62 =	vld.idx.msk [tilespmem:v9+s2+$0x0], $0xffff  }
0x47d: {  	v63 =	vor.u32 $0x7, v2;
	v9 =	vld.idx.msk [tilespmem:v12+s2+$0x0], $0xffff  }
0x47e: {  	[tilespmem:$0x1F9A0] =	vst v0;
	v0 =	vor.u32 $0x3, v2;
	v27 =	vld.idx.msk [tilespmem:v4+s21+$0x0], $0xffff  }
0x47f: {  	v23 =	vor.u32 $0x8, v22;
	v15 =	vld.idx.msk [tilespmem:v15+s2+$0x0], $0xffff  }
0x480: {  	v29 =	vor.u32 $0x9, v22;
	[tilespmem:$0x1F9C0] =	vst v1;
	v1 =	vor.u32 $0x5, v2;
	v18 =	vld.idx.msk [tilespmem:v18+s2+$0x0], $0xffff  }
0x481: {  	v31 =	vor.u32 $0xA, v22;
	v39 =	vor.u32 $0xB, v22;
	v41 =	vor.u32 $0xC, v22;
	v20 =	vld.idx.msk [tilespmem:v20+s2+$0x0], $0xffff  }
0x482: {  	v42 =	vor.u32 $0xD, v22;
	v11 =	vld.idx.msk [tilespmem:v63+s21+$0x0], $0xffff;
	v33 =	vadd.f32 v16, v5;
	v16 =	vor.u32 $0x8, v2  }
0x483: {  	v44 =	vor.u32 $0xE, v22;
	v50 =	vor.u32 $0xF, v22;
	[tilespmem:$0x1F9E0] =	vst v0;
	v25 =	vld.idx.msk [tilespmem:v0+s21+$0x0], $0xffff;
	v0 =	vor.u32 $0x6, v2  }
0x484: {  	v23 =	vld.idx.msk [tilespmem:v23+s2+$0x0], $0xffff;
	v53 =	vadd.f32 v19, v7;
	v57 =	vadd.f32 v21, v61;
	v45 =	vmul.f32 $2.000000030e-01, v33  }
0x485: {  	v54 =	vor.u32 $0x10, v22;
	v55 =	vor.u32 $0x11, v22;
	v35 =	vld.idx.msk [tilespmem:v1+s21+$0x0], $0xffff;
	v19 =	vor.u32 $0x9, v2  }
0x486: {  	v51 =	vld.idx.msk [tilespmem:v41+s2+$0x0], $0xffff;
	v56 =	vmul.f32 $2.000000030e-01, v53;
	v12 =	vmul.f32 $2.000000030e-01, v57;
	v33 =	vmax.f32 v33, v45  }
0x487: {  	[tilespmem:$0x1FA20] =	vst v63;
	v21 =	vor.u32 $0xA, v2;
	v45 =	vadd.f32 v11, v20;
	v33 =	vmul.f32 v33, v24;
	v60 =	vld.idx.msk [tilespmem:v16+s21+$0x0], $0xffff  }
0x488: {  	[tilespmem:$0x1F9B0] =	vst v62;
	v53 =	vmax.f32 v53, v56;
	v24 =	vor.u32 $0xB, v2;
	v56 =	vmax.f32 v57, v12;
	v47 =	vld.idx.msk [tilespmem:v0+s21+$0x0], $0xffff  }
0x489: {  	v59 =	vadd.f32 v25, v62;
	v25 =	vld.idx.msk [tilespmem:v29+s2+$0x0], $0xffff;
	v13 =	vmul.f32 v53, v26;
	v62 =	vadd.f32 v27, v9  }
0x48a: {  	[tilespmem:$0x1F990] =	vst v61;
	v61 =	vld.idx.msk [tilespmem:v19+s21+$0x0], $0xffff;
	v26 =	vor.u32 $0xC, v2;
	v63 =	vmul.f32 v56, v28;
	v35 =	vadd.f32 v35, v15  }
0x48b: {  	v27 =	vld.idx.msk [tilespmem:v31+s2+$0x0], $0xffff;
	v28 =	vor.u32 $0xD, v2;
	v29 =	vadd.f32 $0.0e+00, v33;
	v14 =	vmul.f32 $2.000000030e-01, v59  }
0x48c: {  	v58 =	vor.u32 $0x12, v22;
	[tilespmem:$0x1F9F0] =	vst v4;
	v56 =	vld.idx.msk [tilespmem:v21+s21+$0x0], $0xffff;
	v12 =	vmul.f32 $2.000000030e-01, v45;
	v4 =	vmul.f32 $2.000000030e-01, v62  }
0x48d: {  	[tilespmem:$0x1F960] =	vst v5;
	v6 =	vmul.f32 $2.000000030e-01, v35;
	v31 =	vadd.f32 v13, v29;
	v29 =	vld.idx.msk [tilespmem:v39+s2+$0x0], $0xffff;
	v53 =	vmax.f32 v59, v14  }
0x48e: {  	[tilespmem:$0x1FA10] =	vst v0;
	v0 =	vor.u32 $0x17, v22;
	v45 =	vmax.f32 v45, v12;
	v5 =	vmul.f32 v53, v30;
	v53 =	vld.idx.msk [tilespmem:v24+s21+$0x0], $0xffff  }
0x48f: {  	v57 =	vmax.f32 v62, v4;
	v35 =	vmax.f32 v35, v6;
	v47 =	vadd.f32 v47, v18;
	v62 =	vld.idx.msk [tilespmem:v26+s21+$0x0], $0xffff  }
0x490: {  	[tilespmem:$0x1F980] =	vst v7;
	v33 =	vadd.f32 v63, v31;
	v30 =	vor.u32 $0xE, v2;
	v7 =	vmul.f32 v57, v32;
	v57 =	vld.idx.msk [tilespmem:v28+s21+$0x0], $0xffff  }
0x491: {  	[tilespmem:$0x1F9D0] =	vst v9;
	v13 =	vadd.f32 v60, v23;
	v9 =	vmul.f32 v35, v34;
	v35 =	vld.idx.msk [tilespmem:v44+s2+$0x0], $0xffff;
	v8 =	vmul.f32 $2.000000030e-01, v47  }
0x492: {  	v32 =	vor.u32 $0xF, v2;
	v34 =	vor.u32 $0x10, v2;
	v39 =	vadd.f32 v5, v33;
	v33 =	vld.idx.msk [tilespmem:v42+s2+$0x0], $0xffff  }
0x493: {  	v56 =	vadd.f32 v56, v27;
	v11 =	vmax.f32 v47, v8;
	v8 =	vmul.f32 v45, v37;
	v37 =	vld.idx.msk [tilespmem:v54+s2+$0x0], $0xffff  }
0x494: {  	[tilespmem:$0x1FA00] =	vst v1;
	v1 =	vor.u32 $0x18, v22;
	v14 =	vor.u32 $0x13, v22;
	v63 =	vor.u32 $0x16, v22;
	v45 =	vld.idx.msk [tilespmem:v0+s2+$0x0], $0xffff  }
0x495: {  	v6 =	vmul.f32 $2.000000030e-01, v13;
	v12 =	vmul.f32 $2.000000030e-01, v56;
	v39 =	vadd.f32 v7, v39;
	v60 =	vld.idx.msk [tilespmem:v30+s21+$0x0], $0xffff  }
0x496: {  	v5 =	vor.u32 $0x14, v22;
	v7 =	vadd.f32 v61, v25;
	v4 =	vmul.f32 v11, v36;
	v36 =	vld.idx.msk [tilespmem:v50+s2+$0x0], $0xffff  }
0x497: {  	v47 =	vmax.f32 v13, v6;
	v13 =	vmax.f32 v56, v12;
	v61 =	vld.idx.msk [tilespmem:v32+s21+$0x0], $0xffff;
	v39 =	vadd.f32 v9, v39  }
0x498: {  	v6 =	vor.u32 $0x1A, v22;
	v0 =	vor.u32 $0x1B, v22;
	v54 =	vor.u32 $0x13, v2;
	v59 =	vld.idx.msk [tilespmem:v34+s21+$0x0], $0xffff  }
0x499: {  	v47 =	vmul.f32 v47, v38;
	v38 =	vld.idx.msk [tilespmem:v55+s2+$0x0], $0xffff;
	v11 =	vmul.f32 $2.000000030e-01, v7;
	v39 =	vadd.f32 v4, v39  }
0x49a: {  	v12 =	vor.u32 $0x1C, v22;
	v53 =	vadd.f32 v53, v29;
	v44 =	vld.idx.msk [tilespmem:v63+s2+$0x0], $0xffff;
	v9 =	vor.u32 $0x15, v22  }
0x49b: {  	v55 =	vor.u32 $0x19, v22;
	v42 =	vld.idx.msk [tilespmem:v5+s2+$0x0], $0xffff;
	v50 =	vmax.f32 v7, v11;
	v41 =	vadd.f32 v8, v39  }
0x49c: {  	v57 =	vadd.f32 v57, v33;
	v4 =	vadd.f32 v62, v51;
	v50 =	vmul.f32 v50, v40;
	v40 =	vld.idx.msk [tilespmem:v14+s2+$0x0], $0xffff  }
0x49d: {  	v5 =	vmul.f32 v13, v43;
	v14 =	vmul.f32 $2.000000030e-01, v53;
	v63 =	vld.idx.msk [tilespmem:v54+s21+$0x0], $0xffff;
	v47 =	vadd.f32 v47, v41  }
0x49e: {  	v7 =	vmul.f32 $2.000000030e-01, v57;
	v39 =	vld.idx.msk [tilespmem:v58+s2+$0x0], $0xffff;
	v11 =	vmul.f32 $2.000000030e-01, v4;
	v41 =	vor.u32 $0x11, v2  }
0x49f: {  	v8 =	vadd.f32 v60, v35;
	v43 =	vld.idx.msk [tilespmem:v9+s2+$0x0], $0xffff;
	v53 =	vmax.f32 v53, v14;
	v50 =	vadd.f32 v50, v47  }
0x4a0: {  	v13 =	vmax.f32 v57, v7;
	v53 =	vmul.f32 v53, v48;
	v48 =	vld.idx.msk [tilespmem:v1+s2+$0x0], $0xffff;
	v47 =	vor.u32 $0x12, v2  }
0x4a1: {  	v1 =	vmax.f32 v4, v11;
	v4 =	vmul.f32 v13, v52;
	v52 =	vld.idx.msk [tilespmem:v0+s2+$0x0], $0xffff;
	v50 =	vadd.f32 v5, v50  }
0x4a2: {  	v61 =	vadd.f32 v61, v36;
	v14 =	vmul.f32 $2.000000030e-01, v8;
	v1 =	vmul.f32 v1, v49;
	v49 =	vld.idx.msk [tilespmem:v55+s2+$0x0], $0xffff  }
0x4a3: {  	v56 =	vor.u32 $0x14, v2;
	v9 =	vld.idx.msk [tilespmem:v41+s21+$0x0], $0xffff;
	v53 =	vadd.f32 v53, v50  }
0x4a4: {  	v11 =	vor.u32 $0x1D, v22;
	v57 =	vmax.f32 v8, v14;
	v8 =	vmul.f32 $2.000000030e-01, v61;
	v50 =	vld.idx.msk [tilespmem:v6+s2+$0x0], $0xffff  }
0x4a5: {  	v5 =	vor.u32 $0x1E, v22;
	v6 =	vld.idx.msk [tilespmem:v47+s21+$0x0], $0xffff;
	v1 =	vadd.f32 v1, v53  }
0x4a6: {  	v7 =	vadd.f32 v59, v37;
	v13 =	vor.u32 $0x18, v2;
	v14 =	vld.idx.msk [tilespmem:v12+s2+$0x0], $0xffff;
	v59 =	vmax.f32 v61, v8  }
0x4a7: {  	v61 =	vld [tilespmem:$0x10110];
	v0 =	vadd.f32 v4, v1;
	v1 =	vmul.f32 v57, v3;
	v57 =	vor.u32 $0x15, v2  }
0x4a8: {  	v59 =	vmul.f32 v59, v46;
	v60 =	vadd.f32 v9, v38;
	v4 =	vld.idx.msk [tilespmem:v56+s21+$0x0], $0xffff  }
0x4a9: {  	v46 =	vor.u32 $0x16, v2;
	v53 =	vld.idx.msk [tilespmem:v11+s2+$0x0], $0xffff;
	v0 =	vadd.f32 v1, v0;
	v1 =	vmul.f32 $2.000000030e-01, v7  }
0x4aa: {  	v58 =	vor.u32 $0x17, v2;
	v55 =	vld.idx.msk [tilespmem:v5+s2+$0x0], $0xffff;
	v62 =	vadd.f32 v6, v39;
	v9 =	vmul.f32 $2.000000030e-01, v60  }
0x4ab: {  	v63 =	vadd.f32 v63, v40;
	v5 =	vld.idx.msk [tilespmem:v13+s21+$0x0], $0xffff;
	v1 =	vmax.f32 v7, v1;
	v3 =	vadd.f32 v59, v0  }
0x4ac: {  	v0 =	vmul.f32 $2.000000030e-01, v62;
	v59 =	vmax.f32 v60, v9;
	v11 =	vld.idx.msk [tilespmem:v57+s21+$0x0], $0xffff;
	v17 =	vmul.f32 v1, v17  }
0x4ad: {  	v22 =	vor.u32 $0x1F, v22;
	v60 =	vld [tilespmem:$0x10130];
	v59 =	vmul.f32 v59, v61;
	v4 =	vadd.f32 v4, v42  }
0x4ae: {  	v1 =	vmax.f32 v62, v0;
	v62 =	vld.idx.msk [tilespmem:v46+s21+$0x0], $0xffff;
	v0 =	vmul.f32 $2.000000030e-01, v63;
	v17 =	vadd.f32 v17, v3  }
0x4af: {  	v12 =	vor.u32 $0x19, v2;
	v61 =	vld [tilespmem:$0x10140];
	v1 =	vmul.f32 v1, v10  }
0x4b0: {  	v3 =	vld.idx.msk [tilespmem:v58+s21+$0x0], $0xffff;
	v0 =	vmax.f32 v63, v0;
	v63 =	vmul.f32 $2.000000030e-01, v4;
	v17 =	vadd.f32 v59, v17  }
0x4b1: {  	v6 =	vld [tilespmem:$0x10150];
	v10 =	vor.u32 $0x1A, v2;
	v59 =	vadd.f32 v11, v43  }
0x4b2: {  	v7 =	vld [tilespmem:$0x10160];
	v4 =	vmax.f32 v4, v63;
	v1 =	vadd.f32 v1, v17;
	v17 =	vmul.f32 v0, v60  }
0x4b3: {  	v11 =	vld.idx.msk [tilespmem:v22+s2+$0x0], $0xffff;
	v60 =	vadd.f32 v62, v44;
	v62 =	vor.u32 $0x1B, v2;
	v9 =	vmul.f32 $2.000000030e-01, v59  }
0x4b4: {  	v22 =	vld.idx.msk [tilespmem:v12+s21+$0x0], $0xffff;
	v63 =	vor.u32 $0x1C, v2;
	v4 =	vmul.f32 v4, v61;
	v1 =	vadd.f32 v17, v1  }
0x4b5: {  	v3 =	vadd.f32 v3, v45;
	v61 =	vmul.f32 $2.000000030e-01, v60;
	v17 =	vmax.f32 v59, v9;
	v59 =	vld [tilespmem:$0x10170]  }
0x4b6: {  	v5 =	vadd.f32 v5, v48;
	v1 =	vadd.f32 v4, v1;
	v9 =	vmul.f32 v17, v6;
	v6 =	vld.idx.msk [tilespmem:v10+s21+$0x0], $0xffff  }
0x4b7: {  	v0 =	vmul.f32 $2.000000030e-01, v3;
	v17 =	vmax.f32 v60, v61;
	v60 =	vld [tilespmem:$0x10180];
	v61 =	vor.u32 $0x1D, v2  }
0x4b8: {  	v4 =	vmul.f32 v17, v7;
	v17 =	vmul.f32 $2.000000030e-01, v5;
	v1 =	vadd.f32 v9, v1;
	v9 =	vld.idx.msk [tilespmem:v62+s21+$0x0], $0xffff  }
0x4b9: {  	v31 =	vor.u32 $0x1E, v2;
	v8 =	vld [tilespmem:$0x10190];
	v0 =	vmax.f32 v3, v0;
	v3 =	vadd.f32 v22, v49  }
0x4ba: {  	v22 =	vmax.f32 v5, v17;
	v5 =	vld.idx.msk [tilespmem:v63+s21+$0x0], $0xffff;
	v7 =	vadd.f32 v4, v1;
	v1 =	vmul.f32 v0, v59  }
0x4bb: {  	v17 =	vor.u32 $0x1F, v2;
	v59 =	vld [tilespmem:$0x101A0];
	v0 =	vmul.f32 $2.000000030e-01, v3;
	v6 =	vadd.f32 v6, v50  }
0x4bc: {  	v4 =	vmul.f32 v22, v60;
	v1 =	vadd.f32 v1, v7;
	v7 =	vld.idx.msk [tilespmem:v61+s21+$0x0], $0xffff  }
0x4bd: {  	v0 =	vmax.f32 v3, v0;
	v3 =	vadd.f32 v9, v52;
	v9 =	vld [tilespmem:$0x101B0];
	v22 =	vmul.f32 $2.000000030e-01, v6  }
0x4be: {  	v0 =	vmul.f32 v0, v8;
	v1 =	vadd.f32 v4, v1;
	v4 =	vld.idx.msk [tilespmem:v31+s21+$0x0], $0xffff  }
0x4bf: {  	v8 =	vld [tilespmem:$0x101C0];
	v5 =	vadd.f32 v5, v14;
	v6 =	vmax.f32 v6, v22;
	v22 =	vmul.f32 $2.000000030e-01, v3  }
0x4c0: {  	v0 =	vadd.f32 v0, v1;
	v1 =	vmul.f32 v6, v59;
	v6 =	vld.idx.msk [tilespmem:v17+s21+$0x0], $0xffff  }
0x4c1: {  	v60 =	vld [tilespmem:$0x101D0];
	v3 =	vmax.f32 v3, v22;
	v7 =	vadd.f32 v7, v53;
	v22 =	vmul.f32 $2.000000030e-01, v5  }
0x4c2: {  	v0 =	vadd.f32 v1, v0;
	v1 =	vmul.f32 v3, v9  }
0x4c3: {  	v9 =	vld [tilespmem:$0x101E0];
	v3 =	vmax.f32 v5, v22;
	v4 =	vadd.f32 v4, v55;
	v59 =	vmul.f32 $2.000000030e-01, v7  }
0x4c4: {  	v0 =	vadd.f32 v1, v0;
	v1 =	vmul.f32 v3, v8  }
0x4c5: {  	v3 =	vmax.f32 v7, v59;
	v5 =	vadd.f32 v6, v11;
	v22 =	vmul.f32 $2.000000030e-01, v4;
	v59 =	vld [tilespmem:$0x101F0]  }
0x4c6: {  	v0 =	vadd.f32 v1, v0;
	v1 =	vmul.f32 v3, v60  }
0x4c7: {  	v3 =	vmax.f32 v4, v22;
	v60 =	vmul.f32 $2.000000030e-01, v5  }
0x4c8: {  	v0 =	vadd.f32 v1, v0;
	v1 =	vmul.f32 v3, v9  }
0x4c9: {  	v3 =	vmax.f32 v5, v60  }
0x4ca: {  	v0 =	vadd.f32 v1, v0;
	v1 =	vmul.f32 v3, v59;
	_ =	sdelay $0x1  }
0x4cb: {  	v0 =	vadd.f32 v1, v0;
	_ =	sdelay $0x1  }
0x4cc: {  	v0 =	vmul.f32 $1.442695020e+00, v0;
	_ =	sdelay $0x1  }
0x4cd: {  	(erf) = vpow2.f32 v0;
	_ =	sdelay $0x2  }
0x4ce: {  	v3 =	vld [tilespmem:$0x1F970];
	_ =	sdelay $0x1  }
0x4cf: {  	v1 =	vld [tilespmem:$0x1F960];
	_ =	sdelay $0x3  }
0x4d0: {  	v0 =	vpop (erf)  }
0x4d1: {  	v1 =	vmul.f32 v0, v1  }
0x4d2: {  	[tilespmem:v3+s26+$0x0] =	vst.idx.add.f32.msk $0xffff, v0  }
0x4d3: {  	[tilespmem:v2+s28+$0x0] =	vst.idx.add.f32.msk $0xffff, v1  }
0x4d4: {  	v2 =	vld [tilespmem:$0x1F9A0]  }
0x4d5: {  	v3 =	vld [tilespmem:$0x1F980];
	_ =	sdelay $0x4  }
0x4d6: {  	v3 =	vmul.f32 v0, v3;
	_ =	sdelay $0x1  }
0x4d7: {  	[tilespmem:v2+s28+$0x0] =	vst.idx.add.f32.msk $0xffff, v3  }
0x4d8: {  	v3 =	vld [tilespmem:$0x1F9C0]  }
0x4d9: {  	v1 =	vld [tilespmem:$0x1F990];
	_ =	sdelay $0x4  }
0x4da: {  	v1 =	vmul.f32 v0, v1;
	_ =	sdelay $0x1  }
0x4db: {  	[tilespmem:v3+s28+$0x0] =	vst.idx.add.f32.msk $0xffff, v1  }
0x4dc: {  	v3 =	vld [tilespmem:$0x1F9E0]  }
0x4dd: {  	v2 =	vld [tilespmem:$0x1F9B0];
	_ =	sdelay $0x4  }
0x4de: {  	v2 =	vmul.f32 v0, v2;
	_ =	sdelay $0x1  }
0x4df: {  	[tilespmem:v3+s28+$0x0] =	vst.idx.add.f32.msk $0xffff, v2  }
0x4e0: {  	v3 =	vld [tilespmem:$0x1F9F0]  }
0x4e1: {  	v1 =	vld [tilespmem:$0x1F9D0];
	_ =	sdelay $0x4  }
0x4e2: {  	v1 =	vmul.f32 v0, v1;
	_ =	sdelay $0x1  }
0x4e3: {  	[tilespmem:v3+s28+$0x0] =	vst.idx.add.f32.msk $0xffff, v1  }
0x4e4: {  	v3 =	vld [tilespmem:$0x1FA00];
	_ =	sdelay $0x5  }
0x4e5: {  	v2 =	vmul.f32 v0, v15;
	_ =	sdelay $0x1  }
0x4e6: {  	[tilespmem:v3+s28+$0x0] =	vst.idx.add.f32.msk $0xffff, v2  }
0x4e7: {  	v3 =	vld [tilespmem:$0x1FA10];
	_ =	sdelay $0x5  }
0x4e8: {  	v1 =	vmul.f32 v0, v18;
	_ =	sdelay $0x1  }
0x4e9: {  	[tilespmem:v3+s28+$0x0] =	vst.idx.add.f32.msk $0xffff, v1  }
0x4ea: {  	v3 =	vld [tilespmem:$0x1FA20];
	_ =	sdelay $0x5  }
0x4eb: {  	v2 =	vmul.f32 v0, v20  }
0x4ec: {  	v1 =	vmul.f32 v0, v23  }
0x4ed: {  	[tilespmem:v3+s28+$0x0] =	vst.idx.add.f32.msk $0xffff, v2;
	v2 =	vmul.f32 v0, v25  }
0x4ee: {  	[tilespmem:v16+s28+$0x0] =	vst.idx.add.f32.msk $0xffff, v1;
	v1 =	vmul.f32 v0, v27  }
0x4ef: {  	[tilespmem:v19+s28+$0x0] =	vst.idx.add.f32.msk $0xffff, v2;
	v2 =	vmul.f32 v0, v29  }
0x4f0: {  	[tilespmem:v21+s28+$0x0] =	vst.idx.add.f32.msk $0xffff, v1;
	v1 =	vmul.f32 v0, v51  }
0x4f1: {  	[tilespmem:v24+s28+$0x0] =	vst.idx.add.f32.msk $0xffff, v2;
	v2 =	vmul.f32 v0, v33  }
0x4f2: {  	[tilespmem:v26+s28+$0x0] =	vst.idx.add.f32.msk $0xffff, v1;
	v1 =	vmul.f32 v0, v35  }
0x4f3: {  	[tilespmem:v28+s28+$0x0] =	vst.idx.add.f32.msk $0xffff, v2;
	v2 =	vmul.f32 v0, v36  }
0x4f4: {  	[tilespmem:v30+s28+$0x0] =	vst.idx.add.f32.msk $0xffff, v1;
	v1 =	vmul.f32 v0, v37  }
0x4f5: {  	[tilespmem:v32+s28+$0x0] =	vst.idx.add.f32.msk $0xffff, v2;
	v2 =	vmul.f32 v0, v38  }
0x4f6: {  	[tilespmem:v34+s28+$0x0] =	vst.idx.add.f32.msk $0xffff, v1;
	v1 =	vmul.f32 v0, v39  }
0x4f7: {  	[tilespmem:v41+s28+$0x0] =	vst.idx.add.f32.msk $0xffff, v2;
	v2 =	vmul.f32 v0, v40  }
0x4f8: {  	[tilespmem:v47+s28+$0x0] =	vst.idx.add.f32.msk $0xffff, v1;
	v1 =	vmul.f32 v0, v42  }
0x4f9: {  	[tilespmem:v54+s28+$0x0] =	vst.idx.add.f32.msk $0xffff, v2;
	v2 =	vmul.f32 v0, v43  }
0x4fa: {  	[tilespmem:v56+s28+$0x0] =	vst.idx.add.f32.msk $0xffff, v1;
	v1 =	vmul.f32 v0, v44  }
0x4fb: {  	[tilespmem:v57+s28+$0x0] =	vst.idx.add.f32.msk $0xffff, v2;
	v2 =	vmul.f32 v0, v45  }
0x4fc: {  	[tilespmem:v46+s28+$0x0] =	vst.idx.add.f32.msk $0xffff, v1;
	v1 =	vmul.f32 v0, v48  }
0x4fd: {  	[tilespmem:v58+s28+$0x0] =	vst.idx.add.f32.msk $0xffff, v2;
	v2 =	vmul.f32 v0, v49  }
0x4fe: {  	[tilespmem:v13+s28+$0x0] =	vst.idx.add.f32.msk $0xffff, v1;
	v1 =	vmul.f32 v0, v50  }
0x4ff: {  	[tilespmem:v12+s28+$0x0] =	vst.idx.add.f32.msk $0xffff, v2;
	v2 =	vmul.f32 v0, v52  }
0x500: {  	[tilespmem:v10+s28+$0x0] =	vst.idx.add.f32.msk $0xffff, v1;
	v1 =	vmul.f32 v0, v14  }
0x501: {  	[tilespmem:v62+s28+$0x0] =	vst.idx.add.f32.msk $0xffff, v2;
	v2 =	vmul.f32 v0, v53  }
0x502: {  	[tilespmem:v63+s28+$0x0] =	vst.idx.add.f32.msk $0xffff, v1  }
0x503: {  	s30 =	simm.s32 $0x40;
	v1 =	vmul.f32 v0, v55;
	v0 =	vmul.f32 v0, v11;
	[tilespmem:v61+s28+$0x0] =	vst.idx.add.f32.msk $0xffff, v2  }
.LBB2_16:
0x504: {  	_ = 	snop  }
0x505: {  	[tilespmem:v31+s28+$0x0] =	vst.idx.add.f32.msk $0xffff, v1  }
0x506: {  	[tilespmem:v17+s28+$0x0] =	vst.idx.add.f32.msk $0xffff, v0  }
0x507: {  	v0 =	vld [tilespmem:$0x101C0];
	_ =	sdelay $0x4  }
0x508: {  	[tilespmem:$0x1F8B0] =	vst v0;
	v0 =	vld [tilespmem:$0x101B0];
	_ =	sdelay $0x4  }
0x509: {  	[tilespmem:$0x1F8A0] =	vst v0;
	v0 =	vld [tilespmem:$0x101A0];
	_ =	sdelay $0x4  }
0x50a: {  	[tilespmem:$0x1F890] =	vst v0;
	v0 =	vld [tilespmem:$0x10180];
	_ =	sdelay $0x4  }
0x50b: {  	[tilespmem:$0x1F870] =	vst v0;
	v0 =	vld [tilespmem:$0x10170];
	_ =	sdelay $0x2  }
0x50c: {  	v48 =	vld [tilespmem:$0x10100]  }
0x50d: {  	v53 =	vld [tilespmem:$0x100F0]  }
0x50e: {  	[tilespmem:$0x1F860] =	vst v0;
	v0 =	vld [tilespmem:$0x10160]  }
0x50f: {  	v57 =	vld [tilespmem:$0x100D0]  }
0x510: {  	s31 =	smov.u32 s30;
	v54 =	vld [tilespmem:$0x100C0]  }
0x511: {  	s31 =	sshra.s32 s31, $0x2;
	v15 =	vld [tilespmem:$0x100B0]  }
0x512: {  	v1 =	vld [tilespmem:s31+$0x12200]  }
0x513: {  	[tilespmem:$0x1F850] =	vst v0;
	v0 =	vld [tilespmem:$0x10150]  }
0x514: {  	v13 =	vld [tilespmem:$0x100A0]  }
0x515: {  	v45 =	vld [tilespmem:$0x10090]  }
0x516: {  	v42 =	vld [tilespmem:$0x10080]  }
0x517: {  	v10 =	vld [tilespmem:$0x10070]  }
0x518: {  	v4 =	vshll.u32 v1, $0x5;
	[tilespmem:$0x1F840] =	vst v0;
	v0 =	vld [tilespmem:s31+$0x10200]  }
0x519: {  	v37 =	vld [tilespmem:$0x10060];
	v2 =	vor.u32 $0x1, v4  }
0x51a: {  	v34 =	vld [tilespmem:$0x10050]  }
0x51b: {  	v32 =	vld [tilespmem:$0x10040]  }
0x51c: {  	v29 =	vld [tilespmem:$0x10030]  }
0x51d: {  	v27 =	vld [tilespmem:$0x10020];
	v3 =	vor.u32 $0x2, v4;
	v6 =	vor.u32 $0x4, v4;
	v19 =	vshll.u32 v0, $0x5  }
0x51e: {  	v7 =	vor.u32 $0x5, v4;
	[tilespmem:$0x1F900] =	vst v2;
	v23 =	vld.idx.msk [tilespmem:v2+s21+$0x0], $0xffff;
	v2 =	vor.u32 $0x3, v4;
	v0 =	vor.u32 $0x1, v19  }
0x51f: {  	v24 =	vld [tilespmem:$0x10010];
	[tilespmem:$0x1F8E0] =	vst v1;
	v1 =	vor.u32 $0x2, v19;
	v8 =	vor.u32 $0x3, v19;
	v55 =	vor.u32 $0x4, v19  }
0x520: {  	v30 =	vld [tilespmem:$0x10000];
	v21 =	vor.u32 $0x5, v19;
	v25 =	vor.u32 $0x6, v19;
	v28 =	vor.u32 $0x7, v19  }
0x521: {  	v20 =	vld.idx.msk [tilespmem:v4+s21+$0x0], $0xffff;
	v33 =	vor.u32 $0x8, v19;
	v36 =	vor.u32 $0x9, v19;
	v38 =	vor.u32 $0xA, v19  }
0x522: {  	v40 =	vor.u32 $0xB, v19;
	v41 =	vor.u32 $0xC, v19;
	v43 =	vor.u32 $0xD, v19;
	v5 =	vld.idx.msk [tilespmem:v19+s2+$0x0], $0xffff  }
0x523: {  	v52 =	vld.idx.msk [tilespmem:v3+s21+$0x0], $0xffff;
	v46 =	vor.u32 $0xE, v19;
	v49 =	vor.u32 $0xF, v19;
	v47 =	vor.u32 $0x10, v19  }
0x524: {  	v50 =	vor.u32 $0x11, v19;
	v59 =	vor.u32 $0x12, v19;
	v62 =	vor.u32 $0x13, v19;
	v0 =	vld.idx.msk [tilespmem:v0+s2+$0x0], $0xffff  }
0x525: {  	v9 =	vor.u32 $0x14, v19;
	v11 =	vor.u32 $0x15, v19;
	v12 =	vor.u32 $0x16, v19;
	v16 =	vld.idx.msk [tilespmem:v1+s2+$0x0], $0xffff  }
0x526: {  	[tilespmem:$0x1F910] =	vst v3;
	v3 =	vld.idx.msk [tilespmem:v2+s21+$0x0], $0xffff;
	v14 =	vor.u32 $0x17, v19;
	v17 =	vor.u32 $0x18, v19;
	v18 =	vor.u32 $0x19, v19  }
0x527: {  	[tilespmem:$0x1F920] =	vst v2;
	v2 =	vld.idx.msk [tilespmem:v6+s21+$0x0], $0xffff;
	v22 =	vor.u32 $0x1A, v19;
	v1 =	vor.u32 $0x1F, v19;
	v56 =	vadd.f32 v20, v5  }
0x528: {  	v63 =	vor.u32 $0x1B, v19;
	v61 =	vor.u32 $0x1C, v19;
	v58 =	vor.u32 $0x1D, v19;
	v26 =	vld.idx.msk [tilespmem:v8+s2+$0x0], $0xffff;
	[tilespmem:$0x1F880] =	vst v1  }
0x529: {  	v8 =	vor.u32 $0x6, v4;
	v20 =	vld.idx.msk [tilespmem:v55+s2+$0x0], $0xffff;
	[tilespmem:$0x1F8D0] =	vst v0;
	v0 =	vadd.f32 v23, v0;
	v1 =	vmul.f32 $2.000000030e-01, v56  }
0x52a: {  	[tilespmem:$0x1F8C0] =	vst v5;
	v55 =	vor.u32 $0x1E, v19;
	v19 =	vor.u32 $0x7, v4;
	v5 =	vld.idx.msk [tilespmem:v7+s21+$0x0], $0xffff;
	v52 =	vadd.f32 v52, v16  }
0x52b: {  	v23 =	vld.idx.msk [tilespmem:v21+s2+$0x0], $0xffff;
	v21 =	vor.u32 $0x8, v4;
	v1 =	vmax.f32 v56, v1;
	v56 =	vmul.f32 $2.000000030e-01, v0  }
0x52c: {  	v25 =	vld.idx.msk [tilespmem:v25+s2+$0x0], $0xffff;
	v1 =	vmul.f32 v1, v30  }
0x52d: {  	v28 =	vld.idx.msk [tilespmem:v28+s2+$0x0], $0xffff;
	v3 =	vadd.f32 v3, v26;
	v30 =	vmul.f32 $2.000000030e-01, v52;
	v0 =	vmax.f32 v0, v56  }
0x52e: {  	[tilespmem:$0x1F930] =	vst v6;
	v2 =	vadd.f32 v2, v20;
	v56 =	vld.idx.msk [tilespmem:v8+s21+$0x0], $0xffff;
	v1 =	vadd.f32 $0.0e+00, v1;
	v0 =	vmul.f32 v0, v24  }
0x52f: {  	[tilespmem:$0x1F940] =	vst v7;
	v6 =	vld.idx.msk [tilespmem:v19+s21+$0x0], $0xffff;
	v24 =	vor.u32 $0x9, v4;
	v30 =	vmax.f32 v52, v30;
	v52 =	vmul.f32 $2.000000030e-01, v3  }
0x530: {  	v5 =	vadd.f32 v5, v23;
	v7 =	vld.idx.msk [tilespmem:v21+s21+$0x0], $0xffff;
	v0 =	vadd.f32 v0, v1;
	v1 =	vmul.f32 v30, v27  }
0x531: {  	v30 =	vld.idx.msk [tilespmem:v33+s2+$0x0], $0xffff;
	v27 =	vor.u32 $0xA, v4;
	v3 =	vmax.f32 v3, v52;
	v52 =	vmul.f32 $2.000000030e-01, v2  }
0x532: {  	v41 =	vld.idx.msk [tilespmem:v41+s2+$0x0], $0xffff;
	v0 =	vadd.f32 v1, v0;
	v1 =	vmul.f32 v3, v29;
	v29 =	vor.u32 $0xB, v4  }
0x533: {  	v33 =	vld.idx.msk [tilespmem:v36+s2+$0x0], $0xffff;
	v2 =	vmax.f32 v2, v52;
	v3 =	vmul.f32 $2.000000030e-01, v5;
	v52 =	vadd.f32 v56, v25  }
0x534: {  	v56 =	vld.idx.msk [tilespmem:v24+s21+$0x0], $0xffff;
	v0 =	vadd.f32 v1, v0;
	v1 =	vmul.f32 v2, v32;
	v32 =	vor.u32 $0xC, v4  }
0x535: {  	v36 =	vld.idx.msk [tilespmem:v38+s2+$0x0], $0xffff;
	v2 =	vmax.f32 v5, v3;
	v3 =	vmul.f32 $2.000000030e-01, v52;
	v5 =	vadd.f32 v6, v28  }
0x536: {  	v6 =	vld.idx.msk [tilespmem:v27+s21+$0x0], $0xffff;
	v7 =	vadd.f32 v7, v30;
	v0 =	vadd.f32 v1, v0;
	v1 =	vmul.f32 v2, v34  }
0x537: {  	v38 =	vld.idx.msk [tilespmem:v40+s2+$0x0], $0xffff;
	v34 =	vor.u32 $0xD, v4;
	v2 =	vmax.f32 v52, v3;
	v3 =	vmul.f32 $2.000000030e-01, v5  }
0x538: {  	v52 =	vld.idx.msk [tilespmem:v29+s21+$0x0], $0xffff;
	v0 =	vadd.f32 v1, v0;
	v1 =	vmul.f32 v2, v37;
	v37 =	vor.u32 $0xE, v4  }
0x539: {  	v43 =	vld.idx.msk [tilespmem:v43+s2+$0x0], $0xffff;
	v2 =	vmax.f32 v5, v3;
	v3 =	vmul.f32 $2.000000030e-01, v7;
	v5 =	vadd.f32 v56, v33  }
0x53a: {  	v40 =	vor.u32 $0xF, v4;
	v56 =	vld.idx.msk [tilespmem:v32+s21+$0x0], $0xffff;
	v0 =	vadd.f32 v1, v0;
	v1 =	vmul.f32 v2, v10  }
0x53b: {  	v46 =	vld.idx.msk [tilespmem:v46+s2+$0x0], $0xffff;
	v2 =	vmax.f32 v7, v3;
	v3 =	vmul.f32 $2.000000030e-01, v5;
	v6 =	vadd.f32 v6, v36  }
0x53c: {  	v7 =	vld.idx.msk [tilespmem:v34+s21+$0x0], $0xffff;
	v0 =	vadd.f32 v1, v0;
	v1 =	vmul.f32 v2, v42;
	v42 =	vor.u32 $0x10, v4  }
0x53d: {  	v49 =	vld.idx.msk [tilespmem:v49+s2+$0x0], $0xffff;
	v2 =	vmax.f32 v5, v3;
	v3 =	vmul.f32 $2.000000030e-01, v6;
	v5 =	vadd.f32 v52, v38  }
0x53e: {  	v10 =	vld.idx.msk [tilespmem:v37+s21+$0x0], $0xffff;
	v0 =	vadd.f32 v1, v0;
	v1 =	vmul.f32 v2, v45;
	v45 =	vor.u32 $0x11, v4  }
0x53f: {  	[tilespmem:$0x1F950] =	vst v8;
	v8 =	vld.idx.msk [tilespmem:v40+s21+$0x0], $0xffff;
	v2 =	vmax.f32 v6, v3;
	v3 =	vmul.f32 $2.000000030e-01, v5;
	v6 =	vadd.f32 v56, v41  }
0x540: {  	v52 =	vld.idx.msk [tilespmem:v47+s2+$0x0], $0xffff;
	v47 =	vor.u32 $0x12, v4;
	v0 =	vadd.f32 v1, v0;
	v1 =	vmul.f32 v2, v13  }
0x541: {  	v56 =	vld.idx.msk [tilespmem:v50+s2+$0x0], $0xffff;
	v2 =	vmax.f32 v5, v3;
	v3 =	vmul.f32 $2.000000030e-01, v6;
	v5 =	vadd.f32 v7, v43  }
0x542: {  	v50 =	vor.u32 $0x13, v4;
	v7 =	vld.idx.msk [tilespmem:v42+s21+$0x0], $0xffff;
	v0 =	vadd.f32 v1, v0;
	v1 =	vmul.f32 v2, v15  }
0x543: {  	v60 =	vld [tilespmem:$0x100E0];
	v2 =	vmax.f32 v6, v3;
	v3 =	vmul.f32 $2.000000030e-01, v5;
	v6 =	vadd.f32 v10, v46  }
0x544: {  	v13 =	vld.idx.msk [tilespmem:v45+s21+$0x0], $0xffff;
	v0 =	vadd.f32 v1, v0;
	v1 =	vmul.f32 v2, v54  }
0x545: {  	v59 =	vld.idx.msk [tilespmem:v59+s2+$0x0], $0xffff;
	v2 =	vmax.f32 v5, v3;
	v3 =	vmul.f32 $2.000000030e-01, v6;
	v5 =	vadd.f32 v8, v49  }
0x546: {  	v8 =	vld.idx.msk [tilespmem:v47+s21+$0x0], $0xffff;
	v0 =	vadd.f32 v1, v0;
	v1 =	vmul.f32 v2, v57  }
0x547: {  	v62 =	vld.idx.msk [tilespmem:v62+s2+$0x0], $0xffff;
	v2 =	vmax.f32 v6, v3;
	v3 =	vmul.f32 $2.000000030e-01, v5;
	v6 =	vadd.f32 v7, v52  }
0x548: {  	v54 =	vor.u32 $0x14, v4;
	v7 =	vld.idx.msk [tilespmem:v50+s21+$0x0], $0xffff;
	v0 =	vadd.f32 v1, v0;
	v1 =	vmul.f32 v2, v60  }
0x549: {  	v44 =	vld [tilespmem:$0x10110];
	v2 =	vmax.f32 v5, v3;
	v3 =	vmul.f32 $2.000000030e-01, v6;
	v5 =	vadd.f32 v13, v56  }
0x54a: {  	v35 =	vld [tilespmem:$0x10130];
	v57 =	vor.u32 $0x15, v4;
	v0 =	vadd.f32 v1, v0;
	v1 =	vmul.f32 v2, v53  }
0x54b: {  	v39 =	vld [tilespmem:$0x10120];
	v8 =	vadd.f32 v8, v59;
	v2 =	vmax.f32 v6, v3;
	v3 =	vmul.f32 $2.000000030e-01, v5  }
0x54c: {  	[tilespmem:$0x1F8F0] =	vst v16;
	v16 =	vld.idx.msk [tilespmem:v9+s2+$0x0], $0xffff;
	v0 =	vadd.f32 v1, v0;
	v1 =	vmul.f32 v2, v48  }
0x54d: {  	v13 =	vld.idx.msk [tilespmem:v54+s21+$0x0], $0xffff;
	v7 =	vadd.f32 v7, v62;
	v2 =	vmax.f32 v5, v3;
	v5 =	vmul.f32 $2.000000030e-01, v8  }
0x54e: {  	v10 =	vld.idx.msk [tilespmem:v11+s2+$0x0], $0xffff;
	v0 =	vadd.f32 v1, v0;
	v1 =	vmul.f32 v2, v44  }
0x54f: {  	v11 =	vld.idx.msk [tilespmem:v57+s21+$0x0], $0xffff;
	v2 =	vmax.f32 v8, v5;
	v5 =	vmul.f32 $2.000000030e-01, v7  }
0x550: {  	v0 =	vadd.f32 v1, v0;
	v1 =	vmul.f32 v2, v39  }
0x551: {  	v60 =	vor.u32 $0x16, v4;
	v5 =	vmax.f32 v7, v5  }
0x552: {  	v31 =	vld [tilespmem:$0x10140];
	v8 =	vadd.f32 v13, v16;
	v0 =	vadd.f32 v1, v0;
	v1 =	vmul.f32 v5, v35;
	_ =	sdelay $0x1  }
0x553: {  	v7 =	vmul.f32 $2.000000030e-01, v8;
	v11 =	vadd.f32 v11, v10;
	v0 =	vadd.f32 v1, v0;
	v1 =	vld [tilespmem:$0x1F840]  }
0x554: {  	v9 =	vld.idx.msk [tilespmem:v12+s2+$0x0], $0xffff  }
0x555: {  	v12 =	vld.idx.msk [tilespmem:v60+s21+$0x0], $0xffff;
	v7 =	vmax.f32 v8, v7;
	v8 =	vmul.f32 $2.000000030e-01, v11  }
0x556: {  	v53 =	vor.u32 $0x17, v4;
	v3 =	vld.idx.msk [tilespmem:v17+s2+$0x0], $0xffff;
	v17 =	vmul.f32 v7, v31  }
0x557: {  	v8 =	vmax.f32 v11, v8  }
0x558: {  	v0 =	vadd.f32 v17, v0;
	v17 =	vmul.f32 v8, v1  }
0x559: {  	v6 =	vld.idx.msk [tilespmem:v14+s2+$0x0], $0xffff  }
0x55a: {  	v12 =	vadd.f32 v12, v9;
	v0 =	vadd.f32 v17, v0;
	v17 =	vld [tilespmem:$0x1F850]  }
0x55b: {  	v13 =	vld.idx.msk [tilespmem:v53+s21+$0x0], $0xffff  }
0x55c: {  	v2 =	vld.idx.msk [tilespmem:v22+s2+$0x0], $0xffff;
	v22 =	vmul.f32 $2.000000030e-01, v12;
	_ =	sdelay $0x1  }
0x55d: {  	v48 =	vor.u32 $0x18, v4;
	v11 =	vmax.f32 v12, v22  }
0x55e: {  	v11 =	vmul.f32 v11, v17  }
0x55f: {  	v44 =	vor.u32 $0x19, v4  }
0x560: {  	v13 =	vadd.f32 v13, v6;
	v0 =	vadd.f32 v11, v0;
	v11 =	vld [tilespmem:$0x1F860];
	_ =	sdelay $0x1  }
0x561: {  	v14 =	vld.idx.msk [tilespmem:v48+s21+$0x0], $0xffff;
	v22 =	vmul.f32 $2.000000030e-01, v13  }
0x562: {  	v35 =	vld.idx.msk [tilespmem:v18+s2+$0x0], $0xffff  }
0x563: {  	v15 =	vld.idx.msk [tilespmem:v44+s21+$0x0], $0xffff;
	v12 =	vmax.f32 v13, v22  }
0x564: {  	v11 =	vmul.f32 v12, v11  }
0x565: {  	v39 =	vor.u32 $0x1A, v4  }
0x566: {  	v14 =	vadd.f32 v14, v3;
	v0 =	vadd.f32 v11, v0;
	v11 =	vld [tilespmem:$0x1F870];
	_ =	sdelay $0x1  }
0x567: {  	v51 =	vld [tilespmem:$0x10190];
	v13 =	vmul.f32 $2.000000030e-01, v14;
	v15 =	vadd.f32 v15, v35;
	_ =	sdelay $0x1  }
0x568: {  	v18 =	vld.idx.msk [tilespmem:v39+s21+$0x0], $0xffff;
	v12 =	vmax.f32 v14, v13;
	v13 =	vmul.f32 $2.000000030e-01, v15  }
0x569: {  	v11 =	vmul.f32 v12, v11  }
0x56a: {  	v5 =	vor.u32 $0x1B, v4;
	v12 =	vmax.f32 v15, v13  }
0x56b: {  	v12 =	vmul.f32 v12, v51;
	v11 =	vadd.f32 v11, v0;
	_ =	sdelay $0x1  }
0x56c: {  	v14 =	vadd.f32 v18, v2;
	v11 =	vadd.f32 v12, v11;
	v12 =	vld [tilespmem:$0x1F890]  }
0x56d: {  	v63 =	vld.idx.msk [tilespmem:v63+s2+$0x0], $0xffff  }
0x56e: {  	v1 =	vld.idx.msk [tilespmem:v5+s21+$0x0], $0xffff;
	v13 =	vmul.f32 $2.000000030e-01, v14;
	_ =	sdelay $0x1  }
0x56f: {  	v7 =	vor.u32 $0x1C, v4;
	v13 =	vmax.f32 v14, v13  }
0x570: {  	v61 =	vld.idx.msk [tilespmem:v61+s2+$0x0], $0xffff;
	v12 =	vmul.f32 v13, v12  }
0x571: {  	v8 =	vor.u32 $0x1D, v4;
	v0 =	vld [tilespmem:$0x1F880]  }
0x572: {  	v31 =	vor.u32 $0x1E, v4;
	v1 =	vadd.f32 v1, v63;
	v11 =	vadd.f32 v12, v11;
	v12 =	vld [tilespmem:$0x1F8A0]  }
0x573: {  	v58 =	vld.idx.msk [tilespmem:v58+s2+$0x0], $0xffff;
	v17 =	vor.u32 $0x1F, v4  }
0x574: {  	v22 =	vld.idx.msk [tilespmem:v7+s21+$0x0], $0xffff;
	v14 =	vmul.f32 $2.000000030e-01, v1  }
0x575: {  	v55 =	vld.idx.msk [tilespmem:v55+s2+$0x0], $0xffff  }
0x576: {  	v18 =	vld.idx.msk [tilespmem:v8+s21+$0x0], $0xffff;
	v1 =	vmax.f32 v1, v14  }
0x577: {  	v15 =	vld.idx.msk [tilespmem:v31+s21+$0x0], $0xffff;
	v1 =	vmul.f32 v1, v12  }
0x578: {  	v51 =	vld.idx.msk [tilespmem:v17+s21+$0x0], $0xffff  }
0x579: {  	v22 =	vadd.f32 v22, v61;
	v1 =	vadd.f32 v1, v11;
	v11 =	vld [tilespmem:$0x1F8B0]  }
0x57a: {  	v0 =	vld.idx.msk [tilespmem:v0+s2+$0x0], $0xffff  }
0x57b: {  	v14 =	vadd.f32 v18, v58;
	v18 =	vld [tilespmem:$0x101D0];
	v13 =	vmul.f32 $2.000000030e-01, v22;
	_ =	sdelay $0x1  }
0x57c: {  	v15 =	vadd.f32 v15, v55;
	v12 =	vmax.f32 v22, v13;
	v13 =	vmul.f32 $2.000000030e-01, v14;
	v22 =	vld [tilespmem:$0x101E0]  }
0x57d: {  	v11 =	vmul.f32 v12, v11  }
0x57e: {  	v12 =	vmax.f32 v14, v13;
	v13 =	vmul.f32 $2.000000030e-01, v15;
	v14 =	vadd.f32 v51, v0;
	v51 =	vld [tilespmem:$0x101F0]  }
0x57f: {  	v1 =	vadd.f32 v11, v1;
	v11 =	vmul.f32 v12, v18  }
0x580: {  	v12 =	vmax.f32 v15, v13;
	v13 =	vmul.f32 $2.000000030e-01, v14  }
0x581: {  	v1 =	vadd.f32 v11, v1;
	v11 =	vmul.f32 v12, v22  }
0x582: {  	v22 =	vmax.f32 v14, v13  }
0x583: {  	v14 =	vmul.f32 v22, v51;
	v1 =	vadd.f32 v11, v1;
	_ =	sdelay $0x1  }
0x584: {  	v1 =	vadd.f32 v14, v1;
	_ =	sdelay $0x1  }
0x585: {  	v1 =	vmul.f32 $1.442695020e+00, v1;
	_ =	sdelay $0x1  }
0x586: {  	(erf) = vpow2.f32 v1;
	_ =	sdelay $0x1  }
0x587: {  	v51 =	vld [tilespmem:$0x1F8E0];
	_ =	sdelay $0x2  }
0x588: {  	v1 =	vld [tilespmem:$0x1F8C0]  }
0x589: {  	v22 =	vld [tilespmem:$0x1F8D0];
	_ =	sdelay $0x2  }
0x58a: {  	v14 =	vld [tilespmem:$0x1F900];
	v11 =	vpop (erf)  }
0x58b: {  	v1 =	vmul.f32 v11, v1;
	[tilespmem:v51+s26+$0x0] =	vst.idx.add.f32.msk $0xffff, v11  }
0x58c: {  	v12 =	vmul.f32 v11, v22;
	v22 =	vmul.f32 v11, v26;
	v26 =	vld [tilespmem:$0x1F910]  }
0x58d: {  	v51 =	vld [tilespmem:$0x1F920]  }
0x58e: {  	[tilespmem:v4+s28+$0x0] =	vst.idx.add.f32.msk $0xffff, v1  }
0x58f: {  	v1 =	vld [tilespmem:$0x1F8F0];
	_ =	sdelay $0x4  }
0x590: {  	v1 =	vmul.f32 v11, v1  }
0x591: {  	[tilespmem:v14+s28+$0x0] =	vst.idx.add.f32.msk $0xffff, v12  }
0x592: {  	[tilespmem:v26+s28+$0x0] =	vst.idx.add.f32.msk $0xffff, v1  }
0x593: {  	[tilespmem:v51+s28+$0x0] =	vst.idx.add.f32.msk $0xffff, v22  }
0x594: {  	v22 =	vld [tilespmem:$0x1F930]  }
0x595: {  	v1 =	vmul.f32 v11, v20;
	v20 =	vmul.f32 v11, v23;
	v23 =	vld [tilespmem:$0x1F940]  }
0x596: {  	v26 =	vld [tilespmem:$0x1F950];
	_ =	sdelay $0x5  }
0x597: {  	[tilespmem:v22+s28+$0x0] =	vst.idx.add.f32.msk $0xffff, v1;
	v1 =	vmul.f32 v11, v25  }
0x598: {  	v25 =	vmul.f32 v11, v28;
	[tilespmem:v23+s28+$0x0] =	vst.idx.add.f32.msk $0xffff, v20  }
0x599: {  	[tilespmem:v26+s28+$0x0] =	vst.idx.add.f32.msk $0xffff, v1;
	v1 =	vmul.f32 v11, v30  }
0x59a: {  	v33 =	vmul.f32 v11, v33;
	[tilespmem:v19+s28+$0x0] =	vst.idx.add.f32.msk $0xffff, v25  }
0x59b: {  	[tilespmem:v21+s28+$0x0] =	vst.idx.add.f32.msk $0xffff, v1;
	v1 =	vmul.f32 v11, v36  }
0x59c: {  	v38 =	vmul.f32 v11, v38;
	[tilespmem:v24+s28+$0x0] =	vst.idx.add.f32.msk $0xffff, v33  }
0x59d: {  	[tilespmem:v27+s28+$0x0] =	vst.idx.add.f32.msk $0xffff, v1;
	v1 =	vmul.f32 v11, v41  }
0x59e: {  	v43 =	vmul.f32 v11, v43;
	[tilespmem:v29+s28+$0x0] =	vst.idx.add.f32.msk $0xffff, v38  }
0x59f: {  	[tilespmem:v32+s28+$0x0] =	vst.idx.add.f32.msk $0xffff, v1;
	v1 =	vmul.f32 v11, v46  }
0x5a0: {  	v51 =	vmul.f32 v11, v49;
	[tilespmem:v34+s28+$0x0] =	vst.idx.add.f32.msk $0xffff, v43  }
0x5a1: {  	[tilespmem:v37+s28+$0x0] =	vst.idx.add.f32.msk $0xffff, v1;
	v1 =	vmul.f32 v11, v52  }
0x5a2: {  	v52 =	vmul.f32 v11, v56;
	[tilespmem:v40+s28+$0x0] =	vst.idx.add.f32.msk $0xffff, v51  }
0x5a3: {  	[tilespmem:v42+s28+$0x0] =	vst.idx.add.f32.msk $0xffff, v1;
	v1 =	vmul.f32 v11, v59  }
0x5a4: {  	v56 =	vmul.f32 v11, v62;
	[tilespmem:v45+s28+$0x0] =	vst.idx.add.f32.msk $0xffff, v52  }
0x5a5: {  	[tilespmem:v47+s28+$0x0] =	vst.idx.add.f32.msk $0xffff, v1;
	v1 =	vmul.f32 v11, v16  }
0x5a6: {  	v59 =	vmul.f32 v11, v10;
	[tilespmem:v50+s28+$0x0] =	vst.idx.add.f32.msk $0xffff, v56  }
0x5a7: {  	[tilespmem:v54+s28+$0x0] =	vst.idx.add.f32.msk $0xffff, v1;
	v1 =	vmul.f32 v11, v9  }
0x5a8: {  	v62 =	vmul.f32 v11, v6;
	[tilespmem:v57+s28+$0x0] =	vst.idx.add.f32.msk $0xffff, v59  }
0x5a9: {  	[tilespmem:v60+s28+$0x0] =	vst.idx.add.f32.msk $0xffff, v1;
	v1 =	vmul.f32 v11, v3  }
0x5aa: {  	v3 =	vmul.f32 v11, v35;
	[tilespmem:v53+s28+$0x0] =	vst.idx.add.f32.msk $0xffff, v62  }
0x5ab: {  	p0 =	sne.s32 s30, $0x7FC0;
	[tilespmem:v48+s28+$0x0] =	vst.idx.add.f32.msk $0xffff, v1;
	v1 =	vmul.f32 v11, v2  }
.Ltmp7:
0x5ac: {  	v2 =	vmul.f32 v11, v63;
	[tilespmem:v44+s28+$0x0] =	vst.idx.add.f32.msk $0xffff, v3;
	(pc) =	sbr.rel @p0 .LBB2_16-.Ltmp7, $4  }
0x5ad: {  	[tilespmem:v39+s28+$0x0] =	vst.idx.add.f32.msk $0xffff, v1;
	v1 =	vmul.f32 v11, v61  }
0x5ae: {  	[tilespmem:v5+s28+$0x0] =	vst.idx.add.f32.msk $0xffff, v2;
	v2 =	vmul.f32 v11, v58  }
0x5af: {  	[tilespmem:v7+s28+$0x0] =	vst.idx.add.f32.msk $0xffff, v1  }
0x5b0: {  	s30 =	sadd.s32 $0x40, s30;
	v0 =	vmul.f32 v11, v0;
	v1 =	vmul.f32 v11, v55;
	[tilespmem:v8+s28+$0x0] =	vst.idx.add.f32.msk $0xffff, v2  }
0x5b1: {  	_ =	sdelay $0x3  }
0x5b2: {  	[tilespmem:v31+s28+$0x0] =	vst.idx.add.f32.msk $0xffff, v1  }
0x5b3: {  	[tilespmem:v17+s28+$0x0] =	vst.idx.add.f32.msk $0xffff, v0  }
0x5b4: {  	[hbm4b:s15+s18] =	stream.strided.scatter [tilespmem:s28], [sflag:$0x1], $0x8000, s19, s18, $0x38;
	[tilespmem:$0x1C600] =	vst v63  }
0x5b5: {  	s29 =	sadd.s32 $0x1, s29;
	_ =	swait.ge [sflag:s20], $0x8000  }
0x5b6: {  	p0 =	sne.s32 s29, s17;
	[sflag:s20] =	ssyncset.done $0x0  }
.Ltmp8:
0x5b7: {  	[sflag:s20] =	ssyncadd.s32 $0xFFFF8000;
	(pc) =	sbr.rel @p0 .LBB2_1-.Ltmp8, $4  }
0x5b8: {  	[hbm4b:s16+s18] =	stream.strided.scatter [tilespmem:s26], [sflag:$0x1], $0x400, s19, s18, $0x38;
	[tilespmem:$0x1C600] =	vst v63  }
0x5b9: {  	_ =	swait.ge [sflag:s20], $0x400  }
0x5ba: {  	[sflag:s20] =	ssyncset.done $0x0  }
0x5bb: {  	v0 =	vimm.f32 $0.0e+00;
	[sflag:s20] =	ssyncadd.s32 $0xFFFFFC00  }
0x5bc: {  	_ =	sfence.sel $0x180000  }
0x5bd: {  	[bflag:$0x0] =	sbarrier.arrive $0xFFFF  }
0x5be: {  	p0 =	sne.s32 s1, $0x0;
	_ =	strace $0x90000047  }
0x5bf: {  	s0 =	sadd.s32 @!p0 $0x100000, s0;
	[bflag:$0x2] =	sbarrier.arrive $0xFFFF  }
0x5c0: {  	[sflag:s0] =	ssyncadd.tile.s32 @!p0 $0x1;
	_ =	shalt  }
.Lfunc_end2:
_tile_overlayer_lowered:
.L_overlay_start_2:
0x5c1: {  	(tag) =	ssettag $0x2  }
0x5c2: {  	s0 =	rddreg [dreg:$0x0];
	s2 =	stileid.u32  }
0x5c3: {  	s1 =	rddreg [dreg:$0x1];
	p0 =	sne.s32 s2, $0x0  }
0x5c4: {  	s3 =	rddreg [dreg:$0x2];
	[bflag:$0x3] =	sbarrier.arrive $0xFFFF;
	s2 =	simm.s32 @!p0 $0x1C01  }
0x5c5: {  	[timem:s3], [sflag:s2] =	dma.local @!p0 [hbm:s0], s1  }
0x5c6: {  	s0 =	simm.s32 @!p0 $0x1  }
0x5c7: {  	_ =	swait.ge @!p0 [sflag:s0], s1  }
0x5c8: {  	s1 =	ssub.s32 @!p0 $0x0, s1;
	[sflag:s0] =	ssyncset.done @!p0 $0x0  }
0x5c9: {  	[sflag:s0] =	ssyncadd.s32 @!p0 s1  }
0x5ca: {  	[bflag:$0x3] =	sbarrier.arrive $0xFFFF  }
0x5cb: {  	_ =	shalt  }

</sc_bundles>
